<compile_context>
chip_gen: v7x
topology: tpu7x:2x2x1
jax: 0.10.2.dev20260603
libtpu: 0.0.44.dev20260713+nightly
codegen_flags: <defaults>
</compile_context>

<pallas_src>
import functools

import jax
import jax.numpy as jnp
from jax import lax
from jax.experimental import pallas as pl
from jax.experimental.pallas import tpu as pltpu
from jax.experimental.pallas import tpu_sc as plsc

VOCAB = 1000000
EMBED = 16
BATCH = 16384
NEGS = 10

NC = 2
NS = 16
NW = NC * NS
CH = 128
BPW = BATCH // NW
CB = BPW // CH
SUPER = VOCAB // 8
NCH = NEGS * CB
XPW = CB + NCH
IR = 2 * CB + NCH


def _sc_body(wsup_hbm, ctxsup_hbm, sup_hbm, sub_hbm, x_hbm,
             sup_v, sub_v, bufa, bufb, ct_v, x_v, sem_a, sem_b):
    wid = lax.axis_index("s") * NC + lax.axis_index("c")

    pltpu.sync_copy(sup_hbm.at[wid], sup_v)
    pltpu.sync_copy(sub_hbm.at[wid], sub_v)

    lanes = lax.iota(jnp.int32, 16)

    def extract_center(chunk, buf):
        @pl.loop(0, CH // 16)
        def _grp(g):
            rows = g * 16 + lanes
            t = sub_v[chunk, pl.ds(g * 16, 16)]
            for d in range(EMBED):
                vec = plsc.load_gather(buf, [rows, t + d])
                ct_v[d, pl.ds(chunk * CH + g * 16, 16)] = vec

    def dot_chunk(srow, bchunk, xrow, negate, buf):
        @pl.loop(0, CH // 16)
        def _grp(g):
            rows = g * 16 + lanes
            t = sub_v[srow, pl.ds(g * 16, 16)]
            acc = jnp.zeros((16,), jnp.float32)
            for d in range(EMBED):
                vec = plsc.load_gather(buf, [rows, t + d])
                cvec = ct_v[d, pl.ds(bchunk * CH + g * 16, 16)]
                acc = acc + vec * cvec
            if negate:
                acc = -acc
            x_v[xrow, pl.ds(g * 16, 16)] = acc

    def wait_buf(buf, sem):
        pltpu.make_async_copy(wsup_hbm.at[pl.ds(0, CH)], buf, sem).wait()

    pltpu.async_copy(wsup_hbm.at[sup_v.at[0]], bufa, sem_a)
    pltpu.async_copy(wsup_hbm.at[sup_v.at[1]], bufb, sem_b)
    wait_buf(bufa, sem_a)
    extract_center(0, bufa)
    pltpu.async_copy(wsup_hbm.at[sup_v.at[2]], bufa, sem_a)
    wait_buf(bufb, sem_b)
    extract_center(1, bufb)
    pltpu.async_copy(wsup_hbm.at[sup_v.at[3]], bufb, sem_b)
    wait_buf(bufa, sem_a)
    extract_center(2, bufa)
    pltpu.async_copy(ctxsup_hbm.at[sup_v.at[CB + 0]], bufa, sem_a)
    wait_buf(bufb, sem_b)
    extract_center(3, bufb)
    pltpu.async_copy(ctxsup_hbm.at[sup_v.at[CB + 1]], bufb, sem_b)

    wait_buf(bufa, sem_a)
    dot_chunk(CB + 0, 0, 0, True, bufa)
    pltpu.async_copy(ctxsup_hbm.at[sup_v.at[CB + 2]], bufa, sem_a)
    wait_buf(bufb, sem_b)
    dot_chunk(CB + 1, 1, 1, True, bufb)
    pltpu.async_copy(ctxsup_hbm.at[sup_v.at[CB + 3]], bufb, sem_b)
    wait_buf(bufa, sem_a)
    dot_chunk(CB + 2, 2, 2, True, bufa)
    pltpu.async_copy(wsup_hbm.at[sup_v.at[2 * CB + 0]], bufa, sem_a)
    wait_buf(bufb, sem_b)
    dot_chunk(CB + 3, 3, 3, True, bufb)
    pltpu.async_copy(wsup_hbm.at[sup_v.at[2 * CB + 1]], bufb, sem_b)

    @pl.loop(0, NCH, step=2)
    def _neg(j):
        wait_buf(bufa, sem_a)
        dot_chunk(2 * CB + j, j & (CB - 1), CB + j, False, bufa)

        @pl.when(j + 2 < NCH)
        def _():
            pltpu.async_copy(wsup_hbm.at[sup_v.at[2 * CB + j + 2]], bufa,
                             sem_a)

        wait_buf(bufb, sem_b)
        dot_chunk(2 * CB + j + 1, (j + 1) & (CB - 1), CB + j + 1, False,
                  bufb)

        @pl.when(j + 3 < NCH)
        def _():
            pltpu.async_copy(wsup_hbm.at[sup_v.at[2 * CB + j + 3]], bufb,
                             sem_b)

    pltpu.sync_copy(x_v, x_hbm.at[wid])


@functools.cache
def _sc_dots():
    return pl.kernel(
        _sc_body,
        out_type=jax.ShapeDtypeStruct((NW, XPW, CH), jnp.float32),
        mesh=plsc.VectorSubcoreMesh(core_axis_name="c", subcore_axis_name="s",
                                    num_cores=NC, num_subcores=NS),
        scratch_types=(
            pltpu.VMEM((IR, CH), jnp.int32),
            pltpu.VMEM((IR, CH), jnp.int32),
            pltpu.VMEM((CH, CH), jnp.float32),
            pltpu.VMEM((CH, CH), jnp.float32),
            pltpu.VMEM((EMBED, BPW), jnp.float32),
            pltpu.VMEM((XPW, CH), jnp.float32),
            pltpu.SemaphoreType.DMA,
            pltpu.SemaphoreType.DMA,
        ),
        compiler_params=pltpu.CompilerParams(needs_layout_passes=False),
    )


def _tc_loss_body(xref, out_ref):
    x = xref[...]
    sp = jnp.maximum(x, 0.0) + jnp.log1p(jnp.exp(-jnp.abs(x)))
    out_ref[0, 0] = jnp.sum(sp) / BATCH


_tc_loss = pl.pallas_call(
    _tc_loss_body,
    out_specs=pl.BlockSpec(memory_space=pltpu.SMEM),
    out_shape=jax.ShapeDtypeStruct((1, 1), jnp.float32),
)


@jax.jit
def kernel(center_words, outside_words, neg_input_ids, W, W_ctx):
    wsup = W.reshape(SUPER, 128)
    ctxsup = W_ctx.reshape(SUPER, 128)
    c = center_words.astype(jnp.int32)
    o = outside_words.astype(jnp.int32)
    n = neg_input_ids.astype(jnp.int32).T

    def prep(v):
        return (v >> 3), ((v & 7) << 4)

    csup, csub = prep(c.reshape(NW, CB, CH))
    osup, osub = prep(o.reshape(NW, CB, CH))
    nw = n.reshape(NEGS, NW, CB, CH).transpose(1, 0, 2, 3).reshape(NW, NCH, CH)
    nsup, nsub = prep(nw)
    sup = jnp.concatenate([csup, osup, nsup], axis=1)
    sub = jnp.concatenate([csub, osub, nsub], axis=1)

    x = _sc_dots()(wsup, ctxsup, sup, sub)
    return _tc_loss(x)[0, 0]

# --- scband reference (transcript-rebuilt; emitter-appended) ---
"""Pipeline reference for scband-skip-gram-word2-vec-42777874268829 (READ-ONLY COPY).

The authoritative reference and input builder live on the scoring server;
editing this copy changes nothing except your own understanding.
"""

import jax, jax.numpy as jnp
import numpy as np

VOCAB = 1000000
EMBED = 16
BATCH = 16384
NEG = 10

def setup_inputs(seed: int = 0) -> dict:
    key = jax.random.key(seed)
    k1, k2, k3, k4, k5 = jax.random.split(key, 5)
    center_words = jax.random.randint(k1, (BATCH,), 0, VOCAB, dtype=jnp.int64 if jax.config.jax_enable_x64 else jnp.int32)
    outside_words = jax.random.randint(k2, (BATCH,), 0, VOCAB, dtype=jnp.int64 if jax.config.jax_enable_x64 else jnp.int32)
    # negative samples: uniform noise distribution (noise_dist=None -> ones), with replacement
    neg_input_ids = jax.random.randint(k3, (BATCH, NEG), 0, VOCAB, dtype=jnp.int64 if jax.config.jax_enable_x64 else jnp.int32)
    # learned parameters: main embedding table and context embedding table
    W = jax.random.normal(k4, (VOCAB, EMBED), dtype=jnp.float32) * 0.02
    W_ctx = jax.random.normal(k5, (VOCAB, EMBED), dtype=jnp.float32) * 0.02
    return {"center_words": center_words, "outside_words": outside_words, "neg_input_ids": neg_input_ids, "W": W, "W_ctx": W_ctx}

def reference(center_words, outside_words, neg_input_ids, W, W_ctx):
    em_center = jnp.take(W, center_words, axis=0)            # [B, D]
    em_outside = jnp.take(W_ctx, outside_words, axis=0)      # [B, D]
    em_dot = jnp.sum(em_center * em_outside, axis=1)         # [B]
    true_pair_loss = -jax.nn.log_sigmoid(em_dot)             # [B]
    loss = true_pair_loss
    # negative sampling branch (negative_samples > 0)
    em_neg = jnp.take(W, neg_input_ids, axis=0)              # [B, K, D]
    # bmm(-em_neg, em_center.unsqueeze(2)).squeeze(2)
    em_dot_neg = jnp.einsum('bkd,bd->bk', -em_neg, em_center)  # [B, K]
    noise_pair_loss = -jnp.sum(jax.nn.log_sigmoid(em_dot_neg), axis=1)  # [B]
    loss = loss + noise_pair_loss
    return jnp.mean(loss)

if __name__ == "__main__":
    import jax
    _d = setup_inputs()
    print(jax.jit(kernel)(*tuple(_d.values())))

</pallas_src>

<mosaic_0001>
#map = affine_map<(d0, d1) -> (0, 0)>
#map1 = affine_map<(d0, d1) -> (0, 0, 0)>
module attributes {stable_mosaic.version = 14 : i64} {
  func.func @_sc_body(%arg0: i32, %arg1: i32, %arg2: memref<125000x128xf32, #tpu.memory_space<hbm>>, %arg3: memref<125000x128xf32, #tpu.memory_space<hbm>>, %arg4: memref<32x48x128xi32, #tpu.memory_space<hbm>>, %arg5: memref<32x48x128xi32, #tpu.memory_space<hbm>>, %arg6: memref<32x44x128xf32, #tpu.memory_space<hbm>>, %arg7: memref<48x128xi32, #tpu.memory_space<vmem>>, %arg8: memref<48x128xi32, #tpu.memory_space<vmem>>, %arg9: memref<128x128xf32, #tpu.memory_space<vmem>>, %arg10: memref<128x128xf32, #tpu.memory_space<vmem>>, %arg11: memref<16x512xf32, #tpu.memory_space<vmem>>, %arg12: memref<44x128xf32, #tpu.memory_space<vmem>>, %arg13: memref<!tpu.dma_semaphore, #tpu.memory_space<semaphore_mem>>, %arg14: memref<!tpu.dma_semaphore, #tpu.memory_space<semaphore_mem>>) attributes {dimension_semantics = [#tpu.dimension_semantics<core_parallel>, #tpu.dimension_semantics<subcore_parallel>], iteration_bounds = array<i64: 2, 16>, scalar_prefetch = 0 : i64, scratch_operands = 8 : i64, tpu.core_type = #tpu.core_type<sc_vector_subcore>, window_params = [{transform_indices = #map}, {transform_indices = #map}, {transform_indices = #map1}, {transform_indices = #map1}, {transform_indices = #map1}]} {
    %mul3A = arith.constant 2 : i32
    %mul3A_0 = arith.muli %arg1, %mul3A : i32
    %add3A = arith.addi %mul3A_0, %arg0 : i32
    "tpu.region"() ({
      %run_scoped3A = tpu.sem_alloc : memref<!tpu.dma_semaphore, #tpu.memory_space<semaphore_mem>>
      %dma_start3A_161 = arith.constant 0 : i32
      %dma_start3A_162 = arith.constant 0 : i32
      %dma_start3A_163 = tpu.memref_slice %arg4[%add3A, %dma_start3A_161, %dma_start3A_162] : memref<32x48x128xi32, #tpu.memory_space<hbm>> -> memref<1x48x128xi32, #tpu.memory_space<hbm>>
      %dma_start3A_164 = tpu.memref_squeeze %dma_start3A_163 : memref<1x48x128xi32, #tpu.memory_space<hbm>> -> memref<48x128xi32, #tpu.memory_space<hbm>>
      %dma_start3A_165 = arith.constant 0 : i32
      %dma_start3A_166 = arith.constant 0 : i32
      %dma_start3A_167 = tpu.memref_slice %arg4[%add3A, %dma_start3A_165, %dma_start3A_166] : memref<32x48x128xi32, #tpu.memory_space<hbm>> -> memref<1x48x128xi32, #tpu.memory_space<hbm>>
      %dma_start3A_168 = tpu.memref_squeeze %dma_start3A_167 : memref<1x48x128xi32, #tpu.memory_space<hbm>> -> memref<48x128xi32, #tpu.memory_space<hbm>>
      tpu.enqueue_dma source(%dma_start3A_168 : memref<48x128xi32, #tpu.memory_space<hbm>>) target(%arg7 : memref<48x128xi32, #tpu.memory_space<vmem>>) target_semaphore(%run_scoped3A : memref<!tpu.dma_semaphore, #tpu.memory_space<semaphore_mem>>)
      %dma_wait3A_169 = arith.constant 0 : i32
      %dma_wait3A_170 = arith.constant 0 : i32
      %dma_wait3A_171 = tpu.memref_slice %arg4[%add3A, %dma_wait3A_169, %dma_wait3A_170] : memref<32x48x128xi32, #tpu.memory_space<hbm>> -> memref<1x48x128xi32, #tpu.memory_space<hbm>>
      %dma_wait3A_172 = tpu.memref_squeeze %dma_wait3A_171 : memref<1x48x128xi32, #tpu.memory_space<hbm>> -> memref<48x128xi32, #tpu.memory_space<hbm>>
      %dma_wait3A_173 = arith.constant 0 : i32
      %dma_wait3A_174 = arith.constant 0 : i32
      %dma_wait3A_175 = tpu.memref_slice %arg4[%add3A, %dma_wait3A_173, %dma_wait3A_174] : memref<32x48x128xi32, #tpu.memory_space<hbm>> -> memref<1x48x128xi32, #tpu.memory_space<hbm>>
      %dma_wait3A_176 = tpu.memref_squeeze %dma_wait3A_175 : memref<1x48x128xi32, #tpu.memory_space<hbm>> -> memref<48x128xi32, #tpu.memory_space<hbm>>
      tpu.wait_dma2 semaphore(%run_scoped3A : memref<!tpu.dma_semaphore, #tpu.memory_space<semaphore_mem>>) src(%dma_wait3A_176 : memref<48x128xi32, #tpu.memory_space<hbm>>) dst(%arg7 : memref<48x128xi32, #tpu.memory_space<vmem>>)
      tpu.yield
    }) : () -> ()
    "tpu.region"() ({
      %run_scoped3A = tpu.sem_alloc : memref<!tpu.dma_semaphore, #tpu.memory_space<semaphore_mem>>
      %dma_start3A_161 = arith.constant 0 : i32
      %dma_start3A_162 = arith.constant 0 : i32
      %dma_start3A_163 = tpu.memref_slice %arg5[%add3A, %dma_start3A_161, %dma_start3A_162] : memref<32x48x128xi32, #tpu.memory_space<hbm>> -> memref<1x48x128xi32, #tpu.memory_space<hbm>>
      %dma_start3A_164 = tpu.memref_squeeze %dma_start3A_163 : memref<1x48x128xi32, #tpu.memory_space<hbm>> -> memref<48x128xi32, #tpu.memory_space<hbm>>
      %dma_start3A_165 = arith.constant 0 : i32
      %dma_start3A_166 = arith.constant 0 : i32
      %dma_start3A_167 = tpu.memref_slice %arg5[%add3A, %dma_start3A_165, %dma_start3A_166] : memref<32x48x128xi32, #tpu.memory_space<hbm>> -> memref<1x48x128xi32, #tpu.memory_space<hbm>>
      %dma_start3A_168 = tpu.memref_squeeze %dma_start3A_167 : memref<1x48x128xi32, #tpu.memory_space<hbm>> -> memref<48x128xi32, #tpu.memory_space<hbm>>
      tpu.enqueue_dma source(%dma_start3A_168 : memref<48x128xi32, #tpu.memory_space<hbm>>) target(%arg8 : memref<48x128xi32, #tpu.memory_space<vmem>>) target_semaphore(%run_scoped3A : memref<!tpu.dma_semaphore, #tpu.memory_space<semaphore_mem>>)
      %dma_wait3A_169 = arith.constant 0 : i32
      %dma_wait3A_170 = arith.constant 0 : i32
      %dma_wait3A_171 = tpu.memref_slice %arg5[%add3A, %dma_wait3A_169, %dma_wait3A_170] : memref<32x48x128xi32, #tpu.memory_space<hbm>> -> memref<1x48x128xi32, #tpu.memory_space<hbm>>
      %dma_wait3A_172 = tpu.memref_squeeze %dma_wait3A_171 : memref<1x48x128xi32, #tpu.memory_space<hbm>> -> memref<48x128xi32, #tpu.memory_space<hbm>>
      %dma_wait3A_173 = arith.constant 0 : i32
      %dma_wait3A_174 = arith.constant 0 : i32
      %dma_wait3A_175 = tpu.memref_slice %arg5[%add3A, %dma_wait3A_173, %dma_wait3A_174] : memref<32x48x128xi32, #tpu.memory_space<hbm>> -> memref<1x48x128xi32, #tpu.memory_space<hbm>>
      %dma_wait3A_176 = tpu.memref_squeeze %dma_wait3A_175 : memref<1x48x128xi32, #tpu.memory_space<hbm>> -> memref<48x128xi32, #tpu.memory_space<hbm>>
      tpu.wait_dma2 semaphore(%run_scoped3A : memref<!tpu.dma_semaphore, #tpu.memory_space<semaphore_mem>>) src(%dma_wait3A_176 : memref<48x128xi32, #tpu.memory_space<hbm>>) dst(%arg8 : memref<48x128xi32, #tpu.memory_space<vmem>>)
      tpu.yield
    }) : () -> ()
    %iota3A = tpu.iota {dimensions = array<i32: 0>} : vector<16xi32>
    %dma_start3A = arith.constant 0 : i32
    %dma_start3A_1 = arith.constant 0 : i32
    %dma_start3A_2 = tpu.memref_slice %arg7[%dma_start3A, %dma_start3A_1] : memref<48x128xi32, #tpu.memory_space<vmem>> -> memref<1x128xi32, #tpu.memory_space<vmem>>
    %dma_start3A_3 = tpu.memref_squeeze %dma_start3A_2 : memref<1x128xi32, #tpu.memory_space<vmem>> -> memref<128xi32, #tpu.memory_space<vmem>>
    %dma_start3A_4 = arith.constant 0 : i32
    %dma_start3A_5 = arith.constant 0 : i32
    %dma_start3A_6 = tpu.memref_slice %arg2[%dma_start3A_4, %dma_start3A_5] : memref<125000x128xf32, #tpu.memory_space<hbm>> -> memref<125000x128xf32, #tpu.memory_space<hbm>>
    tpu.enqueue_indirect_dma source(%dma_start3A_6 : memref<125000x128xf32, #tpu.memory_space<hbm>>) target(%arg9 : memref<128x128xf32, #tpu.memory_space<vmem>>) offsets(%dma_start3A_3 : memref<128xi32, #tpu.memory_space<vmem>>) semaphore(%arg13 : memref<!tpu.dma_semaphore, #tpu.memory_space<semaphore_mem>>)
    %dma_start3A_7 = arith.constant 1 : i32
    %dma_start3A_8 = arith.constant 0 : i32
    %dma_start3A_9 = tpu.memref_slice %arg7[%dma_start3A_7, %dma_start3A_8] : memref<48x128xi32, #tpu.memory_space<vmem>> -> memref<1x128xi32, #tpu.memory_space<vmem>>
    %dma_start3A_10 = tpu.memref_squeeze %dma_start3A_9 : memref<1x128xi32, #tpu.memory_space<vmem>> -> memref<128xi32, #tpu.memory_space<vmem>>
    %dma_start3A_11 = arith.constant 0 : i32
    %dma_start3A_12 = arith.constant 0 : i32
    %dma_start3A_13 = tpu.memref_slice %arg2[%dma_start3A_11, %dma_start3A_12] : memref<125000x128xf32, #tpu.memory_space<hbm>> -> memref<125000x128xf32, #tpu.memory_space<hbm>>
    tpu.enqueue_indirect_dma source(%dma_start3A_13 : memref<125000x128xf32, #tpu.memory_space<hbm>>) target(%arg10 : memref<128x128xf32, #tpu.memory_space<vmem>>) offsets(%dma_start3A_10 : memref<128xi32, #tpu.memory_space<vmem>>) semaphore(%arg14 : memref<!tpu.dma_semaphore, #tpu.memory_space<semaphore_mem>>)
    %dma_wait3A = arith.constant 0 : i32
    %dma_wait3A_14 = arith.constant 0 : i32
    %dma_wait3A_15 = tpu.memref_slice %arg2[%dma_wait3A, %dma_wait3A_14] : memref<125000x128xf32, #tpu.memory_space<hbm>> -> memref<128x128xf32, #tpu.memory_space<hbm>>
    %dma_wait3A_16 = arith.constant 0 : i32
    %dma_wait3A_17 = arith.constant 0 : i32
    %dma_wait3A_18 = tpu.memref_slice %arg2[%dma_wait3A_16, %dma_wait3A_17] : memref<125000x128xf32, #tpu.memory_space<hbm>> -> memref<128x128xf32, #tpu.memory_space<hbm>>
    tpu.wait_dma2 semaphore(%arg13 : memref<!tpu.dma_semaphore, #tpu.memory_space<semaphore_mem>>) src(%dma_wait3A_18 : memref<128x128xf32, #tpu.memory_space<hbm>>) dst(%arg9 : memref<128x128xf32, #tpu.memory_space<vmem>>)
    %scan3A = arith.constant 0 : i32
    %scan3A_19 = arith.constant 8 : i32
    %scan3A_20 = arith.addi %scan3A, %scan3A_19 : i32
    %scan3A_21 = arith.constant 1 : i32
    scf.for %scan3A_161 = %scan3A to %scan3A_20 step %scan3A_21  : i32 {
      %mul3A_162 = arith.constant 1 : i32
      %mul3A_163 = arith.muli %scan3A_161, %mul3A_162 : i32
      %add3A_164 = arith.constant 0 : i32
      %add3A_165 = arith.addi %add3A_164, %mul3A_163 : i32
      %mul3A_166 = arith.constant 16 : i32
      %mul3A_167 = arith.muli %add3A_165, %mul3A_166 : i32
      %add3A_168 = vector.broadcast %mul3A_167 : i32 to vector<16xi32>
      %add3A_169 = arith.addi %add3A_168, %iota3A : vector<16xi32>
      %mul3A_170 = arith.constant 16 : i32
      %mul3A_171 = arith.muli %add3A_165, %mul3A_170 : i32
      %get3A = arith.constant 0 : i32
      %get3A_172 = arith.index_cast %get3A : i32 to index
      %get3A_173 = arith.index_cast %mul3A_171 : i32 to index
      %get3A_174 = tpu.vector_load %arg8[%get3A_172, %get3A_173] {strides = array<i32>} : memref<48x128xi32, #tpu.memory_space<vmem>>, vector<16xi32>,
      %add3A_175 = arith.constant 0 : i32
      %add3A_176 = vector.broadcast %add3A_175 : i32 to vector<16xi32>
      %add3A_177 = arith.addi %get3A_174, %add3A_176 : vector<16xi32>
      %gather3A = tpu.vector_load_idx %arg9[%add3A_169, %add3A_177] : memref<128x128xf32, #tpu.memory_space<vmem>>[vector<16xi32>, vector<16xi32>], vector<16xf32>,
      %mul3A_178 = arith.constant 16 : i32
      %mul3A_179 = arith.muli %add3A_165, %mul3A_178 : i32
      %add3A_180 = arith.constant 0 : i32
      %add3A_181 = arith.addi %add3A_180, %mul3A_179 : i32
      %swap3A = arith.constant 0 : i32
      %swap3A_182 = arith.index_cast %swap3A : i32 to index
      %swap3A_183 = arith.index_cast %add3A_181 : i32 to index
      %swap3A_184 = tpu.vector_load %arg11[%swap3A_182, %swap3A_183] {strides = array<i32>} : memref<16x512xf32, #tpu.memory_space<vmem>>, vector<16xf32>,
      tpu.vector_store %arg11[%swap3A_182, %swap3A_183], %gather3A {strides = array<i32>} : memref<16x512xf32, #tpu.memory_space<vmem>>, vector<16xf32>,
      %add3A_185 = arith.constant 1 : i32
      %add3A_186 = vector.broadcast %add3A_185 : i32 to vector<16xi32>
      %add3A_187 = arith.addi %get3A_174, %add3A_186 : vector<16xi32>
      %gather3A_188 = tpu.vector_load_idx %arg9[%add3A_169, %add3A_187] : memref<128x128xf32, #tpu.memory_space<vmem>>[vector<16xi32>, vector<16xi32>], vector<16xf32>,
      %mul3A_189 = arith.constant 16 : i32
      %mul3A_190 = arith.muli %add3A_165, %mul3A_189 : i32
      %add3A_191 = arith.constant 0 : i32
      %add3A_192 = arith.addi %add3A_191, %mul3A_190 : i32
      %swap3A_193 = arith.constant 1 : i32
      %swap3A_194 = arith.index_cast %swap3A_193 : i32 to index
      %swap3A_195 = arith.index_cast %add3A_192 : i32 to index
      %swap3A_196 = tpu.vector_load %arg11[%swap3A_194, %swap3A_195] {strides = array<i32>} : memref<16x512xf32, #tpu.memory_space<vmem>>, vector<16xf32>,
      tpu.vector_store %arg11[%swap3A_194, %swap3A_195], %gather3A_188 {strides = array<i32>} : memref<16x512xf32, #tpu.memory_space<vmem>>, vector<16xf32>,
      %add3A_197 = arith.constant 2 : i32
      %add3A_198 = vector.broadcast %add3A_197 : i32 to vector<16xi32>
      %add3A_199 = arith.addi %get3A_174, %add3A_198 : vector<16xi32>
      %gather3A_200 = tpu.vector_load_idx %arg9[%add3A_169, %add3A_199] : memref<128x128xf32, #tpu.memory_space<vmem>>[vector<16xi32>, vector<16xi32>], vector<16xf32>,
      %mul3A_201 = arith.constant 16 : i32
      %mul3A_202 = arith.muli %add3A_165, %mul3A_201 : i32
      %add3A_203 = arith.constant 0 : i32
      %add3A_204 = arith.addi %add3A_203, %mul3A_202 : i32
      %swap3A_205 = arith.constant 2 : i32
      %swap3A_206 = arith.index_cast %swap3A_205 : i32 to index
      %swap3A_207 = arith.index_cast %add3A_204 : i32 to index
      %swap3A_208 = tpu.vector_load %arg11[%swap3A_206, %swap3A_207] {strides = array<i32>} : memref<16x512xf32, #tpu.memory_space<vmem>>, vector<16xf32>,
      tpu.vector_store %arg11[%swap3A_206, %swap3A_207], %gather3A_200 {strides = array<i32>} : memref<16x512xf32, #tpu.memory_space<vmem>>, vector<16xf32>,
      %add3A_209 = arith.constant 3 : i32
      %add3A_210 = vector.broadcast %add3A_209 : i32 to vector<16xi32>
      %add3A_211 = arith.addi %get3A_174, %add3A_210 : vector<16xi32>
      %gather3A_212 = tpu.vector_load_idx %arg9[%add3A_169, %add3A_211] : memref<128x128xf32, #tpu.memory_space<vmem>>[vector<16xi32>, vector<16xi32>], vector<16xf32>,
      %mul3A_213 = arith.constant 16 : i32
      %mul3A_214 = arith.muli %add3A_165, %mul3A_213 : i32
      %add3A_215 = arith.constant 0 : i32
      %add3A_216 = arith.addi %add3A_215, %mul3A_214 : i32
      %swap3A_217 = arith.constant 3 : i32
      %swap3A_218 = arith.index_cast %swap3A_217 : i32 to index
      %swap3A_219 = arith.index_cast %add3A_216 : i32 to index
      %swap3A_220 = tpu.vector_load %arg11[%swap3A_218, %swap3A_219] {strides = array<i32>} : memref<16x512xf32, #tpu.memory_space<vmem>>, vector<16xf32>,
      tpu.vector_store %arg11[%swap3A_218, %swap3A_219], %gather3A_212 {strides = array<i32>} : memref<16x512xf32, #tpu.memory_space<vmem>>, vector<16xf32>,
      %add3A_221 = arith.constant 4 : i32
      %add3A_222 = vector.broadcast %add3A_221 : i32 to vector<16xi32>
      %add3A_223 = arith.addi %get3A_174, %add3A_222 : vector<16xi32>
      %gather3A_224 = tpu.vector_load_idx %arg9[%add3A_169, %add3A_223] : memref<128x128xf32, #tpu.memory_space<vmem>>[vector<16xi32>, vector<16xi32>], vector<16xf32>,
      %mul3A_225 = arith.constant 16 : i32
      %mul3A_226 = arith.muli %add3A_165, %mul3A_225 : i32
      %add3A_227 = arith.constant 0 : i32
      %add3A_228 = arith.addi %add3A_227, %mul3A_226 : i32
      %swap3A_229 = arith.constant 4 : i32
      %swap3A_230 = arith.index_cast %swap3A_229 : i32 to index
      %swap3A_231 = arith.index_cast %add3A_228 : i32 to index
      %swap3A_232 = tpu.vector_load %arg11[%swap3A_230, %swap3A_231] {strides = array<i32>} : memref<16x512xf32, #tpu.memory_space<vmem>>, vector<16xf32>,
      tpu.vector_store %arg11[%swap3A_230, %swap3A_231], %gather3A_224 {strides = array<i32>} : memref<16x512xf32, #tpu.memory_space<vmem>>, vector<16xf32>,
      %add3A_233 = arith.constant 5 : i32
      %add3A_234 = vector.broadcast %add3A_233 : i32 to vector<16xi32>
      %add3A_235 = arith.addi %get3A_174, %add3A_234 : vector<16xi32>
      %gather3A_236 = tpu.vector_load_idx %arg9[%add3A_169, %add3A_235] : memref<128x128xf32, #tpu.memory_space<vmem>>[vector<16xi32>, vector<16xi32>], vector<16xf32>,
      %mul3A_237 = arith.constant 16 : i32
      %mul3A_238 = arith.muli %add3A_165, %mul3A_237 : i32
      %add3A_239 = arith.constant 0 : i32
      %add3A_240 = arith.addi %add3A_239, %mul3A_238 : i32
      %swap3A_241 = arith.constant 5 : i32
      %swap3A_242 = arith.index_cast %swap3A_241 : i32 to index
      %swap3A_243 = arith.index_cast %add3A_240 : i32 to index
      %swap3A_244 = tpu.vector_load %arg11[%swap3A_242, %swap3A_243] {strides = array<i32>} : memref<16x512xf32, #tpu.memory_space<vmem>>, vector<16xf32>,
      tpu.vector_store %arg11[%swap3A_242, %swap3A_243], %gather3A_236 {strides = array<i32>} : memref<16x512xf32, #tpu.memory_space<vmem>>, vector<16xf32>,
      %add3A_245 = arith.constant 6 : i32
      %add3A_246 = vector.broadcast %add3A_245 : i32 to vector<16xi32>
      %add3A_247 = arith.addi %get3A_174, %add3A_246 : vector<16xi32>
      %gather3A_248 = tpu.vector_load_idx %arg9[%add3A_169, %add3A_247] : memref<128x128xf32, #tpu.memory_space<vmem>>[vector<16xi32>, vector<16xi32>], vector<16xf32>,
      %mul3A_249 = arith.constant 16 : i32
      %mul3A_250 = arith.muli %add3A_165, %mul3A_249 : i32
      %add3A_251 = arith.constant 0 : i32
      %add3A_252 = arith.addi %add3A_251, %mul3A_250 : i32
      %swap3A_253 = arith.constant 6 : i32
      %swap3A_254 = arith.index_cast %swap3A_253 : i32 to index
      %swap3A_255 = arith.index_cast %add3A_252 : i32 to index
      %swap3A_256 = tpu.vector_load %arg11[%swap3A_254, %swap3A_255] {strides = array<i32>} : memref<16x512xf32, #tpu.memory_space<vmem>>, vector<16xf32>,
      tpu.vector_store %arg11[%swap3A_254, %swap3A_255], %gather3A_248 {strides = array<i32>} : memref<16x512xf32, #tpu.memory_space<vmem>>, vector<16xf32>,
      %add3A_257 = arith.constant 7 : i32
      %add3A_258 = vector.broadcast %add3A_257 : i32 to vector<16xi32>
      %add3A_259 = arith.addi %get3A_174, %add3A_258 : vector<16xi32>
      %gather3A_260 = tpu.vector_load_idx %arg9[%add3A_169, %add3A_259] : memref<128x128xf32, #tpu.memory_space<vmem>>[vector<16xi32>, vector<16xi32>], vector<16xf32>,
      %mul3A_261 = arith.constant 16 : i32
      %mul3A_262 = arith.muli %add3A_165, %mul3A_261 : i32
      %add3A_263 = arith.constant 0 : i32
      %add3A_264 = arith.addi %add3A_263, %mul3A_262 : i32
      %swap3A_265 = arith.constant 7 : i32
      %swap3A_266 = arith.index_cast %swap3A_265 : i32 to index
      %swap3A_267 = arith.index_cast %add3A_264 : i32 to index
      %swap3A_268 = tpu.vector_load %arg11[%swap3A_266, %swap3A_267] {strides = array<i32>} : memref<16x512xf32, #tpu.memory_space<vmem>>, vector<16xf32>,
      tpu.vector_store %arg11[%swap3A_266, %swap3A_267], %gather3A_260 {strides = array<i32>} : memref<16x512xf32, #tpu.memory_space<vmem>>, vector<16xf32>,
      %add3A_269 = arith.constant 8 : i32
      %add3A_270 = vector.broadcast %add3A_269 : i32 to vector<16xi32>
      %add3A_271 = arith.addi %get3A_174, %add3A_270 : vector<16xi32>
      %gather3A_272 = tpu.vector_load_idx %arg9[%add3A_169, %add3A_271] : memref<128x128xf32, #tpu.memory_space<vmem>>[vector<16xi32>, vector<16xi32>], vector<16xf32>,
      %mul3A_273 = arith.constant 16 : i32
      %mul3A_274 = arith.muli %add3A_165, %mul3A_273 : i32
      %add3A_275 = arith.constant 0 : i32
      %add3A_276 = arith.addi %add3A_275, %mul3A_274 : i32
      %swap3A_277 = arith.constant 8 : i32
      %swap3A_278 = arith.index_cast %swap3A_277 : i32 to index
      %swap3A_279 = arith.index_cast %add3A_276 : i32 to index
      %swap3A_280 = tpu.vector_load %arg11[%swap3A_278, %swap3A_279] {strides = array<i32>} : memref<16x512xf32, #tpu.memory_space<vmem>>, vector<16xf32>,
      tpu.vector_store %arg11[%swap3A_278, %swap3A_279], %gather3A_272 {strides = array<i32>} : memref<16x512xf32, #tpu.memory_space<vmem>>, vector<16xf32>,
      %add3A_281 = arith.constant 9 : i32
      %add3A_282 = vector.broadcast %add3A_281 : i32 to vector<16xi32>
      %add3A_283 = arith.addi %get3A_174, %add3A_282 : vector<16xi32>
      %gather3A_284 = tpu.vector_load_idx %arg9[%add3A_169, %add3A_283] : memref<128x128xf32, #tpu.memory_space<vmem>>[vector<16xi32>, vector<16xi32>], vector<16xf32>,
      %mul3A_285 = arith.constant 16 : i32
      %mul3A_286 = arith.muli %add3A_165, %mul3A_285 : i32
      %add3A_287 = arith.constant 0 : i32
      %add3A_288 = arith.addi %add3A_287, %mul3A_286 : i32
      %swap3A_289 = arith.constant 9 : i32
      %swap3A_290 = arith.index_cast %swap3A_289 : i32 to index
      %swap3A_291 = arith.index_cast %add3A_288 : i32 to index
      %swap3A_292 = tpu.vector_load %arg11[%swap3A_290, %swap3A_291] {strides = array<i32>} : memref<16x512xf32, #tpu.memory_space<vmem>>, vector<16xf32>,
      tpu.vector_store %arg11[%swap3A_290, %swap3A_291], %gather3A_284 {strides = array<i32>} : memref<16x512xf32, #tpu.memory_space<vmem>>, vector<16xf32>,
      %add3A_293 = arith.constant 10 : i32
      %add3A_294 = vector.broadcast %add3A_293 : i32 to vector<16xi32>
      %add3A_295 = arith.addi %get3A_174, %add3A_294 : vector<16xi32>
      %gather3A_296 = tpu.vector_load_idx %arg9[%add3A_169, %add3A_295] : memref<128x128xf32, #tpu.memory_space<vmem>>[vector<16xi32>, vector<16xi32>], vector<16xf32>,
      %mul3A_297 = arith.constant 16 : i32
      %mul3A_298 = arith.muli %add3A_165, %mul3A_297 : i32
      %add3A_299 = arith.constant 0 : i32
      %add3A_300 = arith.addi %add3A_299, %mul3A_298 : i32
      %swap3A_301 = arith.constant 10 : i32
      %swap3A_302 = arith.index_cast %swap3A_301 : i32 to index
      %swap3A_303 = arith.index_cast %add3A_300 : i32 to index
      %swap3A_304 = tpu.vector_load %arg11[%swap3A_302, %swap3A_303] {strides = array<i32>} : memref<16x512xf32, #tpu.memory_space<vmem>>, vector<16xf32>,
      tpu.vector_store %arg11[%swap3A_302, %swap3A_303], %gather3A_296 {strides = array<i32>} : memref<16x512xf32, #tpu.memory_space<vmem>>, vector<16xf32>,
      %add3A_305 = arith.constant 11 : i32
      %add3A_306 = vector.broadcast %add3A_305 : i32 to vector<16xi32>
      %add3A_307 = arith.addi %get3A_174, %add3A_306 : vector<16xi32>
      %gather3A_308 = tpu.vector_load_idx %arg9[%add3A_169, %add3A_307] : memref<128x128xf32, #tpu.memory_space<vmem>>[vector<16xi32>, vector<16xi32>], vector<16xf32>,
      %mul3A_309 = arith.constant 16 : i32
      %mul3A_310 = arith.muli %add3A_165, %mul3A_309 : i32
      %add3A_311 = arith.constant 0 : i32
      %add3A_312 = arith.addi %add3A_311, %mul3A_310 : i32
      %swap3A_313 = arith.constant 11 : i32
      %swap3A_314 = arith.index_cast %swap3A_313 : i32 to index
      %swap3A_315 = arith.index_cast %add3A_312 : i32 to index
      %swap3A_316 = tpu.vector_load %arg11[%swap3A_314, %swap3A_315] {strides = array<i32>} : memref<16x512xf32, #tpu.memory_space<vmem>>, vector<16xf32>,
      tpu.vector_store %arg11[%swap3A_314, %swap3A_315], %gather3A_308 {strides = array<i32>} : memref<16x512xf32, #tpu.memory_space<vmem>>, vector<16xf32>,
      %add3A_317 = arith.constant 12 : i32
      %add3A_318 = vector.broadcast %add3A_317 : i32 to vector<16xi32>
      %add3A_319 = arith.addi %get3A_174, %add3A_318 : vector<16xi32>
      %gather3A_320 = tpu.vector_load_idx %arg9[%add3A_169, %add3A_319] : memref<128x128xf32, #tpu.memory_space<vmem>>[vector<16xi32>, vector<16xi32>], vector<16xf32>,
      %mul3A_321 = arith.constant 16 : i32
      %mul3A_322 = arith.muli %add3A_165, %mul3A_321 : i32
      %add3A_323 = arith.constant 0 : i32
      %add3A_324 = arith.addi %add3A_323, %mul3A_322 : i32
      %swap3A_325 = arith.constant 12 : i32
      %swap3A_326 = arith.index_cast %swap3A_325 : i32 to index
      %swap3A_327 = arith.index_cast %add3A_324 : i32 to index
      %swap3A_328 = tpu.vector_load %arg11[%swap3A_326, %swap3A_327] {strides = array<i32>} : memref<16x512xf32, #tpu.memory_space<vmem>>, vector<16xf32>,
      tpu.vector_store %arg11[%swap3A_326, %swap3A_327], %gather3A_320 {strides = array<i32>} : memref<16x512xf32, #tpu.memory_space<vmem>>, vector<16xf32>,
      %add3A_329 = arith.constant 13 : i32
      %add3A_330 = vector.broadcast %add3A_329 : i32 to vector<16xi32>
      %add3A_331 = arith.addi %get3A_174, %add3A_330 : vector<16xi32>
      %gather3A_332 = tpu.vector_load_idx %arg9[%add3A_169, %add3A_331] : memref<128x128xf32, #tpu.memory_space<vmem>>[vector<16xi32>, vector<16xi32>], vector<16xf32>,
      %mul3A_333 = arith.constant 16 : i32
      %mul3A_334 = arith.muli %add3A_165, %mul3A_333 : i32
      %add3A_335 = arith.constant 0 : i32
      %add3A_336 = arith.addi %add3A_335, %mul3A_334 : i32
      %swap3A_337 = arith.constant 13 : i32
      %swap3A_338 = arith.index_cast %swap3A_337 : i32 to index
      %swap3A_339 = arith.index_cast %add3A_336 : i32 to index
      %swap3A_340 = tpu.vector_load %arg11[%swap3A_338, %swap3A_339] {strides = array<i32>} : memref<16x512xf32, #tpu.memory_space<vmem>>, vector<16xf32>,
      tpu.vector_store %arg11[%swap3A_338, %swap3A_339], %gather3A_332 {strides = array<i32>} : memref<16x512xf32, #tpu.memory_space<vmem>>, vector<16xf32>,
      %add3A_341 = arith.constant 14 : i32
      %add3A_342 = vector.broadcast %add3A_341 : i32 to vector<16xi32>
      %add3A_343 = arith.addi %get3A_174, %add3A_342 : vector<16xi32>
      %gather3A_344 = tpu.vector_load_idx %arg9[%add3A_169, %add3A_343] : memref<128x128xf32, #tpu.memory_space<vmem>>[vector<16xi32>, vector<16xi32>], vector<16xf32>,
      %mul3A_345 = arith.constant 16 : i32
      %mul3A_346 = arith.muli %add3A_165, %mul3A_345 : i32
      %add3A_347 = arith.constant 0 : i32
      %add3A_348 = arith.addi %add3A_347, %mul3A_346 : i32
      %swap3A_349 = arith.constant 14 : i32
      %swap3A_350 = arith.index_cast %swap3A_349 : i32 to index
      %swap3A_351 = arith.index_cast %add3A_348 : i32 to index
      %swap3A_352 = tpu.vector_load %arg11[%swap3A_350, %swap3A_351] {strides = array<i32>} : memref<16x512xf32, #tpu.memory_space<vmem>>, vector<16xf32>,
      tpu.vector_store %arg11[%swap3A_350, %swap3A_351], %gather3A_344 {strides = array<i32>} : memref<16x512xf32, #tpu.memory_space<vmem>>, vector<16xf32>,
      %add3A_353 = arith.constant 15 : i32
      %add3A_354 = vector.broadcast %add3A_353 : i32 to vector<16xi32>
      %add3A_355 = arith.addi %get3A_174, %add3A_354 : vector<16xi32>
      %gather3A_356 = tpu.vector_load_idx %arg9[%add3A_169, %add3A_355] : memref<128x128xf32, #tpu.memory_space<vmem>>[vector<16xi32>, vector<16xi32>], vector<16xf32>,
      %mul3A_357 = arith.constant 16 : i32
      %mul3A_358 = arith.muli %add3A_165, %mul3A_357 : i32
      %add3A_359 = arith.constant 0 : i32
      %add3A_360 = arith.addi %add3A_359, %mul3A_358 : i32
      %swap3A_361 = arith.constant 15 : i32
      %swap3A_362 = arith.index_cast %swap3A_361 : i32 to index
      %swap3A_363 = arith.index_cast %add3A_360 : i32 to index
      %swap3A_364 = tpu.vector_load %arg11[%swap3A_362, %swap3A_363] {strides = array<i32>} : memref<16x512xf32, #tpu.memory_space<vmem>>, vector<16xf32>,
      tpu.vector_store %arg11[%swap3A_362, %swap3A_363], %gather3A_356 {strides = array<i32>} : memref<16x512xf32, #tpu.memory_space<vmem>>, vector<16xf32>,
    }
    %scan3A_22 = arith.constant 8 : i32
    %dma_start3A_23 = arith.constant 2 : i32
    %dma_start3A_24 = arith.constant 0 : i32
    %dma_start3A_25 = tpu.memref_slice %arg7[%dma_start3A_23, %dma_start3A_24] : memref<48x128xi32, #tpu.memory_space<vmem>> -> memref<1x128xi32, #tpu.memory_space<vmem>>
    %dma_start3A_26 = tpu.memref_squeeze %dma_start3A_25 : memref<1x128xi32, #tpu.memory_space<vmem>> -> memref<128xi32, #tpu.memory_space<vmem>>
    %dma_start3A_27 = arith.constant 0 : i32
    %dma_start3A_28 = arith.constant 0 : i32
    %dma_start3A_29 = tpu.memref_slice %arg2[%dma_start3A_27, %dma_start3A_28] : memref<125000x128xf32, #tpu.memory_space<hbm>> -> memref<125000x128xf32, #tpu.memory_space<hbm>>
    tpu.enqueue_indirect_dma source(%dma_start3A_29 : memref<125000x128xf32, #tpu.memory_space<hbm>>) target(%arg9 : memref<128x128xf32, #tpu.memory_space<vmem>>) offsets(%dma_start3A_26 : memref<128xi32, #tpu.memory_space<vmem>>) semaphore(%arg13 : memref<!tpu.dma_semaphore, #tpu.memory_space<semaphore_mem>>)
    %dma_wait3A_30 = arith.constant 0 : i32
    %dma_wait3A_31 = arith.constant 0 : i32
    %dma_wait3A_32 = tpu.memref_slice %arg2[%dma_wait3A_30, %dma_wait3A_31] : memref<125000x128xf32, #tpu.memory_space<hbm>> -> memref<128x128xf32, #tpu.memory_space<hbm>>
    %dma_wait3A_33 = arith.constant 0 : i32
    %dma_wait3A_34 = arith.constant 0 : i32
    %dma_wait3A_35 = tpu.memref_slice %arg2[%dma_wait3A_33, %dma_wait3A_34] : memref<125000x128xf32, #tpu.memory_space<hbm>> -> memref<128x128xf32, #tpu.memory_space<hbm>>
    tpu.wait_dma2 semaphore(%arg14 : memref<!tpu.dma_semaphore, #tpu.memory_space<semaphore_mem>>) src(%dma_wait3A_35 : memref<128x128xf32, #tpu.memory_space<hbm>>) dst(%arg10 : memref<128x128xf32, #tpu.memory_space<vmem>>)
    %scan3A_36 = arith.constant 0 : i32
    %scan3A_37 = arith.constant 8 : i32
    %scan3A_38 = arith.addi %scan3A_36, %scan3A_37 : i32
    %scan3A_39 = arith.constant 1 : i32
    scf.for %scan3A_161 = %scan3A_36 to %scan3A_38 step %scan3A_39  : i32 {
      %mul3A_162 = arith.constant 1 : i32
      %mul3A_163 = arith.muli %scan3A_161, %mul3A_162 : i32
      %add3A_164 = arith.constant 0 : i32
      %add3A_165 = arith.addi %add3A_164, %mul3A_163 : i32
      %mul3A_166 = arith.constant 16 : i32
      %mul3A_167 = arith.muli %add3A_165, %mul3A_166 : i32
      %add3A_168 = vector.broadcast %mul3A_167 : i32 to vector<16xi32>
      %add3A_169 = arith.addi %add3A_168, %iota3A : vector<16xi32>
      %mul3A_170 = arith.constant 16 : i32
      %mul3A_171 = arith.muli %add3A_165, %mul3A_170 : i32
      %get3A = arith.constant 1 : i32
      %get3A_172 = arith.index_cast %get3A : i32 to index
      %get3A_173 = arith.index_cast %mul3A_171 : i32 to index
      %get3A_174 = tpu.vector_load %arg8[%get3A_172, %get3A_173] {strides = array<i32>} : memref<48x128xi32, #tpu.memory_space<vmem>>, vector<16xi32>,
      %add3A_175 = arith.constant 0 : i32
      %add3A_176 = vector.broadcast %add3A_175 : i32 to vector<16xi32>
      %add3A_177 = arith.addi %get3A_174, %add3A_176 : vector<16xi32>
      %gather3A = tpu.vector_load_idx %arg10[%add3A_169, %add3A_177] : memref<128x128xf32, #tpu.memory_space<vmem>>[vector<16xi32>, vector<16xi32>], vector<16xf32>,
      %mul3A_178 = arith.constant 16 : i32
      %mul3A_179 = arith.muli %add3A_165, %mul3A_178 : i32
      %add3A_180 = arith.constant 128 : i32
      %add3A_181 = arith.addi %add3A_180, %mul3A_179 : i32
      %swap3A = arith.constant 0 : i32
      %swap3A_182 = arith.index_cast %swap3A : i32 to index
      %swap3A_183 = arith.index_cast %add3A_181 : i32 to index
      %swap3A_184 = tpu.vector_load %arg11[%swap3A_182, %swap3A_183] {strides = array<i32>} : memref<16x512xf32, #tpu.memory_space<vmem>>, vector<16xf32>,
      tpu.vector_store %arg11[%swap3A_182, %swap3A_183], %gather3A {strides = array<i32>} : memref<16x512xf32, #tpu.memory_space<vmem>>, vector<16xf32>,
      %add3A_185 = arith.constant 1 : i32
      %add3A_186 = vector.broadcast %add3A_185 : i32 to vector<16xi32>
      %add3A_187 = arith.addi %get3A_174, %add3A_186 : vector<16xi32>
      %gather3A_188 = tpu.vector_load_idx %arg10[%add3A_169, %add3A_187] : memref<128x128xf32, #tpu.memory_space<vmem>>[vector<16xi32>, vector<16xi32>], vector<16xf32>,
      %mul3A_189 = arith.constant 16 : i32
      %mul3A_190 = arith.muli %add3A_165, %mul3A_189 : i32
      %add3A_191 = arith.constant 128 : i32
      %add3A_192 = arith.addi %add3A_191, %mul3A_190 : i32
      %swap3A_193 = arith.constant 1 : i32
      %swap3A_194 = arith.index_cast %swap3A_193 : i32 to index
      %swap3A_195 = arith.index_cast %add3A_192 : i32 to index
      %swap3A_196 = tpu.vector_load %arg11[%swap3A_194, %swap3A_195] {strides = array<i32>} : memref<16x512xf32, #tpu.memory_space<vmem>>, vector<16xf32>,
      tpu.vector_store %arg11[%swap3A_194, %swap3A_195], %gather3A_188 {strides = array<i32>} : memref<16x512xf32, #tpu.memory_space<vmem>>, vector<16xf32>,
      %add3A_197 = arith.constant 2 : i32
      %add3A_198 = vector.broadcast %add3A_197 : i32 to vector<16xi32>
      %add3A_199 = arith.addi %get3A_174, %add3A_198 : vector<16xi32>
      %gather3A_200 = tpu.vector_load_idx %arg10[%add3A_169, %add3A_199] : memref<128x128xf32, #tpu.memory_space<vmem>>[vector<16xi32>, vector<16xi32>], vector<16xf32>,
      %mul3A_201 = arith.constant 16 : i32
      %mul3A_202 = arith.muli %add3A_165, %mul3A_201 : i32
      %add3A_203 = arith.constant 128 : i32
      %add3A_204 = arith.addi %add3A_203, %mul3A_202 : i32
      %swap3A_205 = arith.constant 2 : i32
      %swap3A_206 = arith.index_cast %swap3A_205 : i32 to index
      %swap3A_207 = arith.index_cast %add3A_204 : i32 to index
      %swap3A_208 = tpu.vector_load %arg11[%swap3A_206, %swap3A_207] {strides = array<i32>} : memref<16x512xf32, #tpu.memory_space<vmem>>, vector<16xf32>,
      tpu.vector_store %arg11[%swap3A_206, %swap3A_207], %gather3A_200 {strides = array<i32>} : memref<16x512xf32, #tpu.memory_space<vmem>>, vector<16xf32>,
      %add3A_209 = arith.constant 3 : i32
      %add3A_210 = vector.broadcast %add3A_209 : i32 to vector<16xi32>
      %add3A_211 = arith.addi %get3A_174, %add3A_210 : vector<16xi32>
      %gather3A_212 = tpu.vector_load_idx %arg10[%add3A_169, %add3A_211] : memref<128x128xf32, #tpu.memory_space<vmem>>[vector<16xi32>, vector<16xi32>], vector<16xf32>,
      %mul3A_213 = arith.constant 16 : i32
      %mul3A_214 = arith.muli %add3A_165, %mul3A_213 : i32
      %add3A_215 = arith.constant 128 : i32
      %add3A_216 = arith.addi %add3A_215, %mul3A_214 : i32
      %swap3A_217 = arith.constant 3 : i32
      %swap3A_218 = arith.index_cast %swap3A_217 : i32 to index
      %swap3A_219 = arith.index_cast %add3A_216 : i32 to index
      %swap3A_220 = tpu.vector_load %arg11[%swap3A_218, %swap3A_219] {strides = array<i32>} : memref<16x512xf32, #tpu.memory_space<vmem>>, vector<16xf32>,
      tpu.vector_store %arg11[%swap3A_218, %swap3A_219], %gather3A_212 {strides = array<i32>} : memref<16x512xf32, #tpu.memory_space<vmem>>, vector<16xf32>,
      %add3A_221 = arith.constant 4 : i32
      %add3A_222 = vector.broadcast %add3A_221 : i32 to vector<16xi32>
      %add3A_223 = arith.addi %get3A_174, %add3A_222 : vector<16xi32>
      %gather3A_224 = tpu.vector_load_idx %arg10[%add3A_169, %add3A_223] : memref<128x128xf32, #tpu.memory_space<vmem>>[vector<16xi32>, vector<16xi32>], vector<16xf32>,
      %mul3A_225 = arith.constant 16 : i32
      %mul3A_226 = arith.muli %add3A_165, %mul3A_225 : i32
      %add3A_227 = arith.constant 128 : i32
      %add3A_228 = arith.addi %add3A_227, %mul3A_226 : i32
      %swap3A_229 = arith.constant 4 : i32
      %swap3A_230 = arith.index_cast %swap3A_229 : i32 to index
      %swap3A_231 = arith.index_cast %add3A_228 : i32 to index
      %swap3A_232 = tpu.vector_load %arg11[%swap3A_230, %swap3A_231] {strides = array<i32>} : memref<16x512xf32, #tpu.memory_space<vmem>>, vector<16xf32>,
      tpu.vector_store %arg11[%swap3A_230, %swap3A_231], %gather3A_224 {strides = array<i32>} : memref<16x512xf32, #tpu.memory_space<vmem>>, vector<16xf32>,
      %add3A_233 = arith.constant 5 : i32
      %add3A_234 = vector.broadcast %add3A_233 : i32 to vector<16xi32>
      %add3A_235 = arith.addi %get3A_174, %add3A_234 : vector<16xi32>
      %gather3A_236 = tpu.vector_load_idx %arg10[%add3A_169, %add3A_235] : memref<128x128xf32, #tpu.memory_space<vmem>>[vector<16xi32>, vector<16xi32>], vector<16xf32>,
      %mul3A_237 = arith.constant 16 : i32
      %mul3A_238 = arith.muli %add3A_165, %mul3A_237 : i32
      %add3A_239 = arith.constant 128 : i32
      %add3A_240 = arith.addi %add3A_239, %mul3A_238 : i32
      %swap3A_241 = arith.constant 5 : i32
      %swap3A_242 = arith.index_cast %swap3A_241 : i32 to index
      %swap3A_243 = arith.index_cast %add3A_240 : i32 to index
      %swap3A_244 = tpu.vector_load %arg11[%swap3A_242, %swap3A_243] {strides = array<i32>} : memref<16x512xf32, #tpu.memory_space<vmem>>, vector<16xf32>,
      tpu.vector_store %arg11[%swap3A_242, %swap3A_243], %gather3A_236 {strides = array<i32>} : memref<16x512xf32, #tpu.memory_space<vmem>>, vector<16xf32>,
      %add3A_245 = arith.constant 6 : i32
      %add3A_246 = vector.broadcast %add3A_245 : i32 to vector<16xi32>
      %add3A_247 = arith.addi %get3A_174, %add3A_246 : vector<16xi32>
      %gather3A_248 = tpu.vector_load_idx %arg10[%add3A_169, %add3A_247] : memref<128x128xf32, #tpu.memory_space<vmem>>[vector<16xi32>, vector<16xi32>], vector<16xf32>,
      %mul3A_249 = arith.constant 16 : i32
      %mul3A_250 = arith.muli %add3A_165, %mul3A_249 : i32
      %add3A_251 = arith.constant 128 : i32
      %add3A_252 = arith.addi %add3A_251, %mul3A_250 : i32
      %swap3A_253 = arith.constant 6 : i32
      %swap3A_254 = arith.index_cast %swap3A_253 : i32 to index
      %swap3A_255 = arith.index_cast %add3A_252 : i32 to index
      %swap3A_256 = tpu.vector_load %arg11[%swap3A_254, %swap3A_255] {strides = array<i32>} : memref<16x512xf32, #tpu.memory_space<vmem>>, vector<16xf32>,
      tpu.vector_store %arg11[%swap3A_254, %swap3A_255], %gather3A_248 {strides = array<i32>} : memref<16x512xf32, #tpu.memory_space<vmem>>, vector<16xf32>,
      %add3A_257 = arith.constant 7 : i32
      %add3A_258 = vector.broadcast %add3A_257 : i32 to vector<16xi32>
      %add3A_259 = arith.addi %get3A_174, %add3A_258 : vector<16xi32>
      %gather3A_260 = tpu.vector_load_idx %arg10[%add3A_169, %add3A_259] : memref<128x128xf32, #tpu.memory_space<vmem>>[vector<16xi32>, vector<16xi32>], vector<16xf32>,
      %mul3A_261 = arith.constant 16 : i32
      %mul3A_262 = arith.muli %add3A_165, %mul3A_261 : i32
      %add3A_263 = arith.constant 128 : i32
      %add3A_264 = arith.addi %add3A_263, %mul3A_262 : i32
      %swap3A_265 = arith.constant 7 : i32
      %swap3A_266 = arith.index_cast %swap3A_265 : i32 to index
      %swap3A_267 = arith.index_cast %add3A_264 : i32 to index
      %swap3A_268 = tpu.vector_load %arg11[%swap3A_266, %swap3A_267] {strides = array<i32>} : memref<16x512xf32, #tpu.memory_space<vmem>>, vector<16xf32>,
      tpu.vector_store %arg11[%swap3A_266, %swap3A_267], %gather3A_260 {strides = array<i32>} : memref<16x512xf32, #tpu.memory_space<vmem>>, vector<16xf32>,
      %add3A_269 = arith.constant 8 : i32
      %add3A_270 = vector.broadcast %add3A_269 : i32 to vector<16xi32>
      %add3A_271 = arith.addi %get3A_174, %add3A_270 : vector<16xi32>
      %gather3A_272 = tpu.vector_load_idx %arg10[%add3A_169, %add3A_271] : memref<128x128xf32, #tpu.memory_space<vmem>>[vector<16xi32>, vector<16xi32>], vector<16xf32>,
      %mul3A_273 = arith.constant 16 : i32
      %mul3A_274 = arith.muli %add3A_165, %mul3A_273 : i32
      %add3A_275 = arith.constant 128 : i32
      %add3A_276 = arith.addi %add3A_275, %mul3A_274 : i32
      %swap3A_277 = arith.constant 8 : i32
      %swap3A_278 = arith.index_cast %swap3A_277 : i32 to index
      %swap3A_279 = arith.index_cast %add3A_276 : i32 to index
      %swap3A_280 = tpu.vector_load %arg11[%swap3A_278, %swap3A_279] {strides = array<i32>} : memref<16x512xf32, #tpu.memory_space<vmem>>, vector<16xf32>,
      tpu.vector_store %arg11[%swap3A_278, %swap3A_279], %gather3A_272 {strides = array<i32>} : memref<16x512xf32, #tpu.memory_space<vmem>>, vector<16xf32>,
      %add3A_281 = arith.constant 9 : i32
      %add3A_282 = vector.broadcast %add3A_281 : i32 to vector<16xi32>
      %add3A_283 = arith.addi %get3A_174, %add3A_282 : vector<16xi32>
      %gather3A_284 = tpu.vector_load_idx %arg10[%add3A_169, %add3A_283] : memref<128x128xf32, #tpu.memory_space<vmem>>[vector<16xi32>, vector<16xi32>], vector<16xf32>,
      %mul3A_285 = arith.constant 16 : i32
      %mul3A_286 = arith.muli %add3A_165, %mul3A_285 : i32
      %add3A_287 = arith.constant 128 : i32
      %add3A_288 = arith.addi %add3A_287, %mul3A_286 : i32
      %swap3A_289 = arith.constant 9 : i32
      %swap3A_290 = arith.index_cast %swap3A_289 : i32 to index
      %swap3A_291 = arith.index_cast %add3A_288 : i32 to index
      %swap3A_292 = tpu.vector_load %arg11[%swap3A_290, %swap3A_291] {strides = array<i32>} : memref<16x512xf32, #tpu.memory_space<vmem>>, vector<16xf32>,
      tpu.vector_store %arg11[%swap3A_290, %swap3A_291], %gather3A_284 {strides = array<i32>} : memref<16x512xf32, #tpu.memory_space<vmem>>, vector<16xf32>,
      %add3A_293 = arith.constant 10 : i32
      %add3A_294 = vector.broadcast %add3A_293 : i32 to vector<16xi32>
      %add3A_295 = arith.addi %get3A_174, %add3A_294 : vector<16xi32>
      %gather3A_296 = tpu.vector_load_idx %arg10[%add3A_169, %add3A_295] : memref<128x128xf32, #tpu.memory_space<vmem>>[vector<16xi32>, vector<16xi32>], vector<16xf32>,
      %mul3A_297 = arith.constant 16 : i32
      %mul3A_298 = arith.muli %add3A_165, %mul3A_297 : i32
      %add3A_299 = arith.constant 128 : i32
      %add3A_300 = arith.addi %add3A_299, %mul3A_298 : i32
      %swap3A_301 = arith.constant 10 : i32
      %swap3A_302 = arith.index_cast %swap3A_301 : i32 to index
      %swap3A_303 = arith.index_cast %add3A_300 : i32 to index
      %swap3A_304 = tpu.vector_load %arg11[%swap3A_302, %swap3A_303] {strides = array<i32>} : memref<16x512xf32, #tpu.memory_space<vmem>>, vector<16xf32>,
      tpu.vector_store %arg11[%swap3A_302, %swap3A_303], %gather3A_296 {strides = array<i32>} : memref<16x512xf32, #tpu.memory_space<vmem>>, vector<16xf32>,
      %add3A_305 = arith.constant 11 : i32
      %add3A_306 = vector.broadcast %add3A_305 : i32 to vector<16xi32>
      %add3A_307 = arith.addi %get3A_174, %add3A_306 : vector<16xi32>
      %gather3A_308 = tpu.vector_load_idx %arg10[%add3A_169, %add3A_307] : memref<128x128xf32, #tpu.memory_space<vmem>>[vector<16xi32>, vector<16xi32>], vector<16xf32>,
      %mul3A_309 = arith.constant 16 : i32
      %mul3A_310 = arith.muli %add3A_165, %mul3A_309 : i32
      %add3A_311 = arith.constant 128 : i32
      %add3A_312 = arith.addi %add3A_311, %mul3A_310 : i32
      %swap3A_313 = arith.constant 11 : i32
      %swap3A_314 = arith.index_cast %swap3A_313 : i32 to index
      %swap3A_315 = arith.index_cast %add3A_312 : i32 to index
      %swap3A_316 = tpu.vector_load %arg11[%swap3A_314, %swap3A_315] {strides = array<i32>} : memref<16x512xf32, #tpu.memory_space<vmem>>, vector<16xf32>,
      tpu.vector_store %arg11[%swap3A_314, %swap3A_315], %gather3A_308 {strides = array<i32>} : memref<16x512xf32, #tpu.memory_space<vmem>>, vector<16xf32>,
      %add3A_317 = arith.constant 12 : i32
      %add3A_318 = vector.broadcast %add3A_317 : i32 to vector<16xi32>
      %add3A_319 = arith.addi %get3A_174, %add3A_318 : vector<16xi32>
      %gather3A_320 = tpu.vector_load_idx %arg10[%add3A_169, %add3A_319] : memref<128x128xf32, #tpu.memory_space<vmem>>[vector<16xi32>, vector<16xi32>], vector<16xf32>,
      %mul3A_321 = arith.constant 16 : i32
      %mul3A_322 = arith.muli %add3A_165, %mul3A_321 : i32
      %add3A_323 = arith.constant 128 : i32
      %add3A_324 = arith.addi %add3A_323, %mul3A_322 : i32
      %swap3A_325 = arith.constant 12 : i32
      %swap3A_326 = arith.index_cast %swap3A_325 : i32 to index
      %swap3A_327 = arith.index_cast %add3A_324 : i32 to index
      %swap3A_328 = tpu.vector_load %arg11[%swap3A_326, %swap3A_327] {strides = array<i32>} : memref<16x512xf32, #tpu.memory_space<vmem>>, vector<16xf32>,
      tpu.vector_store %arg11[%swap3A_326, %swap3A_327], %gather3A_320 {strides = array<i32>} : memref<16x512xf32, #tpu.memory_space<vmem>>, vector<16xf32>,
      %add3A_329 = arith.constant 13 : i32
      %add3A_330 = vector.broadcast %add3A_329 : i32 to vector<16xi32>
      %add3A_331 = arith.addi %get3A_174, %add3A_330 : vector<16xi32>
      %gather3A_332 = tpu.vector_load_idx %arg10[%add3A_169, %add3A_331] : memref<128x128xf32, #tpu.memory_space<vmem>>[vector<16xi32>, vector<16xi32>], vector<16xf32>,
      %mul3A_333 = arith.constant 16 : i32
      %mul3A_334 = arith.muli %add3A_165, %mul3A_333 : i32
      %add3A_335 = arith.constant 128 : i32
      %add3A_336 = arith.addi %add3A_335, %mul3A_334 : i32
      %swap3A_337 = arith.constant 13 : i32
      %swap3A_338 = arith.index_cast %swap3A_337 : i32 to index
      %swap3A_339 = arith.index_cast %add3A_336 : i32 to index
      %swap3A_340 = tpu.vector_load %arg11[%swap3A_338, %swap3A_339] {strides = array<i32>} : memref<16x512xf32, #tpu.memory_space<vmem>>, vector<16xf32>,
      tpu.vector_store %arg11[%swap3A_338, %swap3A_339], %gather3A_332 {strides = array<i32>} : memref<16x512xf32, #tpu.memory_space<vmem>>, vector<16xf32>,
      %add3A_341 = arith.constant 14 : i32
      %add3A_342 = vector.broadcast %add3A_341 : i32 to vector<16xi32>
      %add3A_343 = arith.addi %get3A_174, %add3A_342 : vector<16xi32>
      %gather3A_344 = tpu.vector_load_idx %arg10[%add3A_169, %add3A_343] : memref<128x128xf32, #tpu.memory_space<vmem>>[vector<16xi32>, vector<16xi32>], vector<16xf32>,
      %mul3A_345 = arith.constant 16 : i32
      %mul3A_346 = arith.muli %add3A_165, %mul3A_345 : i32
      %add3A_347 = arith.constant 128 : i32
      %add3A_348 = arith.addi %add3A_347, %mul3A_346 : i32
      %swap3A_349 = arith.constant 14 : i32
      %swap3A_350 = arith.index_cast %swap3A_349 : i32 to index
      %swap3A_351 = arith.index_cast %add3A_348 : i32 to index
      %swap3A_352 = tpu.vector_load %arg11[%swap3A_350, %swap3A_351] {strides = array<i32>} : memref<16x512xf32, #tpu.memory_space<vmem>>, vector<16xf32>,
      tpu.vector_store %arg11[%swap3A_350, %swap3A_351], %gather3A_344 {strides = array<i32>} : memref<16x512xf32, #tpu.memory_space<vmem>>, vector<16xf32>,
      %add3A_353 = arith.constant 15 : i32
      %add3A_354 = vector.broadcast %add3A_353 : i32 to vector<16xi32>
      %add3A_355 = arith.addi %get3A_174, %add3A_354 : vector<16xi32>
      %gather3A_356 = tpu.vector_load_idx %arg10[%add3A_169, %add3A_355] : memref<128x128xf32, #tpu.memory_space<vmem>>[vector<16xi32>, vector<16xi32>], vector<16xf32>,
      %mul3A_357 = arith.constant 16 : i32
      %mul3A_358 = arith.muli %add3A_165, %mul3A_357 : i32
      %add3A_359 = arith.constant 128 : i32
      %add3A_360 = arith.addi %add3A_359, %mul3A_358 : i32
      %swap3A_361 = arith.constant 15 : i32
      %swap3A_362 = arith.index_cast %swap3A_361 : i32 to index
      %swap3A_363 = arith.index_cast %add3A_360 : i32 to index
      %swap3A_364 = tpu.vector_load %arg11[%swap3A_362, %swap3A_363] {strides = array<i32>} : memref<16x512xf32, #tpu.memory_space<vmem>>, vector<16xf32>,
      tpu.vector_store %arg11[%swap3A_362, %swap3A_363], %gather3A_356 {strides = array<i32>} : memref<16x512xf32, #tpu.memory_space<vmem>>, vector<16xf32>,
    }
    %scan3A_40 = arith.constant 8 : i32
    %dma_start3A_41 = arith.constant 3 : i32
    %dma_start3A_42 = arith.constant 0 : i32
    %dma_start3A_43 = tpu.memref_slice %arg7[%dma_start3A_41, %dma_start3A_42] : memref<48x128xi32, #tpu.memory_space<vmem>> -> memref<1x128xi32, #tpu.memory_space<vmem>>
    %dma_start3A_44 = tpu.memref_squeeze %dma_start3A_43 : memref<1x128xi32, #tpu.memory_space<vmem>> -> memref<128xi32, #tpu.memory_space<vmem>>
    %dma_start3A_45 = arith.constant 0 : i32
    %dma_start3A_46 = arith.constant 0 : i32
    %dma_start3A_47 = tpu.memref_slice %arg2[%dma_start3A_45, %dma_start3A_46] : memref<125000x128xf32, #tpu.memory_space<hbm>> -> memref<125000x128xf32, #tpu.memory_space<hbm>>
    tpu.enqueue_indirect_dma source(%dma_start3A_47 : memref<125000x128xf32, #tpu.memory_space<hbm>>) target(%arg10 : memref<128x128xf32, #tpu.memory_space<vmem>>) offsets(%dma_start3A_44 : memref<128xi32, #tpu.memory_space<vmem>>) semaphore(%arg14 : memref<!tpu.dma_semaphore, #tpu.memory_space<semaphore_mem>>)
    %dma_wait3A_48 = arith.constant 0 : i32
    %dma_wait3A_49 = arith.constant 0 : i32
    %dma_wait3A_50 = tpu.memref_slice %arg2[%dma_wait3A_48, %dma_wait3A_49] : memref<125000x128xf32, #tpu.memory_space<hbm>> -> memref<128x128xf32, #tpu.memory_space<hbm>>
    %dma_wait3A_51 = arith.constant 0 : i32
    %dma_wait3A_52 = arith.constant 0 : i32
    %dma_wait3A_53 = tpu.memref_slice %arg2[%dma_wait3A_51, %dma_wait3A_52] : memref<125000x128xf32, #tpu.memory_space<hbm>> -> memref<128x128xf32, #tpu.memory_space<hbm>>
    tpu.wait_dma2 semaphore(%arg13 : memref<!tpu.dma_semaphore, #tpu.memory_space<semaphore_mem>>) src(%dma_wait3A_53 : memref<128x128xf32, #tpu.memory_space<hbm>>) dst(%arg9 : memref<128x128xf32, #tpu.memory_space<vmem>>)
    %scan3A_54 = arith.constant 0 : i32
    %scan3A_55 = arith.constant 8 : i32
    %scan3A_56 = arith.addi %scan3A_54, %scan3A_55 : i32
    %scan3A_57 = arith.constant 1 : i32
    scf.for %scan3A_161 = %scan3A_54 to %scan3A_56 step %scan3A_57  : i32 {
      %mul3A_162 = arith.constant 1 : i32
      %mul3A_163 = arith.muli %scan3A_161, %mul3A_162 : i32
      %add3A_164 = arith.constant 0 : i32
      %add3A_165 = arith.addi %add3A_164, %mul3A_163 : i32
      %mul3A_166 = arith.constant 16 : i32
      %mul3A_167 = arith.muli %add3A_165, %mul3A_166 : i32
      %add3A_168 = vector.broadcast %mul3A_167 : i32 to vector<16xi32>
      %add3A_169 = arith.addi %add3A_168, %iota3A : vector<16xi32>
      %mul3A_170 = arith.constant 16 : i32
      %mul3A_171 = arith.muli %add3A_165, %mul3A_170 : i32
      %get3A = arith.constant 2 : i32
      %get3A_172 = arith.index_cast %get3A : i32 to index
      %get3A_173 = arith.index_cast %mul3A_171 : i32 to index
      %get3A_174 = tpu.vector_load %arg8[%get3A_172, %get3A_173] {strides = array<i32>} : memref<48x128xi32, #tpu.memory_space<vmem>>, vector<16xi32>,
      %add3A_175 = arith.constant 0 : i32
      %add3A_176 = vector.broadcast %add3A_175 : i32 to vector<16xi32>
      %add3A_177 = arith.addi %get3A_174, %add3A_176 : vector<16xi32>
      %gather3A = tpu.vector_load_idx %arg9[%add3A_169, %add3A_177] : memref<128x128xf32, #tpu.memory_space<vmem>>[vector<16xi32>, vector<16xi32>], vector<16xf32>,
      %mul3A_178 = arith.constant 16 : i32
      %mul3A_179 = arith.muli %add3A_165, %mul3A_178 : i32
      %add3A_180 = arith.constant 256 : i32
      %add3A_181 = arith.addi %add3A_180, %mul3A_179 : i32
      %swap3A = arith.constant 0 : i32
      %swap3A_182 = arith.index_cast %swap3A : i32 to index
      %swap3A_183 = arith.index_cast %add3A_181 : i32 to index
      %swap3A_184 = tpu.vector_load %arg11[%swap3A_182, %swap3A_183] {strides = array<i32>} : memref<16x512xf32, #tpu.memory_space<vmem>>, vector<16xf32>,
      tpu.vector_store %arg11[%swap3A_182, %swap3A_183], %gather3A {strides = array<i32>} : memref<16x512xf32, #tpu.memory_space<vmem>>, vector<16xf32>,
      %add3A_185 = arith.constant 1 : i32
      %add3A_186 = vector.broadcast %add3A_185 : i32 to vector<16xi32>
      %add3A_187 = arith.addi %get3A_174, %add3A_186 : vector<16xi32>
      %gather3A_188 = tpu.vector_load_idx %arg9[%add3A_169, %add3A_187] : memref<128x128xf32, #tpu.memory_space<vmem>>[vector<16xi32>, vector<16xi32>], vector<16xf32>,
      %mul3A_189 = arith.constant 16 : i32
      %mul3A_190 = arith.muli %add3A_165, %mul3A_189 : i32
      %add3A_191 = arith.constant 256 : i32
      %add3A_192 = arith.addi %add3A_191, %mul3A_190 : i32
      %swap3A_193 = arith.constant 1 : i32
      %swap3A_194 = arith.index_cast %swap3A_193 : i32 to index
      %swap3A_195 = arith.index_cast %add3A_192 : i32 to index
      %swap3A_196 = tpu.vector_load %arg11[%swap3A_194, %swap3A_195] {strides = array<i32>} : memref<16x512xf32, #tpu.memory_space<vmem>>, vector<16xf32>,
      tpu.vector_store %arg11[%swap3A_194, %swap3A_195], %gather3A_188 {strides = array<i32>} : memref<16x512xf32, #tpu.memory_space<vmem>>, vector<16xf32>,
      %add3A_197 = arith.constant 2 : i32
      %add3A_198 = vector.broadcast %add3A_197 : i32 to vector<16xi32>
      %add3A_199 = arith.addi %get3A_174, %add3A_198 : vector<16xi32>
      %gather3A_200 = tpu.vector_load_idx %arg9[%add3A_169, %add3A_199] : memref<128x128xf32, #tpu.memory_space<vmem>>[vector<16xi32>, vector<16xi32>], vector<16xf32>,
      %mul3A_201 = arith.constant 16 : i32
      %mul3A_202 = arith.muli %add3A_165, %mul3A_201 : i32
      %add3A_203 = arith.constant 256 : i32
      %add3A_204 = arith.addi %add3A_203, %mul3A_202 : i32
      %swap3A_205 = arith.constant 2 : i32
      %swap3A_206 = arith.index_cast %swap3A_205 : i32 to index
      %swap3A_207 = arith.index_cast %add3A_204 : i32 to index
      %swap3A_208 = tpu.vector_load %arg11[%swap3A_206, %swap3A_207] {strides = array<i32>} : memref<16x512xf32, #tpu.memory_space<vmem>>, vector<16xf32>,
      tpu.vector_store %arg11[%swap3A_206, %swap3A_207], %gather3A_200 {strides = array<i32>} : memref<16x512xf32, #tpu.memory_space<vmem>>, vector<16xf32>,
      %add3A_209 = arith.constant 3 : i32
      %add3A_210 = vector.broadcast %add3A_209 : i32 to vector<16xi32>
      %add3A_211 = arith.addi %get3A_174, %add3A_210 : vector<16xi32>
      %gather3A_212 = tpu.vector_load_idx %arg9[%add3A_169, %add3A_211] : memref<128x128xf32, #tpu.memory_space<vmem>>[vector<16xi32>, vector<16xi32>], vector<16xf32>,
      %mul3A_213 = arith.constant 16 : i32
      %mul3A_214 = arith.muli %add3A_165, %mul3A_213 : i32
      %add3A_215 = arith.constant 256 : i32
      %add3A_216 = arith.addi %add3A_215, %mul3A_214 : i32
      %swap3A_217 = arith.constant 3 : i32
      %swap3A_218 = arith.index_cast %swap3A_217 : i32 to index
      %swap3A_219 = arith.index_cast %add3A_216 : i32 to index
      %swap3A_220 = tpu.vector_load %arg11[%swap3A_218, %swap3A_219] {strides = array<i32>} : memref<16x512xf32, #tpu.memory_space<vmem>>, vector<16xf32>,
      tpu.vector_store %arg11[%swap3A_218, %swap3A_219], %gather3A_212 {strides = array<i32>} : memref<16x512xf32, #tpu.memory_space<vmem>>, vector<16xf32>,
      %add3A_221 = arith.constant 4 : i32
      %add3A_222 = vector.broadcast %add3A_221 : i32 to vector<16xi32>
      %add3A_223 = arith.addi %get3A_174, %add3A_222 : vector<16xi32>
      %gather3A_224 = tpu.vector_load_idx %arg9[%add3A_169, %add3A_223] : memref<128x128xf32, #tpu.memory_space<vmem>>[vector<16xi32>, vector<16xi32>], vector<16xf32>,
      %mul3A_225 = arith.constant 16 : i32
      %mul3A_226 = arith.muli %add3A_165, %mul3A_225 : i32
      %add3A_227 = arith.constant 256 : i32
      %add3A_228 = arith.addi %add3A_227, %mul3A_226 : i32
      %swap3A_229 = arith.constant 4 : i32
      %swap3A_230 = arith.index_cast %swap3A_229 : i32 to index
      %swap3A_231 = arith.index_cast %add3A_228 : i32 to index
      %swap3A_232 = tpu.vector_load %arg11[%swap3A_230, %swap3A_231] {strides = array<i32>} : memref<16x512xf32, #tpu.memory_space<vmem>>, vector<16xf32>,
      tpu.vector_store %arg11[%swap3A_230, %swap3A_231], %gather3A_224 {strides = array<i32>} : memref<16x512xf32, #tpu.memory_space<vmem>>, vector<16xf32>,
      %add3A_233 = arith.constant 5 : i32
      %add3A_234 = vector.broadcast %add3A_233 : i32 to vector<16xi32>
      %add3A_235 = arith.addi %get3A_174, %add3A_234 : vector<16xi32>
      %gather3A_236 = tpu.vector_load_idx %arg9[%add3A_169, %add3A_235] : memref<128x128xf32, #tpu.memory_space<vmem>>[vector<16xi32>, vector<16xi32>], vector<16xf32>,
      %mul3A_237 = arith.constant 16 : i32
      %mul3A_238 = arith.muli %add3A_165, %mul3A_237 : i32
      %add3A_239 = arith.constant 256 : i32
      %add3A_240 = arith.addi %add3A_239, %mul3A_238 : i32
      %swap3A_241 = arith.constant 5 : i32
      %swap3A_242 = arith.index_cast %swap3A_241 : i32 to index
      %swap3A_243 = arith.index_cast %add3A_240 : i32 to index
      %swap3A_244 = tpu.vector_load %arg11[%swap3A_242, %swap3A_243] {strides = array<i32>} : memref<16x512xf32, #tpu.memory_space<vmem>>, vector<16xf32>,
      tpu.vector_store %arg11[%swap3A_242, %swap3A_243], %gather3A_236 {strides = array<i32>} : memref<16x512xf32, #tpu.memory_space<vmem>>, vector<16xf32>,
      %add3A_245 = arith.constant 6 : i32
      %add3A_246 = vector.broadcast %add3A_245 : i32 to vector<16xi32>
      %add3A_247 = arith.addi %get3A_174, %add3A_246 : vector<16xi32>
      %gather3A_248 = tpu.vector_load_idx %arg9[%add3A_169, %add3A_247] : memref<128x128xf32, #tpu.memory_space<vmem>>[vector<16xi32>, vector<16xi32>], vector<16xf32>,
      %mul3A_249 = arith.constant 16 : i32
      %mul3A_250 = arith.muli %add3A_165, %mul3A_249 : i32
      %add3A_251 = arith.constant 256 : i32
      %add3A_252 = arith.addi %add3A_251, %mul3A_250 : i32
      %swap3A_253 = arith.constant 6 : i32
      %swap3A_254 = arith.index_cast %swap3A_253 : i32 to index
      %swap3A_255 = arith.index_cast %add3A_252 : i32 to index
      %swap3A_256 = tpu.vector_load %arg11[%swap3A_254, %swap3A_255] {strides = array<i32>} : memref<16x512xf32, #tpu.memory_space<vmem>>, vector<16xf32>,
      tpu.vector_store %arg11[%swap3A_254, %swap3A_255], %gather3A_248 {strides = array<i32>} : memref<16x512xf32, #tpu.memory_space<vmem>>, vector<16xf32>,
      %add3A_257 = arith.constant 7 : i32
      %add3A_258 = vector.broadcast %add3A_257 : i32 to vector<16xi32>
      %add3A_259 = arith.addi %get3A_174, %add3A_258 : vector<16xi32>
      %gather3A_260 = tpu.vector_load_idx %arg9[%add3A_169, %add3A_259] : memref<128x128xf32, #tpu.memory_space<vmem>>[vector<16xi32>, vector<16xi32>], vector<16xf32>,
      %mul3A_261 = arith.constant 16 : i32
      %mul3A_262 = arith.muli %add3A_165, %mul3A_261 : i32
      %add3A_263 = arith.constant 256 : i32
      %add3A_264 = arith.addi %add3A_263, %mul3A_262 : i32
      %swap3A_265 = arith.constant 7 : i32
      %swap3A_266 = arith.index_cast %swap3A_265 : i32 to index
      %swap3A_267 = arith.index_cast %add3A_264 : i32 to index
      %swap3A_268 = tpu.vector_load %arg11[%swap3A_266, %swap3A_267] {strides = array<i32>} : memref<16x512xf32, #tpu.memory_space<vmem>>, vector<16xf32>,
      tpu.vector_store %arg11[%swap3A_266, %swap3A_267], %gather3A_260 {strides = array<i32>} : memref<16x512xf32, #tpu.memory_space<vmem>>, vector<16xf32>,
      %add3A_269 = arith.constant 8 : i32
      %add3A_270 = vector.broadcast %add3A_269 : i32 to vector<16xi32>
      %add3A_271 = arith.addi %get3A_174, %add3A_270 : vector<16xi32>
      %gather3A_272 = tpu.vector_load_idx %arg9[%add3A_169, %add3A_271] : memref<128x128xf32, #tpu.memory_space<vmem>>[vector<16xi32>, vector<16xi32>], vector<16xf32>,
      %mul3A_273 = arith.constant 16 : i32
      %mul3A_274 = arith.muli %add3A_165, %mul3A_273 : i32
      %add3A_275 = arith.constant 256 : i32
      %add3A_276 = arith.addi %add3A_275, %mul3A_274 : i32
      %swap3A_277 = arith.constant 8 : i32
      %swap3A_278 = arith.index_cast %swap3A_277 : i32 to index
      %swap3A_279 = arith.index_cast %add3A_276 : i32 to index
      %swap3A_280 = tpu.vector_load %arg11[%swap3A_278, %swap3A_279] {strides = array<i32>} : memref<16x512xf32, #tpu.memory_space<vmem>>, vector<16xf32>,
      tpu.vector_store %arg11[%swap3A_278, %swap3A_279], %gather3A_272 {strides = array<i32>} : memref<16x512xf32, #tpu.memory_space<vmem>>, vector<16xf32>,
      %add3A_281 = arith.constant 9 : i32
      %add3A_282 = vector.broadcast %add3A_281 : i32 to vector<16xi32>
      %add3A_283 = arith.addi %get3A_174, %add3A_282 : vector<16xi32>
      %gather3A_284 = tpu.vector_load_idx %arg9[%add3A_169, %add3A_283] : memref<128x128xf32, #tpu.memory_space<vmem>>[vector<16xi32>, vector<16xi32>], vector<16xf32>,
      %mul3A_285 = arith.constant 16 : i32
      %mul3A_286 = arith.muli %add3A_165, %mul3A_285 : i32
      %add3A_287 = arith.constant 256 : i32
      %add3A_288 = arith.addi %add3A_287, %mul3A_286 : i32
      %swap3A_289 = arith.constant 9 : i32
      %swap3A_290 = arith.index_cast %swap3A_289 : i32 to index
      %swap3A_291 = arith.index_cast %add3A_288 : i32 to index
      %swap3A_292 = tpu.vector_load %arg11[%swap3A_290, %swap3A_291] {strides = array<i32>} : memref<16x512xf32, #tpu.memory_space<vmem>>, vector<16xf32>,
      tpu.vector_store %arg11[%swap3A_290, %swap3A_291], %gather3A_284 {strides = array<i32>} : memref<16x512xf32, #tpu.memory_space<vmem>>, vector<16xf32>,
      %add3A_293 = arith.constant 10 : i32
      %add3A_294 = vector.broadcast %add3A_293 : i32 to vector<16xi32>
      %add3A_295 = arith.addi %get3A_174, %add3A_294 : vector<16xi32>
      %gather3A_296 = tpu.vector_load_idx %arg9[%add3A_169, %add3A_295] : memref<128x128xf32, #tpu.memory_space<vmem>>[vector<16xi32>, vector<16xi32>], vector<16xf32>,
      %mul3A_297 = arith.constant 16 : i32
      %mul3A_298 = arith.muli %add3A_165, %mul3A_297 : i32
      %add3A_299 = arith.constant 256 : i32
      %add3A_300 = arith.addi %add3A_299, %mul3A_298 : i32
      %swap3A_301 = arith.constant 10 : i32
      %swap3A_302 = arith.index_cast %swap3A_301 : i32 to index
      %swap3A_303 = arith.index_cast %add3A_300 : i32 to index
      %swap3A_304 = tpu.vector_load %arg11[%swap3A_302, %swap3A_303] {strides = array<i32>} : memref<16x512xf32, #tpu.memory_space<vmem>>, vector<16xf32>,
      tpu.vector_store %arg11[%swap3A_302, %swap3A_303], %gather3A_296 {strides = array<i32>} : memref<16x512xf32, #tpu.memory_space<vmem>>, vector<16xf32>,
      %add3A_305 = arith.constant 11 : i32
      %add3A_306 = vector.broadcast %add3A_305 : i32 to vector<16xi32>
      %add3A_307 = arith.addi %get3A_174, %add3A_306 : vector<16xi32>
      %gather3A_308 = tpu.vector_load_idx %arg9[%add3A_169, %add3A_307] : memref<128x128xf32, #tpu.memory_space<vmem>>[vector<16xi32>, vector<16xi32>], vector<16xf32>,
      %mul3A_309 = arith.constant 16 : i32
      %mul3A_310 = arith.muli %add3A_165, %mul3A_309 : i32
      %add3A_311 = arith.constant 256 : i32
      %add3A_312 = arith.addi %add3A_311, %mul3A_310 : i32
      %swap3A_313 = arith.constant 11 : i32
      %swap3A_314 = arith.index_cast %swap3A_313 : i32 to index
      %swap3A_315 = arith.index_cast %add3A_312 : i32 to index
      %swap3A_316 = tpu.vector_load %arg11[%swap3A_314, %swap3A_315] {strides = array<i32>} : memref<16x512xf32, #tpu.memory_space<vmem>>, vector<16xf32>,
      tpu.vector_store %arg11[%swap3A_314, %swap3A_315], %gather3A_308 {strides = array<i32>} : memref<16x512xf32, #tpu.memory_space<vmem>>, vector<16xf32>,
      %add3A_317 = arith.constant 12 : i32
      %add3A_318 = vector.broadcast %add3A_317 : i32 to vector<16xi32>
      %add3A_319 = arith.addi %get3A_174, %add3A_318 : vector<16xi32>
      %gather3A_320 = tpu.vector_load_idx %arg9[%add3A_169, %add3A_319] : memref<128x128xf32, #tpu.memory_space<vmem>>[vector<16xi32>, vector<16xi32>], vector<16xf32>,
      %mul3A_321 = arith.constant 16 : i32
      %mul3A_322 = arith.muli %add3A_165, %mul3A_321 : i32
      %add3A_323 = arith.constant 256 : i32
      %add3A_324 = arith.addi %add3A_323, %mul3A_322 : i32
      %swap3A_325 = arith.constant 12 : i32
      %swap3A_326 = arith.index_cast %swap3A_325 : i32 to index
      %swap3A_327 = arith.index_cast %add3A_324 : i32 to index
      %swap3A_328 = tpu.vector_load %arg11[%swap3A_326, %swap3A_327] {strides = array<i32>} : memref<16x512xf32, #tpu.memory_space<vmem>>, vector<16xf32>,
      tpu.vector_store %arg11[%swap3A_326, %swap3A_327], %gather3A_320 {strides = array<i32>} : memref<16x512xf32, #tpu.memory_space<vmem>>, vector<16xf32>,
      %add3A_329 = arith.constant 13 : i32
      %add3A_330 = vector.broadcast %add3A_329 : i32 to vector<16xi32>
      %add3A_331 = arith.addi %get3A_174, %add3A_330 : vector<16xi32>
      %gather3A_332 = tpu.vector_load_idx %arg9[%add3A_169, %add3A_331] : memref<128x128xf32, #tpu.memory_space<vmem>>[vector<16xi32>, vector<16xi32>], vector<16xf32>,
      %mul3A_333 = arith.constant 16 : i32
      %mul3A_334 = arith.muli %add3A_165, %mul3A_333 : i32
      %add3A_335 = arith.constant 256 : i32
      %add3A_336 = arith.addi %add3A_335, %mul3A_334 : i32
      %swap3A_337 = arith.constant 13 : i32
      %swap3A_338 = arith.index_cast %swap3A_337 : i32 to index
      %swap3A_339 = arith.index_cast %add3A_336 : i32 to index
      %swap3A_340 = tpu.vector_load %arg11[%swap3A_338, %swap3A_339] {strides = array<i32>} : memref<16x512xf32, #tpu.memory_space<vmem>>, vector<16xf32>,
      tpu.vector_store %arg11[%swap3A_338, %swap3A_339], %gather3A_332 {strides = array<i32>} : memref<16x512xf32, #tpu.memory_space<vmem>>, vector<16xf32>,
      %add3A_341 = arith.constant 14 : i32
      %add3A_342 = vector.broadcast %add3A_341 : i32 to vector<16xi32>
      %add3A_343 = arith.addi %get3A_174, %add3A_342 : vector<16xi32>
      %gather3A_344 = tpu.vector_load_idx %arg9[%add3A_169, %add3A_343] : memref<128x128xf32, #tpu.memory_space<vmem>>[vector<16xi32>, vector<16xi32>], vector<16xf32>,
      %mul3A_345 = arith.constant 16 : i32
      %mul3A_346 = arith.muli %add3A_165, %mul3A_345 : i32
      %add3A_347 = arith.constant 256 : i32
      %add3A_348 = arith.addi %add3A_347, %mul3A_346 : i32
      %swap3A_349 = arith.constant 14 : i32
      %swap3A_350 = arith.index_cast %swap3A_349 : i32 to index
      %swap3A_351 = arith.index_cast %add3A_348 : i32 to index
      %swap3A_352 = tpu.vector_load %arg11[%swap3A_350, %swap3A_351] {strides = array<i32>} : memref<16x512xf32, #tpu.memory_space<vmem>>, vector<16xf32>,
      tpu.vector_store %arg11[%swap3A_350, %swap3A_351], %gather3A_344 {strides = array<i32>} : memref<16x512xf32, #tpu.memory_space<vmem>>, vector<16xf32>,
      %add3A_353 = arith.constant 15 : i32
      %add3A_354 = vector.broadcast %add3A_353 : i32 to vector<16xi32>
      %add3A_355 = arith.addi %get3A_174, %add3A_354 : vector<16xi32>
      %gather3A_356 = tpu.vector_load_idx %arg9[%add3A_169, %add3A_355] : memref<128x128xf32, #tpu.memory_space<vmem>>[vector<16xi32>, vector<16xi32>], vector<16xf32>,
      %mul3A_357 = arith.constant 16 : i32
      %mul3A_358 = arith.muli %add3A_165, %mul3A_357 : i32
      %add3A_359 = arith.constant 256 : i32
      %add3A_360 = arith.addi %add3A_359, %mul3A_358 : i32
      %swap3A_361 = arith.constant 15 : i32
      %swap3A_362 = arith.index_cast %swap3A_361 : i32 to index
      %swap3A_363 = arith.index_cast %add3A_360 : i32 to index
      %swap3A_364 = tpu.vector_load %arg11[%swap3A_362, %swap3A_363] {strides = array<i32>} : memref<16x512xf32, #tpu.memory_space<vmem>>, vector<16xf32>,
      tpu.vector_store %arg11[%swap3A_362, %swap3A_363], %gather3A_356 {strides = array<i32>} : memref<16x512xf32, #tpu.memory_space<vmem>>, vector<16xf32>,
    }
    %scan3A_58 = arith.constant 8 : i32
    %dma_start3A_59 = arith.constant 4 : i32
    %dma_start3A_60 = arith.constant 0 : i32
    %dma_start3A_61 = tpu.memref_slice %arg7[%dma_start3A_59, %dma_start3A_60] : memref<48x128xi32, #tpu.memory_space<vmem>> -> memref<1x128xi32, #tpu.memory_space<vmem>>
    %dma_start3A_62 = tpu.memref_squeeze %dma_start3A_61 : memref<1x128xi32, #tpu.memory_space<vmem>> -> memref<128xi32, #tpu.memory_space<vmem>>
    %dma_start3A_63 = arith.constant 0 : i32
    %dma_start3A_64 = arith.constant 0 : i32
    %dma_start3A_65 = tpu.memref_slice %arg3[%dma_start3A_63, %dma_start3A_64] : memref<125000x128xf32, #tpu.memory_space<hbm>> -> memref<125000x128xf32, #tpu.memory_space<hbm>>
    tpu.enqueue_indirect_dma source(%dma_start3A_65 : memref<125000x128xf32, #tpu.memory_space<hbm>>) target(%arg9 : memref<128x128xf32, #tpu.memory_space<vmem>>) offsets(%dma_start3A_62 : memref<128xi32, #tpu.memory_space<vmem>>) semaphore(%arg13 : memref<!tpu.dma_semaphore, #tpu.memory_space<semaphore_mem>>)
    %dma_wait3A_66 = arith.constant 0 : i32
    %dma_wait3A_67 = arith.constant 0 : i32
    %dma_wait3A_68 = tpu.memref_slice %arg2[%dma_wait3A_66, %dma_wait3A_67] : memref<125000x128xf32, #tpu.memory_space<hbm>> -> memref<128x128xf32, #tpu.memory_space<hbm>>
    %dma_wait3A_69 = arith.constant 0 : i32
    %dma_wait3A_70 = arith.constant 0 : i32
    %dma_wait3A_71 = tpu.memref_slice %arg2[%dma_wait3A_69, %dma_wait3A_70] : memref<125000x128xf32, #tpu.memory_space<hbm>> -> memref<128x128xf32, #tpu.memory_space<hbm>>
    tpu.wait_dma2 semaphore(%arg14 : memref<!tpu.dma_semaphore, #tpu.memory_space<semaphore_mem>>) src(%dma_wait3A_71 : memref<128x128xf32, #tpu.memory_space<hbm>>) dst(%arg10 : memref<128x128xf32, #tpu.memory_space<vmem>>)
    %scan3A_72 = arith.constant 0 : i32
    %scan3A_73 = arith.constant 8 : i32
    %scan3A_74 = arith.addi %scan3A_72, %scan3A_73 : i32
    %scan3A_75 = arith.constant 1 : i32
    scf.for %scan3A_161 = %scan3A_72 to %scan3A_74 step %scan3A_75  : i32 {
      %mul3A_162 = arith.constant 1 : i32
      %mul3A_163 = arith.muli %scan3A_161, %mul3A_162 : i32
      %add3A_164 = arith.constant 0 : i32
      %add3A_165 = arith.addi %add3A_164, %mul3A_163 : i32
      %mul3A_166 = arith.constant 16 : i32
      %mul3A_167 = arith.muli %add3A_165, %mul3A_166 : i32
      %add3A_168 = vector.broadcast %mul3A_167 : i32 to vector<16xi32>
      %add3A_169 = arith.addi %add3A_168, %iota3A : vector<16xi32>
      %mul3A_170 = arith.constant 16 : i32
      %mul3A_171 = arith.muli %add3A_165, %mul3A_170 : i32
      %get3A = arith.constant 3 : i32
      %get3A_172 = arith.index_cast %get3A : i32 to index
      %get3A_173 = arith.index_cast %mul3A_171 : i32 to index
      %get3A_174 = tpu.vector_load %arg8[%get3A_172, %get3A_173] {strides = array<i32>} : memref<48x128xi32, #tpu.memory_space<vmem>>, vector<16xi32>,
      %add3A_175 = arith.constant 0 : i32
      %add3A_176 = vector.broadcast %add3A_175 : i32 to vector<16xi32>
      %add3A_177 = arith.addi %get3A_174, %add3A_176 : vector<16xi32>
      %gather3A = tpu.vector_load_idx %arg10[%add3A_169, %add3A_177] : memref<128x128xf32, #tpu.memory_space<vmem>>[vector<16xi32>, vector<16xi32>], vector<16xf32>,
      %mul3A_178 = arith.constant 16 : i32
      %mul3A_179 = arith.muli %add3A_165, %mul3A_178 : i32
      %add3A_180 = arith.constant 384 : i32
      %add3A_181 = arith.addi %add3A_180, %mul3A_179 : i32
      %swap3A = arith.constant 0 : i32
      %swap3A_182 = arith.index_cast %swap3A : i32 to index
      %swap3A_183 = arith.index_cast %add3A_181 : i32 to index
      %swap3A_184 = tpu.vector_load %arg11[%swap3A_182, %swap3A_183] {strides = array<i32>} : memref<16x512xf32, #tpu.memory_space<vmem>>, vector<16xf32>,
      tpu.vector_store %arg11[%swap3A_182, %swap3A_183], %gather3A {strides = array<i32>} : memref<16x512xf32, #tpu.memory_space<vmem>>, vector<16xf32>,
      %add3A_185 = arith.constant 1 : i32
      %add3A_186 = vector.broadcast %add3A_185 : i32 to vector<16xi32>
      %add3A_187 = arith.addi %get3A_174, %add3A_186 : vector<16xi32>
      %gather3A_188 = tpu.vector_load_idx %arg10[%add3A_169, %add3A_187] : memref<128x128xf32, #tpu.memory_space<vmem>>[vector<16xi32>, vector<16xi32>], vector<16xf32>,
      %mul3A_189 = arith.constant 16 : i32
      %mul3A_190 = arith.muli %add3A_165, %mul3A_189 : i32
      %add3A_191 = arith.constant 384 : i32
      %add3A_192 = arith.addi %add3A_191, %mul3A_190 : i32
      %swap3A_193 = arith.constant 1 : i32
      %swap3A_194 = arith.index_cast %swap3A_193 : i32 to index
      %swap3A_195 = arith.index_cast %add3A_192 : i32 to index
      %swap3A_196 = tpu.vector_load %arg11[%swap3A_194, %swap3A_195] {strides = array<i32>} : memref<16x512xf32, #tpu.memory_space<vmem>>, vector<16xf32>,
      tpu.vector_store %arg11[%swap3A_194, %swap3A_195], %gather3A_188 {strides = array<i32>} : memref<16x512xf32, #tpu.memory_space<vmem>>, vector<16xf32>,
      %add3A_197 = arith.constant 2 : i32
      %add3A_198 = vector.broadcast %add3A_197 : i32 to vector<16xi32>
      %add3A_199 = arith.addi %get3A_174, %add3A_198 : vector<16xi32>
      %gather3A_200 = tpu.vector_load_idx %arg10[%add3A_169, %add3A_199] : memref<128x128xf32, #tpu.memory_space<vmem>>[vector<16xi32>, vector<16xi32>], vector<16xf32>,
      %mul3A_201 = arith.constant 16 : i32
      %mul3A_202 = arith.muli %add3A_165, %mul3A_201 : i32
      %add3A_203 = arith.constant 384 : i32
      %add3A_204 = arith.addi %add3A_203, %mul3A_202 : i32
      %swap3A_205 = arith.constant 2 : i32
      %swap3A_206 = arith.index_cast %swap3A_205 : i32 to index
      %swap3A_207 = arith.index_cast %add3A_204 : i32 to index
      %swap3A_208 = tpu.vector_load %arg11[%swap3A_206, %swap3A_207] {strides = array<i32>} : memref<16x512xf32, #tpu.memory_space<vmem>>, vector<16xf32>,
      tpu.vector_store %arg11[%swap3A_206, %swap3A_207], %gather3A_200 {strides = array<i32>} : memref<16x512xf32, #tpu.memory_space<vmem>>, vector<16xf32>,
      %add3A_209 = arith.constant 3 : i32
      %add3A_210 = vector.broadcast %add3A_209 : i32 to vector<16xi32>
      %add3A_211 = arith.addi %get3A_174, %add3A_210 : vector<16xi32>
      %gather3A_212 = tpu.vector_load_idx %arg10[%add3A_169, %add3A_211] : memref<128x128xf32, #tpu.memory_space<vmem>>[vector<16xi32>, vector<16xi32>], vector<16xf32>,
      %mul3A_213 = arith.constant 16 : i32
      %mul3A_214 = arith.muli %add3A_165, %mul3A_213 : i32
      %add3A_215 = arith.constant 384 : i32
      %add3A_216 = arith.addi %add3A_215, %mul3A_214 : i32
      %swap3A_217 = arith.constant 3 : i32
      %swap3A_218 = arith.index_cast %swap3A_217 : i32 to index
      %swap3A_219 = arith.index_cast %add3A_216 : i32 to index
      %swap3A_220 = tpu.vector_load %arg11[%swap3A_218, %swap3A_219] {strides = array<i32>} : memref<16x512xf32, #tpu.memory_space<vmem>>, vector<16xf32>,
      tpu.vector_store %arg11[%swap3A_218, %swap3A_219], %gather3A_212 {strides = array<i32>} : memref<16x512xf32, #tpu.memory_space<vmem>>, vector<16xf32>,
      %add3A_221 = arith.constant 4 : i32
      %add3A_222 = vector.broadcast %add3A_221 : i32 to vector<16xi32>
      %add3A_223 = arith.addi %get3A_174, %add3A_222 : vector<16xi32>
      %gather3A_224 = tpu.vector_load_idx %arg10[%add3A_169, %add3A_223] : memref<128x128xf32, #tpu.memory_space<vmem>>[vector<16xi32>, vector<16xi32>], vector<16xf32>,
      %mul3A_225 = arith.constant 16 : i32
      %mul3A_226 = arith.muli %add3A_165, %mul3A_225 : i32
      %add3A_227 = arith.constant 384 : i32
      %add3A_228 = arith.addi %add3A_227, %mul3A_226 : i32
      %swap3A_229 = arith.constant 4 : i32
      %swap3A_230 = arith.index_cast %swap3A_229 : i32 to index
      %swap3A_231 = arith.index_cast %add3A_228 : i32 to index
      %swap3A_232 = tpu.vector_load %arg11[%swap3A_230, %swap3A_231] {strides = array<i32>} : memref<16x512xf32, #tpu.memory_space<vmem>>, vector<16xf32>,
      tpu.vector_store %arg11[%swap3A_230, %swap3A_231], %gather3A_224 {strides = array<i32>} : memref<16x512xf32, #tpu.memory_space<vmem>>, vector<16xf32>,
      %add3A_233 = arith.constant 5 : i32
      %add3A_234 = vector.broadcast %add3A_233 : i32 to vector<16xi32>
      %add3A_235 = arith.addi %get3A_174, %add3A_234 : vector<16xi32>
      %gather3A_236 = tpu.vector_load_idx %arg10[%add3A_169, %add3A_235] : memref<128x128xf32, #tpu.memory_space<vmem>>[vector<16xi32>, vector<16xi32>], vector<16xf32>,
      %mul3A_237 = arith.constant 16 : i32
      %mul3A_238 = arith.muli %add3A_165, %mul3A_237 : i32
      %add3A_239 = arith.constant 384 : i32
      %add3A_240 = arith.addi %add3A_239, %mul3A_238 : i32
      %swap3A_241 = arith.constant 5 : i32
      %swap3A_242 = arith.index_cast %swap3A_241 : i32 to index
      %swap3A_243 = arith.index_cast %add3A_240 : i32 to index
      %swap3A_244 = tpu.vector_load %arg11[%swap3A_242, %swap3A_243] {strides = array<i32>} : memref<16x512xf32, #tpu.memory_space<vmem>>, vector<16xf32>,
      tpu.vector_store %arg11[%swap3A_242, %swap3A_243], %gather3A_236 {strides = array<i32>} : memref<16x512xf32, #tpu.memory_space<vmem>>, vector<16xf32>,
      %add3A_245 = arith.constant 6 : i32
      %add3A_246 = vector.broadcast %add3A_245 : i32 to vector<16xi32>
      %add3A_247 = arith.addi %get3A_174, %add3A_246 : vector<16xi32>
      %gather3A_248 = tpu.vector_load_idx %arg10[%add3A_169, %add3A_247] : memref<128x128xf32, #tpu.memory_space<vmem>>[vector<16xi32>, vector<16xi32>], vector<16xf32>,
      %mul3A_249 = arith.constant 16 : i32
      %mul3A_250 = arith.muli %add3A_165, %mul3A_249 : i32
      %add3A_251 = arith.constant 384 : i32
      %add3A_252 = arith.addi %add3A_251, %mul3A_250 : i32
      %swap3A_253 = arith.constant 6 : i32
      %swap3A_254 = arith.index_cast %swap3A_253 : i32 to index
      %swap3A_255 = arith.index_cast %add3A_252 : i32 to index
      %swap3A_256 = tpu.vector_load %arg11[%swap3A_254, %swap3A_255] {strides = array<i32>} : memref<16x512xf32, #tpu.memory_space<vmem>>, vector<16xf32>,
      tpu.vector_store %arg11[%swap3A_254, %swap3A_255], %gather3A_248 {strides = array<i32>} : memref<16x512xf32, #tpu.memory_space<vmem>>, vector<16xf32>,
      %add3A_257 = arith.constant 7 : i32
      %add3A_258 = vector.broadcast %add3A_257 : i32 to vector<16xi32>
      %add3A_259 = arith.addi %get3A_174, %add3A_258 : vector<16xi32>
      %gather3A_260 = tpu.vector_load_idx %arg10[%add3A_169, %add3A_259] : memref<128x128xf32, #tpu.memory_space<vmem>>[vector<16xi32>, vector<16xi32>], vector<16xf32>,
      %mul3A_261 = arith.constant 16 : i32
      %mul3A_262 = arith.muli %add3A_165, %mul3A_261 : i32
      %add3A_263 = arith.constant 384 : i32
      %add3A_264 = arith.addi %add3A_263, %mul3A_262 : i32
      %swap3A_265 = arith.constant 7 : i32
      %swap3A_266 = arith.index_cast %swap3A_265 : i32 to index
      %swap3A_267 = arith.index_cast %add3A_264 : i32 to index
      %swap3A_268 = tpu.vector_load %arg11[%swap3A_266, %swap3A_267] {strides = array<i32>} : memref<16x512xf32, #tpu.memory_space<vmem>>, vector<16xf32>,
      tpu.vector_store %arg11[%swap3A_266, %swap3A_267], %gather3A_260 {strides = array<i32>} : memref<16x512xf32, #tpu.memory_space<vmem>>, vector<16xf32>,
      %add3A_269 = arith.constant 8 : i32
      %add3A_270 = vector.broadcast %add3A_269 : i32 to vector<16xi32>
      %add3A_271 = arith.addi %get3A_174, %add3A_270 : vector<16xi32>
      %gather3A_272 = tpu.vector_load_idx %arg10[%add3A_169, %add3A_271] : memref<128x128xf32, #tpu.memory_space<vmem>>[vector<16xi32>, vector<16xi32>], vector<16xf32>,
      %mul3A_273 = arith.constant 16 : i32
      %mul3A_274 = arith.muli %add3A_165, %mul3A_273 : i32
      %add3A_275 = arith.constant 384 : i32
      %add3A_276 = arith.addi %add3A_275, %mul3A_274 : i32
      %swap3A_277 = arith.constant 8 : i32
      %swap3A_278 = arith.index_cast %swap3A_277 : i32 to index
      %swap3A_279 = arith.index_cast %add3A_276 : i32 to index
      %swap3A_280 = tpu.vector_load %arg11[%swap3A_278, %swap3A_279] {strides = array<i32>} : memref<16x512xf32, #tpu.memory_space<vmem>>, vector<16xf32>,
      tpu.vector_store %arg11[%swap3A_278, %swap3A_279], %gather3A_272 {strides = array<i32>} : memref<16x512xf32, #tpu.memory_space<vmem>>, vector<16xf32>,
      %add3A_281 = arith.constant 9 : i32
      %add3A_282 = vector.broadcast %add3A_281 : i32 to vector<16xi32>
      %add3A_283 = arith.addi %get3A_174, %add3A_282 : vector<16xi32>
      %gather3A_284 = tpu.vector_load_idx %arg10[%add3A_169, %add3A_283] : memref<128x128xf32, #tpu.memory_space<vmem>>[vector<16xi32>, vector<16xi32>], vector<16xf32>,
      %mul3A_285 = arith.constant 16 : i32
      %mul3A_286 = arith.muli %add3A_165, %mul3A_285 : i32
      %add3A_287 = arith.constant 384 : i32
      %add3A_288 = arith.addi %add3A_287, %mul3A_286 : i32
      %swap3A_289 = arith.constant 9 : i32
      %swap3A_290 = arith.index_cast %swap3A_289 : i32 to index
      %swap3A_291 = arith.index_cast %add3A_288 : i32 to index
      %swap3A_292 = tpu.vector_load %arg11[%swap3A_290, %swap3A_291] {strides = array<i32>} : memref<16x512xf32, #tpu.memory_space<vmem>>, vector<16xf32>,
      tpu.vector_store %arg11[%swap3A_290, %swap3A_291], %gather3A_284 {strides = array<i32>} : memref<16x512xf32, #tpu.memory_space<vmem>>, vector<16xf32>,
      %add3A_293 = arith.constant 10 : i32
      %add3A_294 = vector.broadcast %add3A_293 : i32 to vector<16xi32>
      %add3A_295 = arith.addi %get3A_174, %add3A_294 : vector<16xi32>
      %gather3A_296 = tpu.vector_load_idx %arg10[%add3A_169, %add3A_295] : memref<128x128xf32, #tpu.memory_space<vmem>>[vector<16xi32>, vector<16xi32>], vector<16xf32>,
      %mul3A_297 = arith.constant 16 : i32
      %mul3A_298 = arith.muli %add3A_165, %mul3A_297 : i32
      %add3A_299 = arith.constant 384 : i32
      %add3A_300 = arith.addi %add3A_299, %mul3A_298 : i32
      %swap3A_301 = arith.constant 10 : i32
      %swap3A_302 = arith.index_cast %swap3A_301 : i32 to index
      %swap3A_303 = arith.index_cast %add3A_300 : i32 to index
      %swap3A_304 = tpu.vector_load %arg11[%swap3A_302, %swap3A_303] {strides = array<i32>} : memref<16x512xf32, #tpu.memory_space<vmem>>, vector<16xf32>,
      tpu.vector_store %arg11[%swap3A_302, %swap3A_303], %gather3A_296 {strides = array<i32>} : memref<16x512xf32, #tpu.memory_space<vmem>>, vector<16xf32>,
      %add3A_305 = arith.constant 11 : i32
      %add3A_306 = vector.broadcast %add3A_305 : i32 to vector<16xi32>
      %add3A_307 = arith.addi %get3A_174, %add3A_306 : vector<16xi32>
      %gather3A_308 = tpu.vector_load_idx %arg10[%add3A_169, %add3A_307] : memref<128x128xf32, #tpu.memory_space<vmem>>[vector<16xi32>, vector<16xi32>], vector<16xf32>,
      %mul3A_309 = arith.constant 16 : i32
      %mul3A_310 = arith.muli %add3A_165, %mul3A_309 : i32
      %add3A_311 = arith.constant 384 : i32
      %add3A_312 = arith.addi %add3A_311, %mul3A_310 : i32
      %swap3A_313 = arith.constant 11 : i32
      %swap3A_314 = arith.index_cast %swap3A_313 : i32 to index
      %swap3A_315 = arith.index_cast %add3A_312 : i32 to index
      %swap3A_316 = tpu.vector_load %arg11[%swap3A_314, %swap3A_315] {strides = array<i32>} : memref<16x512xf32, #tpu.memory_space<vmem>>, vector<16xf32>,
      tpu.vector_store %arg11[%swap3A_314, %swap3A_315], %gather3A_308 {strides = array<i32>} : memref<16x512xf32, #tpu.memory_space<vmem>>, vector<16xf32>,
      %add3A_317 = arith.constant 12 : i32
      %add3A_318 = vector.broadcast %add3A_317 : i32 to vector<16xi32>
      %add3A_319 = arith.addi %get3A_174, %add3A_318 : vector<16xi32>
      %gather3A_320 = tpu.vector_load_idx %arg10[%add3A_169, %add3A_319] : memref<128x128xf32, #tpu.memory_space<vmem>>[vector<16xi32>, vector<16xi32>], vector<16xf32>,
      %mul3A_321 = arith.constant 16 : i32
      %mul3A_322 = arith.muli %add3A_165, %mul3A_321 : i32
      %add3A_323 = arith.constant 384 : i32
      %add3A_324 = arith.addi %add3A_323, %mul3A_322 : i32
      %swap3A_325 = arith.constant 12 : i32
      %swap3A_326 = arith.index_cast %swap3A_325 : i32 to index
      %swap3A_327 = arith.index_cast %add3A_324 : i32 to index
      %swap3A_328 = tpu.vector_load %arg11[%swap3A_326, %swap3A_327] {strides = array<i32>} : memref<16x512xf32, #tpu.memory_space<vmem>>, vector<16xf32>,
      tpu.vector_store %arg11[%swap3A_326, %swap3A_327], %gather3A_320 {strides = array<i32>} : memref<16x512xf32, #tpu.memory_space<vmem>>, vector<16xf32>,
      %add3A_329 = arith.constant 13 : i32
      %add3A_330 = vector.broadcast %add3A_329 : i32 to vector<16xi32>
      %add3A_331 = arith.addi %get3A_174, %add3A_330 : vector<16xi32>
      %gather3A_332 = tpu.vector_load_idx %arg10[%add3A_169, %add3A_331] : memref<128x128xf32, #tpu.memory_space<vmem>>[vector<16xi32>, vector<16xi32>], vector<16xf32>,
      %mul3A_333 = arith.constant 16 : i32
      %mul3A_334 = arith.muli %add3A_165, %mul3A_333 : i32
      %add3A_335 = arith.constant 384 : i32
      %add3A_336 = arith.addi %add3A_335, %mul3A_334 : i32
      %swap3A_337 = arith.constant 13 : i32
      %swap3A_338 = arith.index_cast %swap3A_337 : i32 to index
      %swap3A_339 = arith.index_cast %add3A_336 : i32 to index
      %swap3A_340 = tpu.vector_load %arg11[%swap3A_338, %swap3A_339] {strides = array<i32>} : memref<16x512xf32, #tpu.memory_space<vmem>>, vector<16xf32>,
      tpu.vector_store %arg11[%swap3A_338, %swap3A_339], %gather3A_332 {strides = array<i32>} : memref<16x512xf32, #tpu.memory_space<vmem>>, vector<16xf32>,
      %add3A_341 = arith.constant 14 : i32
      %add3A_342 = vector.broadcast %add3A_341 : i32 to vector<16xi32>
      %add3A_343 = arith.addi %get3A_174, %add3A_342 : vector<16xi32>
      %gather3A_344 = tpu.vector_load_idx %arg10[%add3A_169, %add3A_343] : memref<128x128xf32, #tpu.memory_space<vmem>>[vector<16xi32>, vector<16xi32>], vector<16xf32>,
      %mul3A_345 = arith.constant 16 : i32
      %mul3A_346 = arith.muli %add3A_165, %mul3A_345 : i32
      %add3A_347 = arith.constant 384 : i32
      %add3A_348 = arith.addi %add3A_347, %mul3A_346 : i32
      %swap3A_349 = arith.constant 14 : i32
      %swap3A_350 = arith.index_cast %swap3A_349 : i32 to index
      %swap3A_351 = arith.index_cast %add3A_348 : i32 to index
      %swap3A_352 = tpu.vector_load %arg11[%swap3A_350, %swap3A_351] {strides = array<i32>} : memref<16x512xf32, #tpu.memory_space<vmem>>, vector<16xf32>,
      tpu.vector_store %arg11[%swap3A_350, %swap3A_351], %gather3A_344 {strides = array<i32>} : memref<16x512xf32, #tpu.memory_space<vmem>>, vector<16xf32>,
      %add3A_353 = arith.constant 15 : i32
      %add3A_354 = vector.broadcast %add3A_353 : i32 to vector<16xi32>
      %add3A_355 = arith.addi %get3A_174, %add3A_354 : vector<16xi32>
      %gather3A_356 = tpu.vector_load_idx %arg10[%add3A_169, %add3A_355] : memref<128x128xf32, #tpu.memory_space<vmem>>[vector<16xi32>, vector<16xi32>], vector<16xf32>,
      %mul3A_357 = arith.constant 16 : i32
      %mul3A_358 = arith.muli %add3A_165, %mul3A_357 : i32
      %add3A_359 = arith.constant 384 : i32
      %add3A_360 = arith.addi %add3A_359, %mul3A_358 : i32
      %swap3A_361 = arith.constant 15 : i32
      %swap3A_362 = arith.index_cast %swap3A_361 : i32 to index
      %swap3A_363 = arith.index_cast %add3A_360 : i32 to index
      %swap3A_364 = tpu.vector_load %arg11[%swap3A_362, %swap3A_363] {strides = array<i32>} : memref<16x512xf32, #tpu.memory_space<vmem>>, vector<16xf32>,
      tpu.vector_store %arg11[%swap3A_362, %swap3A_363], %gather3A_356 {strides = array<i32>} : memref<16x512xf32, #tpu.memory_space<vmem>>, vector<16xf32>,
    }
    %scan3A_76 = arith.constant 8 : i32
    %dma_start3A_77 = arith.constant 5 : i32
    %dma_start3A_78 = arith.constant 0 : i32
    %dma_start3A_79 = tpu.memref_slice %arg7[%dma_start3A_77, %dma_start3A_78] : memref<48x128xi32, #tpu.memory_space<vmem>> -> memref<1x128xi32, #tpu.memory_space<vmem>>
    %dma_start3A_80 = tpu.memref_squeeze %dma_start3A_79 : memref<1x128xi32, #tpu.memory_space<vmem>> -> memref<128xi32, #tpu.memory_space<vmem>>
    %dma_start3A_81 = arith.constant 0 : i32
    %dma_start3A_82 = arith.constant 0 : i32
    %dma_start3A_83 = tpu.memref_slice %arg3[%dma_start3A_81, %dma_start3A_82] : memref<125000x128xf32, #tpu.memory_space<hbm>> -> memref<125000x128xf32, #tpu.memory_space<hbm>>
    tpu.enqueue_indirect_dma source(%dma_start3A_83 : memref<125000x128xf32, #tpu.memory_space<hbm>>) target(%arg10 : memref<128x128xf32, #tpu.memory_space<vmem>>) offsets(%dma_start3A_80 : memref<128xi32, #tpu.memory_space<vmem>>) semaphore(%arg14 : memref<!tpu.dma_semaphore, #tpu.memory_space<semaphore_mem>>)
    %dma_wait3A_84 = arith.constant 0 : i32
    %dma_wait3A_85 = arith.constant 0 : i32
    %dma_wait3A_86 = tpu.memref_slice %arg2[%dma_wait3A_84, %dma_wait3A_85] : memref<125000x128xf32, #tpu.memory_space<hbm>> -> memref<128x128xf32, #tpu.memory_space<hbm>>
    %dma_wait3A_87 = arith.constant 0 : i32
    %dma_wait3A_88 = arith.constant 0 : i32
    %dma_wait3A_89 = tpu.memref_slice %arg2[%dma_wait3A_87, %dma_wait3A_88] : memref<125000x128xf32, #tpu.memory_space<hbm>> -> memref<128x128xf32, #tpu.memory_space<hbm>>
    tpu.wait_dma2 semaphore(%arg13 : memref<!tpu.dma_semaphore, #tpu.memory_space<semaphore_mem>>) src(%dma_wait3A_89 : memref<128x128xf32, #tpu.memory_space<hbm>>) dst(%arg9 : memref<128x128xf32, #tpu.memory_space<vmem>>)
    %scan3A_90 = arith.constant 0 : i32
    %scan3A_91 = arith.constant 8 : i32
    %scan3A_92 = arith.addi %scan3A_90, %scan3A_91 : i32
    %scan3A_93 = arith.constant 1 : i32
    scf.for %scan3A_161 = %scan3A_90 to %scan3A_92 step %scan3A_93  : i32 {
      %mul3A_162 = arith.constant 1 : i32
      %mul3A_163 = arith.muli %scan3A_161, %mul3A_162 : i32
      %add3A_164 = arith.constant 0 : i32
      %add3A_165 = arith.addi %add3A_164, %mul3A_163 : i32
      %mul3A_166 = arith.constant 16 : i32
      %mul3A_167 = arith.muli %add3A_165, %mul3A_166 : i32
      %add3A_168 = vector.broadcast %mul3A_167 : i32 to vector<16xi32>
      %add3A_169 = arith.addi %add3A_168, %iota3A : vector<16xi32>
      %mul3A_170 = arith.constant 16 : i32
      %mul3A_171 = arith.muli %add3A_165, %mul3A_170 : i32
      %get3A = arith.constant 4 : i32
      %get3A_172 = arith.index_cast %get3A : i32 to index
      %get3A_173 = arith.index_cast %mul3A_171 : i32 to index
      %get3A_174 = tpu.vector_load %arg8[%get3A_172, %get3A_173] {strides = array<i32>} : memref<48x128xi32, #tpu.memory_space<vmem>>, vector<16xi32>,
      %broadcast_in_dim3A = arith.constant 0.000000e+00 : f32
      %broadcast_in_dim3A_175 = vector.broadcast %broadcast_in_dim3A : f32 to vector<16xf32>
      %add3A_176 = arith.constant 0 : i32
      %add3A_177 = vector.broadcast %add3A_176 : i32 to vector<16xi32>
      %add3A_178 = arith.addi %get3A_174, %add3A_177 : vector<16xi32>
      %gather3A = tpu.vector_load_idx %arg9[%add3A_169, %add3A_178] : memref<128x128xf32, #tpu.memory_space<vmem>>[vector<16xi32>, vector<16xi32>], vector<16xf32>,
      %mul3A_179 = arith.constant 16 : i32
      %mul3A_180 = arith.muli %add3A_165, %mul3A_179 : i32
      %add3A_181 = arith.constant 0 : i32
      %add3A_182 = arith.addi %add3A_181, %mul3A_180 : i32
      %get3A_183 = arith.constant 0 : i32
      %get3A_184 = arith.index_cast %get3A_183 : i32 to index
      %get3A_185 = arith.index_cast %add3A_182 : i32 to index
      %get3A_186 = tpu.vector_load %arg11[%get3A_184, %get3A_185] {strides = array<i32>} : memref<16x512xf32, #tpu.memory_space<vmem>>, vector<16xf32>,
      %mul3A_187 = arith.mulf %gather3A, %get3A_186 : vector<16xf32>
      %add3A_188 = arith.addf %broadcast_in_dim3A_175, %mul3A_187 : vector<16xf32>
      %add3A_189 = arith.constant 1 : i32
      %add3A_190 = vector.broadcast %add3A_189 : i32 to vector<16xi32>
      %add3A_191 = arith.addi %get3A_174, %add3A_190 : vector<16xi32>
      %gather3A_192 = tpu.vector_load_idx %arg9[%add3A_169, %add3A_191] : memref<128x128xf32, #tpu.memory_space<vmem>>[vector<16xi32>, vector<16xi32>], vector<16xf32>,
      %mul3A_193 = arith.constant 16 : i32
      %mul3A_194 = arith.muli %add3A_165, %mul3A_193 : i32
      %add3A_195 = arith.constant 0 : i32
      %add3A_196 = arith.addi %add3A_195, %mul3A_194 : i32
      %get3A_197 = arith.constant 1 : i32
      %get3A_198 = arith.index_cast %get3A_197 : i32 to index
      %get3A_199 = arith.index_cast %add3A_196 : i32 to index
      %get3A_200 = tpu.vector_load %arg11[%get3A_198, %get3A_199] {strides = array<i32>} : memref<16x512xf32, #tpu.memory_space<vmem>>, vector<16xf32>,
      %mul3A_201 = arith.mulf %gather3A_192, %get3A_200 : vector<16xf32>
      %add3A_202 = arith.addf %add3A_188, %mul3A_201 : vector<16xf32>
      %add3A_203 = arith.constant 2 : i32
      %add3A_204 = vector.broadcast %add3A_203 : i32 to vector<16xi32>
      %add3A_205 = arith.addi %get3A_174, %add3A_204 : vector<16xi32>
      %gather3A_206 = tpu.vector_load_idx %arg9[%add3A_169, %add3A_205] : memref<128x128xf32, #tpu.memory_space<vmem>>[vector<16xi32>, vector<16xi32>], vector<16xf32>,
      %mul3A_207 = arith.constant 16 : i32
      %mul3A_208 = arith.muli %add3A_165, %mul3A_207 : i32
      %add3A_209 = arith.constant 0 : i32
      %add3A_210 = arith.addi %add3A_209, %mul3A_208 : i32
      %get3A_211 = arith.constant 2 : i32
      %get3A_212 = arith.index_cast %get3A_211 : i32 to index
      %get3A_213 = arith.index_cast %add3A_210 : i32 to index
      %get3A_214 = tpu.vector_load %arg11[%get3A_212, %get3A_213] {strides = array<i32>} : memref<16x512xf32, #tpu.memory_space<vmem>>, vector<16xf32>,
      %mul3A_215 = arith.mulf %gather3A_206, %get3A_214 : vector<16xf32>
      %add3A_216 = arith.addf %add3A_202, %mul3A_215 : vector<16xf32>
      %add3A_217 = arith.constant 3 : i32
      %add3A_218 = vector.broadcast %add3A_217 : i32 to vector<16xi32>
      %add3A_219 = arith.addi %get3A_174, %add3A_218 : vector<16xi32>
      %gather3A_220 = tpu.vector_load_idx %arg9[%add3A_169, %add3A_219] : memref<128x128xf32, #tpu.memory_space<vmem>>[vector<16xi32>, vector<16xi32>], vector<16xf32>,
      %mul3A_221 = arith.constant 16 : i32
      %mul3A_222 = arith.muli %add3A_165, %mul3A_221 : i32
      %add3A_223 = arith.constant 0 : i32
      %add3A_224 = arith.addi %add3A_223, %mul3A_222 : i32
      %get3A_225 = arith.constant 3 : i32
      %get3A_226 = arith.index_cast %get3A_225 : i32 to index
      %get3A_227 = arith.index_cast %add3A_224 : i32 to index
      %get3A_228 = tpu.vector_load %arg11[%get3A_226, %get3A_227] {strides = array<i32>} : memref<16x512xf32, #tpu.memory_space<vmem>>, vector<16xf32>,
      %mul3A_229 = arith.mulf %gather3A_220, %get3A_228 : vector<16xf32>
      %add3A_230 = arith.addf %add3A_216, %mul3A_229 : vector<16xf32>
      %add3A_231 = arith.constant 4 : i32
      %add3A_232 = vector.broadcast %add3A_231 : i32 to vector<16xi32>
      %add3A_233 = arith.addi %get3A_174, %add3A_232 : vector<16xi32>
      %gather3A_234 = tpu.vector_load_idx %arg9[%add3A_169, %add3A_233] : memref<128x128xf32, #tpu.memory_space<vmem>>[vector<16xi32>, vector<16xi32>], vector<16xf32>,
      %mul3A_235 = arith.constant 16 : i32
      %mul3A_236 = arith.muli %add3A_165, %mul3A_235 : i32
      %add3A_237 = arith.constant 0 : i32
      %add3A_238 = arith.addi %add3A_237, %mul3A_236 : i32
      %get3A_239 = arith.constant 4 : i32
      %get3A_240 = arith.index_cast %get3A_239 : i32 to index
      %get3A_241 = arith.index_cast %add3A_238 : i32 to index
      %get3A_242 = tpu.vector_load %arg11[%get3A_240, %get3A_241] {strides = array<i32>} : memref<16x512xf32, #tpu.memory_space<vmem>>, vector<16xf32>,
      %mul3A_243 = arith.mulf %gather3A_234, %get3A_242 : vector<16xf32>
      %add3A_244 = arith.addf %add3A_230, %mul3A_243 : vector<16xf32>
      %add3A_245 = arith.constant 5 : i32
      %add3A_246 = vector.broadcast %add3A_245 : i32 to vector<16xi32>
      %add3A_247 = arith.addi %get3A_174, %add3A_246 : vector<16xi32>
      %gather3A_248 = tpu.vector_load_idx %arg9[%add3A_169, %add3A_247] : memref<128x128xf32, #tpu.memory_space<vmem>>[vector<16xi32>, vector<16xi32>], vector<16xf32>,
      %mul3A_249 = arith.constant 16 : i32
      %mul3A_250 = arith.muli %add3A_165, %mul3A_249 : i32
      %add3A_251 = arith.constant 0 : i32
      %add3A_252 = arith.addi %add3A_251, %mul3A_250 : i32
      %get3A_253 = arith.constant 5 : i32
      %get3A_254 = arith.index_cast %get3A_253 : i32 to index
      %get3A_255 = arith.index_cast %add3A_252 : i32 to index
      %get3A_256 = tpu.vector_load %arg11[%get3A_254, %get3A_255] {strides = array<i32>} : memref<16x512xf32, #tpu.memory_space<vmem>>, vector<16xf32>,
      %mul3A_257 = arith.mulf %gather3A_248, %get3A_256 : vector<16xf32>
      %add3A_258 = arith.addf %add3A_244, %mul3A_257 : vector<16xf32>
      %add3A_259 = arith.constant 6 : i32
      %add3A_260 = vector.broadcast %add3A_259 : i32 to vector<16xi32>
      %add3A_261 = arith.addi %get3A_174, %add3A_260 : vector<16xi32>
      %gather3A_262 = tpu.vector_load_idx %arg9[%add3A_169, %add3A_261] : memref<128x128xf32, #tpu.memory_space<vmem>>[vector<16xi32>, vector<16xi32>], vector<16xf32>,
      %mul3A_263 = arith.constant 16 : i32
      %mul3A_264 = arith.muli %add3A_165, %mul3A_263 : i32
      %add3A_265 = arith.constant 0 : i32
      %add3A_266 = arith.addi %add3A_265, %mul3A_264 : i32
      %get3A_267 = arith.constant 6 : i32
      %get3A_268 = arith.index_cast %get3A_267 : i32 to index
      %get3A_269 = arith.index_cast %add3A_266 : i32 to index
      %get3A_270 = tpu.vector_load %arg11[%get3A_268, %get3A_269] {strides = array<i32>} : memref<16x512xf32, #tpu.memory_space<vmem>>, vector<16xf32>,
      %mul3A_271 = arith.mulf %gather3A_262, %get3A_270 : vector<16xf32>
      %add3A_272 = arith.addf %add3A_258, %mul3A_271 : vector<16xf32>
      %add3A_273 = arith.constant 7 : i32
      %add3A_274 = vector.broadcast %add3A_273 : i32 to vector<16xi32>
      %add3A_275 = arith.addi %get3A_174, %add3A_274 : vector<16xi32>
      %gather3A_276 = tpu.vector_load_idx %arg9[%add3A_169, %add3A_275] : memref<128x128xf32, #tpu.memory_space<vmem>>[vector<16xi32>, vector<16xi32>], vector<16xf32>,
      %mul3A_277 = arith.constant 16 : i32
      %mul3A_278 = arith.muli %add3A_165, %mul3A_277 : i32
      %add3A_279 = arith.constant 0 : i32
      %add3A_280 = arith.addi %add3A_279, %mul3A_278 : i32
      %get3A_281 = arith.constant 7 : i32
      %get3A_282 = arith.index_cast %get3A_281 : i32 to index
      %get3A_283 = arith.index_cast %add3A_280 : i32 to index
      %get3A_284 = tpu.vector_load %arg11[%get3A_282, %get3A_283] {strides = array<i32>} : memref<16x512xf32, #tpu.memory_space<vmem>>, vector<16xf32>,
      %mul3A_285 = arith.mulf %gather3A_276, %get3A_284 : vector<16xf32>
      %add3A_286 = arith.addf %add3A_272, %mul3A_285 : vector<16xf32>
      %add3A_287 = arith.constant 8 : i32
      %add3A_288 = vector.broadcast %add3A_287 : i32 to vector<16xi32>
      %add3A_289 = arith.addi %get3A_174, %add3A_288 : vector<16xi32>
      %gather3A_290 = tpu.vector_load_idx %arg9[%add3A_169, %add3A_289] : memref<128x128xf32, #tpu.memory_space<vmem>>[vector<16xi32>, vector<16xi32>], vector<16xf32>,
      %mul3A_291 = arith.constant 16 : i32
      %mul3A_292 = arith.muli %add3A_165, %mul3A_291 : i32
      %add3A_293 = arith.constant 0 : i32
      %add3A_294 = arith.addi %add3A_293, %mul3A_292 : i32
      %get3A_295 = arith.constant 8 : i32
      %get3A_296 = arith.index_cast %get3A_295 : i32 to index
      %get3A_297 = arith.index_cast %add3A_294 : i32 to index
      %get3A_298 = tpu.vector_load %arg11[%get3A_296, %get3A_297] {strides = array<i32>} : memref<16x512xf32, #tpu.memory_space<vmem>>, vector<16xf32>,
      %mul3A_299 = arith.mulf %gather3A_290, %get3A_298 : vector<16xf32>
      %add3A_300 = arith.addf %add3A_286, %mul3A_299 : vector<16xf32>
      %add3A_301 = arith.constant 9 : i32
      %add3A_302 = vector.broadcast %add3A_301 : i32 to vector<16xi32>
      %add3A_303 = arith.addi %get3A_174, %add3A_302 : vector<16xi32>
      %gather3A_304 = tpu.vector_load_idx %arg9[%add3A_169, %add3A_303] : memref<128x128xf32, #tpu.memory_space<vmem>>[vector<16xi32>, vector<16xi32>], vector<16xf32>,
      %mul3A_305 = arith.constant 16 : i32
      %mul3A_306 = arith.muli %add3A_165, %mul3A_305 : i32
      %add3A_307 = arith.constant 0 : i32
      %add3A_308 = arith.addi %add3A_307, %mul3A_306 : i32
      %get3A_309 = arith.constant 9 : i32
      %get3A_310 = arith.index_cast %get3A_309 : i32 to index
      %get3A_311 = arith.index_cast %add3A_308 : i32 to index
      %get3A_312 = tpu.vector_load %arg11[%get3A_310, %get3A_311] {strides = array<i32>} : memref<16x512xf32, #tpu.memory_space<vmem>>, vector<16xf32>,
      %mul3A_313 = arith.mulf %gather3A_304, %get3A_312 : vector<16xf32>
      %add3A_314 = arith.addf %add3A_300, %mul3A_313 : vector<16xf32>
      %add3A_315 = arith.constant 10 : i32
      %add3A_316 = vector.broadcast %add3A_315 : i32 to vector<16xi32>
      %add3A_317 = arith.addi %get3A_174, %add3A_316 : vector<16xi32>
      %gather3A_318 = tpu.vector_load_idx %arg9[%add3A_169, %add3A_317] : memref<128x128xf32, #tpu.memory_space<vmem>>[vector<16xi32>, vector<16xi32>], vector<16xf32>,
      %mul3A_319 = arith.constant 16 : i32
      %mul3A_320 = arith.muli %add3A_165, %mul3A_319 : i32
      %add3A_321 = arith.constant 0 : i32
      %add3A_322 = arith.addi %add3A_321, %mul3A_320 : i32
      %get3A_323 = arith.constant 10 : i32
      %get3A_324 = arith.index_cast %get3A_323 : i32 to index
      %get3A_325 = arith.index_cast %add3A_322 : i32 to index
      %get3A_326 = tpu.vector_load %arg11[%get3A_324, %get3A_325] {strides = array<i32>} : memref<16x512xf32, #tpu.memory_space<vmem>>, vector<16xf32>,
      %mul3A_327 = arith.mulf %gather3A_318, %get3A_326 : vector<16xf32>
      %add3A_328 = arith.addf %add3A_314, %mul3A_327 : vector<16xf32>
      %add3A_329 = arith.constant 11 : i32
      %add3A_330 = vector.broadcast %add3A_329 : i32 to vector<16xi32>
      %add3A_331 = arith.addi %get3A_174, %add3A_330 : vector<16xi32>
      %gather3A_332 = tpu.vector_load_idx %arg9[%add3A_169, %add3A_331] : memref<128x128xf32, #tpu.memory_space<vmem>>[vector<16xi32>, vector<16xi32>], vector<16xf32>,
      %mul3A_333 = arith.constant 16 : i32
      %mul3A_334 = arith.muli %add3A_165, %mul3A_333 : i32
      %add3A_335 = arith.constant 0 : i32
      %add3A_336 = arith.addi %add3A_335, %mul3A_334 : i32
      %get3A_337 = arith.constant 11 : i32
      %get3A_338 = arith.index_cast %get3A_337 : i32 to index
      %get3A_339 = arith.index_cast %add3A_336 : i32 to index
      %get3A_340 = tpu.vector_load %arg11[%get3A_338, %get3A_339] {strides = array<i32>} : memref<16x512xf32, #tpu.memory_space<vmem>>, vector<16xf32>,
      %mul3A_341 = arith.mulf %gather3A_332, %get3A_340 : vector<16xf32>
      %add3A_342 = arith.addf %add3A_328, %mul3A_341 : vector<16xf32>
      %add3A_343 = arith.constant 12 : i32
      %add3A_344 = vector.broadcast %add3A_343 : i32 to vector<16xi32>
      %add3A_345 = arith.addi %get3A_174, %add3A_344 : vector<16xi32>
      %gather3A_346 = tpu.vector_load_idx %arg9[%add3A_169, %add3A_345] : memref<128x128xf32, #tpu.memory_space<vmem>>[vector<16xi32>, vector<16xi32>], vector<16xf32>,
      %mul3A_347 = arith.constant 16 : i32
      %mul3A_348 = arith.muli %add3A_165, %mul3A_347 : i32
      %add3A_349 = arith.constant 0 : i32
      %add3A_350 = arith.addi %add3A_349, %mul3A_348 : i32
      %get3A_351 = arith.constant 12 : i32
      %get3A_352 = arith.index_cast %get3A_351 : i32 to index
      %get3A_353 = arith.index_cast %add3A_350 : i32 to index
      %get3A_354 = tpu.vector_load %arg11[%get3A_352, %get3A_353] {strides = array<i32>} : memref<16x512xf32, #tpu.memory_space<vmem>>, vector<16xf32>,
      %mul3A_355 = arith.mulf %gather3A_346, %get3A_354 : vector<16xf32>
      %add3A_356 = arith.addf %add3A_342, %mul3A_355 : vector<16xf32>
      %add3A_357 = arith.constant 13 : i32
      %add3A_358 = vector.broadcast %add3A_357 : i32 to vector<16xi32>
      %add3A_359 = arith.addi %get3A_174, %add3A_358 : vector<16xi32>
      %gather3A_360 = tpu.vector_load_idx %arg9[%add3A_169, %add3A_359] : memref<128x128xf32, #tpu.memory_space<vmem>>[vector<16xi32>, vector<16xi32>], vector<16xf32>,
      %mul3A_361 = arith.constant 16 : i32
      %mul3A_362 = arith.muli %add3A_165, %mul3A_361 : i32
      %add3A_363 = arith.constant 0 : i32
      %add3A_364 = arith.addi %add3A_363, %mul3A_362 : i32
      %get3A_365 = arith.constant 13 : i32
      %get3A_366 = arith.index_cast %get3A_365 : i32 to index
      %get3A_367 = arith.index_cast %add3A_364 : i32 to index
      %get3A_368 = tpu.vector_load %arg11[%get3A_366, %get3A_367] {strides = array<i32>} : memref<16x512xf32, #tpu.memory_space<vmem>>, vector<16xf32>,
      %mul3A_369 = arith.mulf %gather3A_360, %get3A_368 : vector<16xf32>
      %add3A_370 = arith.addf %add3A_356, %mul3A_369 : vector<16xf32>
      %add3A_371 = arith.constant 14 : i32
      %add3A_372 = vector.broadcast %add3A_371 : i32 to vector<16xi32>
      %add3A_373 = arith.addi %get3A_174, %add3A_372 : vector<16xi32>
      %gather3A_374 = tpu.vector_load_idx %arg9[%add3A_169, %add3A_373] : memref<128x128xf32, #tpu.memory_space<vmem>>[vector<16xi32>, vector<16xi32>], vector<16xf32>,
      %mul3A_375 = arith.constant 16 : i32
      %mul3A_376 = arith.muli %add3A_165, %mul3A_375 : i32
      %add3A_377 = arith.constant 0 : i32
      %add3A_378 = arith.addi %add3A_377, %mul3A_376 : i32
      %get3A_379 = arith.constant 14 : i32
      %get3A_380 = arith.index_cast %get3A_379 : i32 to index
      %get3A_381 = arith.index_cast %add3A_378 : i32 to index
      %get3A_382 = tpu.vector_load %arg11[%get3A_380, %get3A_381] {strides = array<i32>} : memref<16x512xf32, #tpu.memory_space<vmem>>, vector<16xf32>,
      %mul3A_383 = arith.mulf %gather3A_374, %get3A_382 : vector<16xf32>
      %add3A_384 = arith.addf %add3A_370, %mul3A_383 : vector<16xf32>
      %add3A_385 = arith.constant 15 : i32
      %add3A_386 = vector.broadcast %add3A_385 : i32 to vector<16xi32>
      %add3A_387 = arith.addi %get3A_174, %add3A_386 : vector<16xi32>
      %gather3A_388 = tpu.vector_load_idx %arg9[%add3A_169, %add3A_387] : memref<128x128xf32, #tpu.memory_space<vmem>>[vector<16xi32>, vector<16xi32>], vector<16xf32>,
      %mul3A_389 = arith.constant 16 : i32
      %mul3A_390 = arith.muli %add3A_165, %mul3A_389 : i32
      %add3A_391 = arith.constant 0 : i32
      %add3A_392 = arith.addi %add3A_391, %mul3A_390 : i32
      %get3A_393 = arith.constant 15 : i32
      %get3A_394 = arith.index_cast %get3A_393 : i32 to index
      %get3A_395 = arith.index_cast %add3A_392 : i32 to index
      %get3A_396 = tpu.vector_load %arg11[%get3A_394, %get3A_395] {strides = array<i32>} : memref<16x512xf32, #tpu.memory_space<vmem>>, vector<16xf32>,
      %mul3A_397 = arith.mulf %gather3A_388, %get3A_396 : vector<16xf32>
      %add3A_398 = arith.addf %add3A_384, %mul3A_397 : vector<16xf32>
      %neg3A = arith.constant 0.000000e+00 : f32
      %neg3A_399 = vector.broadcast %neg3A : f32 to vector<16xf32>
      %neg3A_400 = arith.subf %neg3A_399, %add3A_398 : vector<16xf32>
      %mul3A_401 = arith.constant 16 : i32
      %mul3A_402 = arith.muli %add3A_165, %mul3A_401 : i32
      %swap3A = arith.constant 0 : i32
      %swap3A_403 = arith.index_cast %swap3A : i32 to index
      %swap3A_404 = arith.index_cast %mul3A_402 : i32 to index
      %swap3A_405 = tpu.vector_load %arg12[%swap3A_403, %swap3A_404] {strides = array<i32>} : memref<44x128xf32, #tpu.memory_space<vmem>>, vector<16xf32>,
      tpu.vector_store %arg12[%swap3A_403, %swap3A_404], %neg3A_400 {strides = array<i32>} : memref<44x128xf32, #tpu.memory_space<vmem>>, vector<16xf32>,
    }
    %scan3A_94 = arith.constant 8 : i32
    %dma_start3A_95 = arith.constant 6 : i32
    %dma_start3A_96 = arith.constant 0 : i32
    %dma_start3A_97 = tpu.memref_slice %arg7[%dma_start3A_95, %dma_start3A_96] : memref<48x128xi32, #tpu.memory_space<vmem>> -> memref<1x128xi32, #tpu.memory_space<vmem>>
    %dma_start3A_98 = tpu.memref_squeeze %dma_start3A_97 : memref<1x128xi32, #tpu.memory_space<vmem>> -> memref<128xi32, #tpu.memory_space<vmem>>
    %dma_start3A_99 = arith.constant 0 : i32
    %dma_start3A_100 = arith.constant 0 : i32
    %dma_start3A_101 = tpu.memref_slice %arg3[%dma_start3A_99, %dma_start3A_100] : memref<125000x128xf32, #tpu.memory_space<hbm>> -> memref<125000x128xf32, #tpu.memory_space<hbm>>
    tpu.enqueue_indirect_dma source(%dma_start3A_101 : memref<125000x128xf32, #tpu.memory_space<hbm>>) target(%arg9 : memref<128x128xf32, #tpu.memory_space<vmem>>) offsets(%dma_start3A_98 : memref<128xi32, #tpu.memory_space<vmem>>) semaphore(%arg13 : memref<!tpu.dma_semaphore, #tpu.memory_space<semaphore_mem>>)
    %dma_wait3A_102 = arith.constant 0 : i32
    %dma_wait3A_103 = arith.constant 0 : i32
    %dma_wait3A_104 = tpu.memref_slice %arg2[%dma_wait3A_102, %dma_wait3A_103] : memref<125000x128xf32, #tpu.memory_space<hbm>> -> memref<128x128xf32, #tpu.memory_space<hbm>>
    %dma_wait3A_105 = arith.constant 0 : i32
    %dma_wait3A_106 = arith.constant 0 : i32
    %dma_wait3A_107 = tpu.memref_slice %arg2[%dma_wait3A_105, %dma_wait3A_106] : memref<125000x128xf32, #tpu.memory_space<hbm>> -> memref<128x128xf32, #tpu.memory_space<hbm>>
    tpu.wait_dma2 semaphore(%arg14 : memref<!tpu.dma_semaphore, #tpu.memory_space<semaphore_mem>>) src(%dma_wait3A_107 : memref<128x128xf32, #tpu.memory_space<hbm>>) dst(%arg10 : memref<128x128xf32, #tpu.memory_space<vmem>>)
    %scan3A_108 = arith.constant 0 : i32
    %scan3A_109 = arith.constant 8 : i32
    %scan3A_110 = arith.addi %scan3A_108, %scan3A_109 : i32
    %scan3A_111 = arith.constant 1 : i32
    scf.for %scan3A_161 = %scan3A_108 to %scan3A_110 step %scan3A_111  : i32 {
      %mul3A_162 = arith.constant 1 : i32
      %mul3A_163 = arith.muli %scan3A_161, %mul3A_162 : i32
      %add3A_164 = arith.constant 0 : i32
      %add3A_165 = arith.addi %add3A_164, %mul3A_163 : i32
      %mul3A_166 = arith.constant 16 : i32
      %mul3A_167 = arith.muli %add3A_165, %mul3A_166 : i32
      %add3A_168 = vector.broadcast %mul3A_167 : i32 to vector<16xi32>
      %add3A_169 = arith.addi %add3A_168, %iota3A : vector<16xi32>
      %mul3A_170 = arith.constant 16 : i32
      %mul3A_171 = arith.muli %add3A_165, %mul3A_170 : i32
      %get3A = arith.constant 5 : i32
      %get3A_172 = arith.index_cast %get3A : i32 to index
      %get3A_173 = arith.index_cast %mul3A_171 : i32 to index
      %get3A_174 = tpu.vector_load %arg8[%get3A_172, %get3A_173] {strides = array<i32>} : memref<48x128xi32, #tpu.memory_space<vmem>>, vector<16xi32>,
      %broadcast_in_dim3A = arith.constant 0.000000e+00 : f32
      %broadcast_in_dim3A_175 = vector.broadcast %broadcast_in_dim3A : f32 to vector<16xf32>
      %add3A_176 = arith.constant 0 : i32
      %add3A_177 = vector.broadcast %add3A_176 : i32 to vector<16xi32>
      %add3A_178 = arith.addi %get3A_174, %add3A_177 : vector<16xi32>
      %gather3A = tpu.vector_load_idx %arg10[%add3A_169, %add3A_178] : memref<128x128xf32, #tpu.memory_space<vmem>>[vector<16xi32>, vector<16xi32>], vector<16xf32>,
      %mul3A_179 = arith.constant 16 : i32
      %mul3A_180 = arith.muli %add3A_165, %mul3A_179 : i32
      %add3A_181 = arith.constant 128 : i32
      %add3A_182 = arith.addi %add3A_181, %mul3A_180 : i32
      %get3A_183 = arith.constant 0 : i32
      %get3A_184 = arith.index_cast %get3A_183 : i32 to index
      %get3A_185 = arith.index_cast %add3A_182 : i32 to index
      %get3A_186 = tpu.vector_load %arg11[%get3A_184, %get3A_185] {strides = array<i32>} : memref<16x512xf32, #tpu.memory_space<vmem>>, vector<16xf32>,
      %mul3A_187 = arith.mulf %gather3A, %get3A_186 : vector<16xf32>
      %add3A_188 = arith.addf %broadcast_in_dim3A_175, %mul3A_187 : vector<16xf32>
      %add3A_189 = arith.constant 1 : i32
      %add3A_190 = vector.broadcast %add3A_189 : i32 to vector<16xi32>
      %add3A_191 = arith.addi %get3A_174, %add3A_190 : vector<16xi32>
      %gather3A_192 = tpu.vector_load_idx %arg10[%add3A_169, %add3A_191] : memref<128x128xf32, #tpu.memory_space<vmem>>[vector<16xi32>, vector<16xi32>], vector<16xf32>,
      %mul3A_193 = arith.constant 16 : i32
      %mul3A_194 = arith.muli %add3A_165, %mul3A_193 : i32
      %add3A_195 = arith.constant 128 : i32
      %add3A_196 = arith.addi %add3A_195, %mul3A_194 : i32
      %get3A_197 = arith.constant 1 : i32
      %get3A_198 = arith.index_cast %get3A_197 : i32 to index
      %get3A_199 = arith.index_cast %add3A_196 : i32 to index
      %get3A_200 = tpu.vector_load %arg11[%get3A_198, %get3A_199] {strides = array<i32>} : memref<16x512xf32, #tpu.memory_space<vmem>>, vector<16xf32>,
      %mul3A_201 = arith.mulf %gather3A_192, %get3A_200 : vector<16xf32>
      %add3A_202 = arith.addf %add3A_188, %mul3A_201 : vector<16xf32>
      %add3A_203 = arith.constant 2 : i32
      %add3A_204 = vector.broadcast %add3A_203 : i32 to vector<16xi32>
      %add3A_205 = arith.addi %get3A_174, %add3A_204 : vector<16xi32>
      %gather3A_206 = tpu.vector_load_idx %arg10[%add3A_169, %add3A_205] : memref<128x128xf32, #tpu.memory_space<vmem>>[vector<16xi32>, vector<16xi32>], vector<16xf32>,
      %mul3A_207 = arith.constant 16 : i32
      %mul3A_208 = arith.muli %add3A_165, %mul3A_207 : i32
      %add3A_209 = arith.constant 128 : i32
      %add3A_210 = arith.addi %add3A_209, %mul3A_208 : i32
      %get3A_211 = arith.constant 2 : i32
      %get3A_212 = arith.index_cast %get3A_211 : i32 to index
      %get3A_213 = arith.index_cast %add3A_210 : i32 to index
      %get3A_214 = tpu.vector_load %arg11[%get3A_212, %get3A_213] {strides = array<i32>} : memref<16x512xf32, #tpu.memory_space<vmem>>, vector<16xf32>,
      %mul3A_215 = arith.mulf %gather3A_206, %get3A_214 : vector<16xf32>
      %add3A_216 = arith.addf %add3A_202, %mul3A_215 : vector<16xf32>
      %add3A_217 = arith.constant 3 : i32
      %add3A_218 = vector.broadcast %add3A_217 : i32 to vector<16xi32>
      %add3A_219 = arith.addi %get3A_174, %add3A_218 : vector<16xi32>
      %gather3A_220 = tpu.vector_load_idx %arg10[%add3A_169, %add3A_219] : memref<128x128xf32, #tpu.memory_space<vmem>>[vector<16xi32>, vector<16xi32>], vector<16xf32>,
      %mul3A_221 = arith.constant 16 : i32
      %mul3A_222 = arith.muli %add3A_165, %mul3A_221 : i32
      %add3A_223 = arith.constant 128 : i32
      %add3A_224 = arith.addi %add3A_223, %mul3A_222 : i32
      %get3A_225 = arith.constant 3 : i32
      %get3A_226 = arith.index_cast %get3A_225 : i32 to index
      %get3A_227 = arith.index_cast %add3A_224 : i32 to index
      %get3A_228 = tpu.vector_load %arg11[%get3A_226, %get3A_227] {strides = array<i32>} : memref<16x512xf32, #tpu.memory_space<vmem>>, vector<16xf32>,
      %mul3A_229 = arith.mulf %gather3A_220, %get3A_228 : vector<16xf32>
      %add3A_230 = arith.addf %add3A_216, %mul3A_229 : vector<16xf32>
      %add3A_231 = arith.constant 4 : i32
      %add3A_232 = vector.broadcast %add3A_231 : i32 to vector<16xi32>
      %add3A_233 = arith.addi %get3A_174, %add3A_232 : vector<16xi32>
      %gather3A_234 = tpu.vector_load_idx %arg10[%add3A_169, %add3A_233] : memref<128x128xf32, #tpu.memory_space<vmem>>[vector<16xi32>, vector<16xi32>], vector<16xf32>,
      %mul3A_235 = arith.constant 16 : i32
      %mul3A_236 = arith.muli %add3A_165, %mul3A_235 : i32
      %add3A_237 = arith.constant 128 : i32
      %add3A_238 = arith.addi %add3A_237, %mul3A_236 : i32
      %get3A_239 = arith.constant 4 : i32
      %get3A_240 = arith.index_cast %get3A_239 : i32 to index
      %get3A_241 = arith.index_cast %add3A_238 : i32 to index
      %get3A_242 = tpu.vector_load %arg11[%get3A_240, %get3A_241] {strides = array<i32>} : memref<16x512xf32, #tpu.memory_space<vmem>>, vector<16xf32>,
      %mul3A_243 = arith.mulf %gather3A_234, %get3A_242 : vector<16xf32>
      %add3A_244 = arith.addf %add3A_230, %mul3A_243 : vector<16xf32>
      %add3A_245 = arith.constant 5 : i32
      %add3A_246 = vector.broadcast %add3A_245 : i32 to vector<16xi32>
      %add3A_247 = arith.addi %get3A_174, %add3A_246 : vector<16xi32>
      %gather3A_248 = tpu.vector_load_idx %arg10[%add3A_169, %add3A_247] : memref<128x128xf32, #tpu.memory_space<vmem>>[vector<16xi32>, vector<16xi32>], vector<16xf32>,
      %mul3A_249 = arith.constant 16 : i32
      %mul3A_250 = arith.muli %add3A_165, %mul3A_249 : i32
      %add3A_251 = arith.constant 128 : i32
      %add3A_252 = arith.addi %add3A_251, %mul3A_250 : i32
      %get3A_253 = arith.constant 5 : i32
      %get3A_254 = arith.index_cast %get3A_253 : i32 to index
      %get3A_255 = arith.index_cast %add3A_252 : i32 to index
      %get3A_256 = tpu.vector_load %arg11[%get3A_254, %get3A_255] {strides = array<i32>} : memref<16x512xf32, #tpu.memory_space<vmem>>, vector<16xf32>,
      %mul3A_257 = arith.mulf %gather3A_248, %get3A_256 : vector<16xf32>
      %add3A_258 = arith.addf %add3A_244, %mul3A_257 : vector<16xf32>
      %add3A_259 = arith.constant 6 : i32
      %add3A_260 = vector.broadcast %add3A_259 : i32 to vector<16xi32>
      %add3A_261 = arith.addi %get3A_174, %add3A_260 : vector<16xi32>
      %gather3A_262 = tpu.vector_load_idx %arg10[%add3A_169, %add3A_261] : memref<128x128xf32, #tpu.memory_space<vmem>>[vector<16xi32>, vector<16xi32>], vector<16xf32>,
      %mul3A_263 = arith.constant 16 : i32
      %mul3A_264 = arith.muli %add3A_165, %mul3A_263 : i32
      %add3A_265 = arith.constant 128 : i32
      %add3A_266 = arith.addi %add3A_265, %mul3A_264 : i32
      %get3A_267 = arith.constant 6 : i32
      %get3A_268 = arith.index_cast %get3A_267 : i32 to index
      %get3A_269 = arith.index_cast %add3A_266 : i32 to index
      %get3A_270 = tpu.vector_load %arg11[%get3A_268, %get3A_269] {strides = array<i32>} : memref<16x512xf32, #tpu.memory_space<vmem>>, vector<16xf32>,
      %mul3A_271 = arith.mulf %gather3A_262, %get3A_270 : vector<16xf32>
      %add3A_272 = arith.addf %add3A_258, %mul3A_271 : vector<16xf32>
      %add3A_273 = arith.constant 7 : i32
      %add3A_274 = vector.broadcast %add3A_273 : i32 to vector<16xi32>
      %add3A_275 = arith.addi %get3A_174, %add3A_274 : vector<16xi32>
      %gather3A_276 = tpu.vector_load_idx %arg10[%add3A_169, %add3A_275] : memref<128x128xf32, #tpu.memory_space<vmem>>[vector<16xi32>, vector<16xi32>], vector<16xf32>,
      %mul3A_277 = arith.constant 16 : i32
      %mul3A_278 = arith.muli %add3A_165, %mul3A_277 : i32
      %add3A_279 = arith.constant 128 : i32
      %add3A_280 = arith.addi %add3A_279, %mul3A_278 : i32
      %get3A_281 = arith.constant 7 : i32
      %get3A_282 = arith.index_cast %get3A_281 : i32 to index
      %get3A_283 = arith.index_cast %add3A_280 : i32 to index
      %get3A_284 = tpu.vector_load %arg11[%get3A_282, %get3A_283] {strides = array<i32>} : memref<16x512xf32, #tpu.memory_space<vmem>>, vector<16xf32>,
      %mul3A_285 = arith.mulf %gather3A_276, %get3A_284 : vector<16xf32>
      %add3A_286 = arith.addf %add3A_272, %mul3A_285 : vector<16xf32>
      %add3A_287 = arith.constant 8 : i32
      %add3A_288 = vector.broadcast %add3A_287 : i32 to vector<16xi32>
      %add3A_289 = arith.addi %get3A_174, %add3A_288 : vector<16xi32>
      %gather3A_290 = tpu.vector_load_idx %arg10[%add3A_169, %add3A_289] : memref<128x128xf32, #tpu.memory_space<vmem>>[vector<16xi32>, vector<16xi32>], vector<16xf32>,
      %mul3A_291 = arith.constant 16 : i32
      %mul3A_292 = arith.muli %add3A_165, %mul3A_291 : i32
      %add3A_293 = arith.constant 128 : i32
      %add3A_294 = arith.addi %add3A_293, %mul3A_292 : i32
      %get3A_295 = arith.constant 8 : i32
      %get3A_296 = arith.index_cast %get3A_295 : i32 to index
      %get3A_297 = arith.index_cast %add3A_294 : i32 to index
      %get3A_298 = tpu.vector_load %arg11[%get3A_296, %get3A_297] {strides = array<i32>} : memref<16x512xf32, #tpu.memory_space<vmem>>, vector<16xf32>,
      %mul3A_299 = arith.mulf %gather3A_290, %get3A_298 : vector<16xf32>
      %add3A_300 = arith.addf %add3A_286, %mul3A_299 : vector<16xf32>
      %add3A_301 = arith.constant 9 : i32
      %add3A_302 = vector.broadcast %add3A_301 : i32 to vector<16xi32>
      %add3A_303 = arith.addi %get3A_174, %add3A_302 : vector<16xi32>
      %gather3A_304 = tpu.vector_load_idx %arg10[%add3A_169, %add3A_303] : memref<128x128xf32, #tpu.memory_space<vmem>>[vector<16xi32>, vector<16xi32>], vector<16xf32>,
      %mul3A_305 = arith.constant 16 : i32
      %mul3A_306 = arith.muli %add3A_165, %mul3A_305 : i32
      %add3A_307 = arith.constant 128 : i32
      %add3A_308 = arith.addi %add3A_307, %mul3A_306 : i32
      %get3A_309 = arith.constant 9 : i32
      %get3A_310 = arith.index_cast %get3A_309 : i32 to index
      %get3A_311 = arith.index_cast %add3A_308 : i32 to index
      %get3A_312 = tpu.vector_load %arg11[%get3A_310, %get3A_311] {strides = array<i32>} : memref<16x512xf32, #tpu.memory_space<vmem>>, vector<16xf32>,
      %mul3A_313 = arith.mulf %gather3A_304, %get3A_312 : vector<16xf32>
      %add3A_314 = arith.addf %add3A_300, %mul3A_313 : vector<16xf32>
      %add3A_315 = arith.constant 10 : i32
      %add3A_316 = vector.broadcast %add3A_315 : i32 to vector<16xi32>
      %add3A_317 = arith.addi %get3A_174, %add3A_316 : vector<16xi32>
      %gather3A_318 = tpu.vector_load_idx %arg10[%add3A_169, %add3A_317] : memref<128x128xf32, #tpu.memory_space<vmem>>[vector<16xi32>, vector<16xi32>], vector<16xf32>,
      %mul3A_319 = arith.constant 16 : i32
      %mul3A_320 = arith.muli %add3A_165, %mul3A_319 : i32
      %add3A_321 = arith.constant 128 : i32
      %add3A_322 = arith.addi %add3A_321, %mul3A_320 : i32
      %get3A_323 = arith.constant 10 : i32
      %get3A_324 = arith.index_cast %get3A_323 : i32 to index
      %get3A_325 = arith.index_cast %add3A_322 : i32 to index
      %get3A_326 = tpu.vector_load %arg11[%get3A_324, %get3A_325] {strides = array<i32>} : memref<16x512xf32, #tpu.memory_space<vmem>>, vector<16xf32>,
      %mul3A_327 = arith.mulf %gather3A_318, %get3A_326 : vector<16xf32>
      %add3A_328 = arith.addf %add3A_314, %mul3A_327 : vector<16xf32>
      %add3A_329 = arith.constant 11 : i32
      %add3A_330 = vector.broadcast %add3A_329 : i32 to vector<16xi32>
      %add3A_331 = arith.addi %get3A_174, %add3A_330 : vector<16xi32>
      %gather3A_332 = tpu.vector_load_idx %arg10[%add3A_169, %add3A_331] : memref<128x128xf32, #tpu.memory_space<vmem>>[vector<16xi32>, vector<16xi32>], vector<16xf32>,
      %mul3A_333 = arith.constant 16 : i32
      %mul3A_334 = arith.muli %add3A_165, %mul3A_333 : i32
      %add3A_335 = arith.constant 128 : i32
      %add3A_336 = arith.addi %add3A_335, %mul3A_334 : i32
      %get3A_337 = arith.constant 11 : i32
      %get3A_338 = arith.index_cast %get3A_337 : i32 to index
      %get3A_339 = arith.index_cast %add3A_336 : i32 to index
      %get3A_340 = tpu.vector_load %arg11[%get3A_338, %get3A_339] {strides = array<i32>} : memref<16x512xf32, #tpu.memory_space<vmem>>, vector<16xf32>,
      %mul3A_341 = arith.mulf %gather3A_332, %get3A_340 : vector<16xf32>
      %add3A_342 = arith.addf %add3A_328, %mul3A_341 : vector<16xf32>
      %add3A_343 = arith.constant 12 : i32
      %add3A_344 = vector.broadcast %add3A_343 : i32 to vector<16xi32>
      %add3A_345 = arith.addi %get3A_174, %add3A_344 : vector<16xi32>
      %gather3A_346 = tpu.vector_load_idx %arg10[%add3A_169, %add3A_345] : memref<128x128xf32, #tpu.memory_space<vmem>>[vector<16xi32>, vector<16xi32>], vector<16xf32>,
      %mul3A_347 = arith.constant 16 : i32
      %mul3A_348 = arith.muli %add3A_165, %mul3A_347 : i32
      %add3A_349 = arith.constant 128 : i32
      %add3A_350 = arith.addi %add3A_349, %mul3A_348 : i32
      %get3A_351 = arith.constant 12 : i32
      %get3A_352 = arith.index_cast %get3A_351 : i32 to index
      %get3A_353 = arith.index_cast %add3A_350 : i32 to index
      %get3A_354 = tpu.vector_load %arg11[%get3A_352, %get3A_353] {strides = array<i32>} : memref<16x512xf32, #tpu.memory_space<vmem>>, vector<16xf32>,
      %mul3A_355 = arith.mulf %gather3A_346, %get3A_354 : vector<16xf32>
      %add3A_356 = arith.addf %add3A_342, %mul3A_355 : vector<16xf32>
      %add3A_357 = arith.constant 13 : i32
      %add3A_358 = vector.broadcast %add3A_357 : i32 to vector<16xi32>
      %add3A_359 = arith.addi %get3A_174, %add3A_358 : vector<16xi32>
      %gather3A_360 = tpu.vector_load_idx %arg10[%add3A_169, %add3A_359] : memref<128x128xf32, #tpu.memory_space<vmem>>[vector<16xi32>, vector<16xi32>], vector<16xf32>,
      %mul3A_361 = arith.constant 16 : i32
      %mul3A_362 = arith.muli %add3A_165, %mul3A_361 : i32
      %add3A_363 = arith.constant 128 : i32
      %add3A_364 = arith.addi %add3A_363, %mul3A_362 : i32
      %get3A_365 = arith.constant 13 : i32
      %get3A_366 = arith.index_cast %get3A_365 : i32 to index
      %get3A_367 = arith.index_cast %add3A_364 : i32 to index
      %get3A_368 = tpu.vector_load %arg11[%get3A_366, %get3A_367] {strides = array<i32>} : memref<16x512xf32, #tpu.memory_space<vmem>>, vector<16xf32>,
      %mul3A_369 = arith.mulf %gather3A_360, %get3A_368 : vector<16xf32>
      %add3A_370 = arith.addf %add3A_356, %mul3A_369 : vector<16xf32>
      %add3A_371 = arith.constant 14 : i32
      %add3A_372 = vector.broadcast %add3A_371 : i32 to vector<16xi32>
      %add3A_373 = arith.addi %get3A_174, %add3A_372 : vector<16xi32>
      %gather3A_374 = tpu.vector_load_idx %arg10[%add3A_169, %add3A_373] : memref<128x128xf32, #tpu.memory_space<vmem>>[vector<16xi32>, vector<16xi32>], vector<16xf32>,
      %mul3A_375 = arith.constant 16 : i32
      %mul3A_376 = arith.muli %add3A_165, %mul3A_375 : i32
      %add3A_377 = arith.constant 128 : i32
      %add3A_378 = arith.addi %add3A_377, %mul3A_376 : i32
      %get3A_379 = arith.constant 14 : i32
      %get3A_380 = arith.index_cast %get3A_379 : i32 to index
      %get3A_381 = arith.index_cast %add3A_378 : i32 to index
      %get3A_382 = tpu.vector_load %arg11[%get3A_380, %get3A_381] {strides = array<i32>} : memref<16x512xf32, #tpu.memory_space<vmem>>, vector<16xf32>,
      %mul3A_383 = arith.mulf %gather3A_374, %get3A_382 : vector<16xf32>
      %add3A_384 = arith.addf %add3A_370, %mul3A_383 : vector<16xf32>
      %add3A_385 = arith.constant 15 : i32
      %add3A_386 = vector.broadcast %add3A_385 : i32 to vector<16xi32>
      %add3A_387 = arith.addi %get3A_174, %add3A_386 : vector<16xi32>
      %gather3A_388 = tpu.vector_load_idx %arg10[%add3A_169, %add3A_387] : memref<128x128xf32, #tpu.memory_space<vmem>>[vector<16xi32>, vector<16xi32>], vector<16xf32>,
      %mul3A_389 = arith.constant 16 : i32
      %mul3A_390 = arith.muli %add3A_165, %mul3A_389 : i32
      %add3A_391 = arith.constant 128 : i32
      %add3A_392 = arith.addi %add3A_391, %mul3A_390 : i32
      %get3A_393 = arith.constant 15 : i32
      %get3A_394 = arith.index_cast %get3A_393 : i32 to index
      %get3A_395 = arith.index_cast %add3A_392 : i32 to index
      %get3A_396 = tpu.vector_load %arg11[%get3A_394, %get3A_395] {strides = array<i32>} : memref<16x512xf32, #tpu.memory_space<vmem>>, vector<16xf32>,
      %mul3A_397 = arith.mulf %gather3A_388, %get3A_396 : vector<16xf32>
      %add3A_398 = arith.addf %add3A_384, %mul3A_397 : vector<16xf32>
      %neg3A = arith.constant 0.000000e+00 : f32
      %neg3A_399 = vector.broadcast %neg3A : f32 to vector<16xf32>
      %neg3A_400 = arith.subf %neg3A_399, %add3A_398 : vector<16xf32>
      %mul3A_401 = arith.constant 16 : i32
      %mul3A_402 = arith.muli %add3A_165, %mul3A_401 : i32
      %swap3A = arith.constant 1 : i32
      %swap3A_403 = arith.index_cast %swap3A : i32 to index
      %swap3A_404 = arith.index_cast %mul3A_402 : i32 to index
      %swap3A_405 = tpu.vector_load %arg12[%swap3A_403, %swap3A_404] {strides = array<i32>} : memref<44x128xf32, #tpu.memory_space<vmem>>, vector<16xf32>,
      tpu.vector_store %arg12[%swap3A_403, %swap3A_404], %neg3A_400 {strides = array<i32>} : memref<44x128xf32, #tpu.memory_space<vmem>>, vector<16xf32>,
    }
    %scan3A_112 = arith.constant 8 : i32
    %dma_start3A_113 = arith.constant 7 : i32
    %dma_start3A_114 = arith.constant 0 : i32
    %dma_start3A_115 = tpu.memref_slice %arg7[%dma_start3A_113, %dma_start3A_114] : memref<48x128xi32, #tpu.memory_space<vmem>> -> memref<1x128xi32, #tpu.memory_space<vmem>>
    %dma_start3A_116 = tpu.memref_squeeze %dma_start3A_115 : memref<1x128xi32, #tpu.memory_space<vmem>> -> memref<128xi32, #tpu.memory_space<vmem>>
    %dma_start3A_117 = arith.constant 0 : i32
    %dma_start3A_118 = arith.constant 0 : i32
    %dma_start3A_119 = tpu.memref_slice %arg3[%dma_start3A_117, %dma_start3A_118] : memref<125000x128xf32, #tpu.memory_space<hbm>> -> memref<125000x128xf32, #tpu.memory_space<hbm>>
    tpu.enqueue_indirect_dma source(%dma_start3A_119 : memref<125000x128xf32, #tpu.memory_space<hbm>>) target(%arg10 : memref<128x128xf32, #tpu.memory_space<vmem>>) offsets(%dma_start3A_116 : memref<128xi32, #tpu.memory_space<vmem>>) semaphore(%arg14 : memref<!tpu.dma_semaphore, #tpu.memory_space<semaphore_mem>>)
    %dma_wait3A_120 = arith.constant 0 : i32
    %dma_wait3A_121 = arith.constant 0 : i32
    %dma_wait3A_122 = tpu.memref_slice %arg2[%dma_wait3A_120, %dma_wait3A_121] : memref<125000x128xf32, #tpu.memory_space<hbm>> -> memref<128x128xf32, #tpu.memory_space<hbm>>
    %dma_wait3A_123 = arith.constant 0 : i32
    %dma_wait3A_124 = arith.constant 0 : i32
    %dma_wait3A_125 = tpu.memref_slice %arg2[%dma_wait3A_123, %dma_wait3A_124] : memref<125000x128xf32, #tpu.memory_space<hbm>> -> memref<128x128xf32, #tpu.memory_space<hbm>>
    tpu.wait_dma2 semaphore(%arg13 : memref<!tpu.dma_semaphore, #tpu.memory_space<semaphore_mem>>) src(%dma_wait3A_125 : memref<128x128xf32, #tpu.memory_space<hbm>>) dst(%arg9 : memref<128x128xf32, #tpu.memory_space<vmem>>)
    %scan3A_126 = arith.constant 0 : i32
    %scan3A_127 = arith.constant 8 : i32
    %scan3A_128 = arith.addi %scan3A_126, %scan3A_127 : i32
    %scan3A_129 = arith.constant 1 : i32
    scf.for %scan3A_161 = %scan3A_126 to %scan3A_128 step %scan3A_129  : i32 {
      %mul3A_162 = arith.constant 1 : i32
      %mul3A_163 = arith.muli %scan3A_161, %mul3A_162 : i32
      %add3A_164 = arith.constant 0 : i32
      %add3A_165 = arith.addi %add3A_164, %mul3A_163 : i32
      %mul3A_166 = arith.constant 16 : i32
      %mul3A_167 = arith.muli %add3A_165, %mul3A_166 : i32
      %add3A_168 = vector.broadcast %mul3A_167 : i32 to vector<16xi32>
      %add3A_169 = arith.addi %add3A_168, %iota3A : vector<16xi32>
      %mul3A_170 = arith.constant 16 : i32
      %mul3A_171 = arith.muli %add3A_165, %mul3A_170 : i32
      %get3A = arith.constant 6 : i32
      %get3A_172 = arith.index_cast %get3A : i32 to index
      %get3A_173 = arith.index_cast %mul3A_171 : i32 to index
      %get3A_174 = tpu.vector_load %arg8[%get3A_172, %get3A_173] {strides = array<i32>} : memref<48x128xi32, #tpu.memory_space<vmem>>, vector<16xi32>,
      %broadcast_in_dim3A = arith.constant 0.000000e+00 : f32
      %broadcast_in_dim3A_175 = vector.broadcast %broadcast_in_dim3A : f32 to vector<16xf32>
      %add3A_176 = arith.constant 0 : i32
      %add3A_177 = vector.broadcast %add3A_176 : i32 to vector<16xi32>
      %add3A_178 = arith.addi %get3A_174, %add3A_177 : vector<16xi32>
      %gather3A = tpu.vector_load_idx %arg9[%add3A_169, %add3A_178] : memref<128x128xf32, #tpu.memory_space<vmem>>[vector<16xi32>, vector<16xi32>], vector<16xf32>,
      %mul3A_179 = arith.constant 16 : i32
      %mul3A_180 = arith.muli %add3A_165, %mul3A_179 : i32
      %add3A_181 = arith.constant 256 : i32
      %add3A_182 = arith.addi %add3A_181, %mul3A_180 : i32
      %get3A_183 = arith.constant 0 : i32
      %get3A_184 = arith.index_cast %get3A_183 : i32 to index
      %get3A_185 = arith.index_cast %add3A_182 : i32 to index
      %get3A_186 = tpu.vector_load %arg11[%get3A_184, %get3A_185] {strides = array<i32>} : memref<16x512xf32, #tpu.memory_space<vmem>>, vector<16xf32>,
      %mul3A_187 = arith.mulf %gather3A, %get3A_186 : vector<16xf32>
      %add3A_188 = arith.addf %broadcast_in_dim3A_175, %mul3A_187 : vector<16xf32>
      %add3A_189 = arith.constant 1 : i32
      %add3A_190 = vector.broadcast %add3A_189 : i32 to vector<16xi32>
      %add3A_191 = arith.addi %get3A_174, %add3A_190 : vector<16xi32>
      %gather3A_192 = tpu.vector_load_idx %arg9[%add3A_169, %add3A_191] : memref<128x128xf32, #tpu.memory_space<vmem>>[vector<16xi32>, vector<16xi32>], vector<16xf32>,
      %mul3A_193 = arith.constant 16 : i32
      %mul3A_194 = arith.muli %add3A_165, %mul3A_193 : i32
      %add3A_195 = arith.constant 256 : i32
      %add3A_196 = arith.addi %add3A_195, %mul3A_194 : i32
      %get3A_197 = arith.constant 1 : i32
      %get3A_198 = arith.index_cast %get3A_197 : i32 to index
      %get3A_199 = arith.index_cast %add3A_196 : i32 to index
      %get3A_200 = tpu.vector_load %arg11[%get3A_198, %get3A_199] {strides = array<i32>} : memref<16x512xf32, #tpu.memory_space<vmem>>, vector<16xf32>,
      %mul3A_201 = arith.mulf %gather3A_192, %get3A_200 : vector<16xf32>
      %add3A_202 = arith.addf %add3A_188, %mul3A_201 : vector<16xf32>
      %add3A_203 = arith.constant 2 : i32
      %add3A_204 = vector.broadcast %add3A_203 : i32 to vector<16xi32>
      %add3A_205 = arith.addi %get3A_174, %add3A_204 : vector<16xi32>
      %gather3A_206 = tpu.vector_load_idx %arg9[%add3A_169, %add3A_205] : memref<128x128xf32, #tpu.memory_space<vmem>>[vector<16xi32>, vector<16xi32>], vector<16xf32>,
      %mul3A_207 = arith.constant 16 : i32
      %mul3A_208 = arith.muli %add3A_165, %mul3A_207 : i32
      %add3A_209 = arith.constant 256 : i32
      %add3A_210 = arith.addi %add3A_209, %mul3A_208 : i32
      %get3A_211 = arith.constant 2 : i32
      %get3A_212 = arith.index_cast %get3A_211 : i32 to index
      %get3A_213 = arith.index_cast %add3A_210 : i32 to index
      %get3A_214 = tpu.vector_load %arg11[%get3A_212, %get3A_213] {strides = array<i32>} : memref<16x512xf32, #tpu.memory_space<vmem>>, vector<16xf32>,
      %mul3A_215 = arith.mulf %gather3A_206, %get3A_214 : vector<16xf32>
      %add3A_216 = arith.addf %add3A_202, %mul3A_215 : vector<16xf32>
      %add3A_217 = arith.constant 3 : i32
      %add3A_218 = vector.broadcast %add3A_217 : i32 to vector<16xi32>
      %add3A_219 = arith.addi %get3A_174, %add3A_218 : vector<16xi32>
      %gather3A_220 = tpu.vector_load_idx %arg9[%add3A_169, %add3A_219] : memref<128x128xf32, #tpu.memory_space<vmem>>[vector<16xi32>, vector<16xi32>], vector<16xf32>,
      %mul3A_221 = arith.constant 16 : i32
      %mul3A_222 = arith.muli %add3A_165, %mul3A_221 : i32
      %add3A_223 = arith.constant 256 : i32
      %add3A_224 = arith.addi %add3A_223, %mul3A_222 : i32
      %get3A_225 = arith.constant 3 : i32
      %get3A_226 = arith.index_cast %get3A_225 : i32 to index
      %get3A_227 = arith.index_cast %add3A_224 : i32 to index
      %get3A_228 = tpu.vector_load %arg11[%get3A_226, %get3A_227] {strides = array<i32>} : memref<16x512xf32, #tpu.memory_space<vmem>>, vector<16xf32>,
      %mul3A_229 = arith.mulf %gather3A_220, %get3A_228 : vector<16xf32>
      %add3A_230 = arith.addf %add3A_216, %mul3A_229 : vector<16xf32>
      %add3A_231 = arith.constant 4 : i32
      %add3A_232 = vector.broadcast %add3A_231 : i32 to vector<16xi32>
      %add3A_233 = arith.addi %get3A_174, %add3A_232 : vector<16xi32>
      %gather3A_234 = tpu.vector_load_idx %arg9[%add3A_169, %add3A_233] : memref<128x128xf32, #tpu.memory_space<vmem>>[vector<16xi32>, vector<16xi32>], vector<16xf32>,
      %mul3A_235 = arith.constant 16 : i32
      %mul3A_236 = arith.muli %add3A_165, %mul3A_235 : i32
      %add3A_237 = arith.constant 256 : i32
      %add3A_238 = arith.addi %add3A_237, %mul3A_236 : i32
      %get3A_239 = arith.constant 4 : i32
      %get3A_240 = arith.index_cast %get3A_239 : i32 to index
      %get3A_241 = arith.index_cast %add3A_238 : i32 to index
      %get3A_242 = tpu.vector_load %arg11[%get3A_240, %get3A_241] {strides = array<i32>} : memref<16x512xf32, #tpu.memory_space<vmem>>, vector<16xf32>,
      %mul3A_243 = arith.mulf %gather3A_234, %get3A_242 : vector<16xf32>
      %add3A_244 = arith.addf %add3A_230, %mul3A_243 : vector<16xf32>
      %add3A_245 = arith.constant 5 : i32
      %add3A_246 = vector.broadcast %add3A_245 : i32 to vector<16xi32>
      %add3A_247 = arith.addi %get3A_174, %add3A_246 : vector<16xi32>
      %gather3A_248 = tpu.vector_load_idx %arg9[%add3A_169, %add3A_247] : memref<128x128xf32, #tpu.memory_space<vmem>>[vector<16xi32>, vector<16xi32>], vector<16xf32>,
      %mul3A_249 = arith.constant 16 : i32
      %mul3A_250 = arith.muli %add3A_165, %mul3A_249 : i32
      %add3A_251 = arith.constant 256 : i32
      %add3A_252 = arith.addi %add3A_251, %mul3A_250 : i32
      %get3A_253 = arith.constant 5 : i32
      %get3A_254 = arith.index_cast %get3A_253 : i32 to index
      %get3A_255 = arith.index_cast %add3A_252 : i32 to index
      %get3A_256 = tpu.vector_load %arg11[%get3A_254, %get3A_255] {strides = array<i32>} : memref<16x512xf32, #tpu.memory_space<vmem>>, vector<16xf32>,
      %mul3A_257 = arith.mulf %gather3A_248, %get3A_256 : vector<16xf32>
      %add3A_258 = arith.addf %add3A_244, %mul3A_257 : vector<16xf32>
      %add3A_259 = arith.constant 6 : i32
      %add3A_260 = vector.broadcast %add3A_259 : i32 to vector<16xi32>
      %add3A_261 = arith.addi %get3A_174, %add3A_260 : vector<16xi32>
      %gather3A_262 = tpu.vector_load_idx %arg9[%add3A_169, %add3A_261] : memref<128x128xf32, #tpu.memory_space<vmem>>[vector<16xi32>, vector<16xi32>], vector<16xf32>,
      %mul3A_263 = arith.constant 16 : i32
      %mul3A_264 = arith.muli %add3A_165, %mul3A_263 : i32
      %add3A_265 = arith.constant 256 : i32
      %add3A_266 = arith.addi %add3A_265, %mul3A_264 : i32
      %get3A_267 = arith.constant 6 : i32
      %get3A_268 = arith.index_cast %get3A_267 : i32 to index
      %get3A_269 = arith.index_cast %add3A_266 : i32 to index
      %get3A_270 = tpu.vector_load %arg11[%get3A_268, %get3A_269] {strides = array<i32>} : memref<16x512xf32, #tpu.memory_space<vmem>>, vector<16xf32>,
      %mul3A_271 = arith.mulf %gather3A_262, %get3A_270 : vector<16xf32>
      %add3A_272 = arith.addf %add3A_258, %mul3A_271 : vector<16xf32>
      %add3A_273 = arith.constant 7 : i32
      %add3A_274 = vector.broadcast %add3A_273 : i32 to vector<16xi32>
      %add3A_275 = arith.addi %get3A_174, %add3A_274 : vector<16xi32>
      %gather3A_276 = tpu.vector_load_idx %arg9[%add3A_169, %add3A_275] : memref<128x128xf32, #tpu.memory_space<vmem>>[vector<16xi32>, vector<16xi32>], vector<16xf32>,
      %mul3A_277 = arith.constant 16 : i32
      %mul3A_278 = arith.muli %add3A_165, %mul3A_277 : i32
      %add3A_279 = arith.constant 256 : i32
      %add3A_280 = arith.addi %add3A_279, %mul3A_278 : i32
      %get3A_281 = arith.constant 7 : i32
      %get3A_282 = arith.index_cast %get3A_281 : i32 to index
      %get3A_283 = arith.index_cast %add3A_280 : i32 to index
      %get3A_284 = tpu.vector_load %arg11[%get3A_282, %get3A_283] {strides = array<i32>} : memref<16x512xf32, #tpu.memory_space<vmem>>, vector<16xf32>,
      %mul3A_285 = arith.mulf %gather3A_276, %get3A_284 : vector<16xf32>
      %add3A_286 = arith.addf %add3A_272, %mul3A_285 : vector<16xf32>
      %add3A_287 = arith.constant 8 : i32
      %add3A_288 = vector.broadcast %add3A_287 : i32 to vector<16xi32>
      %add3A_289 = arith.addi %get3A_174, %add3A_288 : vector<16xi32>
      %gather3A_290 = tpu.vector_load_idx %arg9[%add3A_169, %add3A_289] : memref<128x128xf32, #tpu.memory_space<vmem>>[vector<16xi32>, vector<16xi32>], vector<16xf32>,
      %mul3A_291 = arith.constant 16 : i32
      %mul3A_292 = arith.muli %add3A_165, %mul3A_291 : i32
      %add3A_293 = arith.constant 256 : i32
      %add3A_294 = arith.addi %add3A_293, %mul3A_292 : i32
      %get3A_295 = arith.constant 8 : i32
      %get3A_296 = arith.index_cast %get3A_295 : i32 to index
      %get3A_297 = arith.index_cast %add3A_294 : i32 to index
      %get3A_298 = tpu.vector_load %arg11[%get3A_296, %get3A_297] {strides = array<i32>} : memref<16x512xf32, #tpu.memory_space<vmem>>, vector<16xf32>,
      %mul3A_299 = arith.mulf %gather3A_290, %get3A_298 : vector<16xf32>
      %add3A_300 = arith.addf %add3A_286, %mul3A_299 : vector<16xf32>
      %add3A_301 = arith.constant 9 : i32
      %add3A_302 = vector.broadcast %add3A_301 : i32 to vector<16xi32>
      %add3A_303 = arith.addi %get3A_174, %add3A_302 : vector<16xi32>
      %gather3A_304 = tpu.vector_load_idx %arg9[%add3A_169, %add3A_303] : memref<128x128xf32, #tpu.memory_space<vmem>>[vector<16xi32>, vector<16xi32>], vector<16xf32>,
      %mul3A_305 = arith.constant 16 : i32
      %mul3A_306 = arith.muli %add3A_165, %mul3A_305 : i32
      %add3A_307 = arith.constant 256 : i32
      %add3A_308 = arith.addi %add3A_307, %mul3A_306 : i32
      %get3A_309 = arith.constant 9 : i32
      %get3A_310 = arith.index_cast %get3A_309 : i32 to index
      %get3A_311 = arith.index_cast %add3A_308 : i32 to index
      %get3A_312 = tpu.vector_load %arg11[%get3A_310, %get3A_311] {strides = array<i32>} : memref<16x512xf32, #tpu.memory_space<vmem>>, vector<16xf32>,
      %mul3A_313 = arith.mulf %gather3A_304, %get3A_312 : vector<16xf32>
      %add3A_314 = arith.addf %add3A_300, %mul3A_313 : vector<16xf32>
      %add3A_315 = arith.constant 10 : i32
      %add3A_316 = vector.broadcast %add3A_315 : i32 to vector<16xi32>
      %add3A_317 = arith.addi %get3A_174, %add3A_316 : vector<16xi32>
      %gather3A_318 = tpu.vector_load_idx %arg9[%add3A_169, %add3A_317] : memref<128x128xf32, #tpu.memory_space<vmem>>[vector<16xi32>, vector<16xi32>], vector<16xf32>,
      %mul3A_319 = arith.constant 16 : i32
      %mul3A_320 = arith.muli %add3A_165, %mul3A_319 : i32
      %add3A_321 = arith.constant 256 : i32
      %add3A_322 = arith.addi %add3A_321, %mul3A_320 : i32
      %get3A_323 = arith.constant 10 : i32
      %get3A_324 = arith.index_cast %get3A_323 : i32 to index
      %get3A_325 = arith.index_cast %add3A_322 : i32 to index
      %get3A_326 = tpu.vector_load %arg11[%get3A_324, %get3A_325] {strides = array<i32>} : memref<16x512xf32, #tpu.memory_space<vmem>>, vector<16xf32>,
      %mul3A_327 = arith.mulf %gather3A_318, %get3A_326 : vector<16xf32>
      %add3A_328 = arith.addf %add3A_314, %mul3A_327 : vector<16xf32>
      %add3A_329 = arith.constant 11 : i32
      %add3A_330 = vector.broadcast %add3A_329 : i32 to vector<16xi32>
      %add3A_331 = arith.addi %get3A_174, %add3A_330 : vector<16xi32>
      %gather3A_332 = tpu.vector_load_idx %arg9[%add3A_169, %add3A_331] : memref<128x128xf32, #tpu.memory_space<vmem>>[vector<16xi32>, vector<16xi32>], vector<16xf32>,
      %mul3A_333 = arith.constant 16 : i32
      %mul3A_334 = arith.muli %add3A_165, %mul3A_333 : i32
      %add3A_335 = arith.constant 256 : i32
      %add3A_336 = arith.addi %add3A_335, %mul3A_334 : i32
      %get3A_337 = arith.constant 11 : i32
      %get3A_338 = arith.index_cast %get3A_337 : i32 to index
      %get3A_339 = arith.index_cast %add3A_336 : i32 to index
      %get3A_340 = tpu.vector_load %arg11[%get3A_338, %get3A_339] {strides = array<i32>} : memref<16x512xf32, #tpu.memory_space<vmem>>, vector<16xf32>,
      %mul3A_341 = arith.mulf %gather3A_332, %get3A_340 : vector<16xf32>
      %add3A_342 = arith.addf %add3A_328, %mul3A_341 : vector<16xf32>
      %add3A_343 = arith.constant 12 : i32
      %add3A_344 = vector.broadcast %add3A_343 : i32 to vector<16xi32>
      %add3A_345 = arith.addi %get3A_174, %add3A_344 : vector<16xi32>
      %gather3A_346 = tpu.vector_load_idx %arg9[%add3A_169, %add3A_345] : memref<128x128xf32, #tpu.memory_space<vmem>>[vector<16xi32>, vector<16xi32>], vector<16xf32>,
      %mul3A_347 = arith.constant 16 : i32
      %mul3A_348 = arith.muli %add3A_165, %mul3A_347 : i32
      %add3A_349 = arith.constant 256 : i32
      %add3A_350 = arith.addi %add3A_349, %mul3A_348 : i32
      %get3A_351 = arith.constant 12 : i32
      %get3A_352 = arith.index_cast %get3A_351 : i32 to index
      %get3A_353 = arith.index_cast %add3A_350 : i32 to index
      %get3A_354 = tpu.vector_load %arg11[%get3A_352, %get3A_353] {strides = array<i32>} : memref<16x512xf32, #tpu.memory_space<vmem>>, vector<16xf32>,
      %mul3A_355 = arith.mulf %gather3A_346, %get3A_354 : vector<16xf32>
      %add3A_356 = arith.addf %add3A_342, %mul3A_355 : vector<16xf32>
      %add3A_357 = arith.constant 13 : i32
      %add3A_358 = vector.broadcast %add3A_357 : i32 to vector<16xi32>
      %add3A_359 = arith.addi %get3A_174, %add3A_358 : vector<16xi32>
      %gather3A_360 = tpu.vector_load_idx %arg9[%add3A_169, %add3A_359] : memref<128x128xf32, #tpu.memory_space<vmem>>[vector<16xi32>, vector<16xi32>], vector<16xf32>,
      %mul3A_361 = arith.constant 16 : i32
      %mul3A_362 = arith.muli %add3A_165, %mul3A_361 : i32
      %add3A_363 = arith.constant 256 : i32
      %add3A_364 = arith.addi %add3A_363, %mul3A_362 : i32
      %get3A_365 = arith.constant 13 : i32
      %get3A_366 = arith.index_cast %get3A_365 : i32 to index
      %get3A_367 = arith.index_cast %add3A_364 : i32 to index
      %get3A_368 = tpu.vector_load %arg11[%get3A_366, %get3A_367] {strides = array<i32>} : memref<16x512xf32, #tpu.memory_space<vmem>>, vector<16xf32>,
      %mul3A_369 = arith.mulf %gather3A_360, %get3A_368 : vector<16xf32>
      %add3A_370 = arith.addf %add3A_356, %mul3A_369 : vector<16xf32>
      %add3A_371 = arith.constant 14 : i32
      %add3A_372 = vector.broadcast %add3A_371 : i32 to vector<16xi32>
      %add3A_373 = arith.addi %get3A_174, %add3A_372 : vector<16xi32>
      %gather3A_374 = tpu.vector_load_idx %arg9[%add3A_169, %add3A_373] : memref<128x128xf32, #tpu.memory_space<vmem>>[vector<16xi32>, vector<16xi32>], vector<16xf32>,
      %mul3A_375 = arith.constant 16 : i32
      %mul3A_376 = arith.muli %add3A_165, %mul3A_375 : i32
      %add3A_377 = arith.constant 256 : i32
      %add3A_378 = arith.addi %add3A_377, %mul3A_376 : i32
      %get3A_379 = arith.constant 14 : i32
      %get3A_380 = arith.index_cast %get3A_379 : i32 to index
      %get3A_381 = arith.index_cast %add3A_378 : i32 to index
      %get3A_382 = tpu.vector_load %arg11[%get3A_380, %get3A_381] {strides = array<i32>} : memref<16x512xf32, #tpu.memory_space<vmem>>, vector<16xf32>,
      %mul3A_383 = arith.mulf %gather3A_374, %get3A_382 : vector<16xf32>
      %add3A_384 = arith.addf %add3A_370, %mul3A_383 : vector<16xf32>
      %add3A_385 = arith.constant 15 : i32
      %add3A_386 = vector.broadcast %add3A_385 : i32 to vector<16xi32>
      %add3A_387 = arith.addi %get3A_174, %add3A_386 : vector<16xi32>
      %gather3A_388 = tpu.vector_load_idx %arg9[%add3A_169, %add3A_387] : memref<128x128xf32, #tpu.memory_space<vmem>>[vector<16xi32>, vector<16xi32>], vector<16xf32>,
      %mul3A_389 = arith.constant 16 : i32
      %mul3A_390 = arith.muli %add3A_165, %mul3A_389 : i32
      %add3A_391 = arith.constant 256 : i32
      %add3A_392 = arith.addi %add3A_391, %mul3A_390 : i32
      %get3A_393 = arith.constant 15 : i32
      %get3A_394 = arith.index_cast %get3A_393 : i32 to index
      %get3A_395 = arith.index_cast %add3A_392 : i32 to index
      %get3A_396 = tpu.vector_load %arg11[%get3A_394, %get3A_395] {strides = array<i32>} : memref<16x512xf32, #tpu.memory_space<vmem>>, vector<16xf32>,
      %mul3A_397 = arith.mulf %gather3A_388, %get3A_396 : vector<16xf32>
      %add3A_398 = arith.addf %add3A_384, %mul3A_397 : vector<16xf32>
      %neg3A = arith.constant 0.000000e+00 : f32
      %neg3A_399 = vector.broadcast %neg3A : f32 to vector<16xf32>
      %neg3A_400 = arith.subf %neg3A_399, %add3A_398 : vector<16xf32>
      %mul3A_401 = arith.constant 16 : i32
      %mul3A_402 = arith.muli %add3A_165, %mul3A_401 : i32
      %swap3A = arith.constant 2 : i32
      %swap3A_403 = arith.index_cast %swap3A : i32 to index
      %swap3A_404 = arith.index_cast %mul3A_402 : i32 to index
      %swap3A_405 = tpu.vector_load %arg12[%swap3A_403, %swap3A_404] {strides = array<i32>} : memref<44x128xf32, #tpu.memory_space<vmem>>, vector<16xf32>,
      tpu.vector_store %arg12[%swap3A_403, %swap3A_404], %neg3A_400 {strides = array<i32>} : memref<44x128xf32, #tpu.memory_space<vmem>>, vector<16xf32>,
    }
    %scan3A_130 = arith.constant 8 : i32
    %dma_start3A_131 = arith.constant 8 : i32
    %dma_start3A_132 = arith.constant 0 : i32
    %dma_start3A_133 = tpu.memref_slice %arg7[%dma_start3A_131, %dma_start3A_132] : memref<48x128xi32, #tpu.memory_space<vmem>> -> memref<1x128xi32, #tpu.memory_space<vmem>>
    %dma_start3A_134 = tpu.memref_squeeze %dma_start3A_133 : memref<1x128xi32, #tpu.memory_space<vmem>> -> memref<128xi32, #tpu.memory_space<vmem>>
    %dma_start3A_135 = arith.constant 0 : i32
    %dma_start3A_136 = arith.constant 0 : i32
    %dma_start3A_137 = tpu.memref_slice %arg2[%dma_start3A_135, %dma_start3A_136] : memref<125000x128xf32, #tpu.memory_space<hbm>> -> memref<125000x128xf32, #tpu.memory_space<hbm>>
    tpu.enqueue_indirect_dma source(%dma_start3A_137 : memref<125000x128xf32, #tpu.memory_space<hbm>>) target(%arg9 : memref<128x128xf32, #tpu.memory_space<vmem>>) offsets(%dma_start3A_134 : memref<128xi32, #tpu.memory_space<vmem>>) semaphore(%arg13 : memref<!tpu.dma_semaphore, #tpu.memory_space<semaphore_mem>>)
    %dma_wait3A_138 = arith.constant 0 : i32
    %dma_wait3A_139 = arith.constant 0 : i32
    %dma_wait3A_140 = tpu.memref_slice %arg2[%dma_wait3A_138, %dma_wait3A_139] : memref<125000x128xf32, #tpu.memory_space<hbm>> -> memref<128x128xf32, #tpu.memory_space<hbm>>
    %dma_wait3A_141 = arith.constant 0 : i32
    %dma_wait3A_142 = arith.constant 0 : i32
    %dma_wait3A_143 = tpu.memref_slice %arg2[%dma_wait3A_141, %dma_wait3A_142] : memref<125000x128xf32, #tpu.memory_space<hbm>> -> memref<128x128xf32, #tpu.memory_space<hbm>>
    tpu.wait_dma2 semaphore(%arg14 : memref<!tpu.dma_semaphore, #tpu.memory_space<semaphore_mem>>) src(%dma_wait3A_143 : memref<128x128xf32, #tpu.memory_space<hbm>>) dst(%arg10 : memref<128x128xf32, #tpu.memory_space<vmem>>)
    %scan3A_144 = arith.constant 0 : i32
    %scan3A_145 = arith.constant 8 : i32
    %scan3A_146 = arith.addi %scan3A_144, %scan3A_145 : i32
    %scan3A_147 = arith.constant 1 : i32
    scf.for %scan3A_161 = %scan3A_144 to %scan3A_146 step %scan3A_147  : i32 {
      %mul3A_162 = arith.constant 1 : i32
      %mul3A_163 = arith.muli %scan3A_161, %mul3A_162 : i32
      %add3A_164 = arith.constant 0 : i32
      %add3A_165 = arith.addi %add3A_164, %mul3A_163 : i32
      %mul3A_166 = arith.constant 16 : i32
      %mul3A_167 = arith.muli %add3A_165, %mul3A_166 : i32
      %add3A_168 = vector.broadcast %mul3A_167 : i32 to vector<16xi32>
      %add3A_169 = arith.addi %add3A_168, %iota3A : vector<16xi32>
      %mul3A_170 = arith.constant 16 : i32
      %mul3A_171 = arith.muli %add3A_165, %mul3A_170 : i32
      %get3A = arith.constant 7 : i32
      %get3A_172 = arith.index_cast %get3A : i32 to index
      %get3A_173 = arith.index_cast %mul3A_171 : i32 to index
      %get3A_174 = tpu.vector_load %arg8[%get3A_172, %get3A_173] {strides = array<i32>} : memref<48x128xi32, #tpu.memory_space<vmem>>, vector<16xi32>,
      %broadcast_in_dim3A = arith.constant 0.000000e+00 : f32
      %broadcast_in_dim3A_175 = vector.broadcast %broadcast_in_dim3A : f32 to vector<16xf32>
      %add3A_176 = arith.constant 0 : i32
      %add3A_177 = vector.broadcast %add3A_176 : i32 to vector<16xi32>
      %add3A_178 = arith.addi %get3A_174, %add3A_177 : vector<16xi32>
      %gather3A = tpu.vector_load_idx %arg10[%add3A_169, %add3A_178] : memref<128x128xf32, #tpu.memory_space<vmem>>[vector<16xi32>, vector<16xi32>], vector<16xf32>,
      %mul3A_179 = arith.constant 16 : i32
      %mul3A_180 = arith.muli %add3A_165, %mul3A_179 : i32
      %add3A_181 = arith.constant 384 : i32
      %add3A_182 = arith.addi %add3A_181, %mul3A_180 : i32
      %get3A_183 = arith.constant 0 : i32
      %get3A_184 = arith.index_cast %get3A_183 : i32 to index
      %get3A_185 = arith.index_cast %add3A_182 : i32 to index
      %get3A_186 = tpu.vector_load %arg11[%get3A_184, %get3A_185] {strides = array<i32>} : memref<16x512xf32, #tpu.memory_space<vmem>>, vector<16xf32>,
      %mul3A_187 = arith.mulf %gather3A, %get3A_186 : vector<16xf32>
      %add3A_188 = arith.addf %broadcast_in_dim3A_175, %mul3A_187 : vector<16xf32>
      %add3A_189 = arith.constant 1 : i32
      %add3A_190 = vector.broadcast %add3A_189 : i32 to vector<16xi32>
      %add3A_191 = arith.addi %get3A_174, %add3A_190 : vector<16xi32>
      %gather3A_192 = tpu.vector_load_idx %arg10[%add3A_169, %add3A_191] : memref<128x128xf32, #tpu.memory_space<vmem>>[vector<16xi32>, vector<16xi32>], vector<16xf32>,
      %mul3A_193 = arith.constant 16 : i32
      %mul3A_194 = arith.muli %add3A_165, %mul3A_193 : i32
      %add3A_195 = arith.constant 384 : i32
      %add3A_196 = arith.addi %add3A_195, %mul3A_194 : i32
      %get3A_197 = arith.constant 1 : i32
      %get3A_198 = arith.index_cast %get3A_197 : i32 to index
      %get3A_199 = arith.index_cast %add3A_196 : i32 to index
      %get3A_200 = tpu.vector_load %arg11[%get3A_198, %get3A_199] {strides = array<i32>} : memref<16x512xf32, #tpu.memory_space<vmem>>, vector<16xf32>,
      %mul3A_201 = arith.mulf %gather3A_192, %get3A_200 : vector<16xf32>
      %add3A_202 = arith.addf %add3A_188, %mul3A_201 : vector<16xf32>
      %add3A_203 = arith.constant 2 : i32
      %add3A_204 = vector.broadcast %add3A_203 : i32 to vector<16xi32>
      %add3A_205 = arith.addi %get3A_174, %add3A_204 : vector<16xi32>
      %gather3A_206 = tpu.vector_load_idx %arg10[%add3A_169, %add3A_205] : memref<128x128xf32, #tpu.memory_space<vmem>>[vector<16xi32>, vector<16xi32>], vector<16xf32>,
      %mul3A_207 = arith.constant 16 : i32
      %mul3A_208 = arith.muli %add3A_165, %mul3A_207 : i32
      %add3A_209 = arith.constant 384 : i32
      %add3A_210 = arith.addi %add3A_209, %mul3A_208 : i32
      %get3A_211 = arith.constant 2 : i32
      %get3A_212 = arith.index_cast %get3A_211 : i32 to index
      %get3A_213 = arith.index_cast %add3A_210 : i32 to index
      %get3A_214 = tpu.vector_load %arg11[%get3A_212, %get3A_213] {strides = array<i32>} : memref<16x512xf32, #tpu.memory_space<vmem>>, vector<16xf32>,
      %mul3A_215 = arith.mulf %gather3A_206, %get3A_214 : vector<16xf32>
      %add3A_216 = arith.addf %add3A_202, %mul3A_215 : vector<16xf32>
      %add3A_217 = arith.constant 3 : i32
      %add3A_218 = vector.broadcast %add3A_217 : i32 to vector<16xi32>
      %add3A_219 = arith.addi %get3A_174, %add3A_218 : vector<16xi32>
      %gather3A_220 = tpu.vector_load_idx %arg10[%add3A_169, %add3A_219] : memref<128x128xf32, #tpu.memory_space<vmem>>[vector<16xi32>, vector<16xi32>], vector<16xf32>,
      %mul3A_221 = arith.constant 16 : i32
      %mul3A_222 = arith.muli %add3A_165, %mul3A_221 : i32
      %add3A_223 = arith.constant 384 : i32
      %add3A_224 = arith.addi %add3A_223, %mul3A_222 : i32
      %get3A_225 = arith.constant 3 : i32
      %get3A_226 = arith.index_cast %get3A_225 : i32 to index
      %get3A_227 = arith.index_cast %add3A_224 : i32 to index
      %get3A_228 = tpu.vector_load %arg11[%get3A_226, %get3A_227] {strides = array<i32>} : memref<16x512xf32, #tpu.memory_space<vmem>>, vector<16xf32>,
      %mul3A_229 = arith.mulf %gather3A_220, %get3A_228 : vector<16xf32>
      %add3A_230 = arith.addf %add3A_216, %mul3A_229 : vector<16xf32>
      %add3A_231 = arith.constant 4 : i32
      %add3A_232 = vector.broadcast %add3A_231 : i32 to vector<16xi32>
      %add3A_233 = arith.addi %get3A_174, %add3A_232 : vector<16xi32>
      %gather3A_234 = tpu.vector_load_idx %arg10[%add3A_169, %add3A_233] : memref<128x128xf32, #tpu.memory_space<vmem>>[vector<16xi32>, vector<16xi32>], vector<16xf32>,
      %mul3A_235 = arith.constant 16 : i32
      %mul3A_236 = arith.muli %add3A_165, %mul3A_235 : i32
      %add3A_237 = arith.constant 384 : i32
      %add3A_238 = arith.addi %add3A_237, %mul3A_236 : i32
      %get3A_239 = arith.constant 4 : i32
      %get3A_240 = arith.index_cast %get3A_239 : i32 to index
      %get3A_241 = arith.index_cast %add3A_238 : i32 to index
      %get3A_242 = tpu.vector_load %arg11[%get3A_240, %get3A_241] {strides = array<i32>} : memref<16x512xf32, #tpu.memory_space<vmem>>, vector<16xf32>,
      %mul3A_243 = arith.mulf %gather3A_234, %get3A_242 : vector<16xf32>
      %add3A_244 = arith.addf %add3A_230, %mul3A_243 : vector<16xf32>
      %add3A_245 = arith.constant 5 : i32
      %add3A_246 = vector.broadcast %add3A_245 : i32 to vector<16xi32>
      %add3A_247 = arith.addi %get3A_174, %add3A_246 : vector<16xi32>
      %gather3A_248 = tpu.vector_load_idx %arg10[%add3A_169, %add3A_247] : memref<128x128xf32, #tpu.memory_space<vmem>>[vector<16xi32>, vector<16xi32>], vector<16xf32>,
      %mul3A_249 = arith.constant 16 : i32
      %mul3A_250 = arith.muli %add3A_165, %mul3A_249 : i32
      %add3A_251 = arith.constant 384 : i32
      %add3A_252 = arith.addi %add3A_251, %mul3A_250 : i32
      %get3A_253 = arith.constant 5 : i32
      %get3A_254 = arith.index_cast %get3A_253 : i32 to index
      %get3A_255 = arith.index_cast %add3A_252 : i32 to index
      %get3A_256 = tpu.vector_load %arg11[%get3A_254, %get3A_255] {strides = array<i32>} : memref<16x512xf32, #tpu.memory_space<vmem>>, vector<16xf32>,
      %mul3A_257 = arith.mulf %gather3A_248, %get3A_256 : vector<16xf32>
      %add3A_258 = arith.addf %add3A_244, %mul3A_257 : vector<16xf32>
      %add3A_259 = arith.constant 6 : i32
      %add3A_260 = vector.broadcast %add3A_259 : i32 to vector<16xi32>
      %add3A_261 = arith.addi %get3A_174, %add3A_260 : vector<16xi32>
      %gather3A_262 = tpu.vector_load_idx %arg10[%add3A_169, %add3A_261] : memref<128x128xf32, #tpu.memory_space<vmem>>[vector<16xi32>, vector<16xi32>], vector<16xf32>,
      %mul3A_263 = arith.constant 16 : i32
      %mul3A_264 = arith.muli %add3A_165, %mul3A_263 : i32
      %add3A_265 = arith.constant 384 : i32
      %add3A_266 = arith.addi %add3A_265, %mul3A_264 : i32
      %get3A_267 = arith.constant 6 : i32
      %get3A_268 = arith.index_cast %get3A_267 : i32 to index
      %get3A_269 = arith.index_cast %add3A_266 : i32 to index
      %get3A_270 = tpu.vector_load %arg11[%get3A_268, %get3A_269] {strides = array<i32>} : memref<16x512xf32, #tpu.memory_space<vmem>>, vector<16xf32>,
      %mul3A_271 = arith.mulf %gather3A_262, %get3A_270 : vector<16xf32>
      %add3A_272 = arith.addf %add3A_258, %mul3A_271 : vector<16xf32>
      %add3A_273 = arith.constant 7 : i32
      %add3A_274 = vector.broadcast %add3A_273 : i32 to vector<16xi32>
      %add3A_275 = arith.addi %get3A_174, %add3A_274 : vector<16xi32>
      %gather3A_276 = tpu.vector_load_idx %arg10[%add3A_169, %add3A_275] : memref<128x128xf32, #tpu.memory_space<vmem>>[vector<16xi32>, vector<16xi32>], vector<16xf32>,
      %mul3A_277 = arith.constant 16 : i32
      %mul3A_278 = arith.muli %add3A_165, %mul3A_277 : i32
      %add3A_279 = arith.constant 384 : i32
      %add3A_280 = arith.addi %add3A_279, %mul3A_278 : i32
      %get3A_281 = arith.constant 7 : i32
      %get3A_282 = arith.index_cast %get3A_281 : i32 to index
      %get3A_283 = arith.index_cast %add3A_280 : i32 to index
      %get3A_284 = tpu.vector_load %arg11[%get3A_282, %get3A_283] {strides = array<i32>} : memref<16x512xf32, #tpu.memory_space<vmem>>, vector<16xf32>,
      %mul3A_285 = arith.mulf %gather3A_276, %get3A_284 : vector<16xf32>
      %add3A_286 = arith.addf %add3A_272, %mul3A_285 : vector<16xf32>
      %add3A_287 = arith.constant 8 : i32
      %add3A_288 = vector.broadcast %add3A_287 : i32 to vector<16xi32>
      %add3A_289 = arith.addi %get3A_174, %add3A_288 : vector<16xi32>
      %gather3A_290 = tpu.vector_load_idx %arg10[%add3A_169, %add3A_289] : memref<128x128xf32, #tpu.memory_space<vmem>>[vector<16xi32>, vector<16xi32>], vector<16xf32>,
      %mul3A_291 = arith.constant 16 : i32
      %mul3A_292 = arith.muli %add3A_165, %mul3A_291 : i32
      %add3A_293 = arith.constant 384 : i32
      %add3A_294 = arith.addi %add3A_293, %mul3A_292 : i32
      %get3A_295 = arith.constant 8 : i32
      %get3A_296 = arith.index_cast %get3A_295 : i32 to index
      %get3A_297 = arith.index_cast %add3A_294 : i32 to index
      %get3A_298 = tpu.vector_load %arg11[%get3A_296, %get3A_297] {strides = array<i32>} : memref<16x512xf32, #tpu.memory_space<vmem>>, vector<16xf32>,
      %mul3A_299 = arith.mulf %gather3A_290, %get3A_298 : vector<16xf32>
      %add3A_300 = arith.addf %add3A_286, %mul3A_299 : vector<16xf32>
      %add3A_301 = arith.constant 9 : i32
      %add3A_302 = vector.broadcast %add3A_301 : i32 to vector<16xi32>
      %add3A_303 = arith.addi %get3A_174, %add3A_302 : vector<16xi32>
      %gather3A_304 = tpu.vector_load_idx %arg10[%add3A_169, %add3A_303] : memref<128x128xf32, #tpu.memory_space<vmem>>[vector<16xi32>, vector<16xi32>], vector<16xf32>,
      %mul3A_305 = arith.constant 16 : i32
      %mul3A_306 = arith.muli %add3A_165, %mul3A_305 : i32
      %add3A_307 = arith.constant 384 : i32
      %add3A_308 = arith.addi %add3A_307, %mul3A_306 : i32
      %get3A_309 = arith.constant 9 : i32
      %get3A_310 = arith.index_cast %get3A_309 : i32 to index
      %get3A_311 = arith.index_cast %add3A_308 : i32 to index
      %get3A_312 = tpu.vector_load %arg11[%get3A_310, %get3A_311] {strides = array<i32>} : memref<16x512xf32, #tpu.memory_space<vmem>>, vector<16xf32>,
      %mul3A_313 = arith.mulf %gather3A_304, %get3A_312 : vector<16xf32>
      %add3A_314 = arith.addf %add3A_300, %mul3A_313 : vector<16xf32>
      %add3A_315 = arith.constant 10 : i32
      %add3A_316 = vector.broadcast %add3A_315 : i32 to vector<16xi32>
      %add3A_317 = arith.addi %get3A_174, %add3A_316 : vector<16xi32>
      %gather3A_318 = tpu.vector_load_idx %arg10[%add3A_169, %add3A_317] : memref<128x128xf32, #tpu.memory_space<vmem>>[vector<16xi32>, vector<16xi32>], vector<16xf32>,
      %mul3A_319 = arith.constant 16 : i32
      %mul3A_320 = arith.muli %add3A_165, %mul3A_319 : i32
      %add3A_321 = arith.constant 384 : i32
      %add3A_322 = arith.addi %add3A_321, %mul3A_320 : i32
      %get3A_323 = arith.constant 10 : i32
      %get3A_324 = arith.index_cast %get3A_323 : i32 to index
      %get3A_325 = arith.index_cast %add3A_322 : i32 to index
      %get3A_326 = tpu.vector_load %arg11[%get3A_324, %get3A_325] {strides = array<i32>} : memref<16x512xf32, #tpu.memory_space<vmem>>, vector<16xf32>,
      %mul3A_327 = arith.mulf %gather3A_318, %get3A_326 : vector<16xf32>
      %add3A_328 = arith.addf %add3A_314, %mul3A_327 : vector<16xf32>
      %add3A_329 = arith.constant 11 : i32
      %add3A_330 = vector.broadcast %add3A_329 : i32 to vector<16xi32>
      %add3A_331 = arith.addi %get3A_174, %add3A_330 : vector<16xi32>
      %gather3A_332 = tpu.vector_load_idx %arg10[%add3A_169, %add3A_331] : memref<128x128xf32, #tpu.memory_space<vmem>>[vector<16xi32>, vector<16xi32>], vector<16xf32>,
      %mul3A_333 = arith.constant 16 : i32
      %mul3A_334 = arith.muli %add3A_165, %mul3A_333 : i32
      %add3A_335 = arith.constant 384 : i32
      %add3A_336 = arith.addi %add3A_335, %mul3A_334 : i32
      %get3A_337 = arith.constant 11 : i32
      %get3A_338 = arith.index_cast %get3A_337 : i32 to index
      %get3A_339 = arith.index_cast %add3A_336 : i32 to index
      %get3A_340 = tpu.vector_load %arg11[%get3A_338, %get3A_339] {strides = array<i32>} : memref<16x512xf32, #tpu.memory_space<vmem>>, vector<16xf32>,
      %mul3A_341 = arith.mulf %gather3A_332, %get3A_340 : vector<16xf32>
      %add3A_342 = arith.addf %add3A_328, %mul3A_341 : vector<16xf32>
      %add3A_343 = arith.constant 12 : i32
      %add3A_344 = vector.broadcast %add3A_343 : i32 to vector<16xi32>
      %add3A_345 = arith.addi %get3A_174, %add3A_344 : vector<16xi32>
      %gather3A_346 = tpu.vector_load_idx %arg10[%add3A_169, %add3A_345] : memref<128x128xf32, #tpu.memory_space<vmem>>[vector<16xi32>, vector<16xi32>], vector<16xf32>,
      %mul3A_347 = arith.constant 16 : i32
      %mul3A_348 = arith.muli %add3A_165, %mul3A_347 : i32
      %add3A_349 = arith.constant 384 : i32
      %add3A_350 = arith.addi %add3A_349, %mul3A_348 : i32
      %get3A_351 = arith.constant 12 : i32
      %get3A_352 = arith.index_cast %get3A_351 : i32 to index
      %get3A_353 = arith.index_cast %add3A_350 : i32 to index
      %get3A_354 = tpu.vector_load %arg11[%get3A_352, %get3A_353] {strides = array<i32>} : memref<16x512xf32, #tpu.memory_space<vmem>>, vector<16xf32>,
      %mul3A_355 = arith.mulf %gather3A_346, %get3A_354 : vector<16xf32>
      %add3A_356 = arith.addf %add3A_342, %mul3A_355 : vector<16xf32>
      %add3A_357 = arith.constant 13 : i32
      %add3A_358 = vector.broadcast %add3A_357 : i32 to vector<16xi32>
      %add3A_359 = arith.addi %get3A_174, %add3A_358 : vector<16xi32>
      %gather3A_360 = tpu.vector_load_idx %arg10[%add3A_169, %add3A_359] : memref<128x128xf32, #tpu.memory_space<vmem>>[vector<16xi32>, vector<16xi32>], vector<16xf32>,
      %mul3A_361 = arith.constant 16 : i32
      %mul3A_362 = arith.muli %add3A_165, %mul3A_361 : i32
      %add3A_363 = arith.constant 384 : i32
      %add3A_364 = arith.addi %add3A_363, %mul3A_362 : i32
      %get3A_365 = arith.constant 13 : i32
      %get3A_366 = arith.index_cast %get3A_365 : i32 to index
      %get3A_367 = arith.index_cast %add3A_364 : i32 to index
      %get3A_368 = tpu.vector_load %arg11[%get3A_366, %get3A_367] {strides = array<i32>} : memref<16x512xf32, #tpu.memory_space<vmem>>, vector<16xf32>,
      %mul3A_369 = arith.mulf %gather3A_360, %get3A_368 : vector<16xf32>
      %add3A_370 = arith.addf %add3A_356, %mul3A_369 : vector<16xf32>
      %add3A_371 = arith.constant 14 : i32
      %add3A_372 = vector.broadcast %add3A_371 : i32 to vector<16xi32>
      %add3A_373 = arith.addi %get3A_174, %add3A_372 : vector<16xi32>
      %gather3A_374 = tpu.vector_load_idx %arg10[%add3A_169, %add3A_373] : memref<128x128xf32, #tpu.memory_space<vmem>>[vector<16xi32>, vector<16xi32>], vector<16xf32>,
      %mul3A_375 = arith.constant 16 : i32
      %mul3A_376 = arith.muli %add3A_165, %mul3A_375 : i32
      %add3A_377 = arith.constant 384 : i32
      %add3A_378 = arith.addi %add3A_377, %mul3A_376 : i32
      %get3A_379 = arith.constant 14 : i32
      %get3A_380 = arith.index_cast %get3A_379 : i32 to index
      %get3A_381 = arith.index_cast %add3A_378 : i32 to index
      %get3A_382 = tpu.vector_load %arg11[%get3A_380, %get3A_381] {strides = array<i32>} : memref<16x512xf32, #tpu.memory_space<vmem>>, vector<16xf32>,
      %mul3A_383 = arith.mulf %gather3A_374, %get3A_382 : vector<16xf32>
      %add3A_384 = arith.addf %add3A_370, %mul3A_383 : vector<16xf32>
      %add3A_385 = arith.constant 15 : i32
      %add3A_386 = vector.broadcast %add3A_385 : i32 to vector<16xi32>
      %add3A_387 = arith.addi %get3A_174, %add3A_386 : vector<16xi32>
      %gather3A_388 = tpu.vector_load_idx %arg10[%add3A_169, %add3A_387] : memref<128x128xf32, #tpu.memory_space<vmem>>[vector<16xi32>, vector<16xi32>], vector<16xf32>,
      %mul3A_389 = arith.constant 16 : i32
      %mul3A_390 = arith.muli %add3A_165, %mul3A_389 : i32
      %add3A_391 = arith.constant 384 : i32
      %add3A_392 = arith.addi %add3A_391, %mul3A_390 : i32
      %get3A_393 = arith.constant 15 : i32
      %get3A_394 = arith.index_cast %get3A_393 : i32 to index
      %get3A_395 = arith.index_cast %add3A_392 : i32 to index
      %get3A_396 = tpu.vector_load %arg11[%get3A_394, %get3A_395] {strides = array<i32>} : memref<16x512xf32, #tpu.memory_space<vmem>>, vector<16xf32>,
      %mul3A_397 = arith.mulf %gather3A_388, %get3A_396 : vector<16xf32>
      %add3A_398 = arith.addf %add3A_384, %mul3A_397 : vector<16xf32>
      %neg3A = arith.constant 0.000000e+00 : f32
      %neg3A_399 = vector.broadcast %neg3A : f32 to vector<16xf32>
      %neg3A_400 = arith.subf %neg3A_399, %add3A_398 : vector<16xf32>
      %mul3A_401 = arith.constant 16 : i32
      %mul3A_402 = arith.muli %add3A_165, %mul3A_401 : i32
      %swap3A = arith.constant 3 : i32
      %swap3A_403 = arith.index_cast %swap3A : i32 to index
      %swap3A_404 = arith.index_cast %mul3A_402 : i32 to index
      %swap3A_405 = tpu.vector_load %arg12[%swap3A_403, %swap3A_404] {strides = array<i32>} : memref<44x128xf32, #tpu.memory_space<vmem>>, vector<16xf32>,
      tpu.vector_store %arg12[%swap3A_403, %swap3A_404], %neg3A_400 {strides = array<i32>} : memref<44x128xf32, #tpu.memory_space<vmem>>, vector<16xf32>,
    }
    %scan3A_148 = arith.constant 8 : i32
    %dma_start3A_149 = arith.constant 9 : i32
    %dma_start3A_150 = arith.constant 0 : i32
    %dma_start3A_151 = tpu.memref_slice %arg7[%dma_start3A_149, %dma_start3A_150] : memref<48x128xi32, #tpu.memory_space<vmem>> -> memref<1x128xi32, #tpu.memory_space<vmem>>
    %dma_start3A_152 = tpu.memref_squeeze %dma_start3A_151 : memref<1x128xi32, #tpu.memory_space<vmem>> -> memref<128xi32, #tpu.memory_space<vmem>>
    %dma_start3A_153 = arith.constant 0 : i32
    %dma_start3A_154 = arith.constant 0 : i32
    %dma_start3A_155 = tpu.memref_slice %arg2[%dma_start3A_153, %dma_start3A_154] : memref<125000x128xf32, #tpu.memory_space<hbm>> -> memref<125000x128xf32, #tpu.memory_space<hbm>>
    tpu.enqueue_indirect_dma source(%dma_start3A_155 : memref<125000x128xf32, #tpu.memory_space<hbm>>) target(%arg10 : memref<128x128xf32, #tpu.memory_space<vmem>>) offsets(%dma_start3A_152 : memref<128xi32, #tpu.memory_space<vmem>>) semaphore(%arg14 : memref<!tpu.dma_semaphore, #tpu.memory_space<semaphore_mem>>)
    %scan3A_156 = arith.constant 0 : i32
    %scan3A_157 = arith.constant 20 : i32
    %scan3A_158 = arith.addi %scan3A_156, %scan3A_157 : i32
    %scan3A_159 = arith.constant 1 : i32
    scf.for %scan3A_161 = %scan3A_156 to %scan3A_158 step %scan3A_159  : i32 {
      %mul3A_162 = arith.constant 2 : i32
      %mul3A_163 = arith.muli %scan3A_161, %mul3A_162 : i32
      %add3A_164 = arith.constant 0 : i32
      %add3A_165 = arith.addi %add3A_164, %mul3A_163 : i32
      %dma_wait3A_166 = arith.constant 0 : i32
      %dma_wait3A_167 = arith.constant 0 : i32
      %dma_wait3A_168 = tpu.memref_slice %arg2[%dma_wait3A_166, %dma_wait3A_167] : memref<125000x128xf32, #tpu.memory_space<hbm>> -> memref<128x128xf32, #tpu.memory_space<hbm>>
      %dma_wait3A_169 = arith.constant 0 : i32
      %dma_wait3A_170 = arith.constant 0 : i32
      %dma_wait3A_171 = tpu.memref_slice %arg2[%dma_wait3A_169, %dma_wait3A_170] : memref<125000x128xf32, #tpu.memory_space<hbm>> -> memref<128x128xf32, #tpu.memory_space<hbm>>
      tpu.wait_dma2 semaphore(%arg13 : memref<!tpu.dma_semaphore, #tpu.memory_space<semaphore_mem>>) src(%dma_wait3A_171 : memref<128x128xf32, #tpu.memory_space<hbm>>) dst(%arg9 : memref<128x128xf32, #tpu.memory_space<vmem>>)
      %add3A_172 = arith.constant 8 : i32
      %add3A_173 = arith.addi %add3A_172, %add3A_165 : i32
      %and3A = arith.constant 3 : i32
      %and3A_174 = arith.andi %add3A_165, %and3A : i32
      %add3A_175 = arith.constant 4 : i32
      %add3A_176 = arith.addi %add3A_175, %add3A_165 : i32
      %scan3A_177 = arith.constant 0 : i32
      %scan3A_178 = arith.constant 8 : i32
      %scan3A_179 = arith.addi %scan3A_177, %scan3A_178 : i32
      %scan3A_180 = arith.constant 1 : i32
      scf.for %scan3A_216 = %scan3A_177 to %scan3A_179 step %scan3A_180  : i32 {
        %mul3A_217 = arith.constant 1 : i32
        %mul3A_218 = arith.muli %scan3A_216, %mul3A_217 : i32
        %add3A_219 = arith.constant 0 : i32
        %add3A_220 = arith.addi %add3A_219, %mul3A_218 : i32
        %mul3A_221 = arith.constant 16 : i32
        %mul3A_222 = arith.muli %add3A_220, %mul3A_221 : i32
        %add3A_223 = vector.broadcast %mul3A_222 : i32 to vector<16xi32>
        %add3A_224 = arith.addi %add3A_223, %iota3A : vector<16xi32>
        %mul3A_225 = arith.constant 16 : i32
        %mul3A_226 = arith.muli %add3A_220, %mul3A_225 : i32
        %get3A = arith.index_cast %add3A_173 : i32 to index
        %get3A_227 = arith.index_cast %mul3A_226 : i32 to index
        %get3A_228 = tpu.vector_load %arg8[%get3A, %get3A_227] {strides = array<i32>} : memref<48x128xi32, #tpu.memory_space<vmem>>, vector<16xi32>,
        %broadcast_in_dim3A = arith.constant 0.000000e+00 : f32
        %broadcast_in_dim3A_229 = vector.broadcast %broadcast_in_dim3A : f32 to vector<16xf32>
        %add3A_230 = arith.constant 0 : i32
        %add3A_231 = vector.broadcast %add3A_230 : i32 to vector<16xi32>
        %add3A_232 = arith.addi %get3A_228, %add3A_231 : vector<16xi32>
        %gather3A = tpu.vector_load_idx %arg9[%add3A_224, %add3A_232] : memref<128x128xf32, #tpu.memory_space<vmem>>[vector<16xi32>, vector<16xi32>], vector<16xf32>,
        %mul3A_233 = arith.constant 128 : i32
        %mul3A_234 = arith.muli %and3A_174, %mul3A_233 : i32
        %mul3A_235 = arith.constant 16 : i32
        %mul3A_236 = arith.muli %add3A_220, %mul3A_235 : i32
        %add3A_237 = arith.addi %mul3A_234, %mul3A_236 : i32
        %get3A_238 = arith.constant 0 : i32
        %get3A_239 = arith.index_cast %get3A_238 : i32 to index
        %get3A_240 = arith.index_cast %add3A_237 : i32 to index
        %get3A_241 = tpu.vector_load %arg11[%get3A_239, %get3A_240] {strides = array<i32>} : memref<16x512xf32, #tpu.memory_space<vmem>>, vector<16xf32>,
        %mul3A_242 = arith.mulf %gather3A, %get3A_241 : vector<16xf32>
        %add3A_243 = arith.addf %broadcast_in_dim3A_229, %mul3A_242 : vector<16xf32>
        %add3A_244 = arith.constant 1 : i32
        %add3A_245 = vector.broadcast %add3A_244 : i32 to vector<16xi32>
        %add3A_246 = arith.addi %get3A_228, %add3A_245 : vector<16xi32>
        %gather3A_247 = tpu.vector_load_idx %arg9[%add3A_224, %add3A_246] : memref<128x128xf32, #tpu.memory_space<vmem>>[vector<16xi32>, vector<16xi32>], vector<16xf32>,
        %mul3A_248 = arith.constant 128 : i32
        %mul3A_249 = arith.muli %and3A_174, %mul3A_248 : i32
        %mul3A_250 = arith.constant 16 : i32
        %mul3A_251 = arith.muli %add3A_220, %mul3A_250 : i32
        %add3A_252 = arith.addi %mul3A_249, %mul3A_251 : i32
        %get3A_253 = arith.constant 1 : i32
        %get3A_254 = arith.index_cast %get3A_253 : i32 to index
        %get3A_255 = arith.index_cast %add3A_252 : i32 to index
        %get3A_256 = tpu.vector_load %arg11[%get3A_254, %get3A_255] {strides = array<i32>} : memref<16x512xf32, #tpu.memory_space<vmem>>, vector<16xf32>,
        %mul3A_257 = arith.mulf %gather3A_247, %get3A_256 : vector<16xf32>
        %add3A_258 = arith.addf %add3A_243, %mul3A_257 : vector<16xf32>
        %add3A_259 = arith.constant 2 : i32
        %add3A_260 = vector.broadcast %add3A_259 : i32 to vector<16xi32>
        %add3A_261 = arith.addi %get3A_228, %add3A_260 : vector<16xi32>
        %gather3A_262 = tpu.vector_load_idx %arg9[%add3A_224, %add3A_261] : memref<128x128xf32, #tpu.memory_space<vmem>>[vector<16xi32>, vector<16xi32>], vector<16xf32>,
        %mul3A_263 = arith.constant 128 : i32
        %mul3A_264 = arith.muli %and3A_174, %mul3A_263 : i32
        %mul3A_265 = arith.constant 16 : i32
        %mul3A_266 = arith.muli %add3A_220, %mul3A_265 : i32
        %add3A_267 = arith.addi %mul3A_264, %mul3A_266 : i32
        %get3A_268 = arith.constant 2 : i32
        %get3A_269 = arith.index_cast %get3A_268 : i32 to index
        %get3A_270 = arith.index_cast %add3A_267 : i32 to index
        %get3A_271 = tpu.vector_load %arg11[%get3A_269, %get3A_270] {strides = array<i32>} : memref<16x512xf32, #tpu.memory_space<vmem>>, vector<16xf32>,
        %mul3A_272 = arith.mulf %gather3A_262, %get3A_271 : vector<16xf32>
        %add3A_273 = arith.addf %add3A_258, %mul3A_272 : vector<16xf32>
        %add3A_274 = arith.constant 3 : i32
        %add3A_275 = vector.broadcast %add3A_274 : i32 to vector<16xi32>
        %add3A_276 = arith.addi %get3A_228, %add3A_275 : vector<16xi32>
        %gather3A_277 = tpu.vector_load_idx %arg9[%add3A_224, %add3A_276] : memref<128x128xf32, #tpu.memory_space<vmem>>[vector<16xi32>, vector<16xi32>], vector<16xf32>,
        %mul3A_278 = arith.constant 128 : i32
        %mul3A_279 = arith.muli %and3A_174, %mul3A_278 : i32
        %mul3A_280 = arith.constant 16 : i32
        %mul3A_281 = arith.muli %add3A_220, %mul3A_280 : i32
        %add3A_282 = arith.addi %mul3A_279, %mul3A_281 : i32
        %get3A_283 = arith.constant 3 : i32
        %get3A_284 = arith.index_cast %get3A_283 : i32 to index
        %get3A_285 = arith.index_cast %add3A_282 : i32 to index
        %get3A_286 = tpu.vector_load %arg11[%get3A_284, %get3A_285] {strides = array<i32>} : memref<16x512xf32, #tpu.memory_space<vmem>>, vector<16xf32>,
        %mul3A_287 = arith.mulf %gather3A_277, %get3A_286 : vector<16xf32>
        %add3A_288 = arith.addf %add3A_273, %mul3A_287 : vector<16xf32>
        %add3A_289 = arith.constant 4 : i32
        %add3A_290 = vector.broadcast %add3A_289 : i32 to vector<16xi32>
        %add3A_291 = arith.addi %get3A_228, %add3A_290 : vector<16xi32>
        %gather3A_292 = tpu.vector_load_idx %arg9[%add3A_224, %add3A_291] : memref<128x128xf32, #tpu.memory_space<vmem>>[vector<16xi32>, vector<16xi32>], vector<16xf32>,
        %mul3A_293 = arith.constant 128 : i32
        %mul3A_294 = arith.muli %and3A_174, %mul3A_293 : i32
        %mul3A_295 = arith.constant 16 : i32
        %mul3A_296 = arith.muli %add3A_220, %mul3A_295 : i32
        %add3A_297 = arith.addi %mul3A_294, %mul3A_296 : i32
        %get3A_298 = arith.constant 4 : i32
        %get3A_299 = arith.index_cast %get3A_298 : i32 to index
        %get3A_300 = arith.index_cast %add3A_297 : i32 to index
        %get3A_301 = tpu.vector_load %arg11[%get3A_299, %get3A_300] {strides = array<i32>} : memref<16x512xf32, #tpu.memory_space<vmem>>, vector<16xf32>,
        %mul3A_302 = arith.mulf %gather3A_292, %get3A_301 : vector<16xf32>
        %add3A_303 = arith.addf %add3A_288, %mul3A_302 : vector<16xf32>
        %add3A_304 = arith.constant 5 : i32
        %add3A_305 = vector.broadcast %add3A_304 : i32 to vector<16xi32>
        %add3A_306 = arith.addi %get3A_228, %add3A_305 : vector<16xi32>
        %gather3A_307 = tpu.vector_load_idx %arg9[%add3A_224, %add3A_306] : memref<128x128xf32, #tpu.memory_space<vmem>>[vector<16xi32>, vector<16xi32>], vector<16xf32>,
        %mul3A_308 = arith.constant 128 : i32
        %mul3A_309 = arith.muli %and3A_174, %mul3A_308 : i32
        %mul3A_310 = arith.constant 16 : i32
        %mul3A_311 = arith.muli %add3A_220, %mul3A_310 : i32
        %add3A_312 = arith.addi %mul3A_309, %mul3A_311 : i32
        %get3A_313 = arith.constant 5 : i32
        %get3A_314 = arith.index_cast %get3A_313 : i32 to index
        %get3A_315 = arith.index_cast %add3A_312 : i32 to index
        %get3A_316 = tpu.vector_load %arg11[%get3A_314, %get3A_315] {strides = array<i32>} : memref<16x512xf32, #tpu.memory_space<vmem>>, vector<16xf32>,
        %mul3A_317 = arith.mulf %gather3A_307, %get3A_316 : vector<16xf32>
        %add3A_318 = arith.addf %add3A_303, %mul3A_317 : vector<16xf32>
        %add3A_319 = arith.constant 6 : i32
        %add3A_320 = vector.broadcast %add3A_319 : i32 to vector<16xi32>
        %add3A_321 = arith.addi %get3A_228, %add3A_320 : vector<16xi32>
        %gather3A_322 = tpu.vector_load_idx %arg9[%add3A_224, %add3A_321] : memref<128x128xf32, #tpu.memory_space<vmem>>[vector<16xi32>, vector<16xi32>], vector<16xf32>,
        %mul3A_323 = arith.constant 128 : i32
        %mul3A_324 = arith.muli %and3A_174, %mul3A_323 : i32
        %mul3A_325 = arith.constant 16 : i32
        %mul3A_326 = arith.muli %add3A_220, %mul3A_325 : i32
        %add3A_327 = arith.addi %mul3A_324, %mul3A_326 : i32
        %get3A_328 = arith.constant 6 : i32
        %get3A_329 = arith.index_cast %get3A_328 : i32 to index
        %get3A_330 = arith.index_cast %add3A_327 : i32 to index
        %get3A_331 = tpu.vector_load %arg11[%get3A_329, %get3A_330] {strides = array<i32>} : memref<16x512xf32, #tpu.memory_space<vmem>>, vector<16xf32>,
        %mul3A_332 = arith.mulf %gather3A_322, %get3A_331 : vector<16xf32>
        %add3A_333 = arith.addf %add3A_318, %mul3A_332 : vector<16xf32>
        %add3A_334 = arith.constant 7 : i32
        %add3A_335 = vector.broadcast %add3A_334 : i32 to vector<16xi32>
        %add3A_336 = arith.addi %get3A_228, %add3A_335 : vector<16xi32>
        %gather3A_337 = tpu.vector_load_idx %arg9[%add3A_224, %add3A_336] : memref<128x128xf32, #tpu.memory_space<vmem>>[vector<16xi32>, vector<16xi32>], vector<16xf32>,
        %mul3A_338 = arith.constant 128 : i32
        %mul3A_339 = arith.muli %and3A_174, %mul3A_338 : i32
        %mul3A_340 = arith.constant 16 : i32
        %mul3A_341 = arith.muli %add3A_220, %mul3A_340 : i32
        %add3A_342 = arith.addi %mul3A_339, %mul3A_341 : i32
        %get3A_343 = arith.constant 7 : i32
        %get3A_344 = arith.index_cast %get3A_343 : i32 to index
        %get3A_345 = arith.index_cast %add3A_342 : i32 to index
        %get3A_346 = tpu.vector_load %arg11[%get3A_344, %get3A_345] {strides = array<i32>} : memref<16x512xf32, #tpu.memory_space<vmem>>, vector<16xf32>,
        %mul3A_347 = arith.mulf %gather3A_337, %get3A_346 : vector<16xf32>
        %add3A_348 = arith.addf %add3A_333, %mul3A_347 : vector<16xf32>
        %add3A_349 = arith.constant 8 : i32
        %add3A_350 = vector.broadcast %add3A_349 : i32 to vector<16xi32>
        %add3A_351 = arith.addi %get3A_228, %add3A_350 : vector<16xi32>
        %gather3A_352 = tpu.vector_load_idx %arg9[%add3A_224, %add3A_351] : memref<128x128xf32, #tpu.memory_space<vmem>>[vector<16xi32>, vector<16xi32>], vector<16xf32>,
        %mul3A_353 = arith.constant 128 : i32
        %mul3A_354 = arith.muli %and3A_174, %mul3A_353 : i32
        %mul3A_355 = arith.constant 16 : i32
        %mul3A_356 = arith.muli %add3A_220, %mul3A_355 : i32
        %add3A_357 = arith.addi %mul3A_354, %mul3A_356 : i32
        %get3A_358 = arith.constant 8 : i32
        %get3A_359 = arith.index_cast %get3A_358 : i32 to index
        %get3A_360 = arith.index_cast %add3A_357 : i32 to index
        %get3A_361 = tpu.vector_load %arg11[%get3A_359, %get3A_360] {strides = array<i32>} : memref<16x512xf32, #tpu.memory_space<vmem>>, vector<16xf32>,
        %mul3A_362 = arith.mulf %gather3A_352, %get3A_361 : vector<16xf32>
        %add3A_363 = arith.addf %add3A_348, %mul3A_362 : vector<16xf32>
        %add3A_364 = arith.constant 9 : i32
        %add3A_365 = vector.broadcast %add3A_364 : i32 to vector<16xi32>
        %add3A_366 = arith.addi %get3A_228, %add3A_365 : vector<16xi32>
        %gather3A_367 = tpu.vector_load_idx %arg9[%add3A_224, %add3A_366] : memref<128x128xf32, #tpu.memory_space<vmem>>[vector<16xi32>, vector<16xi32>], vector<16xf32>,
        %mul3A_368 = arith.constant 128 : i32
        %mul3A_369 = arith.muli %and3A_174, %mul3A_368 : i32
        %mul3A_370 = arith.constant 16 : i32
        %mul3A_371 = arith.muli %add3A_220, %mul3A_370 : i32
        %add3A_372 = arith.addi %mul3A_369, %mul3A_371 : i32
        %get3A_373 = arith.constant 9 : i32
        %get3A_374 = arith.index_cast %get3A_373 : i32 to index
        %get3A_375 = arith.index_cast %add3A_372 : i32 to index
        %get3A_376 = tpu.vector_load %arg11[%get3A_374, %get3A_375] {strides = array<i32>} : memref<16x512xf32, #tpu.memory_space<vmem>>, vector<16xf32>,
        %mul3A_377 = arith.mulf %gather3A_367, %get3A_376 : vector<16xf32>
        %add3A_378 = arith.addf %add3A_363, %mul3A_377 : vector<16xf32>
        %add3A_379 = arith.constant 10 : i32
        %add3A_380 = vector.broadcast %add3A_379 : i32 to vector<16xi32>
        %add3A_381 = arith.addi %get3A_228, %add3A_380 : vector<16xi32>
        %gather3A_382 = tpu.vector_load_idx %arg9[%add3A_224, %add3A_381] : memref<128x128xf32, #tpu.memory_space<vmem>>[vector<16xi32>, vector<16xi32>], vector<16xf32>,
        %mul3A_383 = arith.constant 128 : i32
        %mul3A_384 = arith.muli %and3A_174, %mul3A_383 : i32
        %mul3A_385 = arith.constant 16 : i32
        %mul3A_386 = arith.muli %add3A_220, %mul3A_385 : i32
        %add3A_387 = arith.addi %mul3A_384, %mul3A_386 : i32
        %get3A_388 = arith.constant 10 : i32
        %get3A_389 = arith.index_cast %get3A_388 : i32 to index
        %get3A_390 = arith.index_cast %add3A_387 : i32 to index
        %get3A_391 = tpu.vector_load %arg11[%get3A_389, %get3A_390] {strides = array<i32>} : memref<16x512xf32, #tpu.memory_space<vmem>>, vector<16xf32>,
        %mul3A_392 = arith.mulf %gather3A_382, %get3A_391 : vector<16xf32>
        %add3A_393 = arith.addf %add3A_378, %mul3A_392 : vector<16xf32>
        %add3A_394 = arith.constant 11 : i32
        %add3A_395 = vector.broadcast %add3A_394 : i32 to vector<16xi32>
        %add3A_396 = arith.addi %get3A_228, %add3A_395 : vector<16xi32>
        %gather3A_397 = tpu.vector_load_idx %arg9[%add3A_224, %add3A_396] : memref<128x128xf32, #tpu.memory_space<vmem>>[vector<16xi32>, vector<16xi32>], vector<16xf32>,
        %mul3A_398 = arith.constant 128 : i32
        %mul3A_399 = arith.muli %and3A_174, %mul3A_398 : i32
        %mul3A_400 = arith.constant 16 : i32
        %mul3A_401 = arith.muli %add3A_220, %mul3A_400 : i32
        %add3A_402 = arith.addi %mul3A_399, %mul3A_401 : i32
        %get3A_403 = arith.constant 11 : i32
        %get3A_404 = arith.index_cast %get3A_403 : i32 to index
        %get3A_405 = arith.index_cast %add3A_402 : i32 to index
        %get3A_406 = tpu.vector_load %arg11[%get3A_404, %get3A_405] {strides = array<i32>} : memref<16x512xf32, #tpu.memory_space<vmem>>, vector<16xf32>,
        %mul3A_407 = arith.mulf %gather3A_397, %get3A_406 : vector<16xf32>
        %add3A_408 = arith.addf %add3A_393, %mul3A_407 : vector<16xf32>
        %add3A_409 = arith.constant 12 : i32
        %add3A_410 = vector.broadcast %add3A_409 : i32 to vector<16xi32>
        %add3A_411 = arith.addi %get3A_228, %add3A_410 : vector<16xi32>
        %gather3A_412 = tpu.vector_load_idx %arg9[%add3A_224, %add3A_411] : memref<128x128xf32, #tpu.memory_space<vmem>>[vector<16xi32>, vector<16xi32>], vector<16xf32>,
        %mul3A_413 = arith.constant 128 : i32
        %mul3A_414 = arith.muli %and3A_174, %mul3A_413 : i32
        %mul3A_415 = arith.constant 16 : i32
        %mul3A_416 = arith.muli %add3A_220, %mul3A_415 : i32
        %add3A_417 = arith.addi %mul3A_414, %mul3A_416 : i32
        %get3A_418 = arith.constant 12 : i32
        %get3A_419 = arith.index_cast %get3A_418 : i32 to index
        %get3A_420 = arith.index_cast %add3A_417 : i32 to index
        %get3A_421 = tpu.vector_load %arg11[%get3A_419, %get3A_420] {strides = array<i32>} : memref<16x512xf32, #tpu.memory_space<vmem>>, vector<16xf32>,
        %mul3A_422 = arith.mulf %gather3A_412, %get3A_421 : vector<16xf32>
        %add3A_423 = arith.addf %add3A_408, %mul3A_422 : vector<16xf32>
        %add3A_424 = arith.constant 13 : i32
        %add3A_425 = vector.broadcast %add3A_424 : i32 to vector<16xi32>
        %add3A_426 = arith.addi %get3A_228, %add3A_425 : vector<16xi32>
        %gather3A_427 = tpu.vector_load_idx %arg9[%add3A_224, %add3A_426] : memref<128x128xf32, #tpu.memory_space<vmem>>[vector<16xi32>, vector<16xi32>], vector<16xf32>,
        %mul3A_428 = arith.constant 128 : i32
        %mul3A_429 = arith.muli %and3A_174, %mul3A_428 : i32
        %mul3A_430 = arith.constant 16 : i32
        %mul3A_431 = arith.muli %add3A_220, %mul3A_430 : i32
        %add3A_432 = arith.addi %mul3A_429, %mul3A_431 : i32
        %get3A_433 = arith.constant 13 : i32
        %get3A_434 = arith.index_cast %get3A_433 : i32 to index
        %get3A_435 = arith.index_cast %add3A_432 : i32 to index
        %get3A_436 = tpu.vector_load %arg11[%get3A_434, %get3A_435] {strides = array<i32>} : memref<16x512xf32, #tpu.memory_space<vmem>>, vector<16xf32>,
        %mul3A_437 = arith.mulf %gather3A_427, %get3A_436 : vector<16xf32>
        %add3A_438 = arith.addf %add3A_423, %mul3A_437 : vector<16xf32>
        %add3A_439 = arith.constant 14 : i32
        %add3A_440 = vector.broadcast %add3A_439 : i32 to vector<16xi32>
        %add3A_441 = arith.addi %get3A_228, %add3A_440 : vector<16xi32>
        %gather3A_442 = tpu.vector_load_idx %arg9[%add3A_224, %add3A_441] : memref<128x128xf32, #tpu.memory_space<vmem>>[vector<16xi32>, vector<16xi32>], vector<16xf32>,
        %mul3A_443 = arith.constant 128 : i32
        %mul3A_444 = arith.muli %and3A_174, %mul3A_443 : i32
        %mul3A_445 = arith.constant 16 : i32
        %mul3A_446 = arith.muli %add3A_220, %mul3A_445 : i32
        %add3A_447 = arith.addi %mul3A_444, %mul3A_446 : i32
        %get3A_448 = arith.constant 14 : i32
        %get3A_449 = arith.index_cast %get3A_448 : i32 to index
        %get3A_450 = arith.index_cast %add3A_447 : i32 to index
        %get3A_451 = tpu.vector_load %arg11[%get3A_449, %get3A_450] {strides = array<i32>} : memref<16x512xf32, #tpu.memory_space<vmem>>, vector<16xf32>,
        %mul3A_452 = arith.mulf %gather3A_442, %get3A_451 : vector<16xf32>
        %add3A_453 = arith.addf %add3A_438, %mul3A_452 : vector<16xf32>
        %add3A_454 = arith.constant 15 : i32
        %add3A_455 = vector.broadcast %add3A_454 : i32 to vector<16xi32>
        %add3A_456 = arith.addi %get3A_228, %add3A_455 : vector<16xi32>
        %gather3A_457 = tpu.vector_load_idx %arg9[%add3A_224, %add3A_456] : memref<128x128xf32, #tpu.memory_space<vmem>>[vector<16xi32>, vector<16xi32>], vector<16xf32>,
        %mul3A_458 = arith.constant 128 : i32
        %mul3A_459 = arith.muli %and3A_174, %mul3A_458 : i32
        %mul3A_460 = arith.constant 16 : i32
        %mul3A_461 = arith.muli %add3A_220, %mul3A_460 : i32
        %add3A_462 = arith.addi %mul3A_459, %mul3A_461 : i32
        %get3A_463 = arith.constant 15 : i32
        %get3A_464 = arith.index_cast %get3A_463 : i32 to index
        %get3A_465 = arith.index_cast %add3A_462 : i32 to index
        %get3A_466 = tpu.vector_load %arg11[%get3A_464, %get3A_465] {strides = array<i32>} : memref<16x512xf32, #tpu.memory_space<vmem>>, vector<16xf32>,
        %mul3A_467 = arith.mulf %gather3A_457, %get3A_466 : vector<16xf32>
        %add3A_468 = arith.addf %add3A_453, %mul3A_467 : vector<16xf32>
        %mul3A_469 = arith.constant 16 : i32
        %mul3A_470 = arith.muli %add3A_220, %mul3A_469 : i32
        %swap3A = arith.index_cast %add3A_176 : i32 to index
        %swap3A_471 = arith.index_cast %mul3A_470 : i32 to index
        %swap3A_472 = tpu.vector_load %arg12[%swap3A, %swap3A_471] {strides = array<i32>} : memref<44x128xf32, #tpu.memory_space<vmem>>, vector<16xf32>,
        tpu.vector_store %arg12[%swap3A, %swap3A_471], %add3A_468 {strides = array<i32>} : memref<44x128xf32, #tpu.memory_space<vmem>>, vector<16xf32>,
      }
      %scan3A_181 = arith.constant 8 : i32
      %add3A_182 = arith.constant 2 : i32
      %add3A_183 = arith.addi %add3A_165, %add3A_182 : i32
      %lt3A = arith.constant 40 : i32
      %lt3A_184 = arith.cmpi slt, %add3A_183, %lt3A : i32
      %convert_element_type3A = arith.extui %lt3A_184 : i1 to i32
      %cond3A = arith.constant 0 : i32
      %cond3A_185 = arith.cmpi ne, %convert_element_type3A, %cond3A : i32
      scf.if %cond3A_185 {
        %add3A_216 = arith.constant 8 : i32
        %add3A_217 = arith.addi %add3A_216, %add3A_165 : i32
        %add3A_218 = arith.constant 2 : i32
        %add3A_219 = arith.addi %add3A_217, %add3A_218 : i32
        %dma_start3A_220 = arith.constant 0 : i32
        %dma_start3A_221 = tpu.memref_slice %arg7[%add3A_219, %dma_start3A_220] : memref<48x128xi32, #tpu.memory_space<vmem>> -> memref<1x128xi32, #tpu.memory_space<vmem>>
        %dma_start3A_222 = tpu.memref_squeeze %dma_start3A_221 : memref<1x128xi32, #tpu.memory_space<vmem>> -> memref<128xi32, #tpu.memory_space<vmem>>
        %dma_start3A_223 = arith.constant 0 : i32
        %dma_start3A_224 = arith.constant 0 : i32
        %dma_start3A_225 = tpu.memref_slice %arg2[%dma_start3A_223, %dma_start3A_224] : memref<125000x128xf32, #tpu.memory_space<hbm>> -> memref<125000x128xf32, #tpu.memory_space<hbm>>
        tpu.enqueue_indirect_dma source(%dma_start3A_225 : memref<125000x128xf32, #tpu.memory_space<hbm>>) target(%arg9 : memref<128x128xf32, #tpu.memory_space<vmem>>) offsets(%dma_start3A_222 : memref<128xi32, #tpu.memory_space<vmem>>) semaphore(%arg13 : memref<!tpu.dma_semaphore, #tpu.memory_space<semaphore_mem>>)
      } else {
      }
      %dma_wait3A_186 = arith.constant 0 : i32
      %dma_wait3A_187 = arith.constant 0 : i32
      %dma_wait3A_188 = tpu.memref_slice %arg2[%dma_wait3A_186, %dma_wait3A_187] : memref<125000x128xf32, #tpu.memory_space<hbm>> -> memref<128x128xf32, #tpu.memory_space<hbm>>
      %dma_wait3A_189 = arith.constant 0 : i32
      %dma_wait3A_190 = arith.constant 0 : i32
      %dma_wait3A_191 = tpu.memref_slice %arg2[%dma_wait3A_189, %dma_wait3A_190] : memref<125000x128xf32, #tpu.memory_space<hbm>> -> memref<128x128xf32, #tpu.memory_space<hbm>>
      tpu.wait_dma2 semaphore(%arg14 : memref<!tpu.dma_semaphore, #tpu.memory_space<semaphore_mem>>) src(%dma_wait3A_191 : memref<128x128xf32, #tpu.memory_space<hbm>>) dst(%arg10 : memref<128x128xf32, #tpu.memory_space<vmem>>)
      %add3A_192 = arith.constant 8 : i32
      %add3A_193 = arith.addi %add3A_192, %add3A_165 : i32
      %add3A_194 = arith.constant 1 : i32
      %add3A_195 = arith.addi %add3A_193, %add3A_194 : i32
      %add3A_196 = arith.constant 1 : i32
      %add3A_197 = arith.addi %add3A_165, %add3A_196 : i32
      %and3A_198 = arith.constant 3 : i32
      %and3A_199 = arith.andi %add3A_197, %and3A_198 : i32
      %add3A_200 = arith.constant 4 : i32
      %add3A_201 = arith.addi %add3A_200, %add3A_165 : i32
      %add3A_202 = arith.constant 1 : i32
      %add3A_203 = arith.addi %add3A_201, %add3A_202 : i32
      %scan3A_204 = arith.constant 0 : i32
      %scan3A_205 = arith.constant 8 : i32
      %scan3A_206 = arith.addi %scan3A_204, %scan3A_205 : i32
      %scan3A_207 = arith.constant 1 : i32
      scf.for %scan3A_216 = %scan3A_204 to %scan3A_206 step %scan3A_207  : i32 {
        %mul3A_217 = arith.constant 1 : i32
        %mul3A_218 = arith.muli %scan3A_216, %mul3A_217 : i32
        %add3A_219 = arith.constant 0 : i32
        %add3A_220 = arith.addi %add3A_219, %mul3A_218 : i32
        %mul3A_221 = arith.constant 16 : i32
        %mul3A_222 = arith.muli %add3A_220, %mul3A_221 : i32
        %add3A_223 = vector.broadcast %mul3A_222 : i32 to vector<16xi32>
        %add3A_224 = arith.addi %add3A_223, %iota3A : vector<16xi32>
        %mul3A_225 = arith.constant 16 : i32
        %mul3A_226 = arith.muli %add3A_220, %mul3A_225 : i32
        %get3A = arith.index_cast %add3A_195 : i32 to index
        %get3A_227 = arith.index_cast %mul3A_226 : i32 to index
        %get3A_228 = tpu.vector_load %arg8[%get3A, %get3A_227] {strides = array<i32>} : memref<48x128xi32, #tpu.memory_space<vmem>>, vector<16xi32>,
        %broadcast_in_dim3A = arith.constant 0.000000e+00 : f32
        %broadcast_in_dim3A_229 = vector.broadcast %broadcast_in_dim3A : f32 to vector<16xf32>
        %add3A_230 = arith.constant 0 : i32
        %add3A_231 = vector.broadcast %add3A_230 : i32 to vector<16xi32>
        %add3A_232 = arith.addi %get3A_228, %add3A_231 : vector<16xi32>
        %gather3A = tpu.vector_load_idx %arg10[%add3A_224, %add3A_232] : memref<128x128xf32, #tpu.memory_space<vmem>>[vector<16xi32>, vector<16xi32>], vector<16xf32>,
        %mul3A_233 = arith.constant 128 : i32
        %mul3A_234 = arith.muli %and3A_199, %mul3A_233 : i32
        %mul3A_235 = arith.constant 16 : i32
        %mul3A_236 = arith.muli %add3A_220, %mul3A_235 : i32
        %add3A_237 = arith.addi %mul3A_234, %mul3A_236 : i32
        %get3A_238 = arith.constant 0 : i32
        %get3A_239 = arith.index_cast %get3A_238 : i32 to index
        %get3A_240 = arith.index_cast %add3A_237 : i32 to index
        %get3A_241 = tpu.vector_load %arg11[%get3A_239, %get3A_240] {strides = array<i32>} : memref<16x512xf32, #tpu.memory_space<vmem>>, vector<16xf32>,
        %mul3A_242 = arith.mulf %gather3A, %get3A_241 : vector<16xf32>
        %add3A_243 = arith.addf %broadcast_in_dim3A_229, %mul3A_242 : vector<16xf32>
        %add3A_244 = arith.constant 1 : i32
        %add3A_245 = vector.broadcast %add3A_244 : i32 to vector<16xi32>
        %add3A_246 = arith.addi %get3A_228, %add3A_245 : vector<16xi32>
        %gather3A_247 = tpu.vector_load_idx %arg10[%add3A_224, %add3A_246] : memref<128x128xf32, #tpu.memory_space<vmem>>[vector<16xi32>, vector<16xi32>], vector<16xf32>,
        %mul3A_248 = arith.constant 128 : i32
        %mul3A_249 = arith.muli %and3A_199, %mul3A_248 : i32
        %mul3A_250 = arith.constant 16 : i32
        %mul3A_251 = arith.muli %add3A_220, %mul3A_250 : i32
        %add3A_252 = arith.addi %mul3A_249, %mul3A_251 : i32
        %get3A_253 = arith.constant 1 : i32
        %get3A_254 = arith.index_cast %get3A_253 : i32 to index
        %get3A_255 = arith.index_cast %add3A_252 : i32 to index
        %get3A_256 = tpu.vector_load %arg11[%get3A_254, %get3A_255] {strides = array<i32>} : memref<16x512xf32, #tpu.memory_space<vmem>>, vector<16xf32>,
        %mul3A_257 = arith.mulf %gather3A_247, %get3A_256 : vector<16xf32>
        %add3A_258 = arith.addf %add3A_243, %mul3A_257 : vector<16xf32>
        %add3A_259 = arith.constant 2 : i32
        %add3A_260 = vector.broadcast %add3A_259 : i32 to vector<16xi32>
        %add3A_261 = arith.addi %get3A_228, %add3A_260 : vector<16xi32>
        %gather3A_262 = tpu.vector_load_idx %arg10[%add3A_224, %add3A_261] : memref<128x128xf32, #tpu.memory_space<vmem>>[vector<16xi32>, vector<16xi32>], vector<16xf32>,
        %mul3A_263 = arith.constant 128 : i32
        %mul3A_264 = arith.muli %and3A_199, %mul3A_263 : i32
        %mul3A_265 = arith.constant 16 : i32
        %mul3A_266 = arith.muli %add3A_220, %mul3A_265 : i32
        %add3A_267 = arith.addi %mul3A_264, %mul3A_266 : i32
        %get3A_268 = arith.constant 2 : i32
        %get3A_269 = arith.index_cast %get3A_268 : i32 to index
        %get3A_270 = arith.index_cast %add3A_267 : i32 to index
        %get3A_271 = tpu.vector_load %arg11[%get3A_269, %get3A_270] {strides = array<i32>} : memref<16x512xf32, #tpu.memory_space<vmem>>, vector<16xf32>,
        %mul3A_272 = arith.mulf %gather3A_262, %get3A_271 : vector<16xf32>
        %add3A_273 = arith.addf %add3A_258, %mul3A_272 : vector<16xf32>
        %add3A_274 = arith.constant 3 : i32
        %add3A_275 = vector.broadcast %add3A_274 : i32 to vector<16xi32>
        %add3A_276 = arith.addi %get3A_228, %add3A_275 : vector<16xi32>
        %gather3A_277 = tpu.vector_load_idx %arg10[%add3A_224, %add3A_276] : memref<128x128xf32, #tpu.memory_space<vmem>>[vector<16xi32>, vector<16xi32>], vector<16xf32>,
        %mul3A_278 = arith.constant 128 : i32
        %mul3A_279 = arith.muli %and3A_199, %mul3A_278 : i32
        %mul3A_280 = arith.constant 16 : i32
        %mul3A_281 = arith.muli %add3A_220, %mul3A_280 : i32
        %add3A_282 = arith.addi %mul3A_279, %mul3A_281 : i32
        %get3A_283 = arith.constant 3 : i32
        %get3A_284 = arith.index_cast %get3A_283 : i32 to index
        %get3A_285 = arith.index_cast %add3A_282 : i32 to index
        %get3A_286 = tpu.vector_load %arg11[%get3A_284, %get3A_285] {strides = array<i32>} : memref<16x512xf32, #tpu.memory_space<vmem>>, vector<16xf32>,
        %mul3A_287 = arith.mulf %gather3A_277, %get3A_286 : vector<16xf32>
        %add3A_288 = arith.addf %add3A_273, %mul3A_287 : vector<16xf32>
        %add3A_289 = arith.constant 4 : i32
        %add3A_290 = vector.broadcast %add3A_289 : i32 to vector<16xi32>
        %add3A_291 = arith.addi %get3A_228, %add3A_290 : vector<16xi32>
        %gather3A_292 = tpu.vector_load_idx %arg10[%add3A_224, %add3A_291] : memref<128x128xf32, #tpu.memory_space<vmem>>[vector<16xi32>, vector<16xi32>], vector<16xf32>,
        %mul3A_293 = arith.constant 128 : i32
        %mul3A_294 = arith.muli %and3A_199, %mul3A_293 : i32
        %mul3A_295 = arith.constant 16 : i32
        %mul3A_296 = arith.muli %add3A_220, %mul3A_295 : i32
        %add3A_297 = arith.addi %mul3A_294, %mul3A_296 : i32
        %get3A_298 = arith.constant 4 : i32
        %get3A_299 = arith.index_cast %get3A_298 : i32 to index
        %get3A_300 = arith.index_cast %add3A_297 : i32 to index
        %get3A_301 = tpu.vector_load %arg11[%get3A_299, %get3A_300] {strides = array<i32>} : memref<16x512xf32, #tpu.memory_space<vmem>>, vector<16xf32>,
        %mul3A_302 = arith.mulf %gather3A_292, %get3A_301 : vector<16xf32>
        %add3A_303 = arith.addf %add3A_288, %mul3A_302 : vector<16xf32>
        %add3A_304 = arith.constant 5 : i32
        %add3A_305 = vector.broadcast %add3A_304 : i32 to vector<16xi32>
        %add3A_306 = arith.addi %get3A_228, %add3A_305 : vector<16xi32>
        %gather3A_307 = tpu.vector_load_idx %arg10[%add3A_224, %add3A_306] : memref<128x128xf32, #tpu.memory_space<vmem>>[vector<16xi32>, vector<16xi32>], vector<16xf32>,
        %mul3A_308 = arith.constant 128 : i32
        %mul3A_309 = arith.muli %and3A_199, %mul3A_308 : i32
        %mul3A_310 = arith.constant 16 : i32
        %mul3A_311 = arith.muli %add3A_220, %mul3A_310 : i32
        %add3A_312 = arith.addi %mul3A_309, %mul3A_311 : i32
        %get3A_313 = arith.constant 5 : i32
        %get3A_314 = arith.index_cast %get3A_313 : i32 to index
        %get3A_315 = arith.index_cast %add3A_312 : i32 to index
        %get3A_316 = tpu.vector_load %arg11[%get3A_314, %get3A_315] {strides = array<i32>} : memref<16x512xf32, #tpu.memory_space<vmem>>, vector<16xf32>,
        %mul3A_317 = arith.mulf %gather3A_307, %get3A_316 : vector<16xf32>
        %add3A_318 = arith.addf %add3A_303, %mul3A_317 : vector<16xf32>
        %add3A_319 = arith.constant 6 : i32
        %add3A_320 = vector.broadcast %add3A_319 : i32 to vector<16xi32>
        %add3A_321 = arith.addi %get3A_228, %add3A_320 : vector<16xi32>
        %gather3A_322 = tpu.vector_load_idx %arg10[%add3A_224, %add3A_321] : memref<128x128xf32, #tpu.memory_space<vmem>>[vector<16xi32>, vector<16xi32>], vector<16xf32>,
        %mul3A_323 = arith.constant 128 : i32
        %mul3A_324 = arith.muli %and3A_199, %mul3A_323 : i32
        %mul3A_325 = arith.constant 16 : i32
        %mul3A_326 = arith.muli %add3A_220, %mul3A_325 : i32
        %add3A_327 = arith.addi %mul3A_324, %mul3A_326 : i32
        %get3A_328 = arith.constant 6 : i32
        %get3A_329 = arith.index_cast %get3A_328 : i32 to index
        %get3A_330 = arith.index_cast %add3A_327 : i32 to index
        %get3A_331 = tpu.vector_load %arg11[%get3A_329, %get3A_330] {strides = array<i32>} : memref<16x512xf32, #tpu.memory_space<vmem>>, vector<16xf32>,
        %mul3A_332 = arith.mulf %gather3A_322, %get3A_331 : vector<16xf32>
        %add3A_333 = arith.addf %add3A_318, %mul3A_332 : vector<16xf32>
        %add3A_334 = arith.constant 7 : i32
        %add3A_335 = vector.broadcast %add3A_334 : i32 to vector<16xi32>
        %add3A_336 = arith.addi %get3A_228, %add3A_335 : vector<16xi32>
        %gather3A_337 = tpu.vector_load_idx %arg10[%add3A_224, %add3A_336] : memref<128x128xf32, #tpu.memory_space<vmem>>[vector<16xi32>, vector<16xi32>], vector<16xf32>,
        %mul3A_338 = arith.constant 128 : i32
        %mul3A_339 = arith.muli %and3A_199, %mul3A_338 : i32
        %mul3A_340 = arith.constant 16 : i32
        %mul3A_341 = arith.muli %add3A_220, %mul3A_340 : i32
        %add3A_342 = arith.addi %mul3A_339, %mul3A_341 : i32
        %get3A_343 = arith.constant 7 : i32
        %get3A_344 = arith.index_cast %get3A_343 : i32 to index
        %get3A_345 = arith.index_cast %add3A_342 : i32 to index
        %get3A_346 = tpu.vector_load %arg11[%get3A_344, %get3A_345] {strides = array<i32>} : memref<16x512xf32, #tpu.memory_space<vmem>>, vector<16xf32>,
        %mul3A_347 = arith.mulf %gather3A_337, %get3A_346 : vector<16xf32>
        %add3A_348 = arith.addf %add3A_333, %mul3A_347 : vector<16xf32>
        %add3A_349 = arith.constant 8 : i32
        %add3A_350 = vector.broadcast %add3A_349 : i32 to vector<16xi32>
        %add3A_351 = arith.addi %get3A_228, %add3A_350 : vector<16xi32>
        %gather3A_352 = tpu.vector_load_idx %arg10[%add3A_224, %add3A_351] : memref<128x128xf32, #tpu.memory_space<vmem>>[vector<16xi32>, vector<16xi32>], vector<16xf32>,
        %mul3A_353 = arith.constant 128 : i32
        %mul3A_354 = arith.muli %and3A_199, %mul3A_353 : i32
        %mul3A_355 = arith.constant 16 : i32
        %mul3A_356 = arith.muli %add3A_220, %mul3A_355 : i32
        %add3A_357 = arith.addi %mul3A_354, %mul3A_356 : i32
        %get3A_358 = arith.constant 8 : i32
        %get3A_359 = arith.index_cast %get3A_358 : i32 to index
        %get3A_360 = arith.index_cast %add3A_357 : i32 to index
        %get3A_361 = tpu.vector_load %arg11[%get3A_359, %get3A_360] {strides = array<i32>} : memref<16x512xf32, #tpu.memory_space<vmem>>, vector<16xf32>,
        %mul3A_362 = arith.mulf %gather3A_352, %get3A_361 : vector<16xf32>
        %add3A_363 = arith.addf %add3A_348, %mul3A_362 : vector<16xf32>
        %add3A_364 = arith.constant 9 : i32
        %add3A_365 = vector.broadcast %add3A_364 : i32 to vector<16xi32>
        %add3A_366 = arith.addi %get3A_228, %add3A_365 : vector<16xi32>
        %gather3A_367 = tpu.vector_load_idx %arg10[%add3A_224, %add3A_366] : memref<128x128xf32, #tpu.memory_space<vmem>>[vector<16xi32>, vector<16xi32>], vector<16xf32>,
        %mul3A_368 = arith.constant 128 : i32
        %mul3A_369 = arith.muli %and3A_199, %mul3A_368 : i32
        %mul3A_370 = arith.constant 16 : i32
        %mul3A_371 = arith.muli %add3A_220, %mul3A_370 : i32
        %add3A_372 = arith.addi %mul3A_369, %mul3A_371 : i32
        %get3A_373 = arith.constant 9 : i32
        %get3A_374 = arith.index_cast %get3A_373 : i32 to index
        %get3A_375 = arith.index_cast %add3A_372 : i32 to index
        %get3A_376 = tpu.vector_load %arg11[%get3A_374, %get3A_375] {strides = array<i32>} : memref<16x512xf32, #tpu.memory_space<vmem>>, vector<16xf32>,
        %mul3A_377 = arith.mulf %gather3A_367, %get3A_376 : vector<16xf32>
        %add3A_378 = arith.addf %add3A_363, %mul3A_377 : vector<16xf32>
        %add3A_379 = arith.constant 10 : i32
        %add3A_380 = vector.broadcast %add3A_379 : i32 to vector<16xi32>
        %add3A_381 = arith.addi %get3A_228, %add3A_380 : vector<16xi32>
        %gather3A_382 = tpu.vector_load_idx %arg10[%add3A_224, %add3A_381] : memref<128x128xf32, #tpu.memory_space<vmem>>[vector<16xi32>, vector<16xi32>], vector<16xf32>,
        %mul3A_383 = arith.constant 128 : i32
        %mul3A_384 = arith.muli %and3A_199, %mul3A_383 : i32
        %mul3A_385 = arith.constant 16 : i32
        %mul3A_386 = arith.muli %add3A_220, %mul3A_385 : i32
        %add3A_387 = arith.addi %mul3A_384, %mul3A_386 : i32
        %get3A_388 = arith.constant 10 : i32
        %get3A_389 = arith.index_cast %get3A_388 : i32 to index
        %get3A_390 = arith.index_cast %add3A_387 : i32 to index
        %get3A_391 = tpu.vector_load %arg11[%get3A_389, %get3A_390] {strides = array<i32>} : memref<16x512xf32, #tpu.memory_space<vmem>>, vector<16xf32>,
        %mul3A_392 = arith.mulf %gather3A_382, %get3A_391 : vector<16xf32>
        %add3A_393 = arith.addf %add3A_378, %mul3A_392 : vector<16xf32>
        %add3A_394 = arith.constant 11 : i32
        %add3A_395 = vector.broadcast %add3A_394 : i32 to vector<16xi32>
        %add3A_396 = arith.addi %get3A_228, %add3A_395 : vector<16xi32>
        %gather3A_397 = tpu.vector_load_idx %arg10[%add3A_224, %add3A_396] : memref<128x128xf32, #tpu.memory_space<vmem>>[vector<16xi32>, vector<16xi32>], vector<16xf32>,
        %mul3A_398 = arith.constant 128 : i32
        %mul3A_399 = arith.muli %and3A_199, %mul3A_398 : i32
        %mul3A_400 = arith.constant 16 : i32
        %mul3A_401 = arith.muli %add3A_220, %mul3A_400 : i32
        %add3A_402 = arith.addi %mul3A_399, %mul3A_401 : i32
        %get3A_403 = arith.constant 11 : i32
        %get3A_404 = arith.index_cast %get3A_403 : i32 to index
        %get3A_405 = arith.index_cast %add3A_402 : i32 to index
        %get3A_406 = tpu.vector_load %arg11[%get3A_404, %get3A_405] {strides = array<i32>} : memref<16x512xf32, #tpu.memory_space<vmem>>, vector<16xf32>,
        %mul3A_407 = arith.mulf %gather3A_397, %get3A_406 : vector<16xf32>
        %add3A_408 = arith.addf %add3A_393, %mul3A_407 : vector<16xf32>
        %add3A_409 = arith.constant 12 : i32
        %add3A_410 = vector.broadcast %add3A_409 : i32 to vector<16xi32>
        %add3A_411 = arith.addi %get3A_228, %add3A_410 : vector<16xi32>
        %gather3A_412 = tpu.vector_load_idx %arg10[%add3A_224, %add3A_411] : memref<128x128xf32, #tpu.memory_space<vmem>>[vector<16xi32>, vector<16xi32>], vector<16xf32>,
        %mul3A_413 = arith.constant 128 : i32
        %mul3A_414 = arith.muli %and3A_199, %mul3A_413 : i32
        %mul3A_415 = arith.constant 16 : i32
        %mul3A_416 = arith.muli %add3A_220, %mul3A_415 : i32
        %add3A_417 = arith.addi %mul3A_414, %mul3A_416 : i32
        %get3A_418 = arith.constant 12 : i32
        %get3A_419 = arith.index_cast %get3A_418 : i32 to index
        %get3A_420 = arith.index_cast %add3A_417 : i32 to index
        %get3A_421 = tpu.vector_load %arg11[%get3A_419, %get3A_420] {strides = array<i32>} : memref<16x512xf32, #tpu.memory_space<vmem>>, vector<16xf32>,
        %mul3A_422 = arith.mulf %gather3A_412, %get3A_421 : vector<16xf32>
        %add3A_423 = arith.addf %add3A_408, %mul3A_422 : vector<16xf32>
        %add3A_424 = arith.constant 13 : i32
        %add3A_425 = vector.broadcast %add3A_424 : i32 to vector<16xi32>
        %add3A_426 = arith.addi %get3A_228, %add3A_425 : vector<16xi32>
        %gather3A_427 = tpu.vector_load_idx %arg10[%add3A_224, %add3A_426] : memref<128x128xf32, #tpu.memory_space<vmem>>[vector<16xi32>, vector<16xi32>], vector<16xf32>,
        %mul3A_428 = arith.constant 128 : i32
        %mul3A_429 = arith.muli %and3A_199, %mul3A_428 : i32
        %mul3A_430 = arith.constant 16 : i32
        %mul3A_431 = arith.muli %add3A_220, %mul3A_430 : i32
        %add3A_432 = arith.addi %mul3A_429, %mul3A_431 : i32
        %get3A_433 = arith.constant 13 : i32
        %get3A_434 = arith.index_cast %get3A_433 : i32 to index
        %get3A_435 = arith.index_cast %add3A_432 : i32 to index
        %get3A_436 = tpu.vector_load %arg11[%get3A_434, %get3A_435] {strides = array<i32>} : memref<16x512xf32, #tpu.memory_space<vmem>>, vector<16xf32>,
        %mul3A_437 = arith.mulf %gather3A_427, %get3A_436 : vector<16xf32>
        %add3A_438 = arith.addf %add3A_423, %mul3A_437 : vector<16xf32>
        %add3A_439 = arith.constant 14 : i32
        %add3A_440 = vector.broadcast %add3A_439 : i32 to vector<16xi32>
        %add3A_441 = arith.addi %get3A_228, %add3A_440 : vector<16xi32>
        %gather3A_442 = tpu.vector_load_idx %arg10[%add3A_224, %add3A_441] : memref<128x128xf32, #tpu.memory_space<vmem>>[vector<16xi32>, vector<16xi32>], vector<16xf32>,
        %mul3A_443 = arith.constant 128 : i32
        %mul3A_444 = arith.muli %and3A_199, %mul3A_443 : i32
        %mul3A_445 = arith.constant 16 : i32
        %mul3A_446 = arith.muli %add3A_220, %mul3A_445 : i32
        %add3A_447 = arith.addi %mul3A_444, %mul3A_446 : i32
        %get3A_448 = arith.constant 14 : i32
        %get3A_449 = arith.index_cast %get3A_448 : i32 to index
        %get3A_450 = arith.index_cast %add3A_447 : i32 to index
        %get3A_451 = tpu.vector_load %arg11[%get3A_449, %get3A_450] {strides = array<i32>} : memref<16x512xf32, #tpu.memory_space<vmem>>, vector<16xf32>,
        %mul3A_452 = arith.mulf %gather3A_442, %get3A_451 : vector<16xf32>
        %add3A_453 = arith.addf %add3A_438, %mul3A_452 : vector<16xf32>
        %add3A_454 = arith.constant 15 : i32
        %add3A_455 = vector.broadcast %add3A_454 : i32 to vector<16xi32>
        %add3A_456 = arith.addi %get3A_228, %add3A_455 : vector<16xi32>
        %gather3A_457 = tpu.vector_load_idx %arg10[%add3A_224, %add3A_456] : memref<128x128xf32, #tpu.memory_space<vmem>>[vector<16xi32>, vector<16xi32>], vector<16xf32>,
        %mul3A_458 = arith.constant 128 : i32
        %mul3A_459 = arith.muli %and3A_199, %mul3A_458 : i32
        %mul3A_460 = arith.constant 16 : i32
        %mul3A_461 = arith.muli %add3A_220, %mul3A_460 : i32
        %add3A_462 = arith.addi %mul3A_459, %mul3A_461 : i32
        %get3A_463 = arith.constant 15 : i32
        %get3A_464 = arith.index_cast %get3A_463 : i32 to index
        %get3A_465 = arith.index_cast %add3A_462 : i32 to index
        %get3A_466 = tpu.vector_load %arg11[%get3A_464, %get3A_465] {strides = array<i32>} : memref<16x512xf32, #tpu.memory_space<vmem>>, vector<16xf32>,
        %mul3A_467 = arith.mulf %gather3A_457, %get3A_466 : vector<16xf32>
        %add3A_468 = arith.addf %add3A_453, %mul3A_467 : vector<16xf32>
        %mul3A_469 = arith.constant 16 : i32
        %mul3A_470 = arith.muli %add3A_220, %mul3A_469 : i32
        %swap3A = arith.index_cast %add3A_203 : i32 to index
        %swap3A_471 = arith.index_cast %mul3A_470 : i32 to index
        %swap3A_472 = tpu.vector_load %arg12[%swap3A, %swap3A_471] {strides = array<i32>} : memref<44x128xf32, #tpu.memory_space<vmem>>, vector<16xf32>,
        tpu.vector_store %arg12[%swap3A, %swap3A_471], %add3A_468 {strides = array<i32>} : memref<44x128xf32, #tpu.memory_space<vmem>>, vector<16xf32>,
      }
      %scan3A_208 = arith.constant 8 : i32
      %add3A_209 = arith.constant 3 : i32
      %add3A_210 = arith.addi %add3A_165, %add3A_209 : i32
      %lt3A_211 = arith.constant 40 : i32
      %lt3A_212 = arith.cmpi slt, %add3A_210, %lt3A_211 : i32
      %convert_element_type3A_213 = arith.extui %lt3A_212 : i1 to i32
      %cond3A_214 = arith.constant 0 : i32
      %cond3A_215 = arith.cmpi ne, %convert_element_type3A_213, %cond3A_214 : i32
      scf.if %cond3A_215 {
        %add3A_216 = arith.constant 8 : i32
        %add3A_217 = arith.addi %add3A_216, %add3A_165 : i32
        %add3A_218 = arith.constant 3 : i32
        %add3A_219 = arith.addi %add3A_217, %add3A_218 : i32
        %dma_start3A_220 = arith.constant 0 : i32
        %dma_start3A_221 = tpu.memref_slice %arg7[%add3A_219, %dma_start3A_220] : memref<48x128xi32, #tpu.memory_space<vmem>> -> memref<1x128xi32, #tpu.memory_space<vmem>>
        %dma_start3A_222 = tpu.memref_squeeze %dma_start3A_221 : memref<1x128xi32, #tpu.memory_space<vmem>> -> memref<128xi32, #tpu.memory_space<vmem>>
        %dma_start3A_223 = arith.constant 0 : i32
        %dma_start3A_224 = arith.constant 0 : i32
        %dma_start3A_225 = tpu.memref_slice %arg2[%dma_start3A_223, %dma_start3A_224] : memref<125000x128xf32, #tpu.memory_space<hbm>> -> memref<125000x128xf32, #tpu.memory_space<hbm>>
        tpu.enqueue_indirect_dma source(%dma_start3A_225 : memref<125000x128xf32, #tpu.memory_space<hbm>>) target(%arg10 : memref<128x128xf32, #tpu.memory_space<vmem>>) offsets(%dma_start3A_222 : memref<128xi32, #tpu.memory_space<vmem>>) semaphore(%arg14 : memref<!tpu.dma_semaphore, #tpu.memory_space<semaphore_mem>>)
      } else {
      }
    }
    %scan3A_160 = arith.constant 20 : i32
    "tpu.region"() ({
      %run_scoped3A = tpu.sem_alloc : memref<!tpu.dma_semaphore, #tpu.memory_space<semaphore_mem>>
      %dma_start3A_161 = arith.constant 0 : i32
      %dma_start3A_162 = arith.constant 0 : i32
      %dma_start3A_163 = tpu.memref_slice %arg6[%add3A, %dma_start3A_161, %dma_start3A_162] : memref<32x44x128xf32, #tpu.memory_space<hbm>> -> memref<1x44x128xf32, #tpu.memory_space<hbm>>
      %dma_start3A_164 = tpu.memref_squeeze %dma_start3A_163 : memref<1x44x128xf32, #tpu.memory_space<hbm>> -> memref<44x128xf32, #tpu.memory_space<hbm>>
      %dma_start3A_165 = arith.constant 0 : i32
      %dma_start3A_166 = arith.constant 0 : i32
      %dma_start3A_167 = tpu.memref_slice %arg6[%add3A, %dma_start3A_165, %dma_start3A_166] : memref<32x44x128xf32, #tpu.memory_space<hbm>> -> memref<1x44x128xf32, #tpu.memory_space<hbm>>
      %dma_start3A_168 = tpu.memref_squeeze %dma_start3A_167 : memref<1x44x128xf32, #tpu.memory_space<hbm>> -> memref<44x128xf32, #tpu.memory_space<hbm>>
      tpu.enqueue_dma source(%arg12 : memref<44x128xf32, #tpu.memory_space<vmem>>) target(%dma_start3A_168 : memref<44x128xf32, #tpu.memory_space<hbm>>) target_semaphore(%run_scoped3A : memref<!tpu.dma_semaphore, #tpu.memory_space<semaphore_mem>>)
      %dma_wait3A_169 = arith.constant 0 : i32
      %dma_wait3A_170 = arith.constant 0 : i32
      %dma_wait3A_171 = tpu.memref_slice %arg6[%add3A, %dma_wait3A_169, %dma_wait3A_170] : memref<32x44x128xf32, #tpu.memory_space<hbm>> -> memref<1x44x128xf32, #tpu.memory_space<hbm>>
      %dma_wait3A_172 = tpu.memref_squeeze %dma_wait3A_171 : memref<1x44x128xf32, #tpu.memory_space<hbm>> -> memref<44x128xf32, #tpu.memory_space<hbm>>
      %dma_wait3A_173 = arith.constant 0 : i32
      %dma_wait3A_174 = arith.constant 0 : i32
      %dma_wait3A_175 = tpu.memref_slice %arg6[%add3A, %dma_wait3A_173, %dma_wait3A_174] : memref<32x44x128xf32, #tpu.memory_space<hbm>> -> memref<1x44x128xf32, #tpu.memory_space<hbm>>
      %dma_wait3A_176 = tpu.memref_squeeze %dma_wait3A_175 : memref<1x44x128xf32, #tpu.memory_space<hbm>> -> memref<44x128xf32, #tpu.memory_space<hbm>>
      tpu.wait_dma2 semaphore(%run_scoped3A : memref<!tpu.dma_semaphore, #tpu.memory_space<semaphore_mem>>) src(%arg12 : memref<44x128xf32, #tpu.memory_space<vmem>>) dst(%dma_wait3A_176 : memref<44x128xf32, #tpu.memory_space<hbm>>)
      tpu.yield
    }) : () -> ()
    return
  }
}

module attributes {stable_mosaic.version = 14 : i64} {
  func.func @_tc_loss_body(%arg0: memref<32x44x128xf32, #tpu.memory_space<vmem>>, %arg1: memref<1x1xf32, #tpu.memory_space<smem>>) attributes {dimension_semantics = [], scalar_prefetch = 0 : i64, scratch_operands = 0 : i64, tpu.core_type = #tpu.core_type<tc>} {
    %get3A = arith.constant 0 : index
    %get3A_0 = arith.constant 0 : index
    %get3A_1 = arith.constant 0 : index
    %get3A_2 = vector.load %arg0[%get3A, %get3A_0, %get3A_1] : memref<32x44x128xf32, #tpu.memory_space<vmem>>, vector<32x44x128xf32>
    %max3A = arith.constant 0.000000e+00 : f32
    %max3A_3 = vector.broadcast %max3A : f32 to vector<32x44x128xf32>
    %max3A_4 = arith.maximumf %get3A_2, %max3A_3 : vector<32x44x128xf32>
    %abs3A = math.absf %get3A_2 : vector<32x44x128xf32>
    %neg3A = arith.constant 0.000000e+00 : f32
    %neg3A_5 = vector.broadcast %neg3A : f32 to vector<32x44x128xf32>
    %neg3A_6 = arith.subf %neg3A_5, %abs3A : vector<32x44x128xf32>
    %exp3A = math.exp %neg3A_6 : vector<32x44x128xf32>
    %log1p3A = math.log1p %exp3A : vector<32x44x128xf32>
    %add3A = arith.addf %max3A_4, %log1p3A : vector<32x44x128xf32>
    %reduce_sum3A = vector.shape_cast %add3A : vector<32x44x128xf32> to vector<1x32x44x128xf32>
    %reduce_sum3A_7 = arith.constant dense<0.000000e+00> : vector<1xf32>
    %reduce_sum3A_8 = vector.multi_reduction <add>, %reduce_sum3A, %reduce_sum3A_7 [1, 2, 3] : vector<1x32x44x128xf32> to vector<1xf32>
    %reduce_sum3A_9 = vector.shape_cast %reduce_sum3A_8 : vector<1xf32> to vector<1x1x1x1xf32>
    %reduce_sum3A_10 = vector.extract %reduce_sum3A_9[0, 0, 0, 0] : f32 from vector<1x1x1x1xf32>
    %div3A = arith.constant 1.638400e+04 : f32
    %div3A_11 = arith.divf %reduce_sum3A_10, %div3A : f32
    %swap3A = arith.constant 0 : index
    %swap3A_12 = arith.constant 0 : index
    %swap3A_13 = memref.load %arg1[%swap3A, %swap3A_12] : memref<1x1xf32, #tpu.memory_space<smem>>
    memref.store %div3A_11, %arg1[%swap3A, %swap3A_12] : memref<1x1xf32, #tpu.memory_space<smem>>
    return
  }
}

</mosaic_0001>

<sc_bundles>
// kernel: kernel.4.cloned.1.call-start
scs
__scs_entry_jumppad:
0x0: {  	(pc) =	sbr.rel $0x88, $3  }
0x1: {  	(tag) =	ssettag $0x0;
	lr =	simm.s32 $0x1  }
0x2: {  	[smem:$0x3F9C] =	sst lr;
	_ =	strace $0xD0000000  }
0x3: {  	_ = 	snop  }
0x4: {  	_ = 	snop  }
0x5: {  	_ = 	snop  }
0x6: {  	_ = 	snop  }
0x7: {  	_ = 	snop  }
__scs_overlays_trampoline_lowered:
0x8: {  	[smem:$0x3FAB] =	sst s0  }
0x9: {  	[smem:$0x3FAC] =	sst s1  }
0xa: {  	[smem:$0x3FAD] =	sst s2  }
0xb: {  	[smem:$0x3FAE] =	sst s3  }
0xc: {  	[smem:$0x3FAF] =	sst s4  }
0xd: {  	[smem:$0x3FB0] =	sst s5  }
0xe: {  	[smem:$0x3FB1] =	sst s6  }
0xf: {  	[smem:$0x3FB2] =	sst s7  }
0x10: {  	[smem:$0x3FB3] =	sst s8  }
0x11: {  	[smem:$0x3FB4] =	sst s9;
	s0 =	simm.s32 @!p0 $0x0  }
0x12: {  	s1 =	sld [smem:$0x3F9A];
	s0 =	simm.s32 @p0 $0x1  }
0x13: {  	[smem:$0x3FB5] =	sst s0;
	s0 =	simm.s32 @!p1 $0x0  }
0x14: {  	s2 =	sld [smem:$0x3F99];
	s0 =	simm.s32 @p1 $0x1  }
0x15: {  	[smem:$0x3FB6] =	sst s0;
	s0 =	simm.s32 @!p2 $0x0  }
0x16: {  	s3 =	sld [smem:$0x3FDB];
	s0 =	simm.s32 @p2 $0x1  }
0x17: {  	s4 =	simm.s32 $0x1BF5;
	[smem:$0x3FB8] =	sst s0  }
0x18: {  	s0 =	sld [smem:$0x3F9B];
	_ =	swait.ge [sflag:s4], $0x0  }
0x19: {  	s7 =	sld [smem:$0x3F9C]  }
0x1a: {  	s8 =	sadd.s32 $0xFFFFE003, lr  }
0x1b: {  	s9 =	sadd.s32 $0xFFFFFEF7, lr;
	s5 =	simm.s32 $0xFFFFFFFF;
	p2 =	slt.u32 s8, $0xFFFFF086  }
0x1c: {  	p1 =	slt.u32 s9, $0xF7A;
	s5 =	simm.s32 @!p2 $0x0  }
0x1d: {  	s5 =	simm.s32 @p1 $0x1;
	p0 =	seq.s32 s7, s2  }
0x1e: {  	s7 =	smul.u32 @!p0 $0xF7A, s2;
	p2 =	seq.s32 @!p0 s5, $0x0  }
0x1f: {  	s9 =	smul.u32 $0xF7A, s1;
	s8 =	simm.s32 @!p0 $0x1BF5;
	p2 =	por !p2, p0  }
0x20: {  	[sflag:s8] =	ssyncset.s32 @!p0 $0xFFFFF086;
	s6 =	sadd.s32 @!p0 s3, s7;
	s7 =	simm.s32 @!p0 $0x108  }
0x21: {  	s3 =	sadd.s32 s3, s9;
	s6 =	sadd.s32 @!p0 $0x88, s6;
	s7 =	simm.s32 @p2 $0x1082  }
0x22: {  	[simem:s7], [sflag:s8] =	dma.local @!p0 [hbm:s6], $0xF7A  }
0x23: {  	s9 =	sor.u32 $0xD0000000, s2;
	s6 =	simm.s32 $0x108;
	_ =	swait.ge @!p0 [sflag:s8], $0x0  }
0x24: {  	s3 =	sadd.s32 $0x88, s3;
	s6 =	simm.s32 @!p1 $0x1082;
	[sflag:s4] =	ssyncset.s32 $0xFFFFF086  }
0x25: {  	[simem:s6], [sflag:s4] =	dma.local [hbm:s3], $0xF7A  }
0x26: {  	[smem:$0x3F9C] =	sst s1;
	(tag) =	ssettag s2;
	_ =	strace s9  }
0x27: {  	s1 =	sld [smem:$0x3FAC]  }
0x28: {  	s2 =	sld [smem:$0x3FAD]  }
0x29: {  	s4 =	sld [smem:$0x3FAF]  }
0x2a: {  	p0 =	seq.s32 s5, $0x0;
	s5 =	sld [smem:$0x3FB0]  }
0x2b: {  	s6 =	sld [smem:$0x3FB1]  }
0x2c: {  	s7 =	sld [smem:$0x3FB2]  }
0x2d: {  	s3 =	simm.s32 $0x108;
	s8 =	sld [smem:$0x3FB3]  }
0x2e: {  	s3 =	simm.s32 @!p0 $0x1082;
	s9 =	sld [smem:$0x3FB4]  }
0x2f: {  	lr =	sadd.s32 s0, s3;
	s0 =	sld [smem:$0x3FAB]  }
0x30: {  	s3 =	sld [smem:$0x3FAE]  }
0x31: {  	[smem:$0x3FB7] =	sst s10  }
0x32: {  	s10 =	sld [smem:$0x3FB5];
	_ =	sdelay $0x3  }
0x33: {  	p0 =	seq.s32 s10, $0x1;
	s10 =	sld [smem:$0x3FB7];
	_ =	sdelay $0x3  }
0x34: {  	[smem:$0x3FB7] =	sst s10  }
0x35: {  	s10 =	sld [smem:$0x3FB6];
	_ =	sdelay $0x3  }
0x36: {  	p1 =	seq.s32 s10, $0x1;
	s10 =	sld [smem:$0x3FB7];
	_ =	sdelay $0x3  }
0x37: {  	[smem:$0x3FB7] =	sst s10  }
0x38: {  	s10 =	sld [smem:$0x3FB8]  }
0x39: {  	_ = 	snop;
	(pc) =	sbr.ind lr, $3  }
0x3a: {  	_ = 	snop  }
0x3b: {  	_ = 	snop  }
0x3c: {  	p2 =	seq.s32 s10, $0x1;
	s10 =	sld [smem:$0x3FB7]  }
0x3d: {  	_ =	shalt  }
0x3e: {  	_ =	shalt  }
0x3f: {  	_ =	shalt  }
0x40: {  	_ =	shalt  }
0x41: {  	_ =	shalt  }
0x42: {  	_ =	shalt  }
0x43: {  	_ =	shalt  }
0x44: {  	_ =	shalt  }
0x45: {  	_ =	shalt  }
0x46: {  	_ =	shalt  }
0x47: {  	_ =	shalt  }
0x48: {  	_ =	shalt  }
0x49: {  	_ =	shalt  }
0x4a: {  	_ =	shalt  }
0x4b: {  	_ =	shalt  }
0x4c: {  	_ =	shalt  }
0x4d: {  	_ =	shalt  }
0x4e: {  	_ =	shalt  }
0x4f: {  	_ =	shalt  }
0x50: {  	_ =	shalt  }
0x51: {  	_ =	shalt  }
0x52: {  	_ =	shalt  }
0x53: {  	_ =	shalt  }
0x54: {  	_ =	shalt  }
0x55: {  	_ =	shalt  }
0x56: {  	_ =	shalt  }
0x57: {  	_ =	shalt  }
0x58: {  	_ =	shalt  }
0x59: {  	_ =	shalt  }
0x5a: {  	_ =	shalt  }
0x5b: {  	_ =	shalt  }
0x5c: {  	_ =	shalt  }
0x5d: {  	_ =	shalt  }
0x5e: {  	_ =	shalt  }
0x5f: {  	_ =	shalt  }
0x60: {  	_ =	shalt  }
0x61: {  	_ =	shalt  }
0x62: {  	_ =	shalt  }
0x63: {  	_ =	shalt  }
0x64: {  	_ =	shalt  }
0x65: {  	_ =	shalt  }
0x66: {  	_ =	shalt  }
0x67: {  	_ =	shalt  }
0x68: {  	_ =	shalt  }
0x69: {  	_ =	shalt  }
0x6a: {  	_ =	shalt  }
0x6b: {  	_ =	shalt  }
0x6c: {  	_ =	shalt  }
0x6d: {  	_ =	shalt  }
0x6e: {  	_ =	shalt  }
0x6f: {  	_ =	shalt  }
0x70: {  	_ =	shalt  }
0x71: {  	_ =	shalt  }
0x72: {  	_ =	shalt  }
0x73: {  	_ =	shalt  }
0x74: {  	_ =	shalt  }
0x75: {  	_ =	shalt  }
0x76: {  	_ =	shalt  }
0x77: {  	_ =	shalt  }
0x78: {  	_ =	shalt  }
0x79: {  	_ =	shalt  }
0x7a: {  	_ =	shalt  }
0x7b: {  	_ =	shalt  }
0x7c: {  	_ =	shalt  }
0x7d: {  	_ =	shalt  }
0x7e: {  	_ =	shalt  }
0x7f: {  	_ =	shalt  }
0x80: {  	_ =	shalt  }
0x81: {  	_ =	shalt  }
0x82: {  	_ =	shalt  }
0x83: {  	_ =	shalt  }
0x84: {  	_ =	shalt  }
0x85: {  	_ =	shalt  }
0x86: {  	_ =	shalt  }
0x87: {  	_ =	shalt  }
.Lfunc_end0:
.L_simem_size_0:
called_computation_lowered:
.L_overlay_start_0:
0x88: {  	s2 =	sld [smem:$0x3FD9]  }
0x89: {  	s3 =	sld [smem:$0x3FFE];
	_ =	sdelay $0x1  }
0x8a: {  	s1 =	srdreg.scid  }
0x8b: {  	s0 =	sand.u32 $0x1, s1  }
0x8c: {  	s16 =	sshll.u32 s0, $0xA;
	s2 =	sadd.s32 s3, s2  }
0x8d: {  	s2 =	sadd.s32 s2, s16  }
0x8e: {  	[smem:$0x3FC3] =	sst s2  }
0x8f: {  	_ = 	snop  }
0x90: {  	(tm) =	ssettm $0x1  }
0x91: {  	s17 =	sld [smem:$0x3FFB];
	_ =	sdelay $0x3  }
0x92: {  	_ =	strace s17  }
0x93: {  	s2 =	sld [smem:$0x3FFC];
	_ =	sdelay $0x3  }
0x94: {  	_ =	strace s2  }
0x95: {  	s2 =	sld [smem:$0x3FFD];
	_ =	sdelay $0x3  }
0x96: {  	_ =	strace s2  }
0x97: {  	_ =	strace $0x8FFFFFFF  }
0x98: {  	s18 =	sld [smem:$0x3FDB];
	_ =	sdelay $0x1  }
0x99: {  	s19 =	simm.s32 $_scs_section_size  }
0x9a: {  	s4 =	simm.s32 $_size__tile_overlayer_lowered;
	s5 =	simm.s32 $_tile_overlayer_lowered  }
0x9b: {  	s22 =	simm.s32 $0x1BFF;
	s21 =	sshll.u32 s5, $0x1;
	s2 =	sadd.s32 s19, s18  }
0x9c: {  	s6 =	simm.s32 $0x0;
	s20 =	sshll.u32 s4, $0x1;
	s4 =	sadd.s32 s21, s2  }
0x9d: {  	[timem:s6], [sflag:s22] =	dma.local [hbm:s4], s20  }
0x9e: {  	_ =	swait.ge [sflag:s22], s20  }
0x9f: {  	s3 =	ssub.s32 $0x0, s20;
	[sflag:s22] =	ssyncset.done $0x0  }
0xa0: {  	[sflag:s22] =	ssyncadd.s32 s3;
	_ =	sdelay $0x1  }
0xa1: {  	s23 =	simm.s32 $0x1B8B  }
0xa2: {  	_ =	swait.ge [sflag:s23], $0x1  }
0xa3: {  	[sflag:s23] =	ssyncset.done $0x0  }
0xa4: {  	s25 =	simm.s32 $0x1B8E;
	s24 =	sld [smem:$0x3FFE];
	[sflag:s23] =	ssyncadd.s32 $0xFFFFFFFF  }
0xa5: {  	s26 =	simm.s32 $execute0_lowered;
	[smem:$0x3FD2] =	sst s25  }
0xa6: {  	s4 =	sshll.u32 s26, $0x1;
	_ =	strace $0x80000046;
	[dreg:$0x1] =	wrdreg $0xFFFFFFFF  }
0xa7: {  	s28 =	simm.s32 $_size_execute0_lowered;
	s2 =	sadd.s32 s2, s4;
	[dreg:$0x0] =	wrdreg $0x0  }
0xa8: {  	s4 =	sshll.u32 s28, $0x1;
	[dreg:$0x2] =	wrdreg s2  }
0xa9: {  	[dreg:$0x3] =	wrdreg s4  }
0xaa: {  	[dreg:$0x4] =	wrdreg $0xC0  }
0xab: {  	_ =	task [dreg:s6], $0x5FFFF  }
0xac: {  	[dreg:$0x1] =	wrdreg $0xFFFFFFFF  }
0xad: {  	[dreg:$0x0] =	wrdreg $0x60  }
0xae: {  	[dreg:$0x2] =	wrdreg s24  }
0xaf: {  	[dreg:$0x3] =	wrdreg $0x9  }
0xb0: {  	_ =	task.clear_ibuf [dreg:s6], $0x4FFFF;
	_ =	strace $0x90000046  }
0xb1: {  	s29 =	simm.s32 $0x9;
	_ =	strace $0x80000048  }
0xb2: {  	_ =	swait.ge [sflag:s29], $0x1  }
0xb3: {  	[sflag:s29] =	ssyncadd.s32 $0xFFFFFFFF  }
0xb4: {  	_ =	strace $0x90000048  }
0xb5: {  	_ =	sfence  }
0xb6: {  	s30 =	sld [smem:$0x0];
	_ =	sdelay $0x2  }
0xb7: {  	s31 =	sshll.u32 s1, $0xD;
	s1 =	sshrl.u32 s1, $0x2  }
0xb8: {  	s3 =	sand.u32 $0x4000, s31;
	s1 =	sadd.s32 s1, s30  }
0xb9: {  	s0 =	sor.u32 s3, s0;
	s1 =	sshll.u32 s1, $0x11  }
0xba: {  	s0 =	sor.u32 s1, s0  }
0xbb: {  	s0 =	sadd.s32 $0x8F2B, s0  }
0xbc: {  	[sflag:s0] =	ssyncadd.remote.s32 $0x1  }
0xbd: {  	_ =	sfence.sel $0xFFFF  }
0xbe: {  	[dreg:$0x0] =	wrdreg $0xFFFFFFFF;
	(pc) =	sbr.abs _section_cstart, $3  }
0xbf: {  	[dreg:$0x1] =	wrdreg $0xFFFFFFFF  }
0xc0: {  	_ =	task.clear_ibuf [dreg:s6], $0x2FFFF;
	_ =	strace $0x9FFFFFFF  }
0xc1: {  	(tm) =	ssettm $0x7FFFFFFF  }
tec
execute0_lowered:
.L_overlay_start_1:
0x0: {  	(tag) =	ssettag $0x1  }
0x1: {  	s0 =	srdreg.scid;
	s2 =	stileid.u32  }
0x2: {  	s1 =	rddreg [dreg:$0x0];
	s9 =	simm.s32 $0x3;
	s10 =	simm.s32 $0x80  }
0x3: {  	s11 =	simm.s32 $0x3000;
	s12 =	simm.s32 $0x7000;
	s13 =	simm.s32 $0x1  }
0x4: {  	s15 =	simm.s32 $0x2;
	s21 =	simm.s32 $0x400;
	s22 =	simm.s32 $0x480  }
0x5: {  	s23 =	simm.s32 $0xD000;
	s24 =	simm.s32 $0x0;
	s25 =	simm.s32 $0x0  }
0x6: {  	s0 =	sand.u32 $0x1, s0;
	s3 =	sshll.u32 s2, $0x1;
	s2 =	simm.s32 $0x0  }
.Ltmp0:
0x7: {  	s3 =	sor.u32 s0, s3;
	s0 =	ssub.s32 $0x2, s0;
	(pc) =	sbr.rel .LBB2_1-.Ltmp0, $4  }
0x8: {  	[smem:$0x7FF] =	sst s2;
	s5 =	smul.u32 $0x300, s3;
	s31 =	sshrl.u32 s0, $0x1  }
0x9: {  	s4 =	sadd.s32 $0x112BE00, s1;
	_ =	strace $0x80000047;
	s0 =	ssub.s32 s0, s31  }
0xa: {  	v0 =	vlaneseq.u32;
	s3 =	sadd.s32 $0xF43800, s1;
	s1 =	sadd.s32 s5, s1;
	s8 =	smax.u32 s0, $0x1  }
0xb: {  	v0 =	vmul.u32 $0x80, v0;
	s5 =	sadd.s32 $0x1400, s1;
	s6 =	sadd.s32 $0x7400, s1;
	s7 =	sadd.s32 $0xD400, s1  }
.LBB2_24:
0xc: {  	s24 =	sadd.s32 $0x1, s24  }
0xd: {  	p0 =	sne.s32 s24, s8  }
.Ltmp1:
0xe: {  	_ = 	snop;
	(pc) =	sbr.rel @!p0 .LBB2_25-.Ltmp1, $4  }
0xf: {  	[hbm4b:s7+s2] =	stream.linear.scatter [tilespmem:s23], [sflag:$0x3], $0x1600, $0x38;
	[tilespmem:$0xE800] =	vst v63  }
0x10: {  	_ =	swait.ge [sflag:s9], $0x1600  }
0x11: {  	[sflag:s9] =	ssyncset.done $0x0  }
0x12: {  	[sflag:s9] =	ssyncadd.s32 $0xFFFFEA00  }
.LBB2_1:
0x13: {  	[tilespmem:s2], [sflag:$0x3] =	stream.linear.gather [hbm4b:s5+s2], $0x1800, $0x38;
	[tilespmem:$0xE800] =	vst v63  }
0x14: {  	_ =	swait.ge [sflag:s9], $0x1800  }
0x15: {  	[sflag:s9] =	ssyncset.done $0x0  }
0x16: {  	s0 =	simm.s32 $0x1800;
	[sflag:s9] =	ssyncadd.s32 $0xFFFFE800  }
0x17: {  	[tilespmem:s0], [sflag:$0x3] =	stream.linear.gather [hbm4b:s6+s2], $0x1800, $0x38;
	[tilespmem:$0xE800] =	vst v63  }
0x18: {  	_ =	swait.ge [sflag:s9], $0x1800  }
0x19: {  	[sflag:s9] =	ssyncset.done $0x0  }
0x1a: {  	[sflag:s9] =	ssyncadd.s32 $0xFFFFE800  }
0x1b: {  	[tilespmem:s11], [sflag:$0x1] =	stream.indirect.gather [hbm4b:s3+s10], $0x80, s2, s10, $0xb8;
	[tilespmem:$0xE800] =	vst v63  }
0x1c: {  	_ = 	snop  }
0x1d: {  	[tilespmem:s12], [sflag:$0x2] =	stream.indirect.gather [hbm4b:s3+s10], $0x80, s10, s10, $0xb8;
	[tilespmem:$0xE800] =	vst v63  }
0x1e: {  	_ =	swait.ge [sflag:s13], $0x4000  }
0x1f: {  	[sflag:s13] =	ssyncset.done $0x0  }
0x20: {  	[sflag:s13] =	ssyncadd.s32 $0xFFFFC000  }
0x21: {  	v1 =	vld [tilespmem:s0+$0x0];
	_ =	sdelay $0x2  }
0x22: {  	v2 =	vmov s2  }
0x23: {  	v2 =	vshll.u32 v2, $0x7  }
0x24: {  	v2 =	vor.u32 v0, v2;
	v3 =	vand.u32 $0xFFFFFF80, v1  }
0x25: {  	v4 =	vand.u32 $0x7F, v1;
	v3 =	vadd.s32 v2, v3  }
0x26: {  	v3 =	vor.u32 v4, v3;
	_ =	sdelay $0x2  }
0x27: {  	v31 =	vadd.s32 $0x1, v1  }
0x28: {  	v5 =	vand.u32 $0xFFFFFF80, v31  }
0x29: {  	v5 =	vadd.s32 v2, v5;
	v4 =	vand.u32 $0x7F, v31;
	v3 =	vld.idx.msk [tilespmem:v3+s11+$0x0], $0xffff  }
0x2a: {  	v4 =	vor.u32 v4, v5;
	_ =	sdelay $0x2  }
0x2b: {  	s1 =	simm.s32 $0xC000;
	v32 =	vadd.s32 $0x2, v1  }
0x2c: {  	v6 =	vand.u32 $0xFFFFFF80, v32;
	[tilespmem:s1+$0xFFFFF000] =	vst v3  }
0x2d: {  	v5 =	vand.u32 $0x7F, v32;
	v3 =	vadd.s32 v2, v6;
	v4 =	vld.idx.msk [tilespmem:v4+s11+$0x0], $0xffff  }
0x2e: {  	v3 =	vor.u32 v5, v3;
	_ =	sdelay $0x2  }
0x2f: {  	v33 =	vadd.s32 $0x3, v1  }
0x30: {  	v34 =	vand.u32 $0xFFFFFF80, v33;
	[tilespmem:s1+$0xFFFFF080] =	vst v4  }
0x31: {  	v35 =	vadd.s32 v2, v34;
	v5 =	vand.u32 $0x7F, v33;
	v3 =	vld.idx.msk [tilespmem:v3+s11+$0x0], $0xffff  }
0x32: {  	v4 =	vor.u32 v5, v35;
	_ =	sdelay $0x2  }
0x33: {  	v36 =	vadd.s32 $0x4, v1  }
0x34: {  	v37 =	vand.u32 $0xFFFFFF80, v36;
	[tilespmem:s1+$0xFFFFF100] =	vst v3  }
0x35: {  	v5 =	vand.u32 $0x7F, v36;
	v3 =	vadd.s32 v2, v37;
	v4 =	vld.idx.msk [tilespmem:v4+s11+$0x0], $0xffff  }
0x36: {  	v3 =	vor.u32 v5, v3;
	_ =	sdelay $0x2  }
0x37: {  	v38 =	vadd.s32 $0x5, v1  }
0x38: {  	v39 =	vand.u32 $0xFFFFFF80, v38;
	[tilespmem:s1+$0xFFFFF180] =	vst v4  }
0x39: {  	v40 =	vadd.s32 v2, v39;
	v5 =	vand.u32 $0x7F, v38;
	v3 =	vld.idx.msk [tilespmem:v3+s11+$0x0], $0xffff  }
0x3a: {  	v4 =	vor.u32 v5, v40;
	_ =	sdelay $0x2  }
0x3b: {  	v41 =	vadd.s32 $0x6, v1  }
0x3c: {  	v42 =	vand.u32 $0xFFFFFF80, v41;
	[tilespmem:s1+$0xFFFFF200] =	vst v3  }
0x3d: {  	v5 =	vand.u32 $0x7F, v41;
	v3 =	vadd.s32 v2, v42;
	v4 =	vld.idx.msk [tilespmem:v4+s11+$0x0], $0xffff  }
0x3e: {  	v3 =	vor.u32 v5, v3;
	_ =	sdelay $0x2  }
0x3f: {  	v43 =	vadd.s32 $0x7, v1  }
0x40: {  	v44 =	vand.u32 $0xFFFFFF80, v43;
	[tilespmem:s1+$0xFFFFF280] =	vst v4  }
0x41: {  	v45 =	vadd.s32 v2, v44;
	v5 =	vand.u32 $0x7F, v43;
	v3 =	vld.idx.msk [tilespmem:v3+s11+$0x0], $0xffff  }
0x42: {  	v4 =	vor.u32 v5, v45;
	_ =	sdelay $0x2  }
0x43: {  	v46 =	vadd.s32 $0x8, v1  }
0x44: {  	v47 =	vand.u32 $0xFFFFFF80, v46;
	[tilespmem:s1+$0xFFFFF300] =	vst v3  }
0x45: {  	v5 =	vand.u32 $0x7F, v46;
	v3 =	vadd.s32 v2, v47;
	v4 =	vld.idx.msk [tilespmem:v4+s11+$0x0], $0xffff  }
0x46: {  	v3 =	vor.u32 v5, v3;
	_ =	sdelay $0x2  }
0x47: {  	v48 =	vadd.s32 $0x9, v1  }
0x48: {  	v49 =	vand.u32 $0xFFFFFF80, v48;
	[tilespmem:s1+$0xFFFFF380] =	vst v4  }
0x49: {  	v50 =	vadd.s32 v2, v49;
	v5 =	vand.u32 $0x7F, v48;
	v3 =	vld.idx.msk [tilespmem:v3+s11+$0x0], $0xffff  }
0x4a: {  	v4 =	vor.u32 v5, v50;
	_ =	sdelay $0x2  }
0x4b: {  	v51 =	vadd.s32 $0xA, v1  }
0x4c: {  	v52 =	vand.u32 $0xFFFFFF80, v51;
	[tilespmem:s1+$0x0] =	vst v3  }
0x4d: {  	v5 =	vand.u32 $0x7F, v51;
	v3 =	vadd.s32 v2, v52;
	v4 =	vld.idx.msk [tilespmem:v4+s11+$0x0], $0xffff  }
0x4e: {  	v3 =	vor.u32 v5, v3;
	_ =	sdelay $0x2  }
0x4f: {  	v53 =	vadd.s32 $0xB, v1  }
0x50: {  	v54 =	vand.u32 $0xFFFFFF80, v53;
	[tilespmem:s1+$0x80] =	vst v4  }
0x51: {  	v55 =	vadd.s32 v2, v54;
	v5 =	vand.u32 $0x7F, v53;
	v3 =	vld.idx.msk [tilespmem:v3+s11+$0x0], $0xffff  }
0x52: {  	v4 =	vor.u32 v5, v55;
	_ =	sdelay $0x2  }
0x53: {  	v56 =	vadd.s32 $0xC, v1  }
0x54: {  	v57 =	vand.u32 $0xFFFFFF80, v56;
	[tilespmem:s1+$0x100] =	vst v3  }
0x55: {  	v5 =	vand.u32 $0x7F, v56;
	v3 =	vadd.s32 v2, v57;
	v4 =	vld.idx.msk [tilespmem:v4+s11+$0x0], $0xffff  }
0x56: {  	v3 =	vor.u32 v5, v3;
	_ =	sdelay $0x2  }
0x57: {  	v58 =	vadd.s32 $0xD, v1  }
0x58: {  	v59 =	vand.u32 $0xFFFFFF80, v58;
	[tilespmem:s1+$0x180] =	vst v4  }
0x59: {  	v60 =	vadd.s32 v2, v59;
	v5 =	vand.u32 $0x7F, v58;
	v3 =	vld.idx.msk [tilespmem:v3+s11+$0x0], $0xffff  }
0x5a: {  	v4 =	vor.u32 v5, v60;
	_ =	sdelay $0x2  }
0x5b: {  	v61 =	vadd.s32 $0xE, v1  }
0x5c: {  	v62 =	vand.u32 $0xFFFFFF80, v61;
	[tilespmem:s1+$0x200] =	vst v3  }
0x5d: {  	v5 =	vand.u32 $0x7F, v61;
	v3 =	vadd.s32 v2, v62;
	v4 =	vld.idx.msk [tilespmem:v4+s11+$0x0], $0xffff  }
0x5e: {  	v3 =	vor.u32 v5, v3;
	_ =	sdelay $0x2  }
0x5f: {  	v1 =	vadd.s32 $0xF, v1  }
0x60: {  	v63 =	vand.u32 $0xFFFFFF80, v1;
	[tilespmem:s1+$0x280] =	vst v4  }
0x61: {  	v1 =	vand.u32 $0x7F, v1;
	v2 =	vadd.s32 v2, v63;
	v3 =	vld.idx.msk [tilespmem:v3+s11+$0x0], $0xffff  }
0x62: {  	v1 =	vor.u32 v1, v2;
	_ =	sdelay $0x3  }
0x63: {  	[tilespmem:s1+$0x300] =	vst v3  }
0x64: {  	s14 =	simm.s32 $0x10;
	v1 =	vld.idx.msk [tilespmem:v1+s11+$0x0], $0xffff  }
.LBB2_2:
0x65: {  	_ =	sdelay $0x3  }
0x66: {  	p0 =	sne.s32 s14, $0x70;
	s0 =	sadd.s32 $0x10, s0;
	[tilespmem:s1+$0x380] =	vst v1;
	s1 =	sadd.s32 $0x10, s1  }
0x67: {  	s16 =	smov.u32 s14;
	s14 =	sadd.s32 $0x10, s14;
	v1 =	vld [tilespmem:s0+$0x0];
	_ =	sdelay $0x2  }
0x68: {  	v2 =	vmov s16  }
0x69: {  	v2 =	vshll.u32 v2, $0x7  }
0x6a: {  	v2 =	vor.u32 v0, v2;
	v3 =	vand.u32 $0xFFFFFF80, v1;
	v4 =	vadd.s32 $0x1, v1  }
0x6b: {  	v5 =	vand.u32 $0x7F, v1;
	v3 =	vadd.s32 v2, v3;
	v6 =	vand.u32 $0xFFFFFF80, v4  }
0x6c: {  	v7 =	vadd.s32 $0x2, v1;
	v3 =	vor.u32 v5, v3;
	v5 =	vadd.s32 v2, v6  }
0x6d: {  	v8 =	vadd.s32 $0x3, v1;
	v9 =	vadd.s32 $0x4, v1;
	v6 =	vand.u32 $0xFFFFFF80, v7  }
0x6e: {  	v11 =	vand.u32 $0xFFFFFF80, v9;
	v10 =	vadd.s32 v2, v6;
	v6 =	vand.u32 $0xFFFFFF80, v8  }
0x6f: {  	v13 =	vadd.s32 $0x5, v1;
	v11 =	vadd.s32 v2, v11;
	v12 =	vadd.s32 v2, v6  }
0x70: {  	v14 =	vadd.s32 $0x6, v1;
	v15 =	vadd.s32 $0x7, v1;
	v6 =	vand.u32 $0xFFFFFF80, v13  }
0x71: {  	v17 =	vand.u32 $0xFFFFFF80, v15;
	v16 =	vadd.s32 v2, v6;
	v6 =	vand.u32 $0xFFFFFF80, v14;
	v3 =	vld.idx.msk [tilespmem:v3+s11+$0x0], $0xffff  }
0x72: {  	v4 =	vand.u32 $0x7F, v4;
	v17 =	vadd.s32 v2, v17;
	v18 =	vadd.s32 v2, v6  }
0x73: {  	v19 =	vadd.s32 $0x8, v1;
	v20 =	vadd.s32 $0x9, v1;
	v5 =	vor.u32 v4, v5  }
0x74: {  	v21 =	vadd.s32 $0xA, v1;
	v4 =	vand.u32 $0xFFFFFF80, v19;
	v6 =	vand.u32 $0xFFFFFF80, v20  }
0x75: {  	v22 =	vadd.s32 v2, v4;
	v4 =	vand.u32 $0xFFFFFF80, v21;
	v23 =	vadd.s32 v2, v6  }
0x76: {  	v25 =	vadd.s32 $0xB, v1;
	v24 =	vadd.s32 v2, v4;
	v6 =	vadd.s32 $0xC, v1  }
0x77: {  	v4 =	vadd.s32 $0xD, v1;
	v26 =	vand.u32 $0xFFFFFF80, v6;
	[tilespmem:s1+$0xFFFFF000] =	vst v3;
	v3 =	vand.u32 $0xFFFFFF80, v25  }
0x78: {  	v26 =	vadd.s32 v2, v26;
	v27 =	vld.idx.msk [tilespmem:v5+s11+$0x0], $0xffff;
	v28 =	vadd.s32 v2, v3;
	v3 =	vand.u32 $0xFFFFFF80, v4  }
0x79: {  	v5 =	vand.u32 $0x7F, v7;
	v7 =	vadd.s32 v2, v3;
	v3 =	vadd.s32 $0xE, v1  }
0x7a: {  	v10 =	vor.u32 v5, v10;
	v1 =	vadd.s32 $0xF, v1;
	v5 =	vand.u32 $0xFFFFFF80, v3  }
0x7b: {  	v29 =	vand.u32 $0xFFFFFF80, v1;
	v5 =	vadd.s32 v2, v5  }
0x7c: {  	v2 =	vadd.s32 v2, v29;
	_ =	sdelay $0x1  }
0x7d: {  	[tilespmem:s1+$0xFFFFF080] =	vst v27  }
0x7e: {  	v10 =	vld.idx.msk [tilespmem:v10+s11+$0x0], $0xffff  }
0x7f: {  	v8 =	vand.u32 $0x7F, v8  }
0x80: {  	v8 =	vor.u32 v8, v12;
	_ =	sdelay $0x3  }
0x81: {  	[tilespmem:s1+$0xFFFFF100] =	vst v10  }
0x82: {  	v8 =	vld.idx.msk [tilespmem:v8+s11+$0x0], $0xffff  }
0x83: {  	v9 =	vand.u32 $0x7F, v9  }
0x84: {  	v9 =	vor.u32 v9, v11;
	_ =	sdelay $0x3  }
0x85: {  	[tilespmem:s1+$0xFFFFF180] =	vst v8  }
0x86: {  	v8 =	vld.idx.msk [tilespmem:v9+s11+$0x0], $0xffff  }
0x87: {  	v9 =	vand.u32 $0x7F, v13  }
0x88: {  	v9 =	vor.u32 v9, v16;
	_ =	sdelay $0x3  }
0x89: {  	[tilespmem:s1+$0xFFFFF200] =	vst v8  }
0x8a: {  	v8 =	vld.idx.msk [tilespmem:v9+s11+$0x0], $0xffff  }
0x8b: {  	v9 =	vand.u32 $0x7F, v14  }
0x8c: {  	v9 =	vor.u32 v9, v18;
	_ =	sdelay $0x3  }
0x8d: {  	[tilespmem:s1+$0xFFFFF280] =	vst v8  }
0x8e: {  	v8 =	vld.idx.msk [tilespmem:v9+s11+$0x0], $0xffff  }
0x8f: {  	v9 =	vand.u32 $0x7F, v15  }
0x90: {  	v9 =	vor.u32 v9, v17;
	_ =	sdelay $0x3  }
0x91: {  	[tilespmem:s1+$0xFFFFF300] =	vst v8  }
0x92: {  	v8 =	vld.idx.msk [tilespmem:v9+s11+$0x0], $0xffff  }
0x93: {  	v9 =	vand.u32 $0x7F, v19  }
0x94: {  	v9 =	vor.u32 v9, v22;
	_ =	sdelay $0x3  }
0x95: {  	[tilespmem:s1+$0xFFFFF380] =	vst v8  }
0x96: {  	v8 =	vld.idx.msk [tilespmem:v9+s11+$0x0], $0xffff  }
0x97: {  	v9 =	vand.u32 $0x7F, v20  }
0x98: {  	v9 =	vor.u32 v9, v23;
	_ =	sdelay $0x3  }
0x99: {  	[tilespmem:s1+$0x0] =	vst v8  }
0x9a: {  	v8 =	vld.idx.msk [tilespmem:v9+s11+$0x0], $0xffff  }
0x9b: {  	v9 =	vand.u32 $0x7F, v21  }
0x9c: {  	v9 =	vor.u32 v9, v24;
	_ =	sdelay $0x3  }
0x9d: {  	[tilespmem:s1+$0x80] =	vst v8  }
0x9e: {  	v8 =	vld.idx.msk [tilespmem:v9+s11+$0x0], $0xffff  }
0x9f: {  	v9 =	vand.u32 $0x7F, v25  }
0xa0: {  	v9 =	vor.u32 v9, v28;
	_ =	sdelay $0x3  }
0xa1: {  	[tilespmem:s1+$0x100] =	vst v8  }
0xa2: {  	v8 =	vld.idx.msk [tilespmem:v9+s11+$0x0], $0xffff  }
0xa3: {  	v6 =	vand.u32 $0x7F, v6  }
0xa4: {  	v6 =	vor.u32 v6, v26;
	_ =	sdelay $0x3  }
0xa5: {  	[tilespmem:s1+$0x180] =	vst v8  }
0xa6: {  	v6 =	vld.idx.msk [tilespmem:v6+s11+$0x0], $0xffff  }
0xa7: {  	v4 =	vand.u32 $0x7F, v4  }
0xa8: {  	v4 =	vor.u32 v4, v7;
	_ =	sdelay $0x3  }
0xa9: {  	[tilespmem:s1+$0x200] =	vst v6  }
0xaa: {  	v4 =	vld.idx.msk [tilespmem:v4+s11+$0x0], $0xffff  }
0xab: {  	v3 =	vand.u32 $0x7F, v3  }
0xac: {  	v3 =	vor.u32 v3, v5;
	_ =	sdelay $0x3  }
0xad: {  	[tilespmem:s1+$0x280] =	vst v4  }
0xae: {  	v3 =	vld.idx.msk [tilespmem:v3+s11+$0x0], $0xffff  }
0xaf: {  	v1 =	vand.u32 $0x7F, v1  }
0xb0: {  	v1 =	vor.u32 v1, v2  }
.Ltmp2:
0xb1: {  	(pc) =	sbr.rel @p0 .LBB2_2-.Ltmp2, $3  }
0xb2: {  	_ =	sdelay $0x1  }
0xb3: {  	[tilespmem:s1+$0x300] =	vst v3  }
0xb4: {  	v1 =	vld.idx.msk [tilespmem:v1+s11+$0x0], $0xffff  }
0xb5: {  	_ =	sdelay $0x3  }
0xb6: {  	s0 =	simm.s32 $0x100;
	[tilespmem:s1+$0x380] =	vst v1  }
0xb7: {  	[tilespmem:s11], [sflag:$0x1] =	stream.indirect.gather [hbm4b:s3+s10], $0x80, s0, s10, $0xb8;
	[tilespmem:$0xE800] =	vst v63  }
0xb8: {  	_ =	swait.ge [sflag:s15], $0x4000  }
0xb9: {  	[sflag:s15] =	ssyncset.done $0x0  }
0xba: {  	s0 =	simm.s32 $0x1880;
	[sflag:s15] =	ssyncadd.s32 $0xFFFFC000  }
0xbb: {  	v1 =	vld [tilespmem:s0+$0x0];
	_ =	sdelay $0x1  }
0xbc: {  	s31 =	simm.s32 $0x0  }
0xbd: {  	v2 =	vmov s31  }
0xbe: {  	v2 =	vshll.u32 v2, $0x7  }
0xbf: {  	v2 =	vor.u32 v0, v2;
	v3 =	vand.u32 $0xFFFFFF80, v1  }
0xc0: {  	v4 =	vand.u32 $0x7F, v1;
	v3 =	vadd.s32 v2, v3  }
0xc1: {  	v3 =	vor.u32 v4, v3;
	_ =	sdelay $0x2  }
0xc2: {  	v31 =	vadd.s32 $0x1, v1  }
0xc3: {  	v5 =	vand.u32 $0xFFFFFF80, v31  }
0xc4: {  	v5 =	vadd.s32 v2, v5;
	v4 =	vand.u32 $0x7F, v31;
	v3 =	vld.idx.msk [tilespmem:v3+s12+$0x0], $0xffff  }
0xc5: {  	v4 =	vor.u32 v4, v5;
	_ =	sdelay $0x2  }
0xc6: {  	s1 =	simm.s32 $0xC400;
	v32 =	vadd.s32 $0x2, v1  }
0xc7: {  	v6 =	vand.u32 $0xFFFFFF80, v32;
	[tilespmem:s1+$0xFFFFF000] =	vst v3  }
0xc8: {  	v5 =	vand.u32 $0x7F, v32;
	v3 =	vadd.s32 v2, v6;
	v4 =	vld.idx.msk [tilespmem:v4+s12+$0x0], $0xffff  }
0xc9: {  	v3 =	vor.u32 v5, v3;
	_ =	sdelay $0x2  }
0xca: {  	v33 =	vadd.s32 $0x3, v1  }
0xcb: {  	v34 =	vand.u32 $0xFFFFFF80, v33;
	[tilespmem:s1+$0xFFFFF080] =	vst v4  }
0xcc: {  	v35 =	vadd.s32 v2, v34;
	v5 =	vand.u32 $0x7F, v33;
	v3 =	vld.idx.msk [tilespmem:v3+s12+$0x0], $0xffff  }
0xcd: {  	v4 =	vor.u32 v5, v35;
	_ =	sdelay $0x2  }
0xce: {  	v36 =	vadd.s32 $0x4, v1  }
0xcf: {  	v37 =	vand.u32 $0xFFFFFF80, v36;
	[tilespmem:s1+$0xFFFFF100] =	vst v3  }
0xd0: {  	v5 =	vand.u32 $0x7F, v36;
	v3 =	vadd.s32 v2, v37;
	v4 =	vld.idx.msk [tilespmem:v4+s12+$0x0], $0xffff  }
0xd1: {  	v3 =	vor.u32 v5, v3;
	_ =	sdelay $0x2  }
0xd2: {  	v38 =	vadd.s32 $0x5, v1  }
0xd3: {  	v39 =	vand.u32 $0xFFFFFF80, v38;
	[tilespmem:s1+$0xFFFFF180] =	vst v4  }
0xd4: {  	v40 =	vadd.s32 v2, v39;
	v5 =	vand.u32 $0x7F, v38;
	v3 =	vld.idx.msk [tilespmem:v3+s12+$0x0], $0xffff  }
0xd5: {  	v4 =	vor.u32 v5, v40;
	_ =	sdelay $0x2  }
0xd6: {  	v41 =	vadd.s32 $0x6, v1  }
0xd7: {  	v42 =	vand.u32 $0xFFFFFF80, v41;
	[tilespmem:s1+$0xFFFFF200] =	vst v3  }
0xd8: {  	v5 =	vand.u32 $0x7F, v41;
	v3 =	vadd.s32 v2, v42;
	v4 =	vld.idx.msk [tilespmem:v4+s12+$0x0], $0xffff  }
0xd9: {  	v3 =	vor.u32 v5, v3;
	_ =	sdelay $0x2  }
0xda: {  	v43 =	vadd.s32 $0x7, v1  }
0xdb: {  	v44 =	vand.u32 $0xFFFFFF80, v43;
	[tilespmem:s1+$0xFFFFF280] =	vst v4  }
0xdc: {  	v45 =	vadd.s32 v2, v44;
	v5 =	vand.u32 $0x7F, v43;
	v3 =	vld.idx.msk [tilespmem:v3+s12+$0x0], $0xffff  }
0xdd: {  	v4 =	vor.u32 v5, v45;
	_ =	sdelay $0x2  }
0xde: {  	v46 =	vadd.s32 $0x8, v1  }
0xdf: {  	v47 =	vand.u32 $0xFFFFFF80, v46;
	[tilespmem:s1+$0xFFFFF300] =	vst v3  }
0xe0: {  	v5 =	vand.u32 $0x7F, v46;
	v3 =	vadd.s32 v2, v47;
	v4 =	vld.idx.msk [tilespmem:v4+s12+$0x0], $0xffff  }
0xe1: {  	v3 =	vor.u32 v5, v3;
	_ =	sdelay $0x2  }
0xe2: {  	v48 =	vadd.s32 $0x9, v1  }
0xe3: {  	v49 =	vand.u32 $0xFFFFFF80, v48;
	[tilespmem:s1+$0xFFFFF380] =	vst v4  }
0xe4: {  	v50 =	vadd.s32 v2, v49;
	v5 =	vand.u32 $0x7F, v48;
	v3 =	vld.idx.msk [tilespmem:v3+s12+$0x0], $0xffff  }
0xe5: {  	v4 =	vor.u32 v5, v50;
	_ =	sdelay $0x2  }
0xe6: {  	v51 =	vadd.s32 $0xA, v1  }
0xe7: {  	v52 =	vand.u32 $0xFFFFFF80, v51;
	[tilespmem:s1+$0x0] =	vst v3  }
0xe8: {  	v5 =	vand.u32 $0x7F, v51;
	v3 =	vadd.s32 v2, v52;
	v4 =	vld.idx.msk [tilespmem:v4+s12+$0x0], $0xffff  }
0xe9: {  	v3 =	vor.u32 v5, v3;
	_ =	sdelay $0x2  }
0xea: {  	v53 =	vadd.s32 $0xB, v1  }
0xeb: {  	v54 =	vand.u32 $0xFFFFFF80, v53;
	[tilespmem:s1+$0x80] =	vst v4  }
0xec: {  	v55 =	vadd.s32 v2, v54;
	v5 =	vand.u32 $0x7F, v53;
	v3 =	vld.idx.msk [tilespmem:v3+s12+$0x0], $0xffff  }
0xed: {  	v4 =	vor.u32 v5, v55;
	_ =	sdelay $0x2  }
0xee: {  	v56 =	vadd.s32 $0xC, v1  }
0xef: {  	v57 =	vand.u32 $0xFFFFFF80, v56;
	[tilespmem:s1+$0x100] =	vst v3  }
0xf0: {  	v5 =	vand.u32 $0x7F, v56;
	v3 =	vadd.s32 v2, v57;
	v4 =	vld.idx.msk [tilespmem:v4+s12+$0x0], $0xffff  }
0xf1: {  	v3 =	vor.u32 v5, v3;
	_ =	sdelay $0x2  }
0xf2: {  	v58 =	vadd.s32 $0xD, v1  }
0xf3: {  	v59 =	vand.u32 $0xFFFFFF80, v58;
	[tilespmem:s1+$0x180] =	vst v4  }
0xf4: {  	v60 =	vadd.s32 v2, v59;
	v5 =	vand.u32 $0x7F, v58;
	v3 =	vld.idx.msk [tilespmem:v3+s12+$0x0], $0xffff  }
0xf5: {  	v4 =	vor.u32 v5, v60;
	_ =	sdelay $0x2  }
0xf6: {  	v61 =	vadd.s32 $0xE, v1  }
0xf7: {  	v62 =	vand.u32 $0xFFFFFF80, v61;
	[tilespmem:s1+$0x200] =	vst v3  }
0xf8: {  	v5 =	vand.u32 $0x7F, v61;
	v3 =	vadd.s32 v2, v62;
	v4 =	vld.idx.msk [tilespmem:v4+s12+$0x0], $0xffff  }
0xf9: {  	v3 =	vor.u32 v5, v3;
	_ =	sdelay $0x2  }
0xfa: {  	v1 =	vadd.s32 $0xF, v1  }
0xfb: {  	v63 =	vand.u32 $0xFFFFFF80, v1;
	[tilespmem:s1+$0x280] =	vst v4  }
0xfc: {  	v1 =	vand.u32 $0x7F, v1;
	v2 =	vadd.s32 v2, v63;
	v3 =	vld.idx.msk [tilespmem:v3+s12+$0x0], $0xffff  }
0xfd: {  	v1 =	vor.u32 v1, v2;
	_ =	sdelay $0x3  }
0xfe: {  	[tilespmem:s1+$0x300] =	vst v3  }
0xff: {  	s14 =	simm.s32 $0x10;
	v1 =	vld.idx.msk [tilespmem:v1+s12+$0x0], $0xffff  }
.LBB2_4:
0x100: {  	_ =	sdelay $0x3  }
0x101: {  	p0 =	sne.s32 s14, $0x70;
	s0 =	sadd.s32 $0x10, s0;
	[tilespmem:s1+$0x380] =	vst v1;
	s1 =	sadd.s32 $0x10, s1  }
0x102: {  	s16 =	smov.u32 s14;
	s14 =	sadd.s32 $0x10, s14;
	v1 =	vld [tilespmem:s0+$0x0];
	_ =	sdelay $0x2  }
0x103: {  	v2 =	vmov s16  }
0x104: {  	v2 =	vshll.u32 v2, $0x7  }
0x105: {  	v2 =	vor.u32 v0, v2;
	v3 =	vand.u32 $0xFFFFFF80, v1;
	v4 =	vadd.s32 $0x1, v1  }
0x106: {  	v5 =	vand.u32 $0x7F, v1;
	v3 =	vadd.s32 v2, v3;
	v6 =	vand.u32 $0xFFFFFF80, v4  }
0x107: {  	v7 =	vadd.s32 $0x2, v1;
	v3 =	vor.u32 v5, v3;
	v5 =	vadd.s32 v2, v6  }
0x108: {  	v8 =	vadd.s32 $0x3, v1;
	v9 =	vadd.s32 $0x4, v1;
	v6 =	vand.u32 $0xFFFFFF80, v7  }
0x109: {  	v11 =	vand.u32 $0xFFFFFF80, v9;
	v10 =	vadd.s32 v2, v6;
	v6 =	vand.u32 $0xFFFFFF80, v8  }
0x10a: {  	v13 =	vadd.s32 $0x5, v1;
	v11 =	vadd.s32 v2, v11;
	v12 =	vadd.s32 v2, v6  }
0x10b: {  	v14 =	vadd.s32 $0x6, v1;
	v15 =	vadd.s32 $0x7, v1;
	v6 =	vand.u32 $0xFFFFFF80, v13  }
0x10c: {  	v17 =	vand.u32 $0xFFFFFF80, v15;
	v16 =	vadd.s32 v2, v6;
	v6 =	vand.u32 $0xFFFFFF80, v14;
	v3 =	vld.idx.msk [tilespmem:v3+s12+$0x0], $0xffff  }
0x10d: {  	v4 =	vand.u32 $0x7F, v4;
	v17 =	vadd.s32 v2, v17;
	v18 =	vadd.s32 v2, v6  }
0x10e: {  	v19 =	vadd.s32 $0x8, v1;
	v20 =	vadd.s32 $0x9, v1;
	v5 =	vor.u32 v4, v5  }
0x10f: {  	v21 =	vadd.s32 $0xA, v1;
	v4 =	vand.u32 $0xFFFFFF80, v19;
	v6 =	vand.u32 $0xFFFFFF80, v20  }
0x110: {  	v22 =	vadd.s32 v2, v4;
	v4 =	vand.u32 $0xFFFFFF80, v21;
	v23 =	vadd.s32 v2, v6  }
0x111: {  	v25 =	vadd.s32 $0xB, v1;
	v24 =	vadd.s32 v2, v4;
	v6 =	vadd.s32 $0xC, v1  }
0x112: {  	v4 =	vadd.s32 $0xD, v1;
	v26 =	vand.u32 $0xFFFFFF80, v6;
	[tilespmem:s1+$0xFFFFF000] =	vst v3;
	v3 =	vand.u32 $0xFFFFFF80, v25  }
0x113: {  	v26 =	vadd.s32 v2, v26;
	v27 =	vld.idx.msk [tilespmem:v5+s12+$0x0], $0xffff;
	v28 =	vadd.s32 v2, v3;
	v3 =	vand.u32 $0xFFFFFF80, v4  }
0x114: {  	v5 =	vand.u32 $0x7F, v7;
	v7 =	vadd.s32 v2, v3;
	v3 =	vadd.s32 $0xE, v1  }
0x115: {  	v10 =	vor.u32 v5, v10;
	v1 =	vadd.s32 $0xF, v1;
	v5 =	vand.u32 $0xFFFFFF80, v3  }
0x116: {  	v29 =	vand.u32 $0xFFFFFF80, v1;
	v5 =	vadd.s32 v2, v5  }
0x117: {  	v2 =	vadd.s32 v2, v29;
	_ =	sdelay $0x1  }
0x118: {  	[tilespmem:s1+$0xFFFFF080] =	vst v27  }
0x119: {  	v10 =	vld.idx.msk [tilespmem:v10+s12+$0x0], $0xffff  }
0x11a: {  	v8 =	vand.u32 $0x7F, v8  }
0x11b: {  	v8 =	vor.u32 v8, v12;
	_ =	sdelay $0x3  }
0x11c: {  	[tilespmem:s1+$0xFFFFF100] =	vst v10  }
0x11d: {  	v8 =	vld.idx.msk [tilespmem:v8+s12+$0x0], $0xffff  }
0x11e: {  	v9 =	vand.u32 $0x7F, v9  }
0x11f: {  	v9 =	vor.u32 v9, v11;
	_ =	sdelay $0x3  }
0x120: {  	[tilespmem:s1+$0xFFFFF180] =	vst v8  }
0x121: {  	v8 =	vld.idx.msk [tilespmem:v9+s12+$0x0], $0xffff  }
0x122: {  	v9 =	vand.u32 $0x7F, v13  }
0x123: {  	v9 =	vor.u32 v9, v16;
	_ =	sdelay $0x3  }
0x124: {  	[tilespmem:s1+$0xFFFFF200] =	vst v8  }
0x125: {  	v8 =	vld.idx.msk [tilespmem:v9+s12+$0x0], $0xffff  }
0x126: {  	v9 =	vand.u32 $0x7F, v14  }
0x127: {  	v9 =	vor.u32 v9, v18;
	_ =	sdelay $0x3  }
0x128: {  	[tilespmem:s1+$0xFFFFF280] =	vst v8  }
0x129: {  	v8 =	vld.idx.msk [tilespmem:v9+s12+$0x0], $0xffff  }
0x12a: {  	v9 =	vand.u32 $0x7F, v15  }
0x12b: {  	v9 =	vor.u32 v9, v17;
	_ =	sdelay $0x3  }
0x12c: {  	[tilespmem:s1+$0xFFFFF300] =	vst v8  }
0x12d: {  	v8 =	vld.idx.msk [tilespmem:v9+s12+$0x0], $0xffff  }
0x12e: {  	v9 =	vand.u32 $0x7F, v19  }
0x12f: {  	v9 =	vor.u32 v9, v22;
	_ =	sdelay $0x3  }
0x130: {  	[tilespmem:s1+$0xFFFFF380] =	vst v8  }
0x131: {  	v8 =	vld.idx.msk [tilespmem:v9+s12+$0x0], $0xffff  }
0x132: {  	v9 =	vand.u32 $0x7F, v20  }
0x133: {  	v9 =	vor.u32 v9, v23;
	_ =	sdelay $0x3  }
0x134: {  	[tilespmem:s1+$0x0] =	vst v8  }
0x135: {  	v8 =	vld.idx.msk [tilespmem:v9+s12+$0x0], $0xffff  }
0x136: {  	v9 =	vand.u32 $0x7F, v21  }
0x137: {  	v9 =	vor.u32 v9, v24;
	_ =	sdelay $0x3  }
0x138: {  	[tilespmem:s1+$0x80] =	vst v8  }
0x139: {  	v8 =	vld.idx.msk [tilespmem:v9+s12+$0x0], $0xffff  }
0x13a: {  	v9 =	vand.u32 $0x7F, v25  }
0x13b: {  	v9 =	vor.u32 v9, v28;
	_ =	sdelay $0x3  }
0x13c: {  	[tilespmem:s1+$0x100] =	vst v8  }
0x13d: {  	v8 =	vld.idx.msk [tilespmem:v9+s12+$0x0], $0xffff  }
0x13e: {  	v6 =	vand.u32 $0x7F, v6  }
0x13f: {  	v6 =	vor.u32 v6, v26;
	_ =	sdelay $0x3  }
0x140: {  	[tilespmem:s1+$0x180] =	vst v8  }
0x141: {  	v6 =	vld.idx.msk [tilespmem:v6+s12+$0x0], $0xffff  }
0x142: {  	v4 =	vand.u32 $0x7F, v4  }
0x143: {  	v4 =	vor.u32 v4, v7;
	_ =	sdelay $0x3  }
0x144: {  	[tilespmem:s1+$0x200] =	vst v6  }
0x145: {  	v4 =	vld.idx.msk [tilespmem:v4+s12+$0x0], $0xffff  }
0x146: {  	v3 =	vand.u32 $0x7F, v3  }
0x147: {  	v3 =	vor.u32 v3, v5;
	_ =	sdelay $0x3  }
0x148: {  	[tilespmem:s1+$0x280] =	vst v4  }
0x149: {  	v3 =	vld.idx.msk [tilespmem:v3+s12+$0x0], $0xffff  }
0x14a: {  	v1 =	vand.u32 $0x7F, v1  }
0x14b: {  	v1 =	vor.u32 v1, v2  }
.Ltmp3:
0x14c: {  	(pc) =	sbr.rel @p0 .LBB2_4-.Ltmp3, $3  }
0x14d: {  	_ =	sdelay $0x1  }
0x14e: {  	[tilespmem:s1+$0x300] =	vst v3  }
0x14f: {  	v1 =	vld.idx.msk [tilespmem:v1+s12+$0x0], $0xffff  }
0x150: {  	_ =	sdelay $0x3  }
0x151: {  	s0 =	simm.s32 $0x180;
	[tilespmem:s1+$0x380] =	vst v1  }
0x152: {  	[tilespmem:s12], [sflag:$0x2] =	stream.indirect.gather [hbm4b:s3+s10], $0x80, s0, s10, $0xb8;
	[tilespmem:$0xE800] =	vst v63  }
0x153: {  	_ =	swait.ge [sflag:s13], $0x4000  }
0x154: {  	[sflag:s13] =	ssyncset.done $0x0  }
0x155: {  	s0 =	simm.s32 $0x1900;
	[sflag:s13] =	ssyncadd.s32 $0xFFFFC000  }
0x156: {  	v1 =	vld [tilespmem:s0+$0x0];
	_ =	sdelay $0x1  }
0x157: {  	s31 =	simm.s32 $0x0  }
0x158: {  	v2 =	vmov s31  }
0x159: {  	v2 =	vshll.u32 v2, $0x7  }
0x15a: {  	v2 =	vor.u32 v0, v2;
	v3 =	vand.u32 $0xFFFFFF80, v1  }
0x15b: {  	v4 =	vand.u32 $0x7F, v1;
	v3 =	vadd.s32 v2, v3  }
0x15c: {  	v3 =	vor.u32 v4, v3;
	_ =	sdelay $0x2  }
0x15d: {  	v31 =	vadd.s32 $0x1, v1  }
0x15e: {  	v5 =	vand.u32 $0xFFFFFF80, v31  }
0x15f: {  	v5 =	vadd.s32 v2, v5;
	v4 =	vand.u32 $0x7F, v31;
	v3 =	vld.idx.msk [tilespmem:v3+s11+$0x0], $0xffff  }
0x160: {  	v4 =	vor.u32 v4, v5;
	_ =	sdelay $0x2  }
0x161: {  	s1 =	simm.s32 $0xC800;
	v32 =	vadd.s32 $0x2, v1  }
0x162: {  	v6 =	vand.u32 $0xFFFFFF80, v32;
	[tilespmem:s1+$0xFFFFF000] =	vst v3  }
0x163: {  	v5 =	vand.u32 $0x7F, v32;
	v3 =	vadd.s32 v2, v6;
	v4 =	vld.idx.msk [tilespmem:v4+s11+$0x0], $0xffff  }
0x164: {  	v3 =	vor.u32 v5, v3;
	_ =	sdelay $0x2  }
0x165: {  	v33 =	vadd.s32 $0x3, v1  }
0x166: {  	v34 =	vand.u32 $0xFFFFFF80, v33;
	[tilespmem:s1+$0xFFFFF080] =	vst v4  }
0x167: {  	v35 =	vadd.s32 v2, v34;
	v5 =	vand.u32 $0x7F, v33;
	v3 =	vld.idx.msk [tilespmem:v3+s11+$0x0], $0xffff  }
0x168: {  	v4 =	vor.u32 v5, v35;
	_ =	sdelay $0x2  }
0x169: {  	v36 =	vadd.s32 $0x4, v1  }
0x16a: {  	v37 =	vand.u32 $0xFFFFFF80, v36;
	[tilespmem:s1+$0xFFFFF100] =	vst v3  }
0x16b: {  	v5 =	vand.u32 $0x7F, v36;
	v3 =	vadd.s32 v2, v37;
	v4 =	vld.idx.msk [tilespmem:v4+s11+$0x0], $0xffff  }
0x16c: {  	v3 =	vor.u32 v5, v3;
	_ =	sdelay $0x2  }
0x16d: {  	v38 =	vadd.s32 $0x5, v1  }
0x16e: {  	v39 =	vand.u32 $0xFFFFFF80, v38;
	[tilespmem:s1+$0xFFFFF180] =	vst v4  }
0x16f: {  	v40 =	vadd.s32 v2, v39;
	v5 =	vand.u32 $0x7F, v38;
	v3 =	vld.idx.msk [tilespmem:v3+s11+$0x0], $0xffff  }
0x170: {  	v4 =	vor.u32 v5, v40;
	_ =	sdelay $0x2  }
0x171: {  	v41 =	vadd.s32 $0x6, v1  }
0x172: {  	v42 =	vand.u32 $0xFFFFFF80, v41;
	[tilespmem:s1+$0xFFFFF200] =	vst v3  }
0x173: {  	v5 =	vand.u32 $0x7F, v41;
	v3 =	vadd.s32 v2, v42;
	v4 =	vld.idx.msk [tilespmem:v4+s11+$0x0], $0xffff  }
0x174: {  	v3 =	vor.u32 v5, v3;
	_ =	sdelay $0x2  }
0x175: {  	v43 =	vadd.s32 $0x7, v1  }
0x176: {  	v44 =	vand.u32 $0xFFFFFF80, v43;
	[tilespmem:s1+$0xFFFFF280] =	vst v4  }
0x177: {  	v45 =	vadd.s32 v2, v44;
	v5 =	vand.u32 $0x7F, v43;
	v3 =	vld.idx.msk [tilespmem:v3+s11+$0x0], $0xffff  }
0x178: {  	v4 =	vor.u32 v5, v45;
	_ =	sdelay $0x2  }
0x179: {  	v46 =	vadd.s32 $0x8, v1  }
0x17a: {  	v47 =	vand.u32 $0xFFFFFF80, v46;
	[tilespmem:s1+$0xFFFFF300] =	vst v3  }
0x17b: {  	v5 =	vand.u32 $0x7F, v46;
	v3 =	vadd.s32 v2, v47;
	v4 =	vld.idx.msk [tilespmem:v4+s11+$0x0], $0xffff  }
0x17c: {  	v3 =	vor.u32 v5, v3;
	_ =	sdelay $0x2  }
0x17d: {  	v48 =	vadd.s32 $0x9, v1  }
0x17e: {  	v49 =	vand.u32 $0xFFFFFF80, v48;
	[tilespmem:s1+$0xFFFFF380] =	vst v4  }
0x17f: {  	v50 =	vadd.s32 v2, v49;
	v5 =	vand.u32 $0x7F, v48;
	v3 =	vld.idx.msk [tilespmem:v3+s11+$0x0], $0xffff  }
0x180: {  	v4 =	vor.u32 v5, v50;
	_ =	sdelay $0x2  }
0x181: {  	v51 =	vadd.s32 $0xA, v1  }
0x182: {  	v52 =	vand.u32 $0xFFFFFF80, v51;
	[tilespmem:s1+$0x0] =	vst v3  }
0x183: {  	v5 =	vand.u32 $0x7F, v51;
	v3 =	vadd.s32 v2, v52;
	v4 =	vld.idx.msk [tilespmem:v4+s11+$0x0], $0xffff  }
0x184: {  	v3 =	vor.u32 v5, v3;
	_ =	sdelay $0x2  }
0x185: {  	v53 =	vadd.s32 $0xB, v1  }
0x186: {  	v54 =	vand.u32 $0xFFFFFF80, v53;
	[tilespmem:s1+$0x80] =	vst v4  }
0x187: {  	v55 =	vadd.s32 v2, v54;
	v5 =	vand.u32 $0x7F, v53;
	v3 =	vld.idx.msk [tilespmem:v3+s11+$0x0], $0xffff  }
0x188: {  	v4 =	vor.u32 v5, v55;
	_ =	sdelay $0x2  }
0x189: {  	v56 =	vadd.s32 $0xC, v1  }
0x18a: {  	v57 =	vand.u32 $0xFFFFFF80, v56;
	[tilespmem:s1+$0x100] =	vst v3  }
0x18b: {  	v5 =	vand.u32 $0x7F, v56;
	v3 =	vadd.s32 v2, v57;
	v4 =	vld.idx.msk [tilespmem:v4+s11+$0x0], $0xffff  }
0x18c: {  	v3 =	vor.u32 v5, v3;
	_ =	sdelay $0x2  }
0x18d: {  	v58 =	vadd.s32 $0xD, v1  }
0x18e: {  	v59 =	vand.u32 $0xFFFFFF80, v58;
	[tilespmem:s1+$0x180] =	vst v4  }
0x18f: {  	v60 =	vadd.s32 v2, v59;
	v5 =	vand.u32 $0x7F, v58;
	v3 =	vld.idx.msk [tilespmem:v3+s11+$0x0], $0xffff  }
0x190: {  	v4 =	vor.u32 v5, v60;
	_ =	sdelay $0x2  }
0x191: {  	v61 =	vadd.s32 $0xE, v1  }
0x192: {  	v62 =	vand.u32 $0xFFFFFF80, v61;
	[tilespmem:s1+$0x200] =	vst v3  }
0x193: {  	v5 =	vand.u32 $0x7F, v61;
	v3 =	vadd.s32 v2, v62;
	v4 =	vld.idx.msk [tilespmem:v4+s11+$0x0], $0xffff  }
0x194: {  	v3 =	vor.u32 v5, v3;
	_ =	sdelay $0x2  }
0x195: {  	v1 =	vadd.s32 $0xF, v1  }
0x196: {  	v63 =	vand.u32 $0xFFFFFF80, v1;
	[tilespmem:s1+$0x280] =	vst v4  }
0x197: {  	v1 =	vand.u32 $0x7F, v1;
	v2 =	vadd.s32 v2, v63;
	v3 =	vld.idx.msk [tilespmem:v3+s11+$0x0], $0xffff  }
0x198: {  	v1 =	vor.u32 v1, v2;
	_ =	sdelay $0x3  }
0x199: {  	[tilespmem:s1+$0x300] =	vst v3  }
0x19a: {  	s14 =	simm.s32 $0x10;
	v1 =	vld.idx.msk [tilespmem:v1+s11+$0x0], $0xffff  }
.LBB2_6:
0x19b: {  	_ =	sdelay $0x3  }
0x19c: {  	p0 =	sne.s32 s14, $0x70;
	s0 =	sadd.s32 $0x10, s0;
	[tilespmem:s1+$0x380] =	vst v1;
	s1 =	sadd.s32 $0x10, s1  }
0x19d: {  	s16 =	smov.u32 s14;
	s14 =	sadd.s32 $0x10, s14;
	v1 =	vld [tilespmem:s0+$0x0];
	_ =	sdelay $0x2  }
0x19e: {  	v2 =	vmov s16  }
0x19f: {  	v2 =	vshll.u32 v2, $0x7  }
0x1a0: {  	v2 =	vor.u32 v0, v2;
	v3 =	vand.u32 $0xFFFFFF80, v1;
	v4 =	vadd.s32 $0x1, v1  }
0x1a1: {  	v5 =	vand.u32 $0x7F, v1;
	v3 =	vadd.s32 v2, v3;
	v6 =	vand.u32 $0xFFFFFF80, v4  }
0x1a2: {  	v7 =	vadd.s32 $0x2, v1;
	v3 =	vor.u32 v5, v3;
	v5 =	vadd.s32 v2, v6  }
0x1a3: {  	v8 =	vadd.s32 $0x3, v1;
	v9 =	vadd.s32 $0x4, v1;
	v6 =	vand.u32 $0xFFFFFF80, v7  }
0x1a4: {  	v11 =	vand.u32 $0xFFFFFF80, v9;
	v10 =	vadd.s32 v2, v6;
	v6 =	vand.u32 $0xFFFFFF80, v8  }
0x1a5: {  	v13 =	vadd.s32 $0x5, v1;
	v11 =	vadd.s32 v2, v11;
	v12 =	vadd.s32 v2, v6  }
0x1a6: {  	v14 =	vadd.s32 $0x6, v1;
	v15 =	vadd.s32 $0x7, v1;
	v6 =	vand.u32 $0xFFFFFF80, v13  }
0x1a7: {  	v17 =	vand.u32 $0xFFFFFF80, v15;
	v16 =	vadd.s32 v2, v6;
	v6 =	vand.u32 $0xFFFFFF80, v14;
	v3 =	vld.idx.msk [tilespmem:v3+s11+$0x0], $0xffff  }
0x1a8: {  	v4 =	vand.u32 $0x7F, v4;
	v17 =	vadd.s32 v2, v17;
	v18 =	vadd.s32 v2, v6  }
0x1a9: {  	v19 =	vadd.s32 $0x8, v1;
	v20 =	vadd.s32 $0x9, v1;
	v5 =	vor.u32 v4, v5  }
0x1aa: {  	v21 =	vadd.s32 $0xA, v1;
	v4 =	vand.u32 $0xFFFFFF80, v19;
	v6 =	vand.u32 $0xFFFFFF80, v20  }
0x1ab: {  	v22 =	vadd.s32 v2, v4;
	v4 =	vand.u32 $0xFFFFFF80, v21;
	v23 =	vadd.s32 v2, v6  }
0x1ac: {  	v25 =	vadd.s32 $0xB, v1;
	v24 =	vadd.s32 v2, v4;
	v6 =	vadd.s32 $0xC, v1  }
0x1ad: {  	v4 =	vadd.s32 $0xD, v1;
	v26 =	vand.u32 $0xFFFFFF80, v6;
	[tilespmem:s1+$0xFFFFF000] =	vst v3;
	v3 =	vand.u32 $0xFFFFFF80, v25  }
0x1ae: {  	v26 =	vadd.s32 v2, v26;
	v27 =	vld.idx.msk [tilespmem:v5+s11+$0x0], $0xffff;
	v28 =	vadd.s32 v2, v3;
	v3 =	vand.u32 $0xFFFFFF80, v4  }
0x1af: {  	v5 =	vand.u32 $0x7F, v7;
	v7 =	vadd.s32 v2, v3;
	v3 =	vadd.s32 $0xE, v1  }
0x1b0: {  	v10 =	vor.u32 v5, v10;
	v1 =	vadd.s32 $0xF, v1;
	v5 =	vand.u32 $0xFFFFFF80, v3  }
0x1b1: {  	v29 =	vand.u32 $0xFFFFFF80, v1;
	v5 =	vadd.s32 v2, v5  }
0x1b2: {  	v2 =	vadd.s32 v2, v29;
	_ =	sdelay $0x1  }
0x1b3: {  	[tilespmem:s1+$0xFFFFF080] =	vst v27  }
0x1b4: {  	v10 =	vld.idx.msk [tilespmem:v10+s11+$0x0], $0xffff  }
0x1b5: {  	v8 =	vand.u32 $0x7F, v8  }
0x1b6: {  	v8 =	vor.u32 v8, v12;
	_ =	sdelay $0x3  }
0x1b7: {  	[tilespmem:s1+$0xFFFFF100] =	vst v10  }
0x1b8: {  	v8 =	vld.idx.msk [tilespmem:v8+s11+$0x0], $0xffff  }
0x1b9: {  	v9 =	vand.u32 $0x7F, v9  }
0x1ba: {  	v9 =	vor.u32 v9, v11;
	_ =	sdelay $0x3  }
0x1bb: {  	[tilespmem:s1+$0xFFFFF180] =	vst v8  }
0x1bc: {  	v8 =	vld.idx.msk [tilespmem:v9+s11+$0x0], $0xffff  }
0x1bd: {  	v9 =	vand.u32 $0x7F, v13  }
0x1be: {  	v9 =	vor.u32 v9, v16;
	_ =	sdelay $0x3  }
0x1bf: {  	[tilespmem:s1+$0xFFFFF200] =	vst v8  }
0x1c0: {  	v8 =	vld.idx.msk [tilespmem:v9+s11+$0x0], $0xffff  }
0x1c1: {  	v9 =	vand.u32 $0x7F, v14  }
0x1c2: {  	v9 =	vor.u32 v9, v18;
	_ =	sdelay $0x3  }
0x1c3: {  	[tilespmem:s1+$0xFFFFF280] =	vst v8  }
0x1c4: {  	v8 =	vld.idx.msk [tilespmem:v9+s11+$0x0], $0xffff  }
0x1c5: {  	v9 =	vand.u32 $0x7F, v15  }
0x1c6: {  	v9 =	vor.u32 v9, v17;
	_ =	sdelay $0x3  }
0x1c7: {  	[tilespmem:s1+$0xFFFFF300] =	vst v8  }
0x1c8: {  	v8 =	vld.idx.msk [tilespmem:v9+s11+$0x0], $0xffff  }
0x1c9: {  	v9 =	vand.u32 $0x7F, v19  }
0x1ca: {  	v9 =	vor.u32 v9, v22;
	_ =	sdelay $0x3  }
0x1cb: {  	[tilespmem:s1+$0xFFFFF380] =	vst v8  }
0x1cc: {  	v8 =	vld.idx.msk [tilespmem:v9+s11+$0x0], $0xffff  }
0x1cd: {  	v9 =	vand.u32 $0x7F, v20  }
0x1ce: {  	v9 =	vor.u32 v9, v23;
	_ =	sdelay $0x3  }
0x1cf: {  	[tilespmem:s1+$0x0] =	vst v8  }
0x1d0: {  	v8 =	vld.idx.msk [tilespmem:v9+s11+$0x0], $0xffff  }
0x1d1: {  	v9 =	vand.u32 $0x7F, v21  }
0x1d2: {  	v9 =	vor.u32 v9, v24;
	_ =	sdelay $0x3  }
0x1d3: {  	[tilespmem:s1+$0x80] =	vst v8  }
0x1d4: {  	v8 =	vld.idx.msk [tilespmem:v9+s11+$0x0], $0xffff  }
0x1d5: {  	v9 =	vand.u32 $0x7F, v25  }
0x1d6: {  	v9 =	vor.u32 v9, v28;
	_ =	sdelay $0x3  }
0x1d7: {  	[tilespmem:s1+$0x100] =	vst v8  }
0x1d8: {  	v8 =	vld.idx.msk [tilespmem:v9+s11+$0x0], $0xffff  }
0x1d9: {  	v6 =	vand.u32 $0x7F, v6  }
0x1da: {  	v6 =	vor.u32 v6, v26;
	_ =	sdelay $0x3  }
0x1db: {  	[tilespmem:s1+$0x180] =	vst v8  }
0x1dc: {  	v6 =	vld.idx.msk [tilespmem:v6+s11+$0x0], $0xffff  }
0x1dd: {  	v4 =	vand.u32 $0x7F, v4  }
0x1de: {  	v4 =	vor.u32 v4, v7;
	_ =	sdelay $0x3  }
0x1df: {  	[tilespmem:s1+$0x200] =	vst v6  }
0x1e0: {  	v4 =	vld.idx.msk [tilespmem:v4+s11+$0x0], $0xffff  }
0x1e1: {  	v3 =	vand.u32 $0x7F, v3  }
0x1e2: {  	v3 =	vor.u32 v3, v5;
	_ =	sdelay $0x3  }
0x1e3: {  	[tilespmem:s1+$0x280] =	vst v4  }
0x1e4: {  	v3 =	vld.idx.msk [tilespmem:v3+s11+$0x0], $0xffff  }
0x1e5: {  	v1 =	vand.u32 $0x7F, v1  }
0x1e6: {  	v1 =	vor.u32 v1, v2  }
.Ltmp4:
0x1e7: {  	(pc) =	sbr.rel @p0 .LBB2_6-.Ltmp4, $3  }
0x1e8: {  	_ =	sdelay $0x1  }
0x1e9: {  	[tilespmem:s1+$0x300] =	vst v3  }
0x1ea: {  	v1 =	vld.idx.msk [tilespmem:v1+s11+$0x0], $0xffff  }
0x1eb: {  	_ =	sdelay $0x3  }
0x1ec: {  	s0 =	simm.s32 $0x200;
	[tilespmem:s1+$0x380] =	vst v1  }
0x1ed: {  	[tilespmem:s11], [sflag:$0x1] =	stream.indirect.gather [hbm4b:s4+s10], $0x80, s0, s10, $0xb8;
	[tilespmem:$0xE800] =	vst v63  }
0x1ee: {  	_ =	swait.ge [sflag:s15], $0x4000  }
0x1ef: {  	[sflag:s15] =	ssyncset.done $0x0  }
0x1f0: {  	s0 =	simm.s32 $0x1980;
	[sflag:s15] =	ssyncadd.s32 $0xFFFFC000  }
0x1f1: {  	v1 =	vld [tilespmem:s0+$0x0];
	_ =	sdelay $0x1  }
0x1f2: {  	s31 =	simm.s32 $0x0  }
0x1f3: {  	v2 =	vmov s31  }
0x1f4: {  	v2 =	vshll.u32 v2, $0x7  }
0x1f5: {  	v2 =	vor.u32 v0, v2;
	v3 =	vand.u32 $0xFFFFFF80, v1  }
0x1f6: {  	v4 =	vand.u32 $0x7F, v1;
	v3 =	vadd.s32 v2, v3  }
0x1f7: {  	v3 =	vor.u32 v4, v3;
	_ =	sdelay $0x2  }
0x1f8: {  	v31 =	vadd.s32 $0x1, v1  }
0x1f9: {  	v5 =	vand.u32 $0xFFFFFF80, v31  }
0x1fa: {  	v5 =	vadd.s32 v2, v5;
	v4 =	vand.u32 $0x7F, v31;
	v3 =	vld.idx.msk [tilespmem:v3+s12+$0x0], $0xffff  }
0x1fb: {  	v4 =	vor.u32 v4, v5;
	_ =	sdelay $0x2  }
0x1fc: {  	s1 =	simm.s32 $0xCC00;
	v32 =	vadd.s32 $0x2, v1  }
0x1fd: {  	v6 =	vand.u32 $0xFFFFFF80, v32;
	[tilespmem:s1+$0xFFFFF000] =	vst v3  }
0x1fe: {  	v5 =	vand.u32 $0x7F, v32;
	v3 =	vadd.s32 v2, v6;
	v4 =	vld.idx.msk [tilespmem:v4+s12+$0x0], $0xffff  }
0x1ff: {  	v3 =	vor.u32 v5, v3;
	_ =	sdelay $0x2  }
0x200: {  	v33 =	vadd.s32 $0x3, v1  }
0x201: {  	v34 =	vand.u32 $0xFFFFFF80, v33;
	[tilespmem:s1+$0xFFFFF080] =	vst v4  }
0x202: {  	v35 =	vadd.s32 v2, v34;
	v5 =	vand.u32 $0x7F, v33;
	v3 =	vld.idx.msk [tilespmem:v3+s12+$0x0], $0xffff  }
0x203: {  	v4 =	vor.u32 v5, v35;
	_ =	sdelay $0x2  }
0x204: {  	v36 =	vadd.s32 $0x4, v1  }
0x205: {  	v37 =	vand.u32 $0xFFFFFF80, v36;
	[tilespmem:s1+$0xFFFFF100] =	vst v3  }
0x206: {  	v5 =	vand.u32 $0x7F, v36;
	v3 =	vadd.s32 v2, v37;
	v4 =	vld.idx.msk [tilespmem:v4+s12+$0x0], $0xffff  }
0x207: {  	v3 =	vor.u32 v5, v3;
	_ =	sdelay $0x2  }
0x208: {  	v38 =	vadd.s32 $0x5, v1  }
0x209: {  	v39 =	vand.u32 $0xFFFFFF80, v38;
	[tilespmem:s1+$0xFFFFF180] =	vst v4  }
0x20a: {  	v40 =	vadd.s32 v2, v39;
	v5 =	vand.u32 $0x7F, v38;
	v3 =	vld.idx.msk [tilespmem:v3+s12+$0x0], $0xffff  }
0x20b: {  	v4 =	vor.u32 v5, v40;
	_ =	sdelay $0x2  }
0x20c: {  	v41 =	vadd.s32 $0x6, v1  }
0x20d: {  	v42 =	vand.u32 $0xFFFFFF80, v41;
	[tilespmem:s1+$0xFFFFF200] =	vst v3  }
0x20e: {  	v5 =	vand.u32 $0x7F, v41;
	v3 =	vadd.s32 v2, v42;
	v4 =	vld.idx.msk [tilespmem:v4+s12+$0x0], $0xffff  }
0x20f: {  	v3 =	vor.u32 v5, v3;
	_ =	sdelay $0x2  }
0x210: {  	v43 =	vadd.s32 $0x7, v1  }
0x211: {  	v44 =	vand.u32 $0xFFFFFF80, v43;
	[tilespmem:s1+$0xFFFFF280] =	vst v4  }
0x212: {  	v45 =	vadd.s32 v2, v44;
	v5 =	vand.u32 $0x7F, v43;
	v3 =	vld.idx.msk [tilespmem:v3+s12+$0x0], $0xffff  }
0x213: {  	v4 =	vor.u32 v5, v45;
	_ =	sdelay $0x2  }
0x214: {  	v46 =	vadd.s32 $0x8, v1  }
0x215: {  	v47 =	vand.u32 $0xFFFFFF80, v46;
	[tilespmem:s1+$0xFFFFF300] =	vst v3  }
0x216: {  	v5 =	vand.u32 $0x7F, v46;
	v3 =	vadd.s32 v2, v47;
	v4 =	vld.idx.msk [tilespmem:v4+s12+$0x0], $0xffff  }
0x217: {  	v3 =	vor.u32 v5, v3;
	_ =	sdelay $0x2  }
0x218: {  	v48 =	vadd.s32 $0x9, v1  }
0x219: {  	v49 =	vand.u32 $0xFFFFFF80, v48;
	[tilespmem:s1+$0xFFFFF380] =	vst v4  }
0x21a: {  	v50 =	vadd.s32 v2, v49;
	v5 =	vand.u32 $0x7F, v48;
	v3 =	vld.idx.msk [tilespmem:v3+s12+$0x0], $0xffff  }
0x21b: {  	v4 =	vor.u32 v5, v50;
	_ =	sdelay $0x2  }
0x21c: {  	v51 =	vadd.s32 $0xA, v1  }
0x21d: {  	v52 =	vand.u32 $0xFFFFFF80, v51;
	[tilespmem:s1+$0x0] =	vst v3  }
0x21e: {  	v5 =	vand.u32 $0x7F, v51;
	v3 =	vadd.s32 v2, v52;
	v4 =	vld.idx.msk [tilespmem:v4+s12+$0x0], $0xffff  }
0x21f: {  	v3 =	vor.u32 v5, v3;
	_ =	sdelay $0x2  }
0x220: {  	v53 =	vadd.s32 $0xB, v1  }
0x221: {  	v54 =	vand.u32 $0xFFFFFF80, v53;
	[tilespmem:s1+$0x80] =	vst v4  }
0x222: {  	v55 =	vadd.s32 v2, v54;
	v5 =	vand.u32 $0x7F, v53;
	v3 =	vld.idx.msk [tilespmem:v3+s12+$0x0], $0xffff  }
0x223: {  	v4 =	vor.u32 v5, v55;
	_ =	sdelay $0x2  }
0x224: {  	v56 =	vadd.s32 $0xC, v1  }
0x225: {  	v57 =	vand.u32 $0xFFFFFF80, v56;
	[tilespmem:s1+$0x100] =	vst v3  }
0x226: {  	v5 =	vand.u32 $0x7F, v56;
	v3 =	vadd.s32 v2, v57;
	v4 =	vld.idx.msk [tilespmem:v4+s12+$0x0], $0xffff  }
0x227: {  	v3 =	vor.u32 v5, v3;
	_ =	sdelay $0x2  }
0x228: {  	v58 =	vadd.s32 $0xD, v1  }
0x229: {  	v59 =	vand.u32 $0xFFFFFF80, v58;
	[tilespmem:s1+$0x180] =	vst v4  }
0x22a: {  	v60 =	vadd.s32 v2, v59;
	v5 =	vand.u32 $0x7F, v58;
	v3 =	vld.idx.msk [tilespmem:v3+s12+$0x0], $0xffff  }
0x22b: {  	v4 =	vor.u32 v5, v60;
	_ =	sdelay $0x2  }
0x22c: {  	v61 =	vadd.s32 $0xE, v1  }
0x22d: {  	v62 =	vand.u32 $0xFFFFFF80, v61;
	[tilespmem:s1+$0x200] =	vst v3  }
0x22e: {  	v5 =	vand.u32 $0x7F, v61;
	v3 =	vadd.s32 v2, v62;
	v4 =	vld.idx.msk [tilespmem:v4+s12+$0x0], $0xffff  }
0x22f: {  	v3 =	vor.u32 v5, v3;
	_ =	sdelay $0x2  }
0x230: {  	v1 =	vadd.s32 $0xF, v1  }
0x231: {  	v63 =	vand.u32 $0xFFFFFF80, v1;
	[tilespmem:s1+$0x280] =	vst v4  }
0x232: {  	v1 =	vand.u32 $0x7F, v1;
	v2 =	vadd.s32 v2, v63;
	v3 =	vld.idx.msk [tilespmem:v3+s12+$0x0], $0xffff  }
0x233: {  	v1 =	vor.u32 v1, v2;
	_ =	sdelay $0x3  }
0x234: {  	[tilespmem:s1+$0x300] =	vst v3  }
0x235: {  	s14 =	simm.s32 $0x10;
	v1 =	vld.idx.msk [tilespmem:v1+s12+$0x0], $0xffff  }
.LBB2_8:
0x236: {  	_ =	sdelay $0x3  }
0x237: {  	p0 =	sne.s32 s14, $0x70;
	s0 =	sadd.s32 $0x10, s0;
	[tilespmem:s1+$0x380] =	vst v1;
	s1 =	sadd.s32 $0x10, s1  }
0x238: {  	s16 =	smov.u32 s14;
	s14 =	sadd.s32 $0x10, s14;
	v1 =	vld [tilespmem:s0+$0x0];
	_ =	sdelay $0x2  }
0x239: {  	v2 =	vmov s16  }
0x23a: {  	v2 =	vshll.u32 v2, $0x7  }
0x23b: {  	v2 =	vor.u32 v0, v2;
	v3 =	vand.u32 $0xFFFFFF80, v1;
	v4 =	vadd.s32 $0x1, v1  }
0x23c: {  	v5 =	vand.u32 $0x7F, v1;
	v3 =	vadd.s32 v2, v3;
	v6 =	vand.u32 $0xFFFFFF80, v4  }
0x23d: {  	v7 =	vadd.s32 $0x2, v1;
	v3 =	vor.u32 v5, v3;
	v5 =	vadd.s32 v2, v6  }
0x23e: {  	v8 =	vadd.s32 $0x3, v1;
	v9 =	vadd.s32 $0x4, v1;
	v6 =	vand.u32 $0xFFFFFF80, v7  }
0x23f: {  	v11 =	vand.u32 $0xFFFFFF80, v9;
	v10 =	vadd.s32 v2, v6;
	v6 =	vand.u32 $0xFFFFFF80, v8  }
0x240: {  	v13 =	vadd.s32 $0x5, v1;
	v11 =	vadd.s32 v2, v11;
	v12 =	vadd.s32 v2, v6  }
0x241: {  	v14 =	vadd.s32 $0x6, v1;
	v15 =	vadd.s32 $0x7, v1;
	v6 =	vand.u32 $0xFFFFFF80, v13  }
0x242: {  	v17 =	vand.u32 $0xFFFFFF80, v15;
	v16 =	vadd.s32 v2, v6;
	v6 =	vand.u32 $0xFFFFFF80, v14;
	v3 =	vld.idx.msk [tilespmem:v3+s12+$0x0], $0xffff  }
0x243: {  	v4 =	vand.u32 $0x7F, v4;
	v17 =	vadd.s32 v2, v17;
	v18 =	vadd.s32 v2, v6  }
0x244: {  	v19 =	vadd.s32 $0x8, v1;
	v20 =	vadd.s32 $0x9, v1;
	v5 =	vor.u32 v4, v5  }
0x245: {  	v21 =	vadd.s32 $0xA, v1;
	v4 =	vand.u32 $0xFFFFFF80, v19;
	v6 =	vand.u32 $0xFFFFFF80, v20  }
0x246: {  	v22 =	vadd.s32 v2, v4;
	v4 =	vand.u32 $0xFFFFFF80, v21;
	v23 =	vadd.s32 v2, v6  }
0x247: {  	v25 =	vadd.s32 $0xB, v1;
	v24 =	vadd.s32 v2, v4;
	v6 =	vadd.s32 $0xC, v1  }
0x248: {  	v4 =	vadd.s32 $0xD, v1;
	v26 =	vand.u32 $0xFFFFFF80, v6;
	[tilespmem:s1+$0xFFFFF000] =	vst v3;
	v3 =	vand.u32 $0xFFFFFF80, v25  }
0x249: {  	v26 =	vadd.s32 v2, v26;
	v27 =	vld.idx.msk [tilespmem:v5+s12+$0x0], $0xffff;
	v28 =	vadd.s32 v2, v3;
	v3 =	vand.u32 $0xFFFFFF80, v4  }
0x24a: {  	v5 =	vand.u32 $0x7F, v7;
	v7 =	vadd.s32 v2, v3;
	v3 =	vadd.s32 $0xE, v1  }
0x24b: {  	v10 =	vor.u32 v5, v10;
	v1 =	vadd.s32 $0xF, v1;
	v5 =	vand.u32 $0xFFFFFF80, v3  }
0x24c: {  	v29 =	vand.u32 $0xFFFFFF80, v1;
	v5 =	vadd.s32 v2, v5  }
0x24d: {  	v2 =	vadd.s32 v2, v29;
	_ =	sdelay $0x1  }
0x24e: {  	[tilespmem:s1+$0xFFFFF080] =	vst v27  }
0x24f: {  	v10 =	vld.idx.msk [tilespmem:v10+s12+$0x0], $0xffff  }
0x250: {  	v8 =	vand.u32 $0x7F, v8  }
0x251: {  	v8 =	vor.u32 v8, v12;
	_ =	sdelay $0x3  }
0x252: {  	[tilespmem:s1+$0xFFFFF100] =	vst v10  }
0x253: {  	v8 =	vld.idx.msk [tilespmem:v8+s12+$0x0], $0xffff  }
0x254: {  	v9 =	vand.u32 $0x7F, v9  }
0x255: {  	v9 =	vor.u32 v9, v11;
	_ =	sdelay $0x3  }
0x256: {  	[tilespmem:s1+$0xFFFFF180] =	vst v8  }
0x257: {  	v8 =	vld.idx.msk [tilespmem:v9+s12+$0x0], $0xffff  }
0x258: {  	v9 =	vand.u32 $0x7F, v13  }
0x259: {  	v9 =	vor.u32 v9, v16;
	_ =	sdelay $0x3  }
0x25a: {  	[tilespmem:s1+$0xFFFFF200] =	vst v8  }
0x25b: {  	v8 =	vld.idx.msk [tilespmem:v9+s12+$0x0], $0xffff  }
0x25c: {  	v9 =	vand.u32 $0x7F, v14  }
0x25d: {  	v9 =	vor.u32 v9, v18;
	_ =	sdelay $0x3  }
0x25e: {  	[tilespmem:s1+$0xFFFFF280] =	vst v8  }
0x25f: {  	v8 =	vld.idx.msk [tilespmem:v9+s12+$0x0], $0xffff  }
0x260: {  	v9 =	vand.u32 $0x7F, v15  }
0x261: {  	v9 =	vor.u32 v9, v17;
	_ =	sdelay $0x3  }
0x262: {  	[tilespmem:s1+$0xFFFFF300] =	vst v8  }
0x263: {  	v8 =	vld.idx.msk [tilespmem:v9+s12+$0x0], $0xffff  }
0x264: {  	v9 =	vand.u32 $0x7F, v19  }
0x265: {  	v9 =	vor.u32 v9, v22;
	_ =	sdelay $0x3  }
0x266: {  	[tilespmem:s1+$0xFFFFF380] =	vst v8  }
0x267: {  	v8 =	vld.idx.msk [tilespmem:v9+s12+$0x0], $0xffff  }
0x268: {  	v9 =	vand.u32 $0x7F, v20  }
0x269: {  	v9 =	vor.u32 v9, v23;
	_ =	sdelay $0x3  }
0x26a: {  	[tilespmem:s1+$0x0] =	vst v8  }
0x26b: {  	v8 =	vld.idx.msk [tilespmem:v9+s12+$0x0], $0xffff  }
0x26c: {  	v9 =	vand.u32 $0x7F, v21  }
0x26d: {  	v9 =	vor.u32 v9, v24;
	_ =	sdelay $0x3  }
0x26e: {  	[tilespmem:s1+$0x80] =	vst v8  }
0x26f: {  	v8 =	vld.idx.msk [tilespmem:v9+s12+$0x0], $0xffff  }
0x270: {  	v9 =	vand.u32 $0x7F, v25  }
0x271: {  	v9 =	vor.u32 v9, v28;
	_ =	sdelay $0x3  }
0x272: {  	[tilespmem:s1+$0x100] =	vst v8  }
0x273: {  	v8 =	vld.idx.msk [tilespmem:v9+s12+$0x0], $0xffff  }
0x274: {  	v6 =	vand.u32 $0x7F, v6  }
0x275: {  	v6 =	vor.u32 v6, v26;
	_ =	sdelay $0x3  }
0x276: {  	[tilespmem:s1+$0x180] =	vst v8  }
0x277: {  	v6 =	vld.idx.msk [tilespmem:v6+s12+$0x0], $0xffff  }
0x278: {  	v4 =	vand.u32 $0x7F, v4  }
0x279: {  	v4 =	vor.u32 v4, v7;
	_ =	sdelay $0x3  }
0x27a: {  	[tilespmem:s1+$0x200] =	vst v6  }
0x27b: {  	v4 =	vld.idx.msk [tilespmem:v4+s12+$0x0], $0xffff  }
0x27c: {  	v3 =	vand.u32 $0x7F, v3  }
0x27d: {  	v3 =	vor.u32 v3, v5;
	_ =	sdelay $0x3  }
0x27e: {  	[tilespmem:s1+$0x280] =	vst v4  }
0x27f: {  	v3 =	vld.idx.msk [tilespmem:v3+s12+$0x0], $0xffff  }
0x280: {  	v1 =	vand.u32 $0x7F, v1  }
0x281: {  	v1 =	vor.u32 v1, v2  }
.Ltmp5:
0x282: {  	(pc) =	sbr.rel @p0 .LBB2_8-.Ltmp5, $3  }
0x283: {  	_ =	sdelay $0x1  }
0x284: {  	[tilespmem:s1+$0x300] =	vst v3  }
0x285: {  	v1 =	vld.idx.msk [tilespmem:v1+s12+$0x0], $0xffff  }
0x286: {  	_ =	sdelay $0x3  }
0x287: {  	s0 =	simm.s32 $0x280;
	[tilespmem:s1+$0x380] =	vst v1  }
0x288: {  	[tilespmem:s12], [sflag:$0x2] =	stream.indirect.gather [hbm4b:s4+s10], $0x80, s0, s10, $0xb8;
	[tilespmem:$0xE800] =	vst v63  }
0x289: {  	_ =	swait.ge [sflag:s13], $0x4000  }
0x28a: {  	[sflag:s13] =	ssyncset.done $0x0  }
0x28b: {  	s30 =	simm.s32 $0x1A00;
	[sflag:s13] =	ssyncadd.s32 $0xFFFFC000  }
0x28c: {  	v1 =	vld [tilespmem:s30+$0x0];
	_ =	sdelay $0x1  }
0x28d: {  	s31 =	simm.s32 $0x0  }
0x28e: {  	v2 =	vmov s31  }
0x28f: {  	v2 =	vshll.u32 v2, $0x7  }
0x290: {  	v2 =	vor.u32 v0, v2;
	v3 =	vadd.s32 $0xF, v1  }
0x291: {  	v4 =	vand.u32 $0xFFFFFF80, v1;
	v5 =	vadd.s32 $0xD, v1;
	v6 =	vadd.s32 $0xE, v1  }
0x292: {  	v7 =	vand.u32 $0x7F, v1;
	v8 =	vadd.s32 $0x1, v1;
	v9 =	vadd.s32 $0xC, v1  }
0x293: {  	v10 =	vadd.s32 $0x2, v1;
	v11 =	vadd.s32 $0xB, v1;
	v4 =	vadd.s32 v2, v4  }
0x294: {  	v12 =	vadd.s32 $0x3, v1;
	v4 =	vor.u32 v7, v4;
	v7 =	vand.u32 $0xFFFFFF80, v8  }
0x295: {  	v13 =	vadd.s32 $0xA, v1;
	v8 =	vand.u32 $0x7F, v8;
	v7 =	vadd.s32 v2, v7  }
0x296: {  	v14 =	vadd.s32 $0x4, v1;
	v28 =	vand.u32 $0xFFFFFF80, v10;
	v7 =	vor.u32 v8, v7  }
0x297: {  	s0 =	simm.s32 $0xC000;
	v16 =	vadd.s32 $0x9, v1;
	v10 =	vand.u32 $0x7F, v10;
	v8 =	vadd.s32 v2, v28  }
0x298: {  	v15 =	vld [tilespmem:s0+$0xFFFFF000];
	v17 =	vadd.s32 $0x5, v1;
	v29 =	vand.u32 $0xFFFFFF80, v12;
	v8 =	vor.u32 v10, v8  }
0x299: {  	v19 =	vadd.s32 $0x8, v1;
	v12 =	vand.u32 $0x7F, v12;
	v10 =	vadd.s32 v2, v29;
	v4 =	vld.idx.msk [tilespmem:v4+s11+$0x0], $0xffff  }
0x29a: {  	v18 =	vld [tilespmem:s0+$0xFFFFF080];
	v20 =	vadd.s32 $0x6, v1;
	v30 =	vand.u32 $0xFFFFFF80, v14;
	v10 =	vor.u32 v12, v10  }
0x29b: {  	v1 =	vadd.s32 $0x7, v1;
	v14 =	vand.u32 $0x7F, v14;
	v12 =	vadd.s32 v2, v30;
	v7 =	vld.idx.msk [tilespmem:v7+s11+$0x0], $0xffff  }
0x29c: {  	v21 =	vld [tilespmem:s0+$0xFFFFF100];
	v31 =	vand.u32 $0xFFFFFF80, v17;
	v17 =	vand.u32 $0x7F, v17;
	v12 =	vor.u32 v14, v12  }
0x29d: {  	v32 =	vand.u32 $0xFFFFFF80, v20;
	v33 =	vand.u32 $0x7F, v20;
	v14 =	vadd.s32 v2, v31;
	v8 =	vld.idx.msk [tilespmem:v8+s11+$0x0], $0xffff  }
0x29e: {  	v34 =	vld [tilespmem:s0+$0xFFFFF180];
	v35 =	vand.u32 $0xFFFFFF80, v1;
	v14 =	vor.u32 v17, v14;
	v4 =	vmul.f32 v15, v4  }
0x29f: {  	v1 =	vand.u32 $0x7F, v1;
	v37 =	vand.u32 $0xFFFFFF80, v19;
	v17 =	vadd.s32 v2, v32;
	v10 =	vld.idx.msk [tilespmem:v10+s11+$0x0], $0xffff  }
0x2a0: {  	v36 =	vld [tilespmem:s0+$0xFFFFF200];
	v15 =	vor.u32 v33, v17;
	v4 =	vadd.f32 $0.0e+00, v4;
	v7 =	vmul.f32 v18, v7  }
0x2a1: {  	v19 =	vand.u32 $0x7F, v19;
	v41 =	vand.u32 $0xFFFFFF80, v16;
	v12 =	vld.idx.msk [tilespmem:v12+s11+$0x0], $0xffff;
	v17 =	vadd.s32 v2, v35  }
0x2a2: {  	v40 =	vld [tilespmem:s0+$0xFFFFF280];
	v1 =	vor.u32 v1, v17;
	v4 =	vadd.f32 v7, v4;
	v7 =	vmul.f32 v21, v8  }
0x2a3: {  	v16 =	vand.u32 $0x7F, v16;
	v45 =	vand.u32 $0xFFFFFF80, v13;
	v39 =	vadd.s32 v2, v37;
	v38 =	vld.idx.msk [tilespmem:v14+s11+$0x0], $0xffff  }
0x2a4: {  	v44 =	vld [tilespmem:s0+$0xFFFFF300];
	v14 =	vor.u32 v19, v39;
	v4 =	vadd.f32 v7, v4;
	v7 =	vmul.f32 v34, v10  }
0x2a5: {  	v13 =	vand.u32 $0x7F, v13;
	v48 =	vand.u32 $0xFFFFFF80, v11;
	v43 =	vadd.s32 v2, v41;
	v42 =	vld.idx.msk [tilespmem:v15+s11+$0x0], $0xffff  }
0x2a6: {  	v47 =	vld [tilespmem:s0+$0xFFFFF380];
	v15 =	vor.u32 v16, v43;
	v4 =	vadd.f32 v7, v4;
	v7 =	vmul.f32 v36, v12  }
0x2a7: {  	v11 =	vand.u32 $0x7F, v11;
	v51 =	vand.u32 $0xFFFFFF80, v9;
	v46 =	vadd.s32 v2, v45;
	v1 =	vld.idx.msk [tilespmem:v1+s11+$0x0], $0xffff  }
0x2a8: {  	v50 =	vld [tilespmem:s0+$0x0];
	v12 =	vor.u32 v13, v46;
	v4 =	vadd.f32 v7, v4;
	v7 =	vmul.f32 v40, v38  }
0x2a9: {  	v9 =	vand.u32 $0x7F, v9;
	v54 =	vand.u32 $0xFFFFFF80, v5;
	v49 =	vld.idx.msk [tilespmem:v14+s11+$0x0], $0xffff;
	v13 =	vadd.s32 v2, v48  }
0x2aa: {  	v53 =	vld [tilespmem:s0+$0x80];
	v11 =	vor.u32 v11, v13;
	v4 =	vadd.f32 v7, v4;
	v7 =	vmul.f32 v44, v42  }
0x2ab: {  	v5 =	vand.u32 $0x7F, v5;
	v55 =	vadd.s32 v2, v54;
	v13 =	vadd.s32 v2, v51;
	v52 =	vld.idx.msk [tilespmem:v15+s11+$0x0], $0xffff  }
0x2ac: {  	v56 =	vld [tilespmem:s0+$0x100];
	v9 =	vor.u32 v9, v13;
	v1 =	vmul.f32 v47, v1;
	v4 =	vadd.f32 v7, v4  }
0x2ad: {  	v57 =	vand.u32 $0xFFFFFF80, v6;
	v6 =	vand.u32 $0x7F, v6;
	v5 =	vor.u32 v5, v55;
	v7 =	vld.idx.msk [tilespmem:v12+s11+$0x0], $0xffff  }
0x2ae: {  	v60 =	vld [tilespmem:s0+$0x180];
	v59 =	vadd.s32 v2, v57;
	v1 =	vadd.f32 v1, v4;
	v4 =	vmul.f32 v50, v49  }
0x2af: {  	v6 =	vor.u32 v6, v59;
	v58 =	vld.idx.msk [tilespmem:v11+s11+$0x0], $0xffff  }
0x2b0: {  	v62 =	vld [tilespmem:s0+$0x200];
	v61 =	vand.u32 $0xFFFFFF80, v3;
	v1 =	vadd.f32 v4, v1;
	v4 =	vmul.f32 v53, v52  }
0x2b1: {  	v3 =	vand.u32 $0x7F, v3;
	v2 =	vadd.s32 v2, v61;
	v9 =	vld.idx.msk [tilespmem:v9+s11+$0x0], $0xffff  }
0x2b2: {  	v2 =	vor.u32 v3, v2;
	v3 =	vmul.f32 v56, v7;
	v1 =	vadd.f32 v4, v1;
	v4 =	vld.idx.msk [tilespmem:v5+s11+$0x0], $0xffff  }
0x2b3: {  	v5 =	vld [tilespmem:s0+$0x280]  }
0x2b4: {  	v6 =	vld.idx.msk [tilespmem:v6+s11+$0x0], $0xffff;
	v1 =	vadd.f32 v3, v1;
	v3 =	vmul.f32 v60, v58  }
0x2b5: {  	v7 =	vld [tilespmem:s0+$0x300]  }
0x2b6: {  	v63 =	vld [tilespmem:s0+$0x380];
	v1 =	vadd.f32 v3, v1;
	v3 =	vmul.f32 v62, v9  }
0x2b7: {  	v2 =	vld.idx.msk [tilespmem:v2+s11+$0x0], $0xffff  }
0x2b8: {  	v1 =	vadd.f32 v3, v1;
	v3 =	vmul.f32 v5, v4;
	_ =	sdelay $0x1  }
0x2b9: {  	v1 =	vadd.f32 v3, v1;
	v3 =	vmul.f32 v7, v6;
	_ =	sdelay $0x1  }
0x2ba: {  	v2 =	vmul.f32 v63, v2;
	v1 =	vadd.f32 v3, v1;
	_ =	sdelay $0x1  }
0x2bb: {  	v1 =	vadd.f32 v2, v1;
	_ =	sdelay $0x1  }
0x2bc: {  	v1 =	vsub.f32 $0.0e+00, v1  }
0x2bd: {  	s1 =	simm.s32 $0xD000  }
0x2be: {  	s14 =	simm.s32 $0x1A10;
	[tilespmem:s1+$0x0] =	vst v1  }
0x2bf: {  	v4 =	vld [tilespmem:s14+$0x0]  }
0x2c0: {  	s16 =	simm.s32 $0x10;
	s17 =	simm.s32 $0x20  }
.LBB2_10:
0x2c1: {  	p0 =	sne.s32 s17, $0x70  }
0x2c2: {  	v1 =	vmov s16;
	s16 =	smov.u32 s17  }
0x2c3: {  	v1 =	vshll.u32 v1, $0x7  }
0x2c4: {  	v1 =	vor.u32 v0, v1;
	v2 =	vadd.s32 $0xF, v4  }
0x2c5: {  	v5 =	vand.u32 $0xFFFFFF80, v4;
	v6 =	vadd.s32 $0xD, v4;
	v3 =	vadd.s32 $0xE, v4  }
0x2c6: {  	v7 =	vand.u32 $0x7F, v4;
	v8 =	vadd.s32 $0x1, v4;
	v5 =	vadd.s32 v1, v5  }
0x2c7: {  	v9 =	vadd.s32 $0xC, v4;
	v5 =	vor.u32 v7, v5;
	v7 =	vand.u32 $0xFFFFFF80, v8  }
0x2c8: {  	v10 =	vadd.s32 $0x2, v4;
	v8 =	vand.u32 $0x7F, v8;
	v7 =	vadd.s32 v1, v7  }
0x2c9: {  	v11 =	vadd.s32 $0xB, v4;
	v7 =	vor.u32 v8, v7;
	v8 =	vand.u32 $0xFFFFFF80, v10  }
0x2ca: {  	v12 =	vadd.s32 $0x3, v4;
	v10 =	vand.u32 $0x7F, v10;
	v8 =	vadd.s32 v1, v8  }
0x2cb: {  	v13 =	vadd.s32 $0xA, v4;
	v8 =	vor.u32 v10, v8;
	v10 =	vand.u32 $0xFFFFFF80, v12  }
0x2cc: {  	s0 =	sadd.s32 $0x10, s0;
	v14 =	vadd.s32 $0x4, v4;
	v12 =	vand.u32 $0x7F, v12;
	v10 =	vadd.s32 v1, v10;
	v5 =	vld.idx.msk [tilespmem:v5+s11+$0x0], $0xffff  }
0x2cd: {  	v16 =	vadd.s32 $0x9, v4;
	v10 =	vor.u32 v12, v10;
	v12 =	vand.u32 $0xFFFFFF80, v14;
	v15 =	vld [tilespmem:s0+$0xFFFFF000]  }
0x2ce: {  	v17 =	vadd.s32 $0x5, v4;
	v14 =	vand.u32 $0x7F, v14;
	v12 =	vadd.s32 v1, v12;
	v7 =	vld.idx.msk [tilespmem:v7+s11+$0x0], $0xffff  }
0x2cf: {  	v19 =	vadd.s32 $0x8, v4;
	v12 =	vor.u32 v14, v12;
	v14 =	vand.u32 $0xFFFFFF80, v17;
	v18 =	vld [tilespmem:s0+$0xFFFFF080]  }
0x2d0: {  	v20 =	vadd.s32 $0x6, v4;
	v17 =	vand.u32 $0x7F, v17;
	v14 =	vadd.s32 v1, v14;
	v8 =	vld.idx.msk [tilespmem:v8+s11+$0x0], $0xffff  }
0x2d1: {  	v4 =	vadd.s32 $0x7, v4;
	v14 =	vor.u32 v17, v14;
	v17 =	vand.u32 $0xFFFFFF80, v20;
	v21 =	vld [tilespmem:s0+$0xFFFFF100]  }
0x2d2: {  	v17 =	vadd.s32 v1, v17;
	v5 =	vmul.f32 v15, v5;
	v10 =	vld.idx.msk [tilespmem:v10+s11+$0x0], $0xffff;
	v15 =	vand.u32 $0x7F, v20  }
0x2d3: {  	v20 =	vld [tilespmem:s0+$0xFFFFF180];
	v15 =	vor.u32 v15, v17;
	v17 =	vand.u32 $0xFFFFFF80, v4;
	v4 =	vand.u32 $0x7F, v4  }
0x2d4: {  	v5 =	vadd.f32 $0.0e+00, v5;
	v7 =	vmul.f32 v18, v7;
	v12 =	vld.idx.msk [tilespmem:v12+s11+$0x0], $0xffff;
	v17 =	vadd.s32 v1, v17  }
0x2d5: {  	v18 =	vld [tilespmem:s0+$0xFFFFF200];
	v4 =	vor.u32 v4, v17;
	v17 =	vand.u32 $0xFFFFFF80, v19;
	v19 =	vand.u32 $0x7F, v19  }
0x2d6: {  	v5 =	vadd.f32 v7, v5;
	v7 =	vmul.f32 v21, v8;
	v8 =	vld.idx.msk [tilespmem:v14+s11+$0x0], $0xffff;
	v14 =	vadd.s32 v1, v17  }
0x2d7: {  	v17 =	vld [tilespmem:s0+$0xFFFFF280];
	v14 =	vor.u32 v19, v14;
	v19 =	vand.u32 $0xFFFFFF80, v16;
	v16 =	vand.u32 $0x7F, v16  }
0x2d8: {  	v5 =	vadd.f32 v7, v5;
	v7 =	vmul.f32 v20, v10;
	v10 =	vld.idx.msk [tilespmem:v15+s11+$0x0], $0xffff;
	v15 =	vadd.s32 v1, v19  }
0x2d9: {  	v19 =	vld [tilespmem:s0+$0xFFFFF300];
	v15 =	vor.u32 v16, v15;
	v16 =	vand.u32 $0xFFFFFF80, v13;
	v13 =	vand.u32 $0x7F, v13  }
0x2da: {  	v5 =	vadd.f32 v7, v5;
	v7 =	vmul.f32 v18, v12;
	v4 =	vld.idx.msk [tilespmem:v4+s11+$0x0], $0xffff;
	v12 =	vadd.s32 v1, v16  }
0x2db: {  	v16 =	vld [tilespmem:s0+$0xFFFFF380];
	v12 =	vor.u32 v13, v12;
	v13 =	vand.u32 $0xFFFFFF80, v11;
	v11 =	vand.u32 $0x7F, v11  }
0x2dc: {  	v5 =	vadd.f32 v7, v5;
	v7 =	vmul.f32 v17, v8;
	v8 =	vld.idx.msk [tilespmem:v14+s11+$0x0], $0xffff;
	v13 =	vadd.s32 v1, v13  }
0x2dd: {  	v14 =	vld [tilespmem:s0+$0x0];
	v11 =	vor.u32 v11, v13;
	v13 =	vand.u32 $0xFFFFFF80, v9;
	v9 =	vand.u32 $0x7F, v9  }
0x2de: {  	v5 =	vadd.f32 v7, v5;
	v7 =	vmul.f32 v19, v10;
	v10 =	vld.idx.msk [tilespmem:v15+s11+$0x0], $0xffff;
	v13 =	vadd.s32 v1, v13  }
0x2df: {  	v15 =	vld [tilespmem:s0+$0x80];
	v9 =	vor.u32 v9, v13;
	v13 =	vand.u32 $0xFFFFFF80, v6;
	v6 =	vand.u32 $0x7F, v6  }
0x2e0: {  	v5 =	vadd.f32 v7, v5;
	v4 =	vmul.f32 v16, v4;
	v7 =	vld.idx.msk [tilespmem:v12+s11+$0x0], $0xffff;
	v12 =	vadd.s32 v1, v13  }
0x2e1: {  	v13 =	vld [tilespmem:s0+$0x100];
	v6 =	vor.u32 v6, v12;
	v12 =	vand.u32 $0xFFFFFF80, v3;
	v3 =	vand.u32 $0x7F, v3  }
0x2e2: {  	v4 =	vadd.f32 v4, v5;
	v5 =	vmul.f32 v14, v8;
	v8 =	vld.idx.msk [tilespmem:v11+s11+$0x0], $0xffff;
	v11 =	vadd.s32 v1, v12  }
0x2e3: {  	v12 =	vld [tilespmem:s0+$0x180];
	v3 =	vor.u32 v3, v11;
	v11 =	vand.u32 $0xFFFFFF80, v2;
	v2 =	vand.u32 $0x7F, v2  }
0x2e4: {  	v4 =	vadd.f32 v5, v4;
	v5 =	vmul.f32 v15, v10;
	v9 =	vld.idx.msk [tilespmem:v9+s11+$0x0], $0xffff;
	v1 =	vadd.s32 v1, v11  }
0x2e5: {  	v10 =	vld [tilespmem:s0+$0x200];
	v1 =	vor.u32 v2, v1  }
0x2e6: {  	v2 =	vadd.f32 v5, v4;
	v4 =	vmul.f32 v13, v7;
	v5 =	vld.idx.msk [tilespmem:v6+s11+$0x0], $0xffff  }
0x2e7: {  	v6 =	vld [tilespmem:s0+$0x280]  }
0x2e8: {  	v2 =	vadd.f32 v4, v2;
	v4 =	vmul.f32 v12, v8;
	v3 =	vld.idx.msk [tilespmem:v3+s11+$0x0], $0xffff  }
0x2e9: {  	v7 =	vld [tilespmem:s0+$0x300]  }
0x2ea: {  	v2 =	vadd.f32 v4, v2;
	v4 =	vmul.f32 v10, v9;
	v1 =	vld.idx.msk [tilespmem:v1+s11+$0x0], $0xffff  }
0x2eb: {  	v8 =	vld [tilespmem:s0+$0x380]  }
0x2ec: {  	v2 =	vadd.f32 v4, v2;
	v4 =	vmul.f32 v6, v5;
	_ =	sdelay $0x1  }
0x2ed: {  	v2 =	vadd.f32 v4, v2;
	v3 =	vmul.f32 v7, v3;
	_ =	sdelay $0x1  }
0x2ee: {  	v2 =	vadd.f32 v3, v2;
	v1 =	vmul.f32 v8, v1;
	_ =	sdelay $0x1  }
0x2ef: {  	v1 =	vadd.f32 v1, v2;
	_ =	sdelay $0x1  }
.Ltmp6:
0x2f0: {  	v1 =	vsub.f32 $0.0e+00, v1;
	(pc) =	sbr.rel @p0 .LBB2_10-.Ltmp6, $4  }
0x2f1: {  	s1 =	sadd.s32 $0x10, s1  }
0x2f2: {  	s14 =	sadd.s32 $0x10, s14;
	[tilespmem:s1+$0x0] =	vst v1  }
0x2f3: {  	v4 =	vld [tilespmem:s14+$0x0]  }
0x2f4: {  	s17 =	sadd.s32 $0x10, s17  }
0x2f5: {  	_ = 	snop  }
0x2f6: {  	v1 =	vmov s16  }
0x2f7: {  	v1 =	vshll.u32 v1, $0x7  }
0x2f8: {  	v1 =	vor.u32 v0, v1;
	v2 =	vadd.s32 $0xF, v4  }
0x2f9: {  	v3 =	vand.u32 $0xFFFFFF80, v4;
	v5 =	vadd.s32 $0xD, v4;
	v6 =	vadd.s32 $0xE, v4  }
0x2fa: {  	v7 =	vand.u32 $0x7F, v4;
	v8 =	vadd.s32 $0x1, v4;
	v9 =	vadd.s32 $0xC, v4  }
0x2fb: {  	v10 =	vadd.s32 $0x2, v4;
	v11 =	vadd.s32 $0xB, v4;
	v3 =	vadd.s32 v1, v3  }
0x2fc: {  	v12 =	vadd.s32 $0x3, v4;
	v3 =	vor.u32 v7, v3;
	v7 =	vand.u32 $0xFFFFFF80, v8  }
0x2fd: {  	v13 =	vadd.s32 $0xA, v4;
	v8 =	vand.u32 $0x7F, v8;
	v7 =	vadd.s32 v1, v7  }
0x2fe: {  	v14 =	vadd.s32 $0x4, v4;
	v58 =	vand.u32 $0xFFFFFF80, v10;
	v7 =	vor.u32 v8, v7  }
0x2ff: {  	s0 =	sadd.s32 $0x10, s0;
	v16 =	vadd.s32 $0x9, v4;
	v10 =	vand.u32 $0x7F, v10;
	v8 =	vadd.s32 v1, v58  }
0x300: {  	v15 =	vld [tilespmem:s0+$0xFFFFF000];
	v17 =	vadd.s32 $0x5, v4;
	v59 =	vand.u32 $0xFFFFFF80, v12;
	v8 =	vor.u32 v10, v8  }
0x301: {  	v19 =	vadd.s32 $0x8, v4;
	v12 =	vand.u32 $0x7F, v12;
	v10 =	vadd.s32 v1, v59;
	v3 =	vld.idx.msk [tilespmem:v3+s11+$0x0], $0xffff  }
0x302: {  	v18 =	vld [tilespmem:s0+$0xFFFFF080];
	v20 =	vadd.s32 $0x6, v4;
	v60 =	vand.u32 $0xFFFFFF80, v14;
	v10 =	vor.u32 v12, v10  }
0x303: {  	v4 =	vadd.s32 $0x7, v4;
	v14 =	vand.u32 $0x7F, v14;
	v12 =	vadd.s32 v1, v60;
	v7 =	vld.idx.msk [tilespmem:v7+s11+$0x0], $0xffff  }
0x304: {  	v21 =	vld [tilespmem:s0+$0xFFFFF100];
	v61 =	vand.u32 $0xFFFFFF80, v17;
	v17 =	vand.u32 $0x7F, v17;
	v12 =	vor.u32 v14, v12  }
0x305: {  	v62 =	vand.u32 $0xFFFFFF80, v20;
	v63 =	vand.u32 $0x7F, v20;
	v14 =	vadd.s32 v1, v61;
	v8 =	vld.idx.msk [tilespmem:v8+s11+$0x0], $0xffff  }
0x306: {  	v24 =	vld [tilespmem:s0+$0xFFFFF180];
	v25 =	vand.u32 $0xFFFFFF80, v4;
	v14 =	vor.u32 v17, v14;
	v3 =	vmul.f32 v15, v3  }
0x307: {  	v4 =	vand.u32 $0x7F, v4;
	v27 =	vand.u32 $0xFFFFFF80, v19;
	v17 =	vadd.s32 v1, v62;
	v10 =	vld.idx.msk [tilespmem:v10+s11+$0x0], $0xffff  }
0x308: {  	v26 =	vld [tilespmem:s0+$0xFFFFF200];
	v15 =	vor.u32 v63, v17;
	v3 =	vadd.f32 $0.0e+00, v3;
	v7 =	vmul.f32 v18, v7  }
0x309: {  	v19 =	vand.u32 $0x7F, v19;
	v31 =	vand.u32 $0xFFFFFF80, v16;
	v12 =	vld.idx.msk [tilespmem:v12+s11+$0x0], $0xffff;
	v17 =	vadd.s32 v1, v25  }
0x30a: {  	v30 =	vld [tilespmem:s0+$0xFFFFF280];
	v4 =	vor.u32 v4, v17;
	v3 =	vadd.f32 v7, v3;
	v7 =	vmul.f32 v21, v8  }
0x30b: {  	v16 =	vand.u32 $0x7F, v16;
	v35 =	vand.u32 $0xFFFFFF80, v13;
	v29 =	vadd.s32 v1, v27;
	v28 =	vld.idx.msk [tilespmem:v14+s11+$0x0], $0xffff  }
0x30c: {  	v34 =	vld [tilespmem:s0+$0xFFFFF300];
	v14 =	vor.u32 v19, v29;
	v3 =	vadd.f32 v7, v3;
	v7 =	vmul.f32 v24, v10  }
0x30d: {  	v13 =	vand.u32 $0x7F, v13;
	v38 =	vand.u32 $0xFFFFFF80, v11;
	v33 =	vadd.s32 v1, v31;
	v32 =	vld.idx.msk [tilespmem:v15+s11+$0x0], $0xffff  }
0x30e: {  	v37 =	vld [tilespmem:s0+$0xFFFFF380];
	v15 =	vor.u32 v16, v33;
	v3 =	vadd.f32 v7, v3;
	v7 =	vmul.f32 v26, v12  }
0x30f: {  	v11 =	vand.u32 $0x7F, v11;
	v41 =	vand.u32 $0xFFFFFF80, v9;
	v36 =	vadd.s32 v1, v35;
	v4 =	vld.idx.msk [tilespmem:v4+s11+$0x0], $0xffff  }
0x310: {  	v40 =	vld [tilespmem:s0+$0x0];
	v12 =	vor.u32 v13, v36;
	v3 =	vadd.f32 v7, v3;
	v7 =	vmul.f32 v30, v28  }
0x311: {  	v9 =	vand.u32 $0x7F, v9;
	v44 =	vand.u32 $0xFFFFFF80, v5;
	v39 =	vld.idx.msk [tilespmem:v14+s11+$0x0], $0xffff;
	v13 =	vadd.s32 v1, v38  }
0x312: {  	v43 =	vld [tilespmem:s0+$0x80];
	v11 =	vor.u32 v11, v13;
	v3 =	vadd.f32 v7, v3;
	v7 =	vmul.f32 v34, v32  }
0x313: {  	v5 =	vand.u32 $0x7F, v5;
	v45 =	vadd.s32 v1, v44;
	v13 =	vadd.s32 v1, v41;
	v42 =	vld.idx.msk [tilespmem:v15+s11+$0x0], $0xffff  }
0x314: {  	v46 =	vld [tilespmem:s0+$0x100];
	v9 =	vor.u32 v9, v13;
	v4 =	vmul.f32 v37, v4;
	v3 =	vadd.f32 v7, v3  }
0x315: {  	v47 =	vand.u32 $0xFFFFFF80, v6;
	v6 =	vand.u32 $0x7F, v6;
	v5 =	vor.u32 v5, v45;
	v7 =	vld.idx.msk [tilespmem:v12+s11+$0x0], $0xffff  }
0x316: {  	v50 =	vld [tilespmem:s0+$0x180];
	v49 =	vadd.s32 v1, v47;
	v3 =	vadd.f32 v4, v3;
	v4 =	vmul.f32 v40, v39  }
0x317: {  	v6 =	vor.u32 v6, v49;
	v48 =	vld.idx.msk [tilespmem:v11+s11+$0x0], $0xffff  }
0x318: {  	v52 =	vld [tilespmem:s0+$0x200];
	v51 =	vand.u32 $0xFFFFFF80, v2;
	v3 =	vadd.f32 v4, v3;
	v4 =	vmul.f32 v43, v42  }
0x319: {  	v2 =	vand.u32 $0x7F, v2;
	v1 =	vadd.s32 v1, v51;
	v9 =	vld.idx.msk [tilespmem:v9+s11+$0x0], $0xffff  }
0x31a: {  	v1 =	vor.u32 v2, v1;
	v2 =	vadd.f32 v4, v3;
	v3 =	vmul.f32 v46, v7;
	v4 =	vld.idx.msk [tilespmem:v5+s11+$0x0], $0xffff  }
0x31b: {  	v5 =	vld [tilespmem:s0+$0x280]  }
0x31c: {  	v6 =	vld.idx.msk [tilespmem:v6+s11+$0x0], $0xffff;
	v2 =	vadd.f32 v3, v2;
	v3 =	vmul.f32 v50, v48  }
0x31d: {  	v7 =	vld [tilespmem:s0+$0x300]  }
0x31e: {  	v53 =	vld [tilespmem:s0+$0x380];
	v2 =	vadd.f32 v3, v2;
	v3 =	vmul.f32 v52, v9  }
0x31f: {  	v1 =	vld.idx.msk [tilespmem:v1+s11+$0x0], $0xffff  }
0x320: {  	v2 =	vadd.f32 v3, v2;
	v3 =	vmul.f32 v5, v4;
	_ =	sdelay $0x1  }
0x321: {  	v2 =	vadd.f32 v3, v2;
	v3 =	vmul.f32 v7, v6;
	_ =	sdelay $0x1  }
0x322: {  	v1 =	vmul.f32 v53, v1;
	v2 =	vadd.f32 v3, v2;
	_ =	sdelay $0x1  }
0x323: {  	v1 =	vadd.f32 v1, v2;
	_ =	sdelay $0x1  }
0x324: {  	v1 =	vsub.f32 $0.0e+00, v1  }
0x325: {  	s28 =	sadd.s32 $0x10, s1  }
0x326: {  	s29 =	simm.s32 $0x300;
	[tilespmem:s28+$0x0] =	vst v1  }
0x327: {  	[tilespmem:s11], [sflag:$0x1] =	stream.indirect.gather [hbm4b:s4+s10], $0x80, s29, s10, $0xb8;
	[tilespmem:$0xE800] =	vst v63  }
0x328: {  	_ =	swait.ge [sflag:s15], $0x4000  }
0x329: {  	[sflag:s15] =	ssyncset.done $0x0  }
0x32a: {  	s30 =	simm.s32 $0x1A80;
	[sflag:s15] =	ssyncadd.s32 $0xFFFFC000  }
0x32b: {  	v1 =	vld [tilespmem:s30+$0x0];
	_ =	sdelay $0x1  }
0x32c: {  	s31 =	simm.s32 $0x0  }
0x32d: {  	v2 =	vmov s31  }
0x32e: {  	v2 =	vshll.u32 v2, $0x7  }
0x32f: {  	v2 =	vor.u32 v0, v2;
	v3 =	vadd.s32 $0xF, v1  }
0x330: {  	v4 =	vand.u32 $0xFFFFFF80, v1;
	v5 =	vadd.s32 $0xD, v1;
	v6 =	vadd.s32 $0xE, v1  }
0x331: {  	v7 =	vand.u32 $0x7F, v1;
	v54 =	vadd.s32 $0x1, v1;
	v55 =	vadd.s32 $0xC, v1  }
0x332: {  	v56 =	vadd.s32 $0x2, v1;
	v58 =	vadd.s32 $0xB, v1;
	v4 =	vadd.s32 v2, v4  }
0x333: {  	v59 =	vadd.s32 $0x3, v1;
	v4 =	vor.u32 v7, v4;
	v7 =	vand.u32 $0xFFFFFF80, v54  }
0x334: {  	v61 =	vadd.s32 $0xA, v1;
	v8 =	vand.u32 $0x7F, v54;
	v7 =	vadd.s32 v2, v7  }
0x335: {  	v62 =	vadd.s32 $0x4, v1;
	v57 =	vand.u32 $0xFFFFFF80, v56;
	v7 =	vor.u32 v8, v7  }
0x336: {  	s0 =	simm.s32 $0xC400;
	v25 =	vadd.s32 $0x9, v1;
	v10 =	vand.u32 $0x7F, v56;
	v8 =	vadd.s32 v2, v57  }
0x337: {  	v63 =	vld [tilespmem:s0+$0xFFFFF000];
	v26 =	vadd.s32 $0x5, v1;
	v60 =	vand.u32 $0xFFFFFF80, v59;
	v8 =	vor.u32 v10, v8  }
0x338: {  	v29 =	vadd.s32 $0x8, v1;
	v12 =	vand.u32 $0x7F, v59;
	v10 =	vadd.s32 v2, v60;
	v4 =	vld.idx.msk [tilespmem:v4+s12+$0x0], $0xffff  }
0x339: {  	v27 =	vld [tilespmem:s0+$0xFFFFF080];
	v30 =	vadd.s32 $0x6, v1;
	v24 =	vand.u32 $0xFFFFFF80, v62;
	v10 =	vor.u32 v12, v10  }
0x33a: {  	v1 =	vadd.s32 $0x7, v1;
	v14 =	vand.u32 $0x7F, v62;
	v12 =	vadd.s32 v2, v24;
	v7 =	vld.idx.msk [tilespmem:v7+s12+$0x0], $0xffff  }
0x33b: {  	v31 =	vld [tilespmem:s0+$0xFFFFF100];
	v28 =	vand.u32 $0xFFFFFF80, v26;
	v17 =	vand.u32 $0x7F, v26;
	v12 =	vor.u32 v14, v12  }
0x33c: {  	v32 =	vand.u32 $0xFFFFFF80, v30;
	v33 =	vand.u32 $0x7F, v30;
	v14 =	vadd.s32 v2, v28;
	v8 =	vld.idx.msk [tilespmem:v8+s12+$0x0], $0xffff  }
0x33d: {  	v34 =	vld [tilespmem:s0+$0xFFFFF180];
	v35 =	vand.u32 $0xFFFFFF80, v1;
	v14 =	vor.u32 v17, v14;
	v4 =	vmul.f32 v63, v4  }
0x33e: {  	v1 =	vand.u32 $0x7F, v1;
	v37 =	vand.u32 $0xFFFFFF80, v29;
	v17 =	vadd.s32 v2, v32;
	v10 =	vld.idx.msk [tilespmem:v10+s12+$0x0], $0xffff  }
0x33f: {  	v36 =	vld [tilespmem:s0+$0xFFFFF200];
	v15 =	vor.u32 v33, v17;
	v4 =	vadd.f32 $0.0e+00, v4;
	v7 =	vmul.f32 v27, v7  }
0x340: {  	v19 =	vand.u32 $0x7F, v29;
	v41 =	vand.u32 $0xFFFFFF80, v25;
	v17 =	vadd.s32 v2, v35;
	v12 =	vld.idx.msk [tilespmem:v12+s12+$0x0], $0xffff  }
0x341: {  	v40 =	vld [tilespmem:s0+$0xFFFFF280];
	v1 =	vor.u32 v1, v17;
	v4 =	vadd.f32 v7, v4;
	v7 =	vmul.f32 v31, v8  }
0x342: {  	v16 =	vand.u32 $0x7F, v25;
	v45 =	vand.u32 $0xFFFFFF80, v61;
	v39 =	vadd.s32 v2, v37;
	v38 =	vld.idx.msk [tilespmem:v14+s12+$0x0], $0xffff  }
0x343: {  	v44 =	vld [tilespmem:s0+$0xFFFFF300];
	v14 =	vor.u32 v19, v39;
	v4 =	vadd.f32 v7, v4;
	v7 =	vmul.f32 v34, v10  }
0x344: {  	v13 =	vand.u32 $0x7F, v61;
	v48 =	vand.u32 $0xFFFFFF80, v58;
	v43 =	vadd.s32 v2, v41;
	v42 =	vld.idx.msk [tilespmem:v15+s12+$0x0], $0xffff  }
0x345: {  	v47 =	vld [tilespmem:s0+$0xFFFFF380];
	v15 =	vor.u32 v16, v43;
	v4 =	vadd.f32 v7, v4;
	v7 =	vmul.f32 v36, v12  }
0x346: {  	v11 =	vand.u32 $0x7F, v58;
	v51 =	vand.u32 $0xFFFFFF80, v55;
	v46 =	vadd.s32 v2, v45;
	v1 =	vld.idx.msk [tilespmem:v1+s12+$0x0], $0xffff  }
0x347: {  	v50 =	vld [tilespmem:s0+$0x0];
	v12 =	vor.u32 v13, v46;
	v4 =	vadd.f32 v7, v4;
	v7 =	vmul.f32 v40, v38  }
0x348: {  	v9 =	vand.u32 $0x7F, v55;
	v54 =	vand.u32 $0xFFFFFF80, v5;
	v49 =	vld.idx.msk [tilespmem:v14+s12+$0x0], $0xffff;
	v13 =	vadd.s32 v2, v48  }
0x349: {  	v53 =	vld [tilespmem:s0+$0x80];
	v11 =	vor.u32 v11, v13;
	v4 =	vadd.f32 v7, v4;
	v7 =	vmul.f32 v44, v42  }
0x34a: {  	v5 =	vand.u32 $0x7F, v5;
	v55 =	vadd.s32 v2, v54;
	v52 =	vld.idx.msk [tilespmem:v15+s12+$0x0], $0xffff;
	v13 =	vadd.s32 v2, v51  }
0x34b: {  	v56 =	vld [tilespmem:s0+$0x100];
	v1 =	vmul.f32 v47, v1;
	v9 =	vor.u32 v9, v13;
	v4 =	vadd.f32 v7, v4  }
0x34c: {  	v5 =	vor.u32 v5, v55;
	v57 =	vand.u32 $0xFFFFFF80, v6;
	v6 =	vand.u32 $0x7F, v6;
	v7 =	vld.idx.msk [tilespmem:v12+s12+$0x0], $0xffff  }
0x34d: {  	v59 =	vadd.s32 v2, v57;
	v60 =	vld [tilespmem:s0+$0x180];
	v1 =	vadd.f32 v1, v4;
	v4 =	vmul.f32 v50, v49  }
0x34e: {  	v6 =	vor.u32 v6, v59;
	v58 =	vld.idx.msk [tilespmem:v11+s12+$0x0], $0xffff  }
0x34f: {  	v61 =	vand.u32 $0xFFFFFF80, v3;
	v62 =	vld [tilespmem:s0+$0x200];
	v1 =	vadd.f32 v4, v1;
	v4 =	vmul.f32 v53, v52  }
0x350: {  	v3 =	vand.u32 $0x7F, v3;
	v2 =	vadd.s32 v2, v61;
	v9 =	vld.idx.msk [tilespmem:v9+s12+$0x0], $0xffff  }
0x351: {  	v2 =	vor.u32 v3, v2;
	v3 =	vmul.f32 v56, v7;
	v1 =	vadd.f32 v4, v1;
	v4 =	vld.idx.msk [tilespmem:v5+s12+$0x0], $0xffff  }
0x352: {  	v5 =	vld [tilespmem:s0+$0x280]  }
0x353: {  	v6 =	vld.idx.msk [tilespmem:v6+s12+$0x0], $0xffff;
	v1 =	vadd.f32 v3, v1;
	v3 =	vmul.f32 v60, v58  }
0x354: {  	v7 =	vld [tilespmem:s0+$0x300]  }
0x355: {  	v63 =	vld [tilespmem:s0+$0x380];
	v1 =	vadd.f32 v3, v1;
	v3 =	vmul.f32 v62, v9  }
0x356: {  	v2 =	vld.idx.msk [tilespmem:v2+s12+$0x0], $0xffff  }
0x357: {  	v1 =	vadd.f32 v3, v1;
	v3 =	vmul.f32 v5, v4;
	_ =	sdelay $0x1  }
0x358: {  	v1 =	vadd.f32 v3, v1;
	v3 =	vmul.f32 v7, v6;
	_ =	sdelay $0x1  }
0x359: {  	v2 =	vmul.f32 v63, v2;
	v1 =	vadd.f32 v3, v1;
	_ =	sdelay $0x1  }
0x35a: {  	v1 =	vadd.f32 v2, v1;
	_ =	sdelay $0x1  }
0x35b: {  	v1 =	vsub.f32 $0.0e+00, v1  }
0x35c: {  	s1 =	simm.s32 $0xD080  }
0x35d: {  	s14 =	simm.s32 $0x1A90;
	[tilespmem:s1+$0x0] =	vst v1  }
0x35e: {  	v4 =	vld [tilespmem:s14+$0x0]  }
0x35f: {  	s16 =	simm.s32 $0x10;
	s17 =	simm.s32 $0x20  }
.LBB2_12:
0x360: {  	p0 =	sne.s32 s17, $0x70  }
0x361: {  	v1 =	vmov s16;
	s16 =	smov.u32 s17  }
0x362: {  	v1 =	vshll.u32 v1, $0x7  }
0x363: {  	v1 =	vor.u32 v0, v1;
	v2 =	vadd.s32 $0xF, v4  }
0x364: {  	v5 =	vand.u32 $0xFFFFFF80, v4;
	v6 =	vadd.s32 $0xD, v4;
	v3 =	vadd.s32 $0xE, v4  }
0x365: {  	v7 =	vand.u32 $0x7F, v4;
	v8 =	vadd.s32 $0x1, v4;
	v5 =	vadd.s32 v1, v5  }
0x366: {  	v9 =	vadd.s32 $0xC, v4;
	v5 =	vor.u32 v7, v5;
	v7 =	vand.u32 $0xFFFFFF80, v8  }
0x367: {  	v10 =	vadd.s32 $0x2, v4;
	v8 =	vand.u32 $0x7F, v8;
	v7 =	vadd.s32 v1, v7  }
0x368: {  	v11 =	vadd.s32 $0xB, v4;
	v7 =	vor.u32 v8, v7;
	v8 =	vand.u32 $0xFFFFFF80, v10  }
0x369: {  	v12 =	vadd.s32 $0x3, v4;
	v10 =	vand.u32 $0x7F, v10;
	v8 =	vadd.s32 v1, v8  }
0x36a: {  	v13 =	vadd.s32 $0xA, v4;
	v8 =	vor.u32 v10, v8;
	v10 =	vand.u32 $0xFFFFFF80, v12  }
0x36b: {  	s0 =	sadd.s32 $0x10, s0;
	v14 =	vadd.s32 $0x4, v4;
	v12 =	vand.u32 $0x7F, v12;
	v10 =	vadd.s32 v1, v10;
	v5 =	vld.idx.msk [tilespmem:v5+s12+$0x0], $0xffff  }
0x36c: {  	v16 =	vadd.s32 $0x9, v4;
	v10 =	vor.u32 v12, v10;
	v12 =	vand.u32 $0xFFFFFF80, v14;
	v15 =	vld [tilespmem:s0+$0xFFFFF000]  }
0x36d: {  	v17 =	vadd.s32 $0x5, v4;
	v14 =	vand.u32 $0x7F, v14;
	v12 =	vadd.s32 v1, v12;
	v7 =	vld.idx.msk [tilespmem:v7+s12+$0x0], $0xffff  }
0x36e: {  	v19 =	vadd.s32 $0x8, v4;
	v12 =	vor.u32 v14, v12;
	v14 =	vand.u32 $0xFFFFFF80, v17;
	v18 =	vld [tilespmem:s0+$0xFFFFF080]  }
0x36f: {  	v20 =	vadd.s32 $0x6, v4;
	v17 =	vand.u32 $0x7F, v17;
	v14 =	vadd.s32 v1, v14;
	v8 =	vld.idx.msk [tilespmem:v8+s12+$0x0], $0xffff  }
0x370: {  	v4 =	vadd.s32 $0x7, v4;
	v14 =	vor.u32 v17, v14;
	v17 =	vand.u32 $0xFFFFFF80, v20;
	v21 =	vld [tilespmem:s0+$0xFFFFF100]  }
0x371: {  	v17 =	vadd.s32 v1, v17;
	v5 =	vmul.f32 v15, v5;
	v10 =	vld.idx.msk [tilespmem:v10+s12+$0x0], $0xffff;
	v15 =	vand.u32 $0x7F, v20  }
0x372: {  	v20 =	vld [tilespmem:s0+$0xFFFFF180];
	v15 =	vor.u32 v15, v17;
	v17 =	vand.u32 $0xFFFFFF80, v4;
	v4 =	vand.u32 $0x7F, v4  }
0x373: {  	v5 =	vadd.f32 $0.0e+00, v5;
	v7 =	vmul.f32 v18, v7;
	v12 =	vld.idx.msk [tilespmem:v12+s12+$0x0], $0xffff;
	v17 =	vadd.s32 v1, v17  }
0x374: {  	v18 =	vld [tilespmem:s0+$0xFFFFF200];
	v4 =	vor.u32 v4, v17;
	v17 =	vand.u32 $0xFFFFFF80, v19;
	v19 =	vand.u32 $0x7F, v19  }
0x375: {  	v5 =	vadd.f32 v7, v5;
	v7 =	vmul.f32 v21, v8;
	v8 =	vld.idx.msk [tilespmem:v14+s12+$0x0], $0xffff;
	v14 =	vadd.s32 v1, v17  }
0x376: {  	v17 =	vld [tilespmem:s0+$0xFFFFF280];
	v14 =	vor.u32 v19, v14;
	v19 =	vand.u32 $0xFFFFFF80, v16;
	v16 =	vand.u32 $0x7F, v16  }
0x377: {  	v5 =	vadd.f32 v7, v5;
	v7 =	vmul.f32 v20, v10;
	v10 =	vld.idx.msk [tilespmem:v15+s12+$0x0], $0xffff;
	v15 =	vadd.s32 v1, v19  }
0x378: {  	v19 =	vld [tilespmem:s0+$0xFFFFF300];
	v15 =	vor.u32 v16, v15;
	v16 =	vand.u32 $0xFFFFFF80, v13;
	v13 =	vand.u32 $0x7F, v13  }
0x379: {  	v5 =	vadd.f32 v7, v5;
	v7 =	vmul.f32 v18, v12;
	v4 =	vld.idx.msk [tilespmem:v4+s12+$0x0], $0xffff;
	v12 =	vadd.s32 v1, v16  }
0x37a: {  	v16 =	vld [tilespmem:s0+$0xFFFFF380];
	v12 =	vor.u32 v13, v12;
	v13 =	vand.u32 $0xFFFFFF80, v11;
	v11 =	vand.u32 $0x7F, v11  }
0x37b: {  	v5 =	vadd.f32 v7, v5;
	v7 =	vmul.f32 v17, v8;
	v8 =	vld.idx.msk [tilespmem:v14+s12+$0x0], $0xffff;
	v13 =	vadd.s32 v1, v13  }
0x37c: {  	v14 =	vld [tilespmem:s0+$0x0];
	v11 =	vor.u32 v11, v13;
	v13 =	vand.u32 $0xFFFFFF80, v9;
	v9 =	vand.u32 $0x7F, v9  }
0x37d: {  	v5 =	vadd.f32 v7, v5;
	v7 =	vmul.f32 v19, v10;
	v10 =	vld.idx.msk [tilespmem:v15+s12+$0x0], $0xffff;
	v13 =	vadd.s32 v1, v13  }
0x37e: {  	v15 =	vld [tilespmem:s0+$0x80];
	v9 =	vor.u32 v9, v13;
	v13 =	vand.u32 $0xFFFFFF80, v6;
	v6 =	vand.u32 $0x7F, v6  }
0x37f: {  	v5 =	vadd.f32 v7, v5;
	v4 =	vmul.f32 v16, v4;
	v7 =	vld.idx.msk [tilespmem:v12+s12+$0x0], $0xffff;
	v12 =	vadd.s32 v1, v13  }
0x380: {  	v13 =	vld [tilespmem:s0+$0x100];
	v6 =	vor.u32 v6, v12;
	v12 =	vand.u32 $0xFFFFFF80, v3;
	v3 =	vand.u32 $0x7F, v3  }
0x381: {  	v4 =	vadd.f32 v4, v5;
	v5 =	vmul.f32 v14, v8;
	v8 =	vld.idx.msk [tilespmem:v11+s12+$0x0], $0xffff;
	v11 =	vadd.s32 v1, v12  }
0x382: {  	v12 =	vld [tilespmem:s0+$0x180];
	v3 =	vor.u32 v3, v11;
	v11 =	vand.u32 $0xFFFFFF80, v2;
	v2 =	vand.u32 $0x7F, v2  }
0x383: {  	v4 =	vadd.f32 v5, v4;
	v5 =	vmul.f32 v15, v10;
	v9 =	vld.idx.msk [tilespmem:v9+s12+$0x0], $0xffff;
	v1 =	vadd.s32 v1, v11  }
0x384: {  	v10 =	vld [tilespmem:s0+$0x200];
	v1 =	vor.u32 v2, v1  }
0x385: {  	v2 =	vadd.f32 v5, v4;
	v4 =	vmul.f32 v13, v7;
	v5 =	vld.idx.msk [tilespmem:v6+s12+$0x0], $0xffff  }
0x386: {  	v6 =	vld [tilespmem:s0+$0x280]  }
0x387: {  	v2 =	vadd.f32 v4, v2;
	v4 =	vmul.f32 v12, v8;
	v3 =	vld.idx.msk [tilespmem:v3+s12+$0x0], $0xffff  }
0x388: {  	v7 =	vld [tilespmem:s0+$0x300]  }
0x389: {  	v2 =	vadd.f32 v4, v2;
	v4 =	vmul.f32 v10, v9;
	v1 =	vld.idx.msk [tilespmem:v1+s12+$0x0], $0xffff  }
0x38a: {  	v8 =	vld [tilespmem:s0+$0x380]  }
0x38b: {  	v2 =	vadd.f32 v4, v2;
	v4 =	vmul.f32 v6, v5;
	_ =	sdelay $0x1  }
0x38c: {  	v2 =	vadd.f32 v4, v2;
	v3 =	vmul.f32 v7, v3;
	_ =	sdelay $0x1  }
0x38d: {  	v2 =	vadd.f32 v3, v2;
	v1 =	vmul.f32 v8, v1;
	_ =	sdelay $0x1  }
0x38e: {  	v1 =	vadd.f32 v1, v2;
	_ =	sdelay $0x1  }
.Ltmp7:
0x38f: {  	v1 =	vsub.f32 $0.0e+00, v1;
	(pc) =	sbr.rel @p0 .LBB2_12-.Ltmp7, $4  }
0x390: {  	s1 =	sadd.s32 $0x10, s1  }
0x391: {  	s14 =	sadd.s32 $0x10, s14;
	[tilespmem:s1+$0x0] =	vst v1  }
0x392: {  	v4 =	vld [tilespmem:s14+$0x0]  }
0x393: {  	s17 =	sadd.s32 $0x10, s17  }
0x394: {  	_ = 	snop  }
0x395: {  	v1 =	vmov s16  }
0x396: {  	v1 =	vshll.u32 v1, $0x7  }
0x397: {  	v1 =	vor.u32 v0, v1;
	v2 =	vadd.s32 $0xF, v4  }
0x398: {  	v3 =	vand.u32 $0xFFFFFF80, v4;
	v5 =	vadd.s32 $0xD, v4;
	v6 =	vadd.s32 $0xE, v4  }
0x399: {  	v7 =	vand.u32 $0x7F, v4;
	v8 =	vadd.s32 $0x1, v4;
	v9 =	vadd.s32 $0xC, v4  }
0x39a: {  	v10 =	vadd.s32 $0x2, v4;
	v11 =	vadd.s32 $0xB, v4;
	v3 =	vadd.s32 v1, v3  }
0x39b: {  	v12 =	vadd.s32 $0x3, v4;
	v3 =	vor.u32 v7, v3;
	v7 =	vand.u32 $0xFFFFFF80, v8  }
0x39c: {  	v13 =	vadd.s32 $0xA, v4;
	v8 =	vand.u32 $0x7F, v8;
	v7 =	vadd.s32 v1, v7  }
0x39d: {  	v14 =	vadd.s32 $0x4, v4;
	v58 =	vand.u32 $0xFFFFFF80, v10;
	v7 =	vor.u32 v8, v7  }
0x39e: {  	s0 =	sadd.s32 $0x10, s0;
	v16 =	vadd.s32 $0x9, v4;
	v10 =	vand.u32 $0x7F, v10;
	v8 =	vadd.s32 v1, v58  }
0x39f: {  	v15 =	vld [tilespmem:s0+$0xFFFFF000];
	v17 =	vadd.s32 $0x5, v4;
	v59 =	vand.u32 $0xFFFFFF80, v12;
	v8 =	vor.u32 v10, v8  }
0x3a0: {  	v19 =	vadd.s32 $0x8, v4;
	v12 =	vand.u32 $0x7F, v12;
	v10 =	vadd.s32 v1, v59;
	v3 =	vld.idx.msk [tilespmem:v3+s12+$0x0], $0xffff  }
0x3a1: {  	v18 =	vld [tilespmem:s0+$0xFFFFF080];
	v20 =	vadd.s32 $0x6, v4;
	v60 =	vand.u32 $0xFFFFFF80, v14;
	v10 =	vor.u32 v12, v10  }
0x3a2: {  	v4 =	vadd.s32 $0x7, v4;
	v14 =	vand.u32 $0x7F, v14;
	v12 =	vadd.s32 v1, v60;
	v7 =	vld.idx.msk [tilespmem:v7+s12+$0x0], $0xffff  }
0x3a3: {  	v21 =	vld [tilespmem:s0+$0xFFFFF100];
	v61 =	vand.u32 $0xFFFFFF80, v17;
	v17 =	vand.u32 $0x7F, v17;
	v12 =	vor.u32 v14, v12  }
0x3a4: {  	v62 =	vand.u32 $0xFFFFFF80, v20;
	v63 =	vand.u32 $0x7F, v20;
	v14 =	vadd.s32 v1, v61;
	v8 =	vld.idx.msk [tilespmem:v8+s12+$0x0], $0xffff  }
0x3a5: {  	v24 =	vld [tilespmem:s0+$0xFFFFF180];
	v25 =	vand.u32 $0xFFFFFF80, v4;
	v14 =	vor.u32 v17, v14;
	v3 =	vmul.f32 v15, v3  }
0x3a6: {  	v4 =	vand.u32 $0x7F, v4;
	v27 =	vand.u32 $0xFFFFFF80, v19;
	v17 =	vadd.s32 v1, v62;
	v10 =	vld.idx.msk [tilespmem:v10+s12+$0x0], $0xffff  }
0x3a7: {  	v26 =	vld [tilespmem:s0+$0xFFFFF200];
	v15 =	vor.u32 v63, v17;
	v3 =	vadd.f32 $0.0e+00, v3;
	v7 =	vmul.f32 v18, v7  }
0x3a8: {  	v19 =	vand.u32 $0x7F, v19;
	v31 =	vand.u32 $0xFFFFFF80, v16;
	v12 =	vld.idx.msk [tilespmem:v12+s12+$0x0], $0xffff;
	v17 =	vadd.s32 v1, v25  }
0x3a9: {  	v30 =	vld [tilespmem:s0+$0xFFFFF280];
	v4 =	vor.u32 v4, v17;
	v3 =	vadd.f32 v7, v3;
	v7 =	vmul.f32 v21, v8  }
0x3aa: {  	v16 =	vand.u32 $0x7F, v16;
	v35 =	vand.u32 $0xFFFFFF80, v13;
	v29 =	vadd.s32 v1, v27;
	v28 =	vld.idx.msk [tilespmem:v14+s12+$0x0], $0xffff  }
0x3ab: {  	v34 =	vld [tilespmem:s0+$0xFFFFF300];
	v14 =	vor.u32 v19, v29;
	v3 =	vadd.f32 v7, v3;
	v7 =	vmul.f32 v24, v10  }
0x3ac: {  	v13 =	vand.u32 $0x7F, v13;
	v38 =	vand.u32 $0xFFFFFF80, v11;
	v33 =	vadd.s32 v1, v31;
	v32 =	vld.idx.msk [tilespmem:v15+s12+$0x0], $0xffff  }
0x3ad: {  	v37 =	vld [tilespmem:s0+$0xFFFFF380];
	v15 =	vor.u32 v16, v33;
	v3 =	vadd.f32 v7, v3;
	v7 =	vmul.f32 v26, v12  }
0x3ae: {  	v11 =	vand.u32 $0x7F, v11;
	v41 =	vand.u32 $0xFFFFFF80, v9;
	v36 =	vadd.s32 v1, v35;
	v4 =	vld.idx.msk [tilespmem:v4+s12+$0x0], $0xffff  }
0x3af: {  	v40 =	vld [tilespmem:s0+$0x0];
	v12 =	vor.u32 v13, v36;
	v3 =	vadd.f32 v7, v3;
	v7 =	vmul.f32 v30, v28  }
0x3b0: {  	v9 =	vand.u32 $0x7F, v9;
	v44 =	vand.u32 $0xFFFFFF80, v5;
	v39 =	vld.idx.msk [tilespmem:v14+s12+$0x0], $0xffff;
	v13 =	vadd.s32 v1, v38  }
0x3b1: {  	v43 =	vld [tilespmem:s0+$0x80];
	v11 =	vor.u32 v11, v13;
	v3 =	vadd.f32 v7, v3;
	v7 =	vmul.f32 v34, v32  }
0x3b2: {  	v5 =	vand.u32 $0x7F, v5;
	v45 =	vadd.s32 v1, v44;
	v13 =	vadd.s32 v1, v41;
	v42 =	vld.idx.msk [tilespmem:v15+s12+$0x0], $0xffff  }
0x3b3: {  	v46 =	vld [tilespmem:s0+$0x100];
	v9 =	vor.u32 v9, v13;
	v4 =	vmul.f32 v37, v4;
	v3 =	vadd.f32 v7, v3  }
0x3b4: {  	v47 =	vand.u32 $0xFFFFFF80, v6;
	v6 =	vand.u32 $0x7F, v6;
	v5 =	vor.u32 v5, v45;
	v7 =	vld.idx.msk [tilespmem:v12+s12+$0x0], $0xffff  }
0x3b5: {  	v50 =	vld [tilespmem:s0+$0x180];
	v49 =	vadd.s32 v1, v47;
	v3 =	vadd.f32 v4, v3;
	v4 =	vmul.f32 v40, v39  }
0x3b6: {  	v6 =	vor.u32 v6, v49;
	v48 =	vld.idx.msk [tilespmem:v11+s12+$0x0], $0xffff  }
0x3b7: {  	v52 =	vld [tilespmem:s0+$0x200];
	v51 =	vand.u32 $0xFFFFFF80, v2;
	v3 =	vadd.f32 v4, v3;
	v4 =	vmul.f32 v43, v42  }
0x3b8: {  	v2 =	vand.u32 $0x7F, v2;
	v1 =	vadd.s32 v1, v51;
	v9 =	vld.idx.msk [tilespmem:v9+s12+$0x0], $0xffff  }
0x3b9: {  	v1 =	vor.u32 v2, v1;
	v2 =	vadd.f32 v4, v3;
	v3 =	vmul.f32 v46, v7;
	v4 =	vld.idx.msk [tilespmem:v5+s12+$0x0], $0xffff  }
0x3ba: {  	v5 =	vld [tilespmem:s0+$0x280]  }
0x3bb: {  	v6 =	vld.idx.msk [tilespmem:v6+s12+$0x0], $0xffff;
	v2 =	vadd.f32 v3, v2;
	v3 =	vmul.f32 v50, v48  }
0x3bc: {  	v7 =	vld [tilespmem:s0+$0x300]  }
0x3bd: {  	v53 =	vld [tilespmem:s0+$0x380];
	v2 =	vadd.f32 v3, v2;
	v3 =	vmul.f32 v52, v9  }
0x3be: {  	v1 =	vld.idx.msk [tilespmem:v1+s12+$0x0], $0xffff  }
0x3bf: {  	v2 =	vadd.f32 v3, v2;
	v3 =	vmul.f32 v5, v4;
	_ =	sdelay $0x1  }
0x3c0: {  	v2 =	vadd.f32 v3, v2;
	v3 =	vmul.f32 v7, v6;
	_ =	sdelay $0x1  }
0x3c1: {  	v1 =	vmul.f32 v53, v1;
	v2 =	vadd.f32 v3, v2;
	_ =	sdelay $0x1  }
0x3c2: {  	v1 =	vadd.f32 v1, v2;
	_ =	sdelay $0x1  }
0x3c3: {  	v1 =	vsub.f32 $0.0e+00, v1  }
0x3c4: {  	s28 =	sadd.s32 $0x10, s1  }
0x3c5: {  	s29 =	simm.s32 $0x380;
	[tilespmem:s28+$0x0] =	vst v1  }
0x3c6: {  	[tilespmem:s12], [sflag:$0x2] =	stream.indirect.gather [hbm4b:s4+s10], $0x80, s29, s10, $0xb8;
	[tilespmem:$0xE800] =	vst v63  }
0x3c7: {  	_ =	swait.ge [sflag:s13], $0x4000  }
0x3c8: {  	[sflag:s13] =	ssyncset.done $0x0  }
0x3c9: {  	s30 =	simm.s32 $0x1B00;
	[sflag:s13] =	ssyncadd.s32 $0xFFFFC000  }
0x3ca: {  	v1 =	vld [tilespmem:s30+$0x0];
	_ =	sdelay $0x1  }
0x3cb: {  	s31 =	simm.s32 $0x0  }
0x3cc: {  	v2 =	vmov s31  }
0x3cd: {  	v2 =	vshll.u32 v2, $0x7  }
0x3ce: {  	v2 =	vor.u32 v0, v2;
	v3 =	vadd.s32 $0xF, v1  }
0x3cf: {  	v4 =	vand.u32 $0xFFFFFF80, v1;
	v5 =	vadd.s32 $0xD, v1;
	v6 =	vadd.s32 $0xE, v1  }
0x3d0: {  	v7 =	vand.u32 $0x7F, v1;
	v54 =	vadd.s32 $0x1, v1;
	v55 =	vadd.s32 $0xC, v1  }
0x3d1: {  	v56 =	vadd.s32 $0x2, v1;
	v58 =	vadd.s32 $0xB, v1;
	v4 =	vadd.s32 v2, v4  }
0x3d2: {  	v59 =	vadd.s32 $0x3, v1;
	v4 =	vor.u32 v7, v4;
	v7 =	vand.u32 $0xFFFFFF80, v54  }
0x3d3: {  	v61 =	vadd.s32 $0xA, v1;
	v8 =	vand.u32 $0x7F, v54;
	v7 =	vadd.s32 v2, v7  }
0x3d4: {  	v62 =	vadd.s32 $0x4, v1;
	v57 =	vand.u32 $0xFFFFFF80, v56;
	v7 =	vor.u32 v8, v7  }
0x3d5: {  	s0 =	simm.s32 $0xC800;
	v25 =	vadd.s32 $0x9, v1;
	v10 =	vand.u32 $0x7F, v56;
	v8 =	vadd.s32 v2, v57  }
0x3d6: {  	v63 =	vld [tilespmem:s0+$0xFFFFF000];
	v26 =	vadd.s32 $0x5, v1;
	v60 =	vand.u32 $0xFFFFFF80, v59;
	v8 =	vor.u32 v10, v8  }
0x3d7: {  	v29 =	vadd.s32 $0x8, v1;
	v12 =	vand.u32 $0x7F, v59;
	v10 =	vadd.s32 v2, v60;
	v4 =	vld.idx.msk [tilespmem:v4+s11+$0x0], $0xffff  }
0x3d8: {  	v27 =	vld [tilespmem:s0+$0xFFFFF080];
	v30 =	vadd.s32 $0x6, v1;
	v24 =	vand.u32 $0xFFFFFF80, v62;
	v10 =	vor.u32 v12, v10  }
0x3d9: {  	v1 =	vadd.s32 $0x7, v1;
	v14 =	vand.u32 $0x7F, v62;
	v12 =	vadd.s32 v2, v24;
	v7 =	vld.idx.msk [tilespmem:v7+s11+$0x0], $0xffff  }
0x3da: {  	v31 =	vld [tilespmem:s0+$0xFFFFF100];
	v28 =	vand.u32 $0xFFFFFF80, v26;
	v17 =	vand.u32 $0x7F, v26;
	v12 =	vor.u32 v14, v12  }
0x3db: {  	v32 =	vand.u32 $0xFFFFFF80, v30;
	v33 =	vand.u32 $0x7F, v30;
	v14 =	vadd.s32 v2, v28;
	v8 =	vld.idx.msk [tilespmem:v8+s11+$0x0], $0xffff  }
0x3dc: {  	v34 =	vld [tilespmem:s0+$0xFFFFF180];
	v35 =	vand.u32 $0xFFFFFF80, v1;
	v14 =	vor.u32 v17, v14;
	v4 =	vmul.f32 v63, v4  }
0x3dd: {  	v1 =	vand.u32 $0x7F, v1;
	v37 =	vand.u32 $0xFFFFFF80, v29;
	v17 =	vadd.s32 v2, v32;
	v10 =	vld.idx.msk [tilespmem:v10+s11+$0x0], $0xffff  }
0x3de: {  	v36 =	vld [tilespmem:s0+$0xFFFFF200];
	v15 =	vor.u32 v33, v17;
	v4 =	vadd.f32 $0.0e+00, v4;
	v7 =	vmul.f32 v27, v7  }
0x3df: {  	v19 =	vand.u32 $0x7F, v29;
	v41 =	vand.u32 $0xFFFFFF80, v25;
	v17 =	vadd.s32 v2, v35;
	v12 =	vld.idx.msk [tilespmem:v12+s11+$0x0], $0xffff  }
0x3e0: {  	v40 =	vld [tilespmem:s0+$0xFFFFF280];
	v1 =	vor.u32 v1, v17;
	v4 =	vadd.f32 v7, v4;
	v7 =	vmul.f32 v31, v8  }
0x3e1: {  	v16 =	vand.u32 $0x7F, v25;
	v45 =	vand.u32 $0xFFFFFF80, v61;
	v39 =	vadd.s32 v2, v37;
	v38 =	vld.idx.msk [tilespmem:v14+s11+$0x0], $0xffff  }
0x3e2: {  	v44 =	vld [tilespmem:s0+$0xFFFFF300];
	v14 =	vor.u32 v19, v39;
	v4 =	vadd.f32 v7, v4;
	v7 =	vmul.f32 v34, v10  }
0x3e3: {  	v13 =	vand.u32 $0x7F, v61;
	v48 =	vand.u32 $0xFFFFFF80, v58;
	v43 =	vadd.s32 v2, v41;
	v42 =	vld.idx.msk [tilespmem:v15+s11+$0x0], $0xffff  }
0x3e4: {  	v47 =	vld [tilespmem:s0+$0xFFFFF380];
	v15 =	vor.u32 v16, v43;
	v4 =	vadd.f32 v7, v4;
	v7 =	vmul.f32 v36, v12  }
0x3e5: {  	v11 =	vand.u32 $0x7F, v58;
	v51 =	vand.u32 $0xFFFFFF80, v55;
	v46 =	vadd.s32 v2, v45;
	v1 =	vld.idx.msk [tilespmem:v1+s11+$0x0], $0xffff  }
0x3e6: {  	v50 =	vld [tilespmem:s0+$0x0];
	v12 =	vor.u32 v13, v46;
	v4 =	vadd.f32 v7, v4;
	v7 =	vmul.f32 v40, v38  }
0x3e7: {  	v9 =	vand.u32 $0x7F, v55;
	v54 =	vand.u32 $0xFFFFFF80, v5;
	v49 =	vld.idx.msk [tilespmem:v14+s11+$0x0], $0xffff;
	v13 =	vadd.s32 v2, v48  }
0x3e8: {  	v53 =	vld [tilespmem:s0+$0x80];
	v11 =	vor.u32 v11, v13;
	v4 =	vadd.f32 v7, v4;
	v7 =	vmul.f32 v44, v42  }
0x3e9: {  	v5 =	vand.u32 $0x7F, v5;
	v55 =	vadd.s32 v2, v54;
	v52 =	vld.idx.msk [tilespmem:v15+s11+$0x0], $0xffff;
	v13 =	vadd.s32 v2, v51  }
0x3ea: {  	v56 =	vld [tilespmem:s0+$0x100];
	v1 =	vmul.f32 v47, v1;
	v9 =	vor.u32 v9, v13;
	v4 =	vadd.f32 v7, v4  }
0x3eb: {  	v5 =	vor.u32 v5, v55;
	v57 =	vand.u32 $0xFFFFFF80, v6;
	v6 =	vand.u32 $0x7F, v6;
	v7 =	vld.idx.msk [tilespmem:v12+s11+$0x0], $0xffff  }
0x3ec: {  	v59 =	vadd.s32 v2, v57;
	v60 =	vld [tilespmem:s0+$0x180];
	v1 =	vadd.f32 v1, v4;
	v4 =	vmul.f32 v50, v49  }
0x3ed: {  	v6 =	vor.u32 v6, v59;
	v58 =	vld.idx.msk [tilespmem:v11+s11+$0x0], $0xffff  }
0x3ee: {  	v61 =	vand.u32 $0xFFFFFF80, v3;
	v62 =	vld [tilespmem:s0+$0x200];
	v1 =	vadd.f32 v4, v1;
	v4 =	vmul.f32 v53, v52  }
0x3ef: {  	v3 =	vand.u32 $0x7F, v3;
	v2 =	vadd.s32 v2, v61;
	v9 =	vld.idx.msk [tilespmem:v9+s11+$0x0], $0xffff  }
0x3f0: {  	v2 =	vor.u32 v3, v2;
	v3 =	vmul.f32 v56, v7;
	v1 =	vadd.f32 v4, v1;
	v4 =	vld.idx.msk [tilespmem:v5+s11+$0x0], $0xffff  }
0x3f1: {  	v5 =	vld [tilespmem:s0+$0x280]  }
0x3f2: {  	v6 =	vld.idx.msk [tilespmem:v6+s11+$0x0], $0xffff;
	v1 =	vadd.f32 v3, v1;
	v3 =	vmul.f32 v60, v58  }
0x3f3: {  	v7 =	vld [tilespmem:s0+$0x300]  }
0x3f4: {  	v63 =	vld [tilespmem:s0+$0x380];
	v1 =	vadd.f32 v3, v1;
	v3 =	vmul.f32 v62, v9  }
0x3f5: {  	v2 =	vld.idx.msk [tilespmem:v2+s11+$0x0], $0xffff  }
0x3f6: {  	v1 =	vadd.f32 v3, v1;
	v3 =	vmul.f32 v5, v4;
	_ =	sdelay $0x1  }
0x3f7: {  	v1 =	vadd.f32 v3, v1;
	v3 =	vmul.f32 v7, v6;
	_ =	sdelay $0x1  }
0x3f8: {  	v2 =	vmul.f32 v63, v2;
	v1 =	vadd.f32 v3, v1;
	_ =	sdelay $0x1  }
0x3f9: {  	v1 =	vadd.f32 v2, v1;
	_ =	sdelay $0x1  }
0x3fa: {  	v1 =	vsub.f32 $0.0e+00, v1  }
0x3fb: {  	s1 =	simm.s32 $0xD100  }
0x3fc: {  	s14 =	simm.s32 $0x1B10;
	[tilespmem:s1+$0x0] =	vst v1  }
0x3fd: {  	v4 =	vld [tilespmem:s14+$0x0]  }
0x3fe: {  	s16 =	simm.s32 $0x10;
	s17 =	simm.s32 $0x20  }
.LBB2_14:
0x3ff: {  	p0 =	sne.s32 s17, $0x70  }
0x400: {  	v1 =	vmov s16;
	s16 =	smov.u32 s17  }
0x401: {  	v1 =	vshll.u32 v1, $0x7  }
0x402: {  	v1 =	vor.u32 v0, v1;
	v2 =	vadd.s32 $0xF, v4  }
0x403: {  	v5 =	vand.u32 $0xFFFFFF80, v4;
	v6 =	vadd.s32 $0xD, v4;
	v3 =	vadd.s32 $0xE, v4  }
0x404: {  	v7 =	vand.u32 $0x7F, v4;
	v8 =	vadd.s32 $0x1, v4;
	v5 =	vadd.s32 v1, v5  }
0x405: {  	v9 =	vadd.s32 $0xC, v4;
	v5 =	vor.u32 v7, v5;
	v7 =	vand.u32 $0xFFFFFF80, v8  }
0x406: {  	v10 =	vadd.s32 $0x2, v4;
	v8 =	vand.u32 $0x7F, v8;
	v7 =	vadd.s32 v1, v7  }
0x407: {  	v11 =	vadd.s32 $0xB, v4;
	v7 =	vor.u32 v8, v7;
	v8 =	vand.u32 $0xFFFFFF80, v10  }
0x408: {  	v12 =	vadd.s32 $0x3, v4;
	v10 =	vand.u32 $0x7F, v10;
	v8 =	vadd.s32 v1, v8  }
0x409: {  	v13 =	vadd.s32 $0xA, v4;
	v8 =	vor.u32 v10, v8;
	v10 =	vand.u32 $0xFFFFFF80, v12  }
0x40a: {  	s0 =	sadd.s32 $0x10, s0;
	v14 =	vadd.s32 $0x4, v4;
	v12 =	vand.u32 $0x7F, v12;
	v10 =	vadd.s32 v1, v10;
	v5 =	vld.idx.msk [tilespmem:v5+s11+$0x0], $0xffff  }
0x40b: {  	v16 =	vadd.s32 $0x9, v4;
	v10 =	vor.u32 v12, v10;
	v12 =	vand.u32 $0xFFFFFF80, v14;
	v15 =	vld [tilespmem:s0+$0xFFFFF000]  }
0x40c: {  	v17 =	vadd.s32 $0x5, v4;
	v14 =	vand.u32 $0x7F, v14;
	v12 =	vadd.s32 v1, v12;
	v7 =	vld.idx.msk [tilespmem:v7+s11+$0x0], $0xffff  }
0x40d: {  	v19 =	vadd.s32 $0x8, v4;
	v12 =	vor.u32 v14, v12;
	v14 =	vand.u32 $0xFFFFFF80, v17;
	v18 =	vld [tilespmem:s0+$0xFFFFF080]  }
0x40e: {  	v20 =	vadd.s32 $0x6, v4;
	v17 =	vand.u32 $0x7F, v17;
	v14 =	vadd.s32 v1, v14;
	v8 =	vld.idx.msk [tilespmem:v8+s11+$0x0], $0xffff  }
0x40f: {  	v4 =	vadd.s32 $0x7, v4;
	v14 =	vor.u32 v17, v14;
	v17 =	vand.u32 $0xFFFFFF80, v20;
	v21 =	vld [tilespmem:s0+$0xFFFFF100]  }
0x410: {  	v17 =	vadd.s32 v1, v17;
	v5 =	vmul.f32 v15, v5;
	v10 =	vld.idx.msk [tilespmem:v10+s11+$0x0], $0xffff;
	v15 =	vand.u32 $0x7F, v20  }
0x411: {  	v20 =	vld [tilespmem:s0+$0xFFFFF180];
	v15 =	vor.u32 v15, v17;
	v17 =	vand.u32 $0xFFFFFF80, v4;
	v4 =	vand.u32 $0x7F, v4  }
0x412: {  	v5 =	vadd.f32 $0.0e+00, v5;
	v7 =	vmul.f32 v18, v7;
	v12 =	vld.idx.msk [tilespmem:v12+s11+$0x0], $0xffff;
	v17 =	vadd.s32 v1, v17  }
0x413: {  	v18 =	vld [tilespmem:s0+$0xFFFFF200];
	v4 =	vor.u32 v4, v17;
	v17 =	vand.u32 $0xFFFFFF80, v19;
	v19 =	vand.u32 $0x7F, v19  }
0x414: {  	v5 =	vadd.f32 v7, v5;
	v7 =	vmul.f32 v21, v8;
	v8 =	vld.idx.msk [tilespmem:v14+s11+$0x0], $0xffff;
	v14 =	vadd.s32 v1, v17  }
0x415: {  	v17 =	vld [tilespmem:s0+$0xFFFFF280];
	v14 =	vor.u32 v19, v14;
	v19 =	vand.u32 $0xFFFFFF80, v16;
	v16 =	vand.u32 $0x7F, v16  }
0x416: {  	v5 =	vadd.f32 v7, v5;
	v7 =	vmul.f32 v20, v10;
	v10 =	vld.idx.msk [tilespmem:v15+s11+$0x0], $0xffff;
	v15 =	vadd.s32 v1, v19  }
0x417: {  	v19 =	vld [tilespmem:s0+$0xFFFFF300];
	v15 =	vor.u32 v16, v15;
	v16 =	vand.u32 $0xFFFFFF80, v13;
	v13 =	vand.u32 $0x7F, v13  }
0x418: {  	v5 =	vadd.f32 v7, v5;
	v7 =	vmul.f32 v18, v12;
	v4 =	vld.idx.msk [tilespmem:v4+s11+$0x0], $0xffff;
	v12 =	vadd.s32 v1, v16  }
0x419: {  	v16 =	vld [tilespmem:s0+$0xFFFFF380];
	v12 =	vor.u32 v13, v12;
	v13 =	vand.u32 $0xFFFFFF80, v11;
	v11 =	vand.u32 $0x7F, v11  }
0x41a: {  	v5 =	vadd.f32 v7, v5;
	v7 =	vmul.f32 v17, v8;
	v8 =	vld.idx.msk [tilespmem:v14+s11+$0x0], $0xffff;
	v13 =	vadd.s32 v1, v13  }
0x41b: {  	v14 =	vld [tilespmem:s0+$0x0];
	v11 =	vor.u32 v11, v13;
	v13 =	vand.u32 $0xFFFFFF80, v9;
	v9 =	vand.u32 $0x7F, v9  }
0x41c: {  	v5 =	vadd.f32 v7, v5;
	v7 =	vmul.f32 v19, v10;
	v10 =	vld.idx.msk [tilespmem:v15+s11+$0x0], $0xffff;
	v13 =	vadd.s32 v1, v13  }
0x41d: {  	v15 =	vld [tilespmem:s0+$0x80];
	v9 =	vor.u32 v9, v13;
	v13 =	vand.u32 $0xFFFFFF80, v6;
	v6 =	vand.u32 $0x7F, v6  }
0x41e: {  	v5 =	vadd.f32 v7, v5;
	v4 =	vmul.f32 v16, v4;
	v7 =	vld.idx.msk [tilespmem:v12+s11+$0x0], $0xffff;
	v12 =	vadd.s32 v1, v13  }
0x41f: {  	v13 =	vld [tilespmem:s0+$0x100];
	v6 =	vor.u32 v6, v12;
	v12 =	vand.u32 $0xFFFFFF80, v3;
	v3 =	vand.u32 $0x7F, v3  }
0x420: {  	v4 =	vadd.f32 v4, v5;
	v5 =	vmul.f32 v14, v8;
	v8 =	vld.idx.msk [tilespmem:v11+s11+$0x0], $0xffff;
	v11 =	vadd.s32 v1, v12  }
0x421: {  	v12 =	vld [tilespmem:s0+$0x180];
	v3 =	vor.u32 v3, v11;
	v11 =	vand.u32 $0xFFFFFF80, v2;
	v2 =	vand.u32 $0x7F, v2  }
0x422: {  	v4 =	vadd.f32 v5, v4;
	v5 =	vmul.f32 v15, v10;
	v9 =	vld.idx.msk [tilespmem:v9+s11+$0x0], $0xffff;
	v1 =	vadd.s32 v1, v11  }
0x423: {  	v10 =	vld [tilespmem:s0+$0x200];
	v1 =	vor.u32 v2, v1  }
0x424: {  	v2 =	vadd.f32 v5, v4;
	v4 =	vmul.f32 v13, v7;
	v5 =	vld.idx.msk [tilespmem:v6+s11+$0x0], $0xffff  }
0x425: {  	v6 =	vld [tilespmem:s0+$0x280]  }
0x426: {  	v2 =	vadd.f32 v4, v2;
	v4 =	vmul.f32 v12, v8;
	v3 =	vld.idx.msk [tilespmem:v3+s11+$0x0], $0xffff  }
0x427: {  	v7 =	vld [tilespmem:s0+$0x300]  }
0x428: {  	v2 =	vadd.f32 v4, v2;
	v4 =	vmul.f32 v10, v9;
	v1 =	vld.idx.msk [tilespmem:v1+s11+$0x0], $0xffff  }
0x429: {  	v8 =	vld [tilespmem:s0+$0x380]  }
0x42a: {  	v2 =	vadd.f32 v4, v2;
	v4 =	vmul.f32 v6, v5;
	_ =	sdelay $0x1  }
0x42b: {  	v2 =	vadd.f32 v4, v2;
	v3 =	vmul.f32 v7, v3;
	_ =	sdelay $0x1  }
0x42c: {  	v2 =	vadd.f32 v3, v2;
	v1 =	vmul.f32 v8, v1;
	_ =	sdelay $0x1  }
0x42d: {  	v1 =	vadd.f32 v1, v2;
	_ =	sdelay $0x1  }
.Ltmp8:
0x42e: {  	v1 =	vsub.f32 $0.0e+00, v1;
	(pc) =	sbr.rel @p0 .LBB2_14-.Ltmp8, $4  }
0x42f: {  	s1 =	sadd.s32 $0x10, s1  }
0x430: {  	s14 =	sadd.s32 $0x10, s14;
	[tilespmem:s1+$0x0] =	vst v1  }
0x431: {  	v4 =	vld [tilespmem:s14+$0x0]  }
0x432: {  	s17 =	sadd.s32 $0x10, s17  }
0x433: {  	_ = 	snop  }
0x434: {  	v1 =	vmov s16  }
0x435: {  	v1 =	vshll.u32 v1, $0x7  }
0x436: {  	v1 =	vor.u32 v0, v1;
	v2 =	vadd.s32 $0xF, v4  }
0x437: {  	v3 =	vand.u32 $0xFFFFFF80, v4;
	v5 =	vadd.s32 $0xD, v4;
	v6 =	vadd.s32 $0xE, v4  }
0x438: {  	v7 =	vand.u32 $0x7F, v4;
	v8 =	vadd.s32 $0x1, v4;
	v9 =	vadd.s32 $0xC, v4  }
0x439: {  	v10 =	vadd.s32 $0x2, v4;
	v11 =	vadd.s32 $0xB, v4;
	v3 =	vadd.s32 v1, v3  }
0x43a: {  	v12 =	vadd.s32 $0x3, v4;
	v3 =	vor.u32 v7, v3;
	v7 =	vand.u32 $0xFFFFFF80, v8  }
0x43b: {  	v13 =	vadd.s32 $0xA, v4;
	v8 =	vand.u32 $0x7F, v8;
	v7 =	vadd.s32 v1, v7  }
0x43c: {  	v14 =	vadd.s32 $0x4, v4;
	v58 =	vand.u32 $0xFFFFFF80, v10;
	v7 =	vor.u32 v8, v7  }
0x43d: {  	s0 =	sadd.s32 $0x10, s0;
	v16 =	vadd.s32 $0x9, v4;
	v10 =	vand.u32 $0x7F, v10;
	v8 =	vadd.s32 v1, v58  }
0x43e: {  	v15 =	vld [tilespmem:s0+$0xFFFFF000];
	v17 =	vadd.s32 $0x5, v4;
	v59 =	vand.u32 $0xFFFFFF80, v12;
	v8 =	vor.u32 v10, v8  }
0x43f: {  	v19 =	vadd.s32 $0x8, v4;
	v12 =	vand.u32 $0x7F, v12;
	v10 =	vadd.s32 v1, v59;
	v3 =	vld.idx.msk [tilespmem:v3+s11+$0x0], $0xffff  }
0x440: {  	v18 =	vld [tilespmem:s0+$0xFFFFF080];
	v20 =	vadd.s32 $0x6, v4;
	v60 =	vand.u32 $0xFFFFFF80, v14;
	v10 =	vor.u32 v12, v10  }
0x441: {  	v4 =	vadd.s32 $0x7, v4;
	v14 =	vand.u32 $0x7F, v14;
	v12 =	vadd.s32 v1, v60;
	v7 =	vld.idx.msk [tilespmem:v7+s11+$0x0], $0xffff  }
0x442: {  	v21 =	vld [tilespmem:s0+$0xFFFFF100];
	v61 =	vand.u32 $0xFFFFFF80, v17;
	v17 =	vand.u32 $0x7F, v17;
	v12 =	vor.u32 v14, v12  }
0x443: {  	v62 =	vand.u32 $0xFFFFFF80, v20;
	v63 =	vand.u32 $0x7F, v20;
	v14 =	vadd.s32 v1, v61;
	v8 =	vld.idx.msk [tilespmem:v8+s11+$0x0], $0xffff  }
0x444: {  	v24 =	vld [tilespmem:s0+$0xFFFFF180];
	v25 =	vand.u32 $0xFFFFFF80, v4;
	v14 =	vor.u32 v17, v14;
	v3 =	vmul.f32 v15, v3  }
0x445: {  	v4 =	vand.u32 $0x7F, v4;
	v27 =	vand.u32 $0xFFFFFF80, v19;
	v17 =	vadd.s32 v1, v62;
	v10 =	vld.idx.msk [tilespmem:v10+s11+$0x0], $0xffff  }
0x446: {  	v26 =	vld [tilespmem:s0+$0xFFFFF200];
	v15 =	vor.u32 v63, v17;
	v3 =	vadd.f32 $0.0e+00, v3;
	v7 =	vmul.f32 v18, v7  }
0x447: {  	v19 =	vand.u32 $0x7F, v19;
	v31 =	vand.u32 $0xFFFFFF80, v16;
	v12 =	vld.idx.msk [tilespmem:v12+s11+$0x0], $0xffff;
	v17 =	vadd.s32 v1, v25  }
0x448: {  	v30 =	vld [tilespmem:s0+$0xFFFFF280];
	v4 =	vor.u32 v4, v17;
	v3 =	vadd.f32 v7, v3;
	v7 =	vmul.f32 v21, v8  }
0x449: {  	v16 =	vand.u32 $0x7F, v16;
	v35 =	vand.u32 $0xFFFFFF80, v13;
	v29 =	vadd.s32 v1, v27;
	v28 =	vld.idx.msk [tilespmem:v14+s11+$0x0], $0xffff  }
0x44a: {  	v34 =	vld [tilespmem:s0+$0xFFFFF300];
	v14 =	vor.u32 v19, v29;
	v3 =	vadd.f32 v7, v3;
	v7 =	vmul.f32 v24, v10  }
0x44b: {  	v13 =	vand.u32 $0x7F, v13;
	v38 =	vand.u32 $0xFFFFFF80, v11;
	v33 =	vadd.s32 v1, v31;
	v32 =	vld.idx.msk [tilespmem:v15+s11+$0x0], $0xffff  }
0x44c: {  	v37 =	vld [tilespmem:s0+$0xFFFFF380];
	v15 =	vor.u32 v16, v33;
	v3 =	vadd.f32 v7, v3;
	v7 =	vmul.f32 v26, v12  }
0x44d: {  	v11 =	vand.u32 $0x7F, v11;
	v41 =	vand.u32 $0xFFFFFF80, v9;
	v36 =	vadd.s32 v1, v35;
	v4 =	vld.idx.msk [tilespmem:v4+s11+$0x0], $0xffff  }
0x44e: {  	v40 =	vld [tilespmem:s0+$0x0];
	v12 =	vor.u32 v13, v36;
	v3 =	vadd.f32 v7, v3;
	v7 =	vmul.f32 v30, v28  }
0x44f: {  	v9 =	vand.u32 $0x7F, v9;
	v44 =	vand.u32 $0xFFFFFF80, v5;
	v39 =	vld.idx.msk [tilespmem:v14+s11+$0x0], $0xffff;
	v13 =	vadd.s32 v1, v38  }
0x450: {  	v43 =	vld [tilespmem:s0+$0x80];
	v11 =	vor.u32 v11, v13;
	v3 =	vadd.f32 v7, v3;
	v7 =	vmul.f32 v34, v32  }
0x451: {  	v5 =	vand.u32 $0x7F, v5;
	v45 =	vadd.s32 v1, v44;
	v13 =	vadd.s32 v1, v41;
	v42 =	vld.idx.msk [tilespmem:v15+s11+$0x0], $0xffff  }
0x452: {  	v46 =	vld [tilespmem:s0+$0x100];
	v9 =	vor.u32 v9, v13;
	v4 =	vmul.f32 v37, v4;
	v3 =	vadd.f32 v7, v3  }
0x453: {  	v47 =	vand.u32 $0xFFFFFF80, v6;
	v6 =	vand.u32 $0x7F, v6;
	v5 =	vor.u32 v5, v45;
	v7 =	vld.idx.msk [tilespmem:v12+s11+$0x0], $0xffff  }
0x454: {  	v50 =	vld [tilespmem:s0+$0x180];
	v49 =	vadd.s32 v1, v47;
	v3 =	vadd.f32 v4, v3;
	v4 =	vmul.f32 v40, v39  }
0x455: {  	v6 =	vor.u32 v6, v49;
	v48 =	vld.idx.msk [tilespmem:v11+s11+$0x0], $0xffff  }
0x456: {  	v52 =	vld [tilespmem:s0+$0x200];
	v51 =	vand.u32 $0xFFFFFF80, v2;
	v3 =	vadd.f32 v4, v3;
	v4 =	vmul.f32 v43, v42  }
0x457: {  	v2 =	vand.u32 $0x7F, v2;
	v1 =	vadd.s32 v1, v51;
	v9 =	vld.idx.msk [tilespmem:v9+s11+$0x0], $0xffff  }
0x458: {  	v1 =	vor.u32 v2, v1;
	v2 =	vadd.f32 v4, v3;
	v3 =	vmul.f32 v46, v7;
	v4 =	vld.idx.msk [tilespmem:v5+s11+$0x0], $0xffff  }
0x459: {  	v5 =	vld [tilespmem:s0+$0x280]  }
0x45a: {  	v6 =	vld.idx.msk [tilespmem:v6+s11+$0x0], $0xffff;
	v2 =	vadd.f32 v3, v2;
	v3 =	vmul.f32 v50, v48  }
0x45b: {  	v7 =	vld [tilespmem:s0+$0x300]  }
0x45c: {  	v53 =	vld [tilespmem:s0+$0x380];
	v2 =	vadd.f32 v3, v2;
	v3 =	vmul.f32 v52, v9  }
0x45d: {  	v1 =	vld.idx.msk [tilespmem:v1+s11+$0x0], $0xffff  }
0x45e: {  	v2 =	vadd.f32 v3, v2;
	v3 =	vmul.f32 v5, v4;
	_ =	sdelay $0x1  }
0x45f: {  	v2 =	vadd.f32 v3, v2;
	v3 =	vmul.f32 v7, v6;
	_ =	sdelay $0x1  }
0x460: {  	v1 =	vmul.f32 v53, v1;
	v2 =	vadd.f32 v3, v2;
	_ =	sdelay $0x1  }
0x461: {  	v1 =	vadd.f32 v1, v2;
	_ =	sdelay $0x1  }
0x462: {  	v1 =	vsub.f32 $0.0e+00, v1  }
0x463: {  	s29 =	sadd.s32 $0x10, s1  }
0x464: {  	[tilespmem:s29+$0x0] =	vst v1  }
0x465: {  	[tilespmem:s11], [sflag:$0x1] =	stream.indirect.gather [hbm4b:s3+s10], $0x80, s21, s10, $0xb8;
	[tilespmem:$0xE800] =	vst v63  }
0x466: {  	_ =	swait.ge [sflag:s15], $0x4000  }
0x467: {  	[sflag:s15] =	ssyncset.done $0x0  }
0x468: {  	s30 =	simm.s32 $0x1B80;
	[sflag:s15] =	ssyncadd.s32 $0xFFFFC000  }
0x469: {  	v1 =	vld [tilespmem:s30+$0x0];
	_ =	sdelay $0x1  }
0x46a: {  	s31 =	simm.s32 $0x0  }
0x46b: {  	v2 =	vmov s31  }
0x46c: {  	v2 =	vshll.u32 v2, $0x7  }
0x46d: {  	v2 =	vor.u32 v0, v2;
	v3 =	vadd.s32 $0xF, v1  }
0x46e: {  	v4 =	vand.u32 $0xFFFFFF80, v1;
	v5 =	vadd.s32 $0xD, v1;
	v6 =	vadd.s32 $0xE, v1  }
0x46f: {  	v7 =	vand.u32 $0x7F, v1;
	v54 =	vadd.s32 $0x1, v1;
	v55 =	vadd.s32 $0xC, v1  }
0x470: {  	v56 =	vadd.s32 $0x2, v1;
	v58 =	vadd.s32 $0xB, v1;
	v4 =	vadd.s32 v2, v4  }
0x471: {  	v59 =	vadd.s32 $0x3, v1;
	v4 =	vor.u32 v7, v4;
	v7 =	vand.u32 $0xFFFFFF80, v54  }
0x472: {  	v61 =	vadd.s32 $0xA, v1;
	v8 =	vand.u32 $0x7F, v54;
	v7 =	vadd.s32 v2, v7  }
0x473: {  	v62 =	vadd.s32 $0x4, v1;
	v57 =	vand.u32 $0xFFFFFF80, v56;
	v7 =	vor.u32 v8, v7  }
0x474: {  	s0 =	simm.s32 $0xCC00;
	v25 =	vadd.s32 $0x9, v1;
	v10 =	vand.u32 $0x7F, v56;
	v8 =	vadd.s32 v2, v57  }
0x475: {  	v63 =	vld [tilespmem:s0+$0xFFFFF000];
	v26 =	vadd.s32 $0x5, v1;
	v60 =	vand.u32 $0xFFFFFF80, v59;
	v8 =	vor.u32 v10, v8  }
0x476: {  	v29 =	vadd.s32 $0x8, v1;
	v12 =	vand.u32 $0x7F, v59;
	v10 =	vadd.s32 v2, v60;
	v4 =	vld.idx.msk [tilespmem:v4+s12+$0x0], $0xffff  }
0x477: {  	v27 =	vld [tilespmem:s0+$0xFFFFF080];
	v30 =	vadd.s32 $0x6, v1;
	v24 =	vand.u32 $0xFFFFFF80, v62;
	v10 =	vor.u32 v12, v10  }
0x478: {  	v1 =	vadd.s32 $0x7, v1;
	v14 =	vand.u32 $0x7F, v62;
	v12 =	vadd.s32 v2, v24;
	v7 =	vld.idx.msk [tilespmem:v7+s12+$0x0], $0xffff  }
0x479: {  	v31 =	vld [tilespmem:s0+$0xFFFFF100];
	v28 =	vand.u32 $0xFFFFFF80, v26;
	v17 =	vand.u32 $0x7F, v26;
	v12 =	vor.u32 v14, v12  }
0x47a: {  	v32 =	vand.u32 $0xFFFFFF80, v30;
	v33 =	vand.u32 $0x7F, v30;
	v14 =	vadd.s32 v2, v28;
	v8 =	vld.idx.msk [tilespmem:v8+s12+$0x0], $0xffff  }
0x47b: {  	v34 =	vld [tilespmem:s0+$0xFFFFF180];
	v35 =	vand.u32 $0xFFFFFF80, v1;
	v14 =	vor.u32 v17, v14;
	v4 =	vmul.f32 v63, v4  }
0x47c: {  	v1 =	vand.u32 $0x7F, v1;
	v37 =	vand.u32 $0xFFFFFF80, v29;
	v17 =	vadd.s32 v2, v32;
	v10 =	vld.idx.msk [tilespmem:v10+s12+$0x0], $0xffff  }
0x47d: {  	v36 =	vld [tilespmem:s0+$0xFFFFF200];
	v15 =	vor.u32 v33, v17;
	v4 =	vadd.f32 $0.0e+00, v4;
	v7 =	vmul.f32 v27, v7  }
0x47e: {  	v19 =	vand.u32 $0x7F, v29;
	v41 =	vand.u32 $0xFFFFFF80, v25;
	v17 =	vadd.s32 v2, v35;
	v12 =	vld.idx.msk [tilespmem:v12+s12+$0x0], $0xffff  }
0x47f: {  	v40 =	vld [tilespmem:s0+$0xFFFFF280];
	v1 =	vor.u32 v1, v17;
	v4 =	vadd.f32 v7, v4;
	v7 =	vmul.f32 v31, v8  }
0x480: {  	v16 =	vand.u32 $0x7F, v25;
	v45 =	vand.u32 $0xFFFFFF80, v61;
	v39 =	vadd.s32 v2, v37;
	v38 =	vld.idx.msk [tilespmem:v14+s12+$0x0], $0xffff  }
0x481: {  	v44 =	vld [tilespmem:s0+$0xFFFFF300];
	v14 =	vor.u32 v19, v39;
	v4 =	vadd.f32 v7, v4;
	v7 =	vmul.f32 v34, v10  }
0x482: {  	v13 =	vand.u32 $0x7F, v61;
	v48 =	vand.u32 $0xFFFFFF80, v58;
	v43 =	vadd.s32 v2, v41;
	v42 =	vld.idx.msk [tilespmem:v15+s12+$0x0], $0xffff  }
0x483: {  	v47 =	vld [tilespmem:s0+$0xFFFFF380];
	v15 =	vor.u32 v16, v43;
	v4 =	vadd.f32 v7, v4;
	v7 =	vmul.f32 v36, v12  }
0x484: {  	v11 =	vand.u32 $0x7F, v58;
	v51 =	vand.u32 $0xFFFFFF80, v55;
	v46 =	vadd.s32 v2, v45;
	v1 =	vld.idx.msk [tilespmem:v1+s12+$0x0], $0xffff  }
0x485: {  	v50 =	vld [tilespmem:s0+$0x0];
	v12 =	vor.u32 v13, v46;
	v4 =	vadd.f32 v7, v4;
	v7 =	vmul.f32 v40, v38  }
0x486: {  	v9 =	vand.u32 $0x7F, v55;
	v54 =	vand.u32 $0xFFFFFF80, v5;
	v49 =	vld.idx.msk [tilespmem:v14+s12+$0x0], $0xffff;
	v13 =	vadd.s32 v2, v48  }
0x487: {  	v53 =	vld [tilespmem:s0+$0x80];
	v11 =	vor.u32 v11, v13;
	v4 =	vadd.f32 v7, v4;
	v7 =	vmul.f32 v44, v42  }
0x488: {  	v5 =	vand.u32 $0x7F, v5;
	v55 =	vadd.s32 v2, v54;
	v52 =	vld.idx.msk [tilespmem:v15+s12+$0x0], $0xffff;
	v13 =	vadd.s32 v2, v51  }
0x489: {  	v56 =	vld [tilespmem:s0+$0x100];
	v1 =	vmul.f32 v47, v1;
	v9 =	vor.u32 v9, v13;
	v4 =	vadd.f32 v7, v4  }
0x48a: {  	v5 =	vor.u32 v5, v55;
	v57 =	vand.u32 $0xFFFFFF80, v6;
	v6 =	vand.u32 $0x7F, v6;
	v7 =	vld.idx.msk [tilespmem:v12+s12+$0x0], $0xffff  }
0x48b: {  	v59 =	vadd.s32 v2, v57;
	v60 =	vld [tilespmem:s0+$0x180];
	v1 =	vadd.f32 v1, v4;
	v4 =	vmul.f32 v50, v49  }
0x48c: {  	v6 =	vor.u32 v6, v59;
	v58 =	vld.idx.msk [tilespmem:v11+s12+$0x0], $0xffff  }
0x48d: {  	v61 =	vand.u32 $0xFFFFFF80, v3;
	v62 =	vld [tilespmem:s0+$0x200];
	v1 =	vadd.f32 v4, v1;
	v4 =	vmul.f32 v53, v52  }
0x48e: {  	v3 =	vand.u32 $0x7F, v3;
	v2 =	vadd.s32 v2, v61;
	v9 =	vld.idx.msk [tilespmem:v9+s12+$0x0], $0xffff  }
0x48f: {  	v2 =	vor.u32 v3, v2;
	v3 =	vmul.f32 v56, v7;
	v1 =	vadd.f32 v4, v1;
	v4 =	vld.idx.msk [tilespmem:v5+s12+$0x0], $0xffff  }
0x490: {  	v5 =	vld [tilespmem:s0+$0x280]  }
0x491: {  	v6 =	vld.idx.msk [tilespmem:v6+s12+$0x0], $0xffff;
	v1 =	vadd.f32 v3, v1;
	v3 =	vmul.f32 v60, v58  }
0x492: {  	v7 =	vld [tilespmem:s0+$0x300]  }
0x493: {  	v63 =	vld [tilespmem:s0+$0x380];
	v1 =	vadd.f32 v3, v1;
	v3 =	vmul.f32 v62, v9  }
0x494: {  	v2 =	vld.idx.msk [tilespmem:v2+s12+$0x0], $0xffff  }
0x495: {  	v1 =	vadd.f32 v3, v1;
	v3 =	vmul.f32 v5, v4;
	_ =	sdelay $0x1  }
0x496: {  	v1 =	vadd.f32 v3, v1;
	v3 =	vmul.f32 v7, v6;
	_ =	sdelay $0x1  }
0x497: {  	v2 =	vmul.f32 v63, v2;
	v1 =	vadd.f32 v3, v1;
	_ =	sdelay $0x1  }
0x498: {  	v1 =	vadd.f32 v2, v1;
	_ =	sdelay $0x1  }
0x499: {  	v1 =	vsub.f32 $0.0e+00, v1  }
0x49a: {  	s1 =	simm.s32 $0xD180  }
0x49b: {  	s14 =	simm.s32 $0x1B90;
	[tilespmem:s1+$0x0] =	vst v1  }
0x49c: {  	v4 =	vld [tilespmem:s14+$0x0]  }
0x49d: {  	s16 =	simm.s32 $0x10;
	s17 =	simm.s32 $0x20  }
.LBB2_16:
0x49e: {  	p0 =	sne.s32 s17, $0x70  }
0x49f: {  	v1 =	vmov s16;
	s16 =	smov.u32 s17  }
0x4a0: {  	v1 =	vshll.u32 v1, $0x7  }
0x4a1: {  	v1 =	vor.u32 v0, v1;
	v2 =	vadd.s32 $0xF, v4  }
0x4a2: {  	v5 =	vand.u32 $0xFFFFFF80, v4;
	v6 =	vadd.s32 $0xD, v4;
	v3 =	vadd.s32 $0xE, v4  }
0x4a3: {  	v7 =	vand.u32 $0x7F, v4;
	v8 =	vadd.s32 $0x1, v4;
	v5 =	vadd.s32 v1, v5  }
0x4a4: {  	v9 =	vadd.s32 $0xC, v4;
	v5 =	vor.u32 v7, v5;
	v7 =	vand.u32 $0xFFFFFF80, v8  }
0x4a5: {  	v10 =	vadd.s32 $0x2, v4;
	v8 =	vand.u32 $0x7F, v8;
	v7 =	vadd.s32 v1, v7  }
0x4a6: {  	v11 =	vadd.s32 $0xB, v4;
	v7 =	vor.u32 v8, v7;
	v8 =	vand.u32 $0xFFFFFF80, v10  }
0x4a7: {  	v12 =	vadd.s32 $0x3, v4;
	v10 =	vand.u32 $0x7F, v10;
	v8 =	vadd.s32 v1, v8  }
0x4a8: {  	v13 =	vadd.s32 $0xA, v4;
	v8 =	vor.u32 v10, v8;
	v10 =	vand.u32 $0xFFFFFF80, v12  }
0x4a9: {  	s0 =	sadd.s32 $0x10, s0;
	v14 =	vadd.s32 $0x4, v4;
	v12 =	vand.u32 $0x7F, v12;
	v10 =	vadd.s32 v1, v10;
	v5 =	vld.idx.msk [tilespmem:v5+s12+$0x0], $0xffff  }
0x4aa: {  	v16 =	vadd.s32 $0x9, v4;
	v10 =	vor.u32 v12, v10;
	v12 =	vand.u32 $0xFFFFFF80, v14;
	v15 =	vld [tilespmem:s0+$0xFFFFF000]  }
0x4ab: {  	v17 =	vadd.s32 $0x5, v4;
	v14 =	vand.u32 $0x7F, v14;
	v12 =	vadd.s32 v1, v12;
	v7 =	vld.idx.msk [tilespmem:v7+s12+$0x0], $0xffff  }
0x4ac: {  	v19 =	vadd.s32 $0x8, v4;
	v12 =	vor.u32 v14, v12;
	v14 =	vand.u32 $0xFFFFFF80, v17;
	v18 =	vld [tilespmem:s0+$0xFFFFF080]  }
0x4ad: {  	v20 =	vadd.s32 $0x6, v4;
	v17 =	vand.u32 $0x7F, v17;
	v14 =	vadd.s32 v1, v14;
	v8 =	vld.idx.msk [tilespmem:v8+s12+$0x0], $0xffff  }
0x4ae: {  	v4 =	vadd.s32 $0x7, v4;
	v14 =	vor.u32 v17, v14;
	v17 =	vand.u32 $0xFFFFFF80, v20;
	v21 =	vld [tilespmem:s0+$0xFFFFF100]  }
0x4af: {  	v17 =	vadd.s32 v1, v17;
	v5 =	vmul.f32 v15, v5;
	v10 =	vld.idx.msk [tilespmem:v10+s12+$0x0], $0xffff;
	v15 =	vand.u32 $0x7F, v20  }
0x4b0: {  	v20 =	vld [tilespmem:s0+$0xFFFFF180];
	v15 =	vor.u32 v15, v17;
	v17 =	vand.u32 $0xFFFFFF80, v4;
	v4 =	vand.u32 $0x7F, v4  }
0x4b1: {  	v5 =	vadd.f32 $0.0e+00, v5;
	v7 =	vmul.f32 v18, v7;
	v12 =	vld.idx.msk [tilespmem:v12+s12+$0x0], $0xffff;
	v17 =	vadd.s32 v1, v17  }
0x4b2: {  	v18 =	vld [tilespmem:s0+$0xFFFFF200];
	v4 =	vor.u32 v4, v17;
	v17 =	vand.u32 $0xFFFFFF80, v19;
	v19 =	vand.u32 $0x7F, v19  }
0x4b3: {  	v5 =	vadd.f32 v7, v5;
	v7 =	vmul.f32 v21, v8;
	v8 =	vld.idx.msk [tilespmem:v14+s12+$0x0], $0xffff;
	v14 =	vadd.s32 v1, v17  }
0x4b4: {  	v17 =	vld [tilespmem:s0+$0xFFFFF280];
	v14 =	vor.u32 v19, v14;
	v19 =	vand.u32 $0xFFFFFF80, v16;
	v16 =	vand.u32 $0x7F, v16  }
0x4b5: {  	v5 =	vadd.f32 v7, v5;
	v7 =	vmul.f32 v20, v10;
	v10 =	vld.idx.msk [tilespmem:v15+s12+$0x0], $0xffff;
	v15 =	vadd.s32 v1, v19  }
0x4b6: {  	v19 =	vld [tilespmem:s0+$0xFFFFF300];
	v15 =	vor.u32 v16, v15;
	v16 =	vand.u32 $0xFFFFFF80, v13;
	v13 =	vand.u32 $0x7F, v13  }
0x4b7: {  	v5 =	vadd.f32 v7, v5;
	v7 =	vmul.f32 v18, v12;
	v4 =	vld.idx.msk [tilespmem:v4+s12+$0x0], $0xffff;
	v12 =	vadd.s32 v1, v16  }
0x4b8: {  	v16 =	vld [tilespmem:s0+$0xFFFFF380];
	v12 =	vor.u32 v13, v12;
	v13 =	vand.u32 $0xFFFFFF80, v11;
	v11 =	vand.u32 $0x7F, v11  }
0x4b9: {  	v5 =	vadd.f32 v7, v5;
	v7 =	vmul.f32 v17, v8;
	v8 =	vld.idx.msk [tilespmem:v14+s12+$0x0], $0xffff;
	v13 =	vadd.s32 v1, v13  }
0x4ba: {  	v14 =	vld [tilespmem:s0+$0x0];
	v11 =	vor.u32 v11, v13;
	v13 =	vand.u32 $0xFFFFFF80, v9;
	v9 =	vand.u32 $0x7F, v9  }
0x4bb: {  	v5 =	vadd.f32 v7, v5;
	v7 =	vmul.f32 v19, v10;
	v10 =	vld.idx.msk [tilespmem:v15+s12+$0x0], $0xffff;
	v13 =	vadd.s32 v1, v13  }
0x4bc: {  	v15 =	vld [tilespmem:s0+$0x80];
	v9 =	vor.u32 v9, v13;
	v13 =	vand.u32 $0xFFFFFF80, v6;
	v6 =	vand.u32 $0x7F, v6  }
0x4bd: {  	v5 =	vadd.f32 v7, v5;
	v4 =	vmul.f32 v16, v4;
	v7 =	vld.idx.msk [tilespmem:v12+s12+$0x0], $0xffff;
	v12 =	vadd.s32 v1, v13  }
0x4be: {  	v13 =	vld [tilespmem:s0+$0x100];
	v6 =	vor.u32 v6, v12;
	v12 =	vand.u32 $0xFFFFFF80, v3;
	v3 =	vand.u32 $0x7F, v3  }
0x4bf: {  	v4 =	vadd.f32 v4, v5;
	v5 =	vmul.f32 v14, v8;
	v8 =	vld.idx.msk [tilespmem:v11+s12+$0x0], $0xffff;
	v11 =	vadd.s32 v1, v12  }
0x4c0: {  	v12 =	vld [tilespmem:s0+$0x180];
	v3 =	vor.u32 v3, v11;
	v11 =	vand.u32 $0xFFFFFF80, v2;
	v2 =	vand.u32 $0x7F, v2  }
0x4c1: {  	v4 =	vadd.f32 v5, v4;
	v5 =	vmul.f32 v15, v10;
	v9 =	vld.idx.msk [tilespmem:v9+s12+$0x0], $0xffff;
	v1 =	vadd.s32 v1, v11  }
0x4c2: {  	v10 =	vld [tilespmem:s0+$0x200];
	v1 =	vor.u32 v2, v1  }
0x4c3: {  	v2 =	vadd.f32 v5, v4;
	v4 =	vmul.f32 v13, v7;
	v5 =	vld.idx.msk [tilespmem:v6+s12+$0x0], $0xffff  }
0x4c4: {  	v6 =	vld [tilespmem:s0+$0x280]  }
0x4c5: {  	v2 =	vadd.f32 v4, v2;
	v4 =	vmul.f32 v12, v8;
	v3 =	vld.idx.msk [tilespmem:v3+s12+$0x0], $0xffff  }
0x4c6: {  	v7 =	vld [tilespmem:s0+$0x300]  }
0x4c7: {  	v2 =	vadd.f32 v4, v2;
	v4 =	vmul.f32 v10, v9;
	v1 =	vld.idx.msk [tilespmem:v1+s12+$0x0], $0xffff  }
0x4c8: {  	v8 =	vld [tilespmem:s0+$0x380]  }
0x4c9: {  	v2 =	vadd.f32 v4, v2;
	v4 =	vmul.f32 v6, v5;
	_ =	sdelay $0x1  }
0x4ca: {  	v2 =	vadd.f32 v4, v2;
	v3 =	vmul.f32 v7, v3;
	_ =	sdelay $0x1  }
0x4cb: {  	v2 =	vadd.f32 v3, v2;
	v1 =	vmul.f32 v8, v1;
	_ =	sdelay $0x1  }
0x4cc: {  	v1 =	vadd.f32 v1, v2;
	_ =	sdelay $0x1  }
.Ltmp9:
0x4cd: {  	v1 =	vsub.f32 $0.0e+00, v1;
	(pc) =	sbr.rel @p0 .LBB2_16-.Ltmp9, $4  }
0x4ce: {  	s1 =	sadd.s32 $0x10, s1  }
0x4cf: {  	s14 =	sadd.s32 $0x10, s14;
	[tilespmem:s1+$0x0] =	vst v1  }
0x4d0: {  	v4 =	vld [tilespmem:s14+$0x0]  }
0x4d1: {  	s17 =	sadd.s32 $0x10, s17  }
0x4d2: {  	_ = 	snop  }
0x4d3: {  	v1 =	vmov s16  }
0x4d4: {  	v1 =	vshll.u32 v1, $0x7  }
0x4d5: {  	v1 =	vor.u32 v0, v1;
	v2 =	vadd.s32 $0xF, v4  }
0x4d6: {  	v3 =	vand.u32 $0xFFFFFF80, v4;
	v5 =	vadd.s32 $0xD, v4;
	v6 =	vadd.s32 $0xE, v4  }
0x4d7: {  	v7 =	vand.u32 $0x7F, v4;
	v8 =	vadd.s32 $0x1, v4;
	v9 =	vadd.s32 $0xC, v4  }
0x4d8: {  	v10 =	vadd.s32 $0x2, v4;
	v11 =	vadd.s32 $0xB, v4;
	v3 =	vadd.s32 v1, v3  }
0x4d9: {  	v12 =	vadd.s32 $0x3, v4;
	v55 =	vand.u32 $0xFFFFFF80, v8;
	v3 =	vor.u32 v7, v3  }
0x4da: {  	v13 =	vadd.s32 $0xA, v4;
	v8 =	vand.u32 $0x7F, v8;
	v7 =	vadd.s32 v1, v55  }
0x4db: {  	v14 =	vadd.s32 $0x4, v4;
	v56 =	vand.u32 $0xFFFFFF80, v10;
	v7 =	vor.u32 v8, v7  }
0x4dc: {  	s0 =	sadd.s32 $0x10, s0;
	v16 =	vadd.s32 $0x9, v4;
	v10 =	vand.u32 $0x7F, v10;
	v8 =	vadd.s32 v1, v56  }
0x4dd: {  	v15 =	vld [tilespmem:s0+$0xFFFFF000];
	v17 =	vadd.s32 $0x5, v4;
	v57 =	vand.u32 $0xFFFFFF80, v12;
	v8 =	vor.u32 v10, v8  }
0x4de: {  	v19 =	vadd.s32 $0x8, v4;
	v12 =	vand.u32 $0x7F, v12;
	v10 =	vadd.s32 v1, v57;
	v3 =	vld.idx.msk [tilespmem:v3+s12+$0x0], $0xffff  }
0x4df: {  	v18 =	vld [tilespmem:s0+$0xFFFFF080];
	v20 =	vadd.s32 $0x6, v4;
	v58 =	vand.u32 $0xFFFFFF80, v14;
	v10 =	vor.u32 v12, v10  }
0x4e0: {  	v61 =	vadd.s32 $0x7, v4;
	v14 =	vand.u32 $0x7F, v14;
	v12 =	vadd.s32 v1, v58;
	v7 =	vld.idx.msk [tilespmem:v7+s12+$0x0], $0xffff  }
0x4e1: {  	v21 =	vld [tilespmem:s0+$0xFFFFF100];
	v59 =	vand.u32 $0xFFFFFF80, v17;
	v17 =	vand.u32 $0x7F, v17;
	v12 =	vor.u32 v14, v12  }
0x4e2: {  	v60 =	vand.u32 $0xFFFFFF80, v20;
	v62 =	vand.u32 $0x7F, v20;
	v14 =	vadd.s32 v1, v59;
	v8 =	vld.idx.msk [tilespmem:v8+s12+$0x0], $0xffff  }
0x4e3: {  	v63 =	vld [tilespmem:s0+$0xFFFFF180];
	v24 =	vand.u32 $0xFFFFFF80, v61;
	v14 =	vor.u32 v17, v14;
	v3 =	vmul.f32 v15, v3  }
0x4e4: {  	v4 =	vand.u32 $0x7F, v61;
	v26 =	vand.u32 $0xFFFFFF80, v19;
	v17 =	vadd.s32 v1, v60;
	v10 =	vld.idx.msk [tilespmem:v10+s12+$0x0], $0xffff  }
0x4e5: {  	v25 =	vld [tilespmem:s0+$0xFFFFF200];
	v15 =	vor.u32 v62, v17;
	v7 =	vmul.f32 v18, v7;
	v3 =	vadd.f32 $0.0e+00, v3  }
0x4e6: {  	v19 =	vand.u32 $0x7F, v19;
	v31 =	vand.u32 $0xFFFFFF80, v16;
	v12 =	vld.idx.msk [tilespmem:v12+s12+$0x0], $0xffff;
	v17 =	vadd.s32 v1, v24  }
0x4e7: {  	v30 =	vld [tilespmem:s0+$0xFFFFF280];
	v4 =	vor.u32 v4, v17;
	v27 =	vmul.f32 v21, v8;
	v3 =	vadd.f32 v7, v3  }
0x4e8: {  	v16 =	vand.u32 $0x7F, v16;
	v36 =	vand.u32 $0xFFFFFF80, v13;
	v29 =	vadd.s32 v1, v26;
	v28 =	vld.idx.msk [tilespmem:v14+s12+$0x0], $0xffff  }
0x4e9: {  	v35 =	vld [tilespmem:s0+$0xFFFFF300];
	v14 =	vor.u32 v19, v29;
	v32 =	vmul.f32 v63, v10;
	v3 =	vadd.f32 v27, v3  }
0x4ea: {  	v13 =	vand.u32 $0x7F, v13;
	v40 =	vand.u32 $0xFFFFFF80, v11;
	v34 =	vadd.s32 v1, v31;
	v33 =	vld.idx.msk [tilespmem:v15+s12+$0x0], $0xffff  }
0x4eb: {  	v39 =	vld [tilespmem:s0+$0xFFFFF380];
	v37 =	vmul.f32 v25, v12;
	v15 =	vor.u32 v16, v34;
	v3 =	vadd.f32 v32, v3  }
0x4ec: {  	v11 =	vand.u32 $0x7F, v11;
	v44 =	vand.u32 $0xFFFFFF80, v9;
	v38 =	vadd.s32 v1, v36;
	v4 =	vld.idx.msk [tilespmem:v4+s12+$0x0], $0xffff  }
0x4ed: {  	v43 =	vld [tilespmem:s0+$0x0];
	v12 =	vor.u32 v13, v38;
	v41 =	vmul.f32 v30, v28;
	v3 =	vadd.f32 v37, v3  }
0x4ee: {  	v9 =	vand.u32 $0x7F, v9;
	v48 =	vand.u32 $0xFFFFFF80, v5;
	v13 =	vadd.s32 v1, v40;
	v42 =	vld.idx.msk [tilespmem:v14+s12+$0x0], $0xffff  }
0x4ef: {  	v47 =	vld [tilespmem:s0+$0x80];
	v11 =	vor.u32 v11, v13;
	v45 =	vmul.f32 v35, v33;
	v3 =	vadd.f32 v41, v3  }
0x4f0: {  	v5 =	vand.u32 $0x7F, v5;
	v52 =	vand.u32 $0xFFFFFF80, v6;
	v13 =	vadd.s32 v1, v44;
	v46 =	vld.idx.msk [tilespmem:v15+s12+$0x0], $0xffff  }
0x4f1: {  	v51 =	vld [tilespmem:s0+$0x100];
	v9 =	vor.u32 v9, v13;
	v4 =	vmul.f32 v39, v4;
	v3 =	vadd.f32 v45, v3  }
0x4f2: {  	v6 =	vand.u32 $0x7F, v6;
	v50 =	vadd.s32 v1, v48;
	v55 =	vadd.s32 v1, v52;
	v49 =	vld.idx.msk [tilespmem:v12+s12+$0x0], $0xffff  }
0x4f3: {  	v5 =	vor.u32 v5, v50;
	v56 =	vld [tilespmem:s0+$0x180];
	v53 =	vmul.f32 v43, v42;
	v3 =	vadd.f32 v4, v3  }
0x4f4: {  	v6 =	vor.u32 v6, v55;
	v54 =	vld.idx.msk [tilespmem:v11+s12+$0x0], $0xffff  }
0x4f5: {  	v57 =	vand.u32 $0xFFFFFF80, v2;
	v59 =	vld [tilespmem:s0+$0x200];
	v58 =	vmul.f32 v47, v46;
	v3 =	vadd.f32 v53, v3  }
0x4f6: {  	v2 =	vand.u32 $0x7F, v2;
	v1 =	vadd.s32 v1, v57;
	v9 =	vld.idx.msk [tilespmem:v9+s12+$0x0], $0xffff  }
0x4f7: {  	v61 =	vld [tilespmem:s0+$0x280];
	v1 =	vor.u32 v2, v1;
	v2 =	vadd.f32 v58, v3;
	v3 =	vmul.f32 v51, v49  }
0x4f8: {  	v60 =	vld.idx.msk [tilespmem:v5+s12+$0x0], $0xffff  }
0x4f9: {  	v6 =	vld.idx.msk [tilespmem:v6+s12+$0x0], $0xffff;
	v2 =	vadd.f32 v3, v2;
	v3 =	vmul.f32 v56, v54  }
0x4fa: {  	v62 =	vld [tilespmem:s0+$0x300]  }
0x4fb: {  	v63 =	vld [tilespmem:s0+$0x380];
	v2 =	vadd.f32 v3, v2;
	v3 =	vmul.f32 v59, v9  }
0x4fc: {  	v1 =	vld.idx.msk [tilespmem:v1+s12+$0x0], $0xffff  }
0x4fd: {  	v2 =	vadd.f32 v3, v2;
	v3 =	vmul.f32 v61, v60;
	_ =	sdelay $0x1  }
0x4fe: {  	v2 =	vadd.f32 v3, v2;
	v3 =	vmul.f32 v62, v6;
	_ =	sdelay $0x1  }
0x4ff: {  	v1 =	vmul.f32 v63, v1;
	v2 =	vadd.f32 v3, v2;
	_ =	sdelay $0x1  }
0x500: {  	v1 =	vadd.f32 v1, v2;
	_ =	sdelay $0x1  }
0x501: {  	s26 =	sadd.s32 $0x10, s1;
	v1 =	vsub.f32 $0.0e+00, v1  }
0x502: {  	p0 =	por $0x0, $0x0;
	s28 =	simm.s32 $0xD200;
	s29 =	simm.s32 $0x1C80  }
0x503: {  	s30 =	simm.s32 $0xD280;
	s31 =	simm.s32 $0x0;
	[tilespmem:s26+$0x0] =	vst v1;
	s26 =	simm.s32 $0x1C00  }
0x504: {  	[tilespmem:s12], [sflag:$0x2] =	stream.indirect.gather [hbm4b:s3+s10], $0x80, s22, s10, $0xb8;
	[tilespmem:$0xE800] =	vst v63  }
.LBB2_18:
0x505: {  	v1 =	vmov s26;
	_ =	sdelay $0x1  }
0x506: {  	_ =	swait.ge [sflag:s13], $0x4000  }
0x507: {  	[sflag:s13] =	ssyncset.done $0x0  }
0x508: {  	s1 =	simm.s32 $0x0;
	[sflag:s13] =	ssyncadd.s32 $0xFFFFC000  }
0x509: {  	v3 =	vld.idx.msk [tilespmem:v1+s1+$0x0 ss:$0x1], $0xffff;
	_ =	sdelay $0x2  }
0x50a: {  	v2 =	vmov s25  }
0x50b: {  	v2 =	vshll.u32 v2, $0x7  }
0x50c: {  	v2 =	vor.u32 v0, v2;
	v4 =	vadd.s32 $0xF, v3  }
0x50d: {  	v5 =	vand.u32 $0xFFFFFF80, v3;
	v6 =	vadd.s32 $0xD, v3;
	v7 =	vadd.s32 $0xE, v3  }
0x50e: {  	v8 =	vand.u32 $0x7F, v3;
	v9 =	vadd.s32 $0x1, v3;
	v10 =	vadd.s32 $0xC, v3  }
0x50f: {  	s0 =	simm.s32 $0x1;
	v11 =	vadd.s32 $0x2, v3;
	v12 =	vadd.s32 $0xB, v3;
	v5 =	vadd.s32 v2, v5  }
0x510: {  	s0 =	simm.s32 @!p0 $0x0;
	v13 =	vadd.s32 $0x3, v3;
	v5 =	vor.u32 v8, v5;
	v8 =	vand.u32 $0xFFFFFF80, v9  }
0x511: {  	s14 =	sshll.u32 s0, $0xB;
	v14 =	vadd.s32 $0xA, v3;
	v9 =	vand.u32 $0x7F, v9;
	v8 =	vadd.s32 v2, v8  }
0x512: {  	s0 =	sand.u32 $0x3FFFF800, s14;
	v15 =	vadd.s32 $0x4, v3;
	v27 =	vand.u32 $0xFFFFFF80, v11;
	v8 =	vor.u32 v9, v8  }
0x513: {  	s0 =	sadd.s32 $0x0, s0;
	v17 =	vadd.s32 $0x9, v3;
	v11 =	vand.u32 $0x7F, v11;
	v9 =	vadd.s32 v2, v27  }
0x514: {  	v16 =	vld [tilespmem:s0+$0xB000];
	v18 =	vadd.s32 $0x5, v3;
	v28 =	vand.u32 $0xFFFFFF80, v13;
	v9 =	vor.u32 v11, v9  }
0x515: {  	v20 =	vadd.s32 $0x8, v3;
	v13 =	vand.u32 $0x7F, v13;
	v11 =	vadd.s32 v2, v28;
	v5 =	vld.idx.msk [tilespmem:v5+s11+$0x0], $0xffff  }
0x516: {  	v19 =	vld [tilespmem:s0+$0xB080];
	v21 =	vadd.s32 $0x6, v3;
	v29 =	vand.u32 $0xFFFFFF80, v15;
	v11 =	vor.u32 v13, v11  }
0x517: {  	v3 =	vadd.s32 $0x7, v3;
	v15 =	vand.u32 $0x7F, v15;
	v13 =	vadd.s32 v2, v29;
	v8 =	vld.idx.msk [tilespmem:v8+s11+$0x0], $0xffff  }
0x518: {  	v22 =	vld [tilespmem:s0+$0xB100];
	v30 =	vand.u32 $0xFFFFFF80, v18;
	v18 =	vand.u32 $0x7F, v18;
	v13 =	vor.u32 v15, v13  }
0x519: {  	v31 =	vand.u32 $0xFFFFFF80, v21;
	v32 =	vand.u32 $0x7F, v21;
	v15 =	vadd.s32 v2, v30;
	v9 =	vld.idx.msk [tilespmem:v9+s11+$0x0], $0xffff  }
0x51a: {  	v33 =	vld [tilespmem:s0+$0xB180];
	v34 =	vand.u32 $0xFFFFFF80, v3;
	v15 =	vor.u32 v18, v15;
	v5 =	vmul.f32 v16, v5  }
0x51b: {  	v3 =	vand.u32 $0x7F, v3;
	v36 =	vand.u32 $0xFFFFFF80, v20;
	v18 =	vadd.s32 v2, v31;
	v11 =	vld.idx.msk [tilespmem:v11+s11+$0x0], $0xffff  }
0x51c: {  	v35 =	vld [tilespmem:s0+$0xB200];
	v16 =	vor.u32 v32, v18;
	v5 =	vadd.f32 $0.0e+00, v5;
	v8 =	vmul.f32 v19, v8  }
0x51d: {  	v20 =	vand.u32 $0x7F, v20;
	v40 =	vand.u32 $0xFFFFFF80, v17;
	v13 =	vld.idx.msk [tilespmem:v13+s11+$0x0], $0xffff;
	v18 =	vadd.s32 v2, v34  }
0x51e: {  	v39 =	vld [tilespmem:s0+$0xB280];
	v3 =	vor.u32 v3, v18;
	v5 =	vadd.f32 v8, v5;
	v8 =	vmul.f32 v22, v9  }
0x51f: {  	v17 =	vand.u32 $0x7F, v17;
	v44 =	vand.u32 $0xFFFFFF80, v14;
	v38 =	vadd.s32 v2, v36;
	v37 =	vld.idx.msk [tilespmem:v15+s11+$0x0], $0xffff  }
0x520: {  	s16 =	sor.u32 s14, s25;
	v43 =	vld [tilespmem:s0+$0xB300];
	v15 =	vor.u32 v20, v38;
	v5 =	vadd.f32 v8, v5;
	v8 =	vmul.f32 v33, v11  }
0x521: {  	s16 =	sor.u32 $0x380, s16;
	v14 =	vand.u32 $0x7F, v14;
	v47 =	vand.u32 $0xFFFFFF80, v12;
	v42 =	vadd.s32 v2, v40;
	v41 =	vld.idx.msk [tilespmem:v16+s11+$0x0], $0xffff  }
0x522: {  	v46 =	vld [tilespmem:s16+$0xB000];
	v16 =	vor.u32 v17, v42;
	v5 =	vadd.f32 v8, v5;
	v8 =	vmul.f32 v35, v13  }
0x523: {  	v12 =	vand.u32 $0x7F, v12;
	v50 =	vand.u32 $0xFFFFFF80, v10;
	v45 =	vadd.s32 v2, v44;
	v3 =	vld.idx.msk [tilespmem:v3+s11+$0x0], $0xffff  }
0x524: {  	v49 =	vld [tilespmem:s0+$0xC000];
	v13 =	vor.u32 v14, v45;
	v5 =	vadd.f32 v8, v5;
	v8 =	vmul.f32 v39, v37  }
0x525: {  	v10 =	vand.u32 $0x7F, v10;
	v53 =	vand.u32 $0xFFFFFF80, v6;
	v48 =	vld.idx.msk [tilespmem:v15+s11+$0x0], $0xffff;
	v14 =	vadd.s32 v2, v47  }
0x526: {  	v52 =	vld [tilespmem:s0+$0xC080];
	v12 =	vor.u32 v12, v14;
	v5 =	vadd.f32 v8, v5;
	v8 =	vmul.f32 v43, v41  }
0x527: {  	v6 =	vand.u32 $0x7F, v6;
	v54 =	vadd.s32 v2, v53;
	v14 =	vadd.s32 v2, v50;
	v51 =	vld.idx.msk [tilespmem:v16+s11+$0x0], $0xffff  }
0x528: {  	v55 =	vld [tilespmem:s0+$0xC100];
	v10 =	vor.u32 v10, v14;
	v3 =	vmul.f32 v46, v3;
	v5 =	vadd.f32 v8, v5  }
0x529: {  	v56 =	vand.u32 $0xFFFFFF80, v7;
	v7 =	vand.u32 $0x7F, v7;
	v6 =	vor.u32 v6, v54;
	v8 =	vld.idx.msk [tilespmem:v13+s11+$0x0], $0xffff  }
0x52a: {  	v59 =	vld [tilespmem:s0+$0xC180];
	v58 =	vadd.s32 v2, v56;
	v3 =	vadd.f32 v3, v5;
	v5 =	vmul.f32 v49, v48  }
0x52b: {  	v7 =	vor.u32 v7, v58;
	v57 =	vld.idx.msk [tilespmem:v12+s11+$0x0], $0xffff  }
0x52c: {  	v61 =	vld [tilespmem:s0+$0xC200];
	v60 =	vand.u32 $0xFFFFFF80, v4;
	v3 =	vadd.f32 v5, v3;
	v5 =	vmul.f32 v52, v51  }
0x52d: {  	v4 =	vand.u32 $0x7F, v4;
	v2 =	vadd.s32 v2, v60;
	v10 =	vld.idx.msk [tilespmem:v10+s11+$0x0], $0xffff  }
0x52e: {  	v2 =	vor.u32 v4, v2;
	v4 =	vmul.f32 v55, v8;
	v3 =	vadd.f32 v5, v3;
	v5 =	vld.idx.msk [tilespmem:v6+s11+$0x0], $0xffff  }
0x52f: {  	v6 =	vld [tilespmem:s0+$0xC280]  }
0x530: {  	v7 =	vld.idx.msk [tilespmem:v7+s11+$0x0], $0xffff;
	v3 =	vadd.f32 v4, v3;
	v4 =	vmul.f32 v59, v57  }
0x531: {  	v8 =	vld [tilespmem:s0+$0xC300]  }
0x532: {  	v63 =	vld [tilespmem:s0+$0xC380];
	v3 =	vadd.f32 v4, v3;
	v4 =	vmul.f32 v61, v10  }
0x533: {  	v62 =	vld.idx.msk [tilespmem:v2+s11+$0x0], $0xffff  }
0x534: {  	v2 =	vadd.f32 v4, v3;
	v3 =	vmul.f32 v6, v5;
	_ =	sdelay $0x1  }
0x535: {  	v4 =	vmul.f32 v8, v7;
	v3 =	vadd.f32 v3, v2  }
0x536: {  	v2 =	vmov s28  }
0x537: {  	v3 =	vadd.f32 v4, v3;
	v4 =	vmul.f32 v63, v62;
	_ =	sdelay $0x1  }
0x538: {  	v3 =	vadd.f32 v4, v3;
	_ =	sdelay $0x1  }
0x539: {  	s18 =	simm.s32 $0x80;
	s16 =	simm.s32 $0x10;
	[tilespmem:v2+s1+$0x0 ss:$0x1] =	vst.idx.msk $0xffff, v3  }
0x53a: {  	s17 =	simm.s32 $0x0;
	s0 =	sor.u32 $0x400, s14;
	s1 =	sshll.u32 s31, $0xA;
	v6 =	vld.idx.msk [tilespmem:v1+s16+$0x0 ss:$0x1], $0xffff  }
.LBB2_19:
0x53b: {  	p1 =	sne.s32 s18, $0x1C0;
	_ =	sdelay $0x1  }
0x53c: {  	s17 =	sadd.s32 $0x10, s17  }
0x53d: {  	v3 =	vmov s17  }
0x53e: {  	v3 =	vshll.u32 v3, $0x7  }
0x53f: {  	v3 =	vor.u32 v0, v3;
	v4 =	vadd.s32 $0xF, v6  }
0x540: {  	v8 =	vand.u32 $0xFFFFFF80, v6;
	v7 =	vadd.s32 $0xD, v6;
	v5 =	vadd.s32 $0xE, v6  }
0x541: {  	v9 =	vand.u32 $0x7F, v6;
	v10 =	vadd.s32 $0x1, v6;
	v8 =	vadd.s32 v3, v8  }
0x542: {  	v11 =	vadd.s32 $0xC, v6;
	v8 =	vor.u32 v9, v8;
	v9 =	vand.u32 $0xFFFFFF80, v10  }
0x543: {  	v12 =	vadd.s32 $0x2, v6;
	v10 =	vand.u32 $0x7F, v10;
	v9 =	vadd.s32 v3, v9  }
0x544: {  	v13 =	vadd.s32 $0xB, v6;
	v9 =	vor.u32 v10, v9;
	v10 =	vand.u32 $0xFFFFFF80, v12  }
0x545: {  	s14 =	sadd.s32 $0x80, s14;
	v14 =	vadd.s32 $0x3, v6;
	v12 =	vand.u32 $0x7F, v12;
	v10 =	vadd.s32 v3, v10  }
0x546: {  	s19 =	sand.u32 $0x3FFFF800, s14;
	v15 =	vadd.s32 $0xA, v6;
	v10 =	vor.u32 v12, v10;
	v12 =	vand.u32 $0xFFFFFF80, v14  }
0x547: {  	s19 =	sadd.s32 s16, s19;
	v16 =	vadd.s32 $0x4, v6;
	v14 =	vand.u32 $0x7F, v14;
	v12 =	vadd.s32 v3, v12;
	v8 =	vld.idx.msk [tilespmem:v8+s11+$0x0], $0xffff  }
0x548: {  	v18 =	vadd.s32 $0x9, v6;
	v12 =	vor.u32 v14, v12;
	v14 =	vand.u32 $0xFFFFFF80, v16;
	v17 =	vld [tilespmem:s19+$0xB000]  }
0x549: {  	v19 =	vadd.s32 $0x5, v6;
	v16 =	vand.u32 $0x7F, v16;
	v14 =	vadd.s32 v3, v14;
	v9 =	vld.idx.msk [tilespmem:v9+s11+$0x0], $0xffff  }
0x54a: {  	v21 =	vadd.s32 $0x8, v6;
	v14 =	vor.u32 v16, v14;
	v16 =	vand.u32 $0xFFFFFF80, v19;
	v20 =	vld [tilespmem:s19+$0xB080]  }
0x54b: {  	v22 =	vadd.s32 $0x6, v6;
	v19 =	vand.u32 $0x7F, v19;
	v16 =	vadd.s32 v3, v16;
	v10 =	vld.idx.msk [tilespmem:v10+s11+$0x0], $0xffff  }
0x54c: {  	v6 =	vadd.s32 $0x7, v6;
	v16 =	vor.u32 v19, v16;
	v19 =	vand.u32 $0xFFFFFF80, v22;
	v23 =	vld [tilespmem:s19+$0xB100]  }
0x54d: {  	v19 =	vadd.s32 v3, v19;
	v8 =	vmul.f32 v17, v8;
	v12 =	vld.idx.msk [tilespmem:v12+s11+$0x0], $0xffff;
	v17 =	vand.u32 $0x7F, v22  }
0x54e: {  	v22 =	vld [tilespmem:s19+$0xB180];
	v17 =	vor.u32 v17, v19;
	v19 =	vand.u32 $0xFFFFFF80, v6;
	v6 =	vand.u32 $0x7F, v6  }
0x54f: {  	v8 =	vadd.f32 $0.0e+00, v8;
	v9 =	vmul.f32 v20, v9;
	v14 =	vld.idx.msk [tilespmem:v14+s11+$0x0], $0xffff;
	v19 =	vadd.s32 v3, v19  }
0x550: {  	v20 =	vld [tilespmem:s19+$0xB200];
	v6 =	vor.u32 v6, v19;
	v19 =	vand.u32 $0xFFFFFF80, v21;
	v21 =	vand.u32 $0x7F, v21  }
0x551: {  	v8 =	vadd.f32 v9, v8;
	v9 =	vmul.f32 v23, v10;
	v10 =	vld.idx.msk [tilespmem:v16+s11+$0x0], $0xffff;
	v16 =	vadd.s32 v3, v19  }
0x552: {  	v19 =	vld [tilespmem:s19+$0xB280];
	v16 =	vor.u32 v21, v16;
	v21 =	vand.u32 $0xFFFFFF80, v18;
	v18 =	vand.u32 $0x7F, v18  }
0x553: {  	v8 =	vadd.f32 v9, v8;
	v9 =	vmul.f32 v22, v12;
	v12 =	vld.idx.msk [tilespmem:v17+s11+$0x0], $0xffff;
	v17 =	vadd.s32 v3, v21  }
0x554: {  	s20 =	sor.u32 s14, s17;
	v21 =	vld [tilespmem:s19+$0xB300];
	v17 =	vor.u32 v18, v17;
	v18 =	vand.u32 $0xFFFFFF80, v15;
	v15 =	vand.u32 $0x7F, v15  }
0x555: {  	s20 =	sor.u32 $0x380, s20;
	v8 =	vadd.f32 v9, v8;
	v9 =	vmul.f32 v20, v14;
	v6 =	vld.idx.msk [tilespmem:v6+s11+$0x0], $0xffff;
	v14 =	vadd.s32 v3, v18  }
0x556: {  	v18 =	vld [tilespmem:s20+$0xB000];
	v14 =	vor.u32 v15, v14;
	v15 =	vand.u32 $0xFFFFFF80, v13;
	v13 =	vand.u32 $0x7F, v13  }
0x557: {  	v8 =	vadd.f32 v9, v8;
	v9 =	vmul.f32 v19, v10;
	v10 =	vld.idx.msk [tilespmem:v16+s11+$0x0], $0xffff;
	v15 =	vadd.s32 v3, v15  }
0x558: {  	v16 =	vld [tilespmem:s19+$0xC000];
	v13 =	vor.u32 v13, v15;
	v15 =	vand.u32 $0xFFFFFF80, v11;
	v11 =	vand.u32 $0x7F, v11  }
0x559: {  	v8 =	vadd.f32 v9, v8;
	v9 =	vmul.f32 v21, v12;
	v12 =	vld.idx.msk [tilespmem:v17+s11+$0x0], $0xffff;
	v15 =	vadd.s32 v3, v15  }
0x55a: {  	v17 =	vld [tilespmem:s19+$0xC080];
	v11 =	vor.u32 v11, v15;
	v15 =	vand.u32 $0xFFFFFF80, v7;
	v7 =	vand.u32 $0x7F, v7  }
0x55b: {  	v8 =	vadd.f32 v9, v8;
	v6 =	vmul.f32 v18, v6;
	v9 =	vld.idx.msk [tilespmem:v14+s11+$0x0], $0xffff;
	v14 =	vadd.s32 v3, v15  }
0x55c: {  	v15 =	vld [tilespmem:s19+$0xC100];
	v7 =	vor.u32 v7, v14;
	v14 =	vand.u32 $0xFFFFFF80, v5;
	v5 =	vand.u32 $0x7F, v5  }
0x55d: {  	v6 =	vadd.f32 v6, v8;
	v8 =	vmul.f32 v16, v10;
	v10 =	vld.idx.msk [tilespmem:v13+s11+$0x0], $0xffff;
	v13 =	vadd.s32 v3, v14  }
0x55e: {  	v14 =	vld [tilespmem:s19+$0xC180];
	v5 =	vor.u32 v5, v13;
	v13 =	vand.u32 $0xFFFFFF80, v4;
	v4 =	vand.u32 $0x7F, v4  }
0x55f: {  	v6 =	vadd.f32 v8, v6;
	v8 =	vmul.f32 v17, v12;
	v11 =	vld.idx.msk [tilespmem:v11+s11+$0x0], $0xffff;
	v3 =	vadd.s32 v3, v13  }
0x560: {  	v12 =	vld [tilespmem:s19+$0xC200];
	v3 =	vor.u32 v4, v3  }
0x561: {  	v4 =	vadd.f32 v8, v6;
	v6 =	vmul.f32 v15, v9;
	v7 =	vld.idx.msk [tilespmem:v7+s11+$0x0], $0xffff  }
0x562: {  	v8 =	vld [tilespmem:s19+$0xC280]  }
0x563: {  	v4 =	vadd.f32 v6, v4;
	v6 =	vmul.f32 v14, v10;
	v5 =	vld.idx.msk [tilespmem:v5+s11+$0x0], $0xffff  }
0x564: {  	v9 =	vld [tilespmem:s19+$0xC300]  }
0x565: {  	v4 =	vadd.f32 v6, v4;
	v6 =	vmul.f32 v12, v11;
	v3 =	vld.idx.msk [tilespmem:v3+s11+$0x0], $0xffff  }
0x566: {  	v10 =	vld [tilespmem:s19+$0xC380]  }
0x567: {  	v4 =	vadd.f32 v6, v4;
	v6 =	vmul.f32 v8, v7;
	_ =	sdelay $0x1  }
0x568: {  	v4 =	vadd.f32 v6, v4;
	v5 =	vmul.f32 v9, v5;
	_ =	sdelay $0x1  }
0x569: {  	v4 =	vadd.f32 v5, v4;
	v3 =	vmul.f32 v10, v3  }
.Ltmp10:
0x56a: {  	(pc) =	sbr.rel @p1 .LBB2_19-.Ltmp10, $3  }
0x56b: {  	v3 =	vadd.f32 v3, v4;
	_ =	sdelay $0x1  }
0x56c: {  	[tilespmem:v2+s16+$0x0 ss:$0x1] =	vst.idx.msk $0xffff, v3;
	s16 =	sshra.s32 s18, $0x2  }
0x56d: {  	s18 =	sadd.s32 $0x40, s18;
	v6 =	vld.idx.msk [tilespmem:v1+s16+$0x0 ss:$0x1], $0xffff  }
0x56e: {  	_ = 	snop  }
0x56f: {  	s17 =	sadd.s32 $0x10, s17  }
0x570: {  	v1 =	vmov s17  }
0x571: {  	v1 =	vshll.u32 v1, $0x7  }
0x572: {  	v1 =	vor.u32 v0, v1;
	v3 =	vadd.s32 $0xF, v6  }
0x573: {  	v4 =	vand.u32 $0xFFFFFF80, v6;
	v5 =	vadd.s32 $0xD, v6;
	v7 =	vadd.s32 $0xE, v6  }
0x574: {  	v8 =	vand.u32 $0x7F, v6;
	v9 =	vadd.s32 $0x1, v6;
	v10 =	vadd.s32 $0xC, v6  }
0x575: {  	v11 =	vadd.s32 $0x2, v6;
	v12 =	vadd.s32 $0xB, v6;
	v4 =	vadd.s32 v1, v4  }
0x576: {  	v13 =	vadd.s32 $0x3, v6;
	v4 =	vor.u32 v8, v4;
	v8 =	vand.u32 $0xFFFFFF80, v9  }
0x577: {  	s18 =	sadd.s32 $0x80, s14;
	v14 =	vadd.s32 $0xA, v6;
	v9 =	vand.u32 $0x7F, v9;
	v8 =	vadd.s32 v1, v8  }
0x578: {  	s14 =	sand.u32 $0x3FFFF800, s18;
	v15 =	vadd.s32 $0x4, v6;
	v58 =	vand.u32 $0xFFFFFF80, v11;
	v8 =	vor.u32 v9, v8  }
0x579: {  	s14 =	sadd.s32 s16, s14;
	v17 =	vadd.s32 $0x9, v6;
	v11 =	vand.u32 $0x7F, v11;
	v9 =	vadd.s32 v1, v58  }
0x57a: {  	v16 =	vld [tilespmem:s14+$0xB000];
	v18 =	vadd.s32 $0x5, v6;
	v59 =	vand.u32 $0xFFFFFF80, v13;
	v9 =	vor.u32 v11, v9  }
0x57b: {  	v20 =	vadd.s32 $0x8, v6;
	v13 =	vand.u32 $0x7F, v13;
	v11 =	vadd.s32 v1, v59;
	v4 =	vld.idx.msk [tilespmem:v4+s11+$0x0], $0xffff  }
0x57c: {  	v19 =	vld [tilespmem:s14+$0xB080];
	v21 =	vadd.s32 $0x6, v6;
	v60 =	vand.u32 $0xFFFFFF80, v15;
	v11 =	vor.u32 v13, v11  }
0x57d: {  	v6 =	vadd.s32 $0x7, v6;
	v15 =	vand.u32 $0x7F, v15;
	v13 =	vadd.s32 v1, v60;
	v8 =	vld.idx.msk [tilespmem:v8+s11+$0x0], $0xffff  }
0x57e: {  	v22 =	vld [tilespmem:s14+$0xB100];
	v61 =	vand.u32 $0xFFFFFF80, v18;
	v18 =	vand.u32 $0x7F, v18;
	v13 =	vor.u32 v15, v13  }
0x57f: {  	v62 =	vand.u32 $0xFFFFFF80, v21;
	v63 =	vand.u32 $0x7F, v21;
	v15 =	vadd.s32 v1, v61;
	v9 =	vld.idx.msk [tilespmem:v9+s11+$0x0], $0xffff  }
0x580: {  	v24 =	vld [tilespmem:s14+$0xB180];
	v25 =	vand.u32 $0xFFFFFF80, v6;
	v15 =	vor.u32 v18, v15;
	v4 =	vmul.f32 v16, v4  }
0x581: {  	v6 =	vand.u32 $0x7F, v6;
	v27 =	vand.u32 $0xFFFFFF80, v20;
	v18 =	vadd.s32 v1, v62;
	v11 =	vld.idx.msk [tilespmem:v11+s11+$0x0], $0xffff  }
0x582: {  	v26 =	vld [tilespmem:s14+$0xB200];
	v16 =	vor.u32 v63, v18;
	v4 =	vadd.f32 $0.0e+00, v4;
	v8 =	vmul.f32 v19, v8  }
0x583: {  	v20 =	vand.u32 $0x7F, v20;
	v31 =	vand.u32 $0xFFFFFF80, v17;
	v13 =	vld.idx.msk [tilespmem:v13+s11+$0x0], $0xffff;
	v18 =	vadd.s32 v1, v25  }
0x584: {  	v30 =	vld [tilespmem:s14+$0xB280];
	v6 =	vor.u32 v6, v18;
	v4 =	vadd.f32 v8, v4;
	v8 =	vmul.f32 v22, v9  }
0x585: {  	v17 =	vand.u32 $0x7F, v17;
	v35 =	vand.u32 $0xFFFFFF80, v14;
	v29 =	vadd.s32 v1, v27;
	v28 =	vld.idx.msk [tilespmem:v15+s11+$0x0], $0xffff  }
0x586: {  	s17 =	sor.u32 s18, s17;
	v34 =	vld [tilespmem:s14+$0xB300];
	v15 =	vor.u32 v20, v29;
	v4 =	vadd.f32 v8, v4;
	v8 =	vmul.f32 v24, v11  }
0x587: {  	s17 =	sor.u32 $0x380, s17;
	v14 =	vand.u32 $0x7F, v14;
	v38 =	vand.u32 $0xFFFFFF80, v12;
	v33 =	vadd.s32 v1, v31;
	v32 =	vld.idx.msk [tilespmem:v16+s11+$0x0], $0xffff  }
0x588: {  	v37 =	vld [tilespmem:s17+$0xB000];
	v16 =	vor.u32 v17, v33;
	v4 =	vadd.f32 v8, v4;
	v8 =	vmul.f32 v26, v13  }
0x589: {  	v12 =	vand.u32 $0x7F, v12;
	v41 =	vand.u32 $0xFFFFFF80, v10;
	v36 =	vadd.s32 v1, v35;
	v6 =	vld.idx.msk [tilespmem:v6+s11+$0x0], $0xffff  }
0x58a: {  	v40 =	vld [tilespmem:s14+$0xC000];
	v13 =	vor.u32 v14, v36;
	v4 =	vadd.f32 v8, v4;
	v8 =	vmul.f32 v30, v28  }
0x58b: {  	v10 =	vand.u32 $0x7F, v10;
	v44 =	vand.u32 $0xFFFFFF80, v5;
	v39 =	vld.idx.msk [tilespmem:v15+s11+$0x0], $0xffff;
	v14 =	vadd.s32 v1, v38  }
0x58c: {  	v43 =	vld [tilespmem:s14+$0xC080];
	v12 =	vor.u32 v12, v14;
	v4 =	vadd.f32 v8, v4;
	v8 =	vmul.f32 v34, v32  }
0x58d: {  	v5 =	vand.u32 $0x7F, v5;
	v45 =	vadd.s32 v1, v44;
	v14 =	vadd.s32 v1, v41;
	v42 =	vld.idx.msk [tilespmem:v16+s11+$0x0], $0xffff  }
0x58e: {  	v46 =	vld [tilespmem:s14+$0xC100];
	v10 =	vor.u32 v10, v14;
	v6 =	vmul.f32 v37, v6;
	v4 =	vadd.f32 v8, v4  }
0x58f: {  	v47 =	vand.u32 $0xFFFFFF80, v7;
	v7 =	vand.u32 $0x7F, v7;
	v5 =	vor.u32 v5, v45;
	v8 =	vld.idx.msk [tilespmem:v13+s11+$0x0], $0xffff  }
0x590: {  	v50 =	vld [tilespmem:s14+$0xC180];
	v49 =	vadd.s32 v1, v47;
	v4 =	vadd.f32 v6, v4;
	v6 =	vmul.f32 v40, v39  }
0x591: {  	v7 =	vor.u32 v7, v49;
	v48 =	vld.idx.msk [tilespmem:v12+s11+$0x0], $0xffff  }
0x592: {  	v52 =	vld [tilespmem:s14+$0xC200];
	v51 =	vand.u32 $0xFFFFFF80, v3;
	v4 =	vadd.f32 v6, v4;
	v6 =	vmul.f32 v43, v42  }
0x593: {  	v3 =	vand.u32 $0x7F, v3;
	v1 =	vadd.s32 v1, v51;
	v10 =	vld.idx.msk [tilespmem:v10+s11+$0x0], $0xffff  }
0x594: {  	v5 =	vld.idx.msk [tilespmem:v5+s11+$0x0], $0xffff;
	v1 =	vor.u32 v3, v1;
	v3 =	vadd.f32 v6, v4;
	v4 =	vmul.f32 v46, v8  }
0x595: {  	v6 =	vld [tilespmem:s14+$0xC280]  }
0x596: {  	v7 =	vld.idx.msk [tilespmem:v7+s11+$0x0], $0xffff;
	v3 =	vadd.f32 v4, v3;
	v4 =	vmul.f32 v50, v48  }
0x597: {  	v8 =	vld [tilespmem:s14+$0xC300]  }
0x598: {  	v53 =	vld [tilespmem:s14+$0xC380];
	v3 =	vadd.f32 v4, v3;
	v4 =	vmul.f32 v52, v10  }
0x599: {  	v1 =	vld.idx.msk [tilespmem:v1+s11+$0x0], $0xffff  }
0x59a: {  	v3 =	vadd.f32 v4, v3;
	v4 =	vmul.f32 v6, v5;
	_ =	sdelay $0x1  }
0x59b: {  	v3 =	vadd.f32 v4, v3;
	v4 =	vmul.f32 v8, v7;
	_ =	sdelay $0x1  }
0x59c: {  	v1 =	vmul.f32 v53, v1;
	v3 =	vadd.f32 v4, v3;
	_ =	sdelay $0x1  }
0x59d: {  	p1 =	seq.s32 s31, $0x13;
	v1 =	vadd.f32 v1, v3  }
0x59e: {  	s14 =	sshrl.u32 @!p1 s1, $0x2  }
0x59f: {  	s17 =	simm.s32 @!p1 $0x3000;
	s14 =	sadd.s32 @!p1 $0x500, s14;
	[tilespmem:v2+s16+$0x0 ss:$0x1] =	vst.idx.msk $0xffff, v1;
	s16 =	simm.s32 @!p1 $0x80;
	v1 =	vmov s29  }
0x5a0: {  	[tilespmem:s17], [sflag:$0x1] =	stream.indirect.gather @!p1 [hbm4b:s3+s16], $0x80, s14, s16, $0xb8;
	[tilespmem:$0xE800] =	vst v63  }
0x5a1: {  	_ =	swait.ge [sflag:s15], $0x4000  }
0x5a2: {  	[sflag:s15] =	ssyncset.done $0x0  }
0x5a3: {  	s17 =	simm.s32 $0x0;
	[sflag:s15] =	ssyncadd.s32 $0xFFFFC000  }
0x5a4: {  	v2 =	vld.idx.msk [tilespmem:v1+s17+$0x0 ss:$0x1], $0xffff;
	_ =	sdelay $0x1  }
0x5a5: {  	s14 =	simm.s32 $0x0  }
0x5a6: {  	v3 =	vmov s14  }
0x5a7: {  	v3 =	vshll.u32 v3, $0x7  }
0x5a8: {  	v3 =	vor.u32 v0, v3;
	v4 =	vadd.s32 $0xF, v2  }
0x5a9: {  	v5 =	vand.u32 $0xFFFFFF80, v2;
	v6 =	vadd.s32 $0xD, v2;
	v7 =	vadd.s32 $0xE, v2  }
0x5aa: {  	v8 =	vand.u32 $0x7F, v2;
	v54 =	vadd.s32 $0x1, v2;
	v55 =	vadd.s32 $0xC, v2  }
0x5ab: {  	v56 =	vadd.s32 $0x2, v2;
	v58 =	vadd.s32 $0xB, v2;
	v5 =	vadd.s32 v3, v5  }
0x5ac: {  	v59 =	vadd.s32 $0x3, v2;
	v5 =	vor.u32 v8, v5;
	v8 =	vand.u32 $0xFFFFFF80, v54  }
0x5ad: {  	v61 =	vadd.s32 $0xA, v2;
	v9 =	vand.u32 $0x7F, v54;
	v8 =	vadd.s32 v3, v8  }
0x5ae: {  	s19 =	sand.u32 $0x3FFFFC00, s0;
	v62 =	vadd.s32 $0x4, v2;
	v57 =	vand.u32 $0xFFFFFF80, v56;
	v8 =	vor.u32 v9, v8  }
0x5af: {  	s16 =	sadd.s32 $0x0, s19;
	v25 =	vadd.s32 $0x9, v2;
	v11 =	vand.u32 $0x7F, v56;
	v9 =	vadd.s32 v3, v57  }
0x5b0: {  	v63 =	vld [tilespmem:s16+$0xB000];
	v26 =	vadd.s32 $0x5, v2;
	v60 =	vand.u32 $0xFFFFFF80, v59;
	v9 =	vor.u32 v11, v9  }
0x5b1: {  	v29 =	vadd.s32 $0x8, v2;
	v13 =	vand.u32 $0x7F, v59;
	v11 =	vadd.s32 v3, v60;
	v5 =	vld.idx.msk [tilespmem:v5+s12+$0x0], $0xffff  }
0x5b2: {  	v27 =	vld [tilespmem:s16+$0xB080];
	v30 =	vadd.s32 $0x6, v2;
	v24 =	vand.u32 $0xFFFFFF80, v62;
	v11 =	vor.u32 v13, v11  }
0x5b3: {  	v2 =	vadd.s32 $0x7, v2;
	v15 =	vand.u32 $0x7F, v62;
	v13 =	vadd.s32 v3, v24;
	v8 =	vld.idx.msk [tilespmem:v8+s12+$0x0], $0xffff  }
0x5b4: {  	v31 =	vld [tilespmem:s16+$0xB100];
	v28 =	vand.u32 $0xFFFFFF80, v26;
	v18 =	vand.u32 $0x7F, v26;
	v13 =	vor.u32 v15, v13  }
0x5b5: {  	v32 =	vand.u32 $0xFFFFFF80, v30;
	v33 =	vand.u32 $0x7F, v30;
	v15 =	vadd.s32 v3, v28;
	v9 =	vld.idx.msk [tilespmem:v9+s12+$0x0], $0xffff  }
0x5b6: {  	v34 =	vld [tilespmem:s16+$0xB180];
	v35 =	vand.u32 $0xFFFFFF80, v2;
	v15 =	vor.u32 v18, v15;
	v5 =	vmul.f32 v63, v5  }
0x5b7: {  	v2 =	vand.u32 $0x7F, v2;
	v37 =	vand.u32 $0xFFFFFF80, v29;
	v18 =	vadd.s32 v3, v32;
	v11 =	vld.idx.msk [tilespmem:v11+s12+$0x0], $0xffff  }
0x5b8: {  	v36 =	vld [tilespmem:s16+$0xB200];
	v16 =	vor.u32 v33, v18;
	v5 =	vadd.f32 $0.0e+00, v5;
	v8 =	vmul.f32 v27, v8  }
0x5b9: {  	v20 =	vand.u32 $0x7F, v29;
	v41 =	vand.u32 $0xFFFFFF80, v25;
	v18 =	vadd.s32 v3, v35;
	v13 =	vld.idx.msk [tilespmem:v13+s12+$0x0], $0xffff  }
0x5ba: {  	v40 =	vld [tilespmem:s16+$0xB280];
	v2 =	vor.u32 v2, v18;
	v5 =	vadd.f32 v8, v5;
	v8 =	vmul.f32 v31, v9  }
0x5bb: {  	v17 =	vand.u32 $0x7F, v25;
	v45 =	vand.u32 $0xFFFFFF80, v61;
	v39 =	vadd.s32 v3, v37;
	v38 =	vld.idx.msk [tilespmem:v15+s12+$0x0], $0xffff  }
0x5bc: {  	s20 =	sor.u32 s0, s14;
	v44 =	vld [tilespmem:s16+$0xB300];
	v15 =	vor.u32 v20, v39;
	v5 =	vadd.f32 v8, v5;
	v8 =	vmul.f32 v34, v11  }
0x5bd: {  	s18 =	sor.u32 $0x380, s20;
	v14 =	vand.u32 $0x7F, v61;
	v48 =	vand.u32 $0xFFFFFF80, v58;
	v43 =	vadd.s32 v3, v41;
	v42 =	vld.idx.msk [tilespmem:v16+s12+$0x0], $0xffff  }
0x5be: {  	v47 =	vld [tilespmem:s18+$0xB000];
	v16 =	vor.u32 v17, v43;
	v5 =	vadd.f32 v8, v5;
	v8 =	vmul.f32 v36, v13  }
0x5bf: {  	v12 =	vand.u32 $0x7F, v58;
	v51 =	vand.u32 $0xFFFFFF80, v55;
	v46 =	vadd.s32 v3, v45;
	v2 =	vld.idx.msk [tilespmem:v2+s12+$0x0], $0xffff  }
0x5c0: {  	v50 =	vld [tilespmem:s16+$0xC000];
	v13 =	vor.u32 v14, v46;
	v5 =	vadd.f32 v8, v5;
	v8 =	vmul.f32 v40, v38  }
0x5c1: {  	v10 =	vand.u32 $0x7F, v55;
	v54 =	vand.u32 $0xFFFFFF80, v6;
	v49 =	vld.idx.msk [tilespmem:v15+s12+$0x0], $0xffff;
	v14 =	vadd.s32 v3, v48  }
0x5c2: {  	v53 =	vld [tilespmem:s16+$0xC080];
	v12 =	vor.u32 v12, v14;
	v5 =	vadd.f32 v8, v5;
	v8 =	vmul.f32 v44, v42  }
0x5c3: {  	v6 =	vand.u32 $0x7F, v6;
	v55 =	vadd.s32 v3, v54;
	v52 =	vld.idx.msk [tilespmem:v16+s12+$0x0], $0xffff;
	v14 =	vadd.s32 v3, v51  }
0x5c4: {  	v56 =	vld [tilespmem:s16+$0xC100];
	v2 =	vmul.f32 v47, v2;
	v10 =	vor.u32 v10, v14;
	v5 =	vadd.f32 v8, v5  }
0x5c5: {  	v6 =	vor.u32 v6, v55;
	v57 =	vand.u32 $0xFFFFFF80, v7;
	v7 =	vand.u32 $0x7F, v7;
	v8 =	vld.idx.msk [tilespmem:v13+s12+$0x0], $0xffff  }
0x5c6: {  	v59 =	vadd.s32 v3, v57;
	v60 =	vld [tilespmem:s16+$0xC180];
	v2 =	vadd.f32 v2, v5;
	v5 =	vmul.f32 v50, v49  }
0x5c7: {  	v7 =	vor.u32 v7, v59;
	v58 =	vld.idx.msk [tilespmem:v12+s12+$0x0], $0xffff  }
0x5c8: {  	v61 =	vand.u32 $0xFFFFFF80, v4;
	v62 =	vld [tilespmem:s16+$0xC200];
	v2 =	vadd.f32 v5, v2;
	v5 =	vmul.f32 v53, v52  }
0x5c9: {  	v4 =	vand.u32 $0x7F, v4;
	v3 =	vadd.s32 v3, v61;
	v10 =	vld.idx.msk [tilespmem:v10+s12+$0x0], $0xffff  }
0x5ca: {  	v3 =	vor.u32 v4, v3;
	v4 =	vmul.f32 v56, v8;
	v2 =	vadd.f32 v5, v2;
	v5 =	vld.idx.msk [tilespmem:v6+s12+$0x0], $0xffff  }
0x5cb: {  	v6 =	vld [tilespmem:s16+$0xC280]  }
0x5cc: {  	v7 =	vld.idx.msk [tilespmem:v7+s12+$0x0], $0xffff;
	v2 =	vadd.f32 v4, v2;
	v4 =	vmul.f32 v60, v58  }
0x5cd: {  	v8 =	vld [tilespmem:s16+$0xC300]  }
0x5ce: {  	v63 =	vld [tilespmem:s16+$0xC380];
	v2 =	vadd.f32 v4, v2;
	v4 =	vmul.f32 v62, v10  }
0x5cf: {  	v3 =	vld.idx.msk [tilespmem:v3+s12+$0x0], $0xffff  }
0x5d0: {  	v2 =	vadd.f32 v4, v2;
	v4 =	vmul.f32 v6, v5;
	_ =	sdelay $0x1  }
0x5d1: {  	v5 =	vmul.f32 v8, v7;
	v4 =	vadd.f32 v4, v2  }
0x5d2: {  	v2 =	vmov s30  }
0x5d3: {  	v3 =	vmul.f32 v63, v3;
	v4 =	vadd.f32 v5, v4;
	_ =	sdelay $0x1  }
0x5d4: {  	v3 =	vadd.f32 v3, v4;
	_ =	sdelay $0x1  }
0x5d5: {  	s16 =	simm.s32 $0x10;
	[tilespmem:v2+s17+$0x0 ss:$0x1] =	vst.idx.msk $0xffff, v3  }
0x5d6: {  	s17 =	simm.s32 $0x80;
	v6 =	vld.idx.msk [tilespmem:v1+s16+$0x0 ss:$0x1], $0xffff  }
.LBB2_21:
0x5d7: {  	p2 =	sne.s32 s17, $0x1C0;
	_ =	sdelay $0x1  }
0x5d8: {  	s14 =	sadd.s32 $0x10, s14  }
0x5d9: {  	v3 =	vmov s14  }
0x5da: {  	v3 =	vshll.u32 v3, $0x7  }
0x5db: {  	v3 =	vor.u32 v0, v3;
	v4 =	vadd.s32 $0xF, v6  }
0x5dc: {  	v8 =	vand.u32 $0xFFFFFF80, v6;
	v7 =	vadd.s32 $0xD, v6;
	v5 =	vadd.s32 $0xE, v6  }
0x5dd: {  	v9 =	vand.u32 $0x7F, v6;
	v10 =	vadd.s32 $0x1, v6;
	v8 =	vadd.s32 v3, v8  }
0x5de: {  	v11 =	vadd.s32 $0xC, v6;
	v8 =	vor.u32 v9, v8;
	v9 =	vand.u32 $0xFFFFFF80, v10  }
0x5df: {  	v12 =	vadd.s32 $0x2, v6;
	v10 =	vand.u32 $0x7F, v10;
	v9 =	vadd.s32 v3, v9  }
0x5e0: {  	v13 =	vadd.s32 $0xB, v6;
	v9 =	vor.u32 v10, v9;
	v10 =	vand.u32 $0xFFFFFF80, v12  }
0x5e1: {  	s0 =	sadd.s32 $0x80, s0;
	v14 =	vadd.s32 $0x3, v6;
	v12 =	vand.u32 $0x7F, v12;
	v10 =	vadd.s32 v3, v10  }
0x5e2: {  	s18 =	sand.u32 $0x3FFFFC00, s0;
	v15 =	vadd.s32 $0xA, v6;
	v10 =	vor.u32 v12, v10;
	v12 =	vand.u32 $0xFFFFFF80, v14  }
0x5e3: {  	s18 =	sadd.s32 s16, s18;
	v16 =	vadd.s32 $0x4, v6;
	v14 =	vand.u32 $0x7F, v14;
	v12 =	vadd.s32 v3, v12;
	v8 =	vld.idx.msk [tilespmem:v8+s12+$0x0], $0xffff  }
0x5e4: {  	v18 =	vadd.s32 $0x9, v6;
	v12 =	vor.u32 v14, v12;
	v14 =	vand.u32 $0xFFFFFF80, v16;
	v17 =	vld [tilespmem:s18+$0xB000]  }
0x5e5: {  	v19 =	vadd.s32 $0x5, v6;
	v16 =	vand.u32 $0x7F, v16;
	v14 =	vadd.s32 v3, v14;
	v9 =	vld.idx.msk [tilespmem:v9+s12+$0x0], $0xffff  }
0x5e6: {  	v21 =	vadd.s32 $0x8, v6;
	v14 =	vor.u32 v16, v14;
	v16 =	vand.u32 $0xFFFFFF80, v19;
	v20 =	vld [tilespmem:s18+$0xB080]  }
0x5e7: {  	v22 =	vadd.s32 $0x6, v6;
	v19 =	vand.u32 $0x7F, v19;
	v16 =	vadd.s32 v3, v16;
	v10 =	vld.idx.msk [tilespmem:v10+s12+$0x0], $0xffff  }
0x5e8: {  	v6 =	vadd.s32 $0x7, v6;
	v16 =	vor.u32 v19, v16;
	v19 =	vand.u32 $0xFFFFFF80, v22;
	v23 =	vld [tilespmem:s18+$0xB100]  }
0x5e9: {  	v19 =	vadd.s32 v3, v19;
	v8 =	vmul.f32 v17, v8;
	v12 =	vld.idx.msk [tilespmem:v12+s12+$0x0], $0xffff;
	v17 =	vand.u32 $0x7F, v22  }
0x5ea: {  	v22 =	vld [tilespmem:s18+$0xB180];
	v17 =	vor.u32 v17, v19;
	v19 =	vand.u32 $0xFFFFFF80, v6;
	v6 =	vand.u32 $0x7F, v6  }
0x5eb: {  	v8 =	vadd.f32 $0.0e+00, v8;
	v9 =	vmul.f32 v20, v9;
	v14 =	vld.idx.msk [tilespmem:v14+s12+$0x0], $0xffff;
	v19 =	vadd.s32 v3, v19  }
0x5ec: {  	v20 =	vld [tilespmem:s18+$0xB200];
	v6 =	vor.u32 v6, v19;
	v19 =	vand.u32 $0xFFFFFF80, v21;
	v21 =	vand.u32 $0x7F, v21  }
0x5ed: {  	v8 =	vadd.f32 v9, v8;
	v9 =	vmul.f32 v23, v10;
	v10 =	vld.idx.msk [tilespmem:v16+s12+$0x0], $0xffff;
	v16 =	vadd.s32 v3, v19  }
0x5ee: {  	v19 =	vld [tilespmem:s18+$0xB280];
	v16 =	vor.u32 v21, v16;
	v21 =	vand.u32 $0xFFFFFF80, v18;
	v18 =	vand.u32 $0x7F, v18  }
0x5ef: {  	v8 =	vadd.f32 v9, v8;
	v9 =	vmul.f32 v22, v12;
	v12 =	vld.idx.msk [tilespmem:v17+s12+$0x0], $0xffff;
	v17 =	vadd.s32 v3, v21  }
0x5f0: {  	s19 =	sor.u32 s0, s14;
	v21 =	vld [tilespmem:s18+$0xB300];
	v17 =	vor.u32 v18, v17;
	v18 =	vand.u32 $0xFFFFFF80, v15;
	v15 =	vand.u32 $0x7F, v15  }
0x5f1: {  	s19 =	sor.u32 $0x380, s19;
	v8 =	vadd.f32 v9, v8;
	v9 =	vmul.f32 v20, v14;
	v6 =	vld.idx.msk [tilespmem:v6+s12+$0x0], $0xffff;
	v14 =	vadd.s32 v3, v18  }
0x5f2: {  	v18 =	vld [tilespmem:s19+$0xB000];
	v14 =	vor.u32 v15, v14;
	v15 =	vand.u32 $0xFFFFFF80, v13;
	v13 =	vand.u32 $0x7F, v13  }
0x5f3: {  	v8 =	vadd.f32 v9, v8;
	v9 =	vmul.f32 v19, v10;
	v10 =	vld.idx.msk [tilespmem:v16+s12+$0x0], $0xffff;
	v15 =	vadd.s32 v3, v15  }
0x5f4: {  	v16 =	vld [tilespmem:s18+$0xC000];
	v13 =	vor.u32 v13, v15;
	v15 =	vand.u32 $0xFFFFFF80, v11;
	v11 =	vand.u32 $0x7F, v11  }
0x5f5: {  	v8 =	vadd.f32 v9, v8;
	v9 =	vmul.f32 v21, v12;
	v12 =	vld.idx.msk [tilespmem:v17+s12+$0x0], $0xffff;
	v15 =	vadd.s32 v3, v15  }
0x5f6: {  	v17 =	vld [tilespmem:s18+$0xC080];
	v11 =	vor.u32 v11, v15;
	v15 =	vand.u32 $0xFFFFFF80, v7;
	v7 =	vand.u32 $0x7F, v7  }
0x5f7: {  	v8 =	vadd.f32 v9, v8;
	v6 =	vmul.f32 v18, v6;
	v9 =	vld.idx.msk [tilespmem:v14+s12+$0x0], $0xffff;
	v14 =	vadd.s32 v3, v15  }
0x5f8: {  	v15 =	vld [tilespmem:s18+$0xC100];
	v7 =	vor.u32 v7, v14;
	v14 =	vand.u32 $0xFFFFFF80, v5;
	v5 =	vand.u32 $0x7F, v5  }
0x5f9: {  	v6 =	vadd.f32 v6, v8;
	v8 =	vmul.f32 v16, v10;
	v10 =	vld.idx.msk [tilespmem:v13+s12+$0x0], $0xffff;
	v13 =	vadd.s32 v3, v14  }
0x5fa: {  	v14 =	vld [tilespmem:s18+$0xC180];
	v5 =	vor.u32 v5, v13;
	v13 =	vand.u32 $0xFFFFFF80, v4;
	v4 =	vand.u32 $0x7F, v4  }
0x5fb: {  	v6 =	vadd.f32 v8, v6;
	v8 =	vmul.f32 v17, v12;
	v11 =	vld.idx.msk [tilespmem:v11+s12+$0x0], $0xffff;
	v3 =	vadd.s32 v3, v13  }
0x5fc: {  	v12 =	vld [tilespmem:s18+$0xC200];
	v3 =	vor.u32 v4, v3  }
0x5fd: {  	v4 =	vadd.f32 v8, v6;
	v6 =	vmul.f32 v15, v9;
	v7 =	vld.idx.msk [tilespmem:v7+s12+$0x0], $0xffff  }
0x5fe: {  	v8 =	vld [tilespmem:s18+$0xC280]  }
0x5ff: {  	v4 =	vadd.f32 v6, v4;
	v6 =	vmul.f32 v14, v10;
	v5 =	vld.idx.msk [tilespmem:v5+s12+$0x0], $0xffff  }
0x600: {  	v9 =	vld [tilespmem:s18+$0xC300]  }
0x601: {  	v4 =	vadd.f32 v6, v4;
	v6 =	vmul.f32 v12, v11;
	v3 =	vld.idx.msk [tilespmem:v3+s12+$0x0], $0xffff  }
0x602: {  	v10 =	vld [tilespmem:s18+$0xC380]  }
0x603: {  	v4 =	vadd.f32 v6, v4;
	v6 =	vmul.f32 v8, v7;
	_ =	sdelay $0x1  }
0x604: {  	v4 =	vadd.f32 v6, v4;
	v5 =	vmul.f32 v9, v5;
	_ =	sdelay $0x1  }
0x605: {  	v4 =	vadd.f32 v5, v4;
	v3 =	vmul.f32 v10, v3  }
.Ltmp11:
0x606: {  	(pc) =	sbr.rel @p2 .LBB2_21-.Ltmp11, $3  }
0x607: {  	v3 =	vadd.f32 v3, v4;
	_ =	sdelay $0x1  }
0x608: {  	[tilespmem:v2+s16+$0x0 ss:$0x1] =	vst.idx.msk $0xffff, v3;
	s16 =	sshra.s32 s17, $0x2  }
0x609: {  	s17 =	sadd.s32 $0x40, s17;
	v6 =	vld.idx.msk [tilespmem:v1+s16+$0x0 ss:$0x1], $0xffff  }
0x60a: {  	_ = 	snop  }
0x60b: {  	s14 =	sadd.s32 $0x10, s14  }
0x60c: {  	v1 =	vmov s14  }
0x60d: {  	v1 =	vshll.u32 v1, $0x7  }
0x60e: {  	v1 =	vor.u32 v0, v1;
	v3 =	vadd.s32 $0xF, v6  }
0x60f: {  	v4 =	vand.u32 $0xFFFFFF80, v6;
	v5 =	vadd.s32 $0xD, v6;
	v7 =	vadd.s32 $0xE, v6  }
0x610: {  	v8 =	vand.u32 $0x7F, v6;
	v9 =	vadd.s32 $0x1, v6;
	v10 =	vadd.s32 $0xC, v6  }
0x611: {  	v11 =	vadd.s32 $0x2, v6;
	v12 =	vadd.s32 $0xB, v6;
	v4 =	vadd.s32 v1, v4  }
0x612: {  	v13 =	vadd.s32 $0x3, v6;
	v51 =	vand.u32 $0xFFFFFF80, v9;
	v4 =	vor.u32 v8, v4  }
0x613: {  	s17 =	sadd.s32 $0x80, s0;
	v14 =	vadd.s32 $0xA, v6;
	v9 =	vand.u32 $0x7F, v9;
	v8 =	vadd.s32 v1, v51  }
0x614: {  	s0 =	sand.u32 $0x3FFFFC00, s17;
	v15 =	vadd.s32 $0x4, v6;
	v52 =	vand.u32 $0xFFFFFF80, v11;
	v8 =	vor.u32 v9, v8  }
0x615: {  	s0 =	sadd.s32 s16, s0;
	v17 =	vadd.s32 $0x9, v6;
	v11 =	vand.u32 $0x7F, v11;
	v9 =	vadd.s32 v1, v52  }
0x616: {  	v16 =	vld [tilespmem:s0+$0xB000];
	v18 =	vadd.s32 $0x5, v6;
	v53 =	vand.u32 $0xFFFFFF80, v13;
	v9 =	vor.u32 v11, v9  }
0x617: {  	v20 =	vadd.s32 $0x8, v6;
	v13 =	vand.u32 $0x7F, v13;
	v11 =	vadd.s32 v1, v53;
	v4 =	vld.idx.msk [tilespmem:v4+s12+$0x0], $0xffff  }
0x618: {  	v19 =	vld [tilespmem:s0+$0xB080];
	v21 =	vadd.s32 $0x6, v6;
	v54 =	vand.u32 $0xFFFFFF80, v15;
	v11 =	vor.u32 v13, v11  }
0x619: {  	v57 =	vadd.s32 $0x7, v6;
	v15 =	vand.u32 $0x7F, v15;
	v13 =	vadd.s32 v1, v54;
	v8 =	vld.idx.msk [tilespmem:v8+s12+$0x0], $0xffff  }
0x61a: {  	v22 =	vld [tilespmem:s0+$0xB100];
	v55 =	vand.u32 $0xFFFFFF80, v18;
	v18 =	vand.u32 $0x7F, v18;
	v13 =	vor.u32 v15, v13  }
0x61b: {  	v56 =	vand.u32 $0xFFFFFF80, v21;
	v58 =	vand.u32 $0x7F, v21;
	v15 =	vadd.s32 v1, v55;
	v9 =	vld.idx.msk [tilespmem:v9+s12+$0x0], $0xffff  }
0x61c: {  	v59 =	vld [tilespmem:s0+$0xB180];
	v60 =	vand.u32 $0xFFFFFF80, v57;
	v15 =	vor.u32 v18, v15;
	v4 =	vmul.f32 v16, v4  }
0x61d: {  	v6 =	vand.u32 $0x7F, v57;
	v62 =	vand.u32 $0xFFFFFF80, v20;
	v18 =	vadd.s32 v1, v56;
	v11 =	vld.idx.msk [tilespmem:v11+s12+$0x0], $0xffff  }
0x61e: {  	v61 =	vld [tilespmem:s0+$0xB200];
	v16 =	vor.u32 v58, v18;
	v8 =	vmul.f32 v19, v8;
	v4 =	vadd.f32 $0.0e+00, v4  }
0x61f: {  	v20 =	vand.u32 $0x7F, v20;
	v27 =	vand.u32 $0xFFFFFF80, v17;
	v13 =	vld.idx.msk [tilespmem:v13+s12+$0x0], $0xffff;
	v18 =	vadd.s32 v1, v60  }
0x620: {  	v26 =	vld [tilespmem:s0+$0xB280];
	v6 =	vor.u32 v6, v18;
	v63 =	vmul.f32 v22, v9;
	v4 =	vadd.f32 v8, v4  }
0x621: {  	v17 =	vand.u32 $0x7F, v17;
	v32 =	vand.u32 $0xFFFFFF80, v14;
	v25 =	vadd.s32 v1, v62;
	v24 =	vld.idx.msk [tilespmem:v15+s12+$0x0], $0xffff  }
0x622: {  	s14 =	sor.u32 s17, s14;
	v31 =	vld [tilespmem:s0+$0xB300];
	v15 =	vor.u32 v20, v25;
	v28 =	vmul.f32 v59, v11;
	v4 =	vadd.f32 v63, v4  }
0x623: {  	s14 =	sor.u32 $0x380, s14;
	v14 =	vand.u32 $0x7F, v14;
	v36 =	vand.u32 $0xFFFFFF80, v12;
	v30 =	vadd.s32 v1, v27;
	v29 =	vld.idx.msk [tilespmem:v16+s12+$0x0], $0xffff  }
0x624: {  	v35 =	vld [tilespmem:s14+$0xB000];
	v33 =	vmul.f32 v61, v13;
	v16 =	vor.u32 v17, v30;
	v4 =	vadd.f32 v28, v4  }
0x625: {  	v12 =	vand.u32 $0x7F, v12;
	v40 =	vand.u32 $0xFFFFFF80, v10;
	v34 =	vadd.s32 v1, v32;
	v6 =	vld.idx.msk [tilespmem:v6+s12+$0x0], $0xffff  }
0x626: {  	v39 =	vld [tilespmem:s0+$0xC000];
	v13 =	vor.u32 v14, v34;
	v37 =	vmul.f32 v26, v24;
	v4 =	vadd.f32 v33, v4  }
0x627: {  	v10 =	vand.u32 $0x7F, v10;
	v44 =	vand.u32 $0xFFFFFF80, v5;
	v14 =	vadd.s32 v1, v36;
	v38 =	vld.idx.msk [tilespmem:v15+s12+$0x0], $0xffff  }
0x628: {  	v43 =	vld [tilespmem:s0+$0xC080];
	v12 =	vor.u32 v12, v14;
	v41 =	vmul.f32 v31, v29;
	v4 =	vadd.f32 v37, v4  }
0x629: {  	v5 =	vand.u32 $0x7F, v5;
	v48 =	vand.u32 $0xFFFFFF80, v7;
	v14 =	vadd.s32 v1, v40;
	v42 =	vld.idx.msk [tilespmem:v16+s12+$0x0], $0xffff  }
0x62a: {  	v47 =	vld [tilespmem:s0+$0xC100];
	v10 =	vor.u32 v10, v14;
	v6 =	vmul.f32 v35, v6;
	v4 =	vadd.f32 v41, v4  }
0x62b: {  	v7 =	vand.u32 $0x7F, v7;
	v46 =	vadd.s32 v1, v44;
	v51 =	vadd.s32 v1, v48;
	v45 =	vld.idx.msk [tilespmem:v13+s12+$0x0], $0xffff  }
0x62c: {  	v5 =	vor.u32 v5, v46;
	v52 =	vld [tilespmem:s0+$0xC180];
	v49 =	vmul.f32 v39, v38;
	v4 =	vadd.f32 v6, v4  }
0x62d: {  	v7 =	vor.u32 v7, v51;
	v50 =	vld.idx.msk [tilespmem:v12+s12+$0x0], $0xffff  }
0x62e: {  	v53 =	vand.u32 $0xFFFFFF80, v3;
	v55 =	vld [tilespmem:s0+$0xC200];
	v54 =	vmul.f32 v43, v42;
	v4 =	vadd.f32 v49, v4  }
0x62f: {  	v3 =	vand.u32 $0x7F, v3;
	v1 =	vadd.s32 v1, v53;
	v10 =	vld.idx.msk [tilespmem:v10+s12+$0x0], $0xffff  }
0x630: {  	v57 =	vld [tilespmem:s0+$0xC280];
	v1 =	vor.u32 v3, v1;
	v56 =	vmul.f32 v47, v45;
	v3 =	vadd.f32 v54, v4  }
0x631: {  	v5 =	vld.idx.msk [tilespmem:v5+s12+$0x0], $0xffff  }
0x632: {  	v7 =	vld.idx.msk [tilespmem:v7+s12+$0x0], $0xffff;
	v58 =	vmul.f32 v52, v50;
	v3 =	vadd.f32 v56, v3  }
0x633: {  	v59 =	vld [tilespmem:s0+$0xC300]  }
0x634: {  	v61 =	vld [tilespmem:s0+$0xC380];
	v60 =	vmul.f32 v55, v10;
	v3 =	vadd.f32 v58, v3  }
0x635: {  	v1 =	vld.idx.msk [tilespmem:v1+s12+$0x0], $0xffff  }
0x636: {  	v62 =	vmul.f32 v57, v5;
	v3 =	vadd.f32 v60, v3;
	_ =	sdelay $0x1  }
0x637: {  	v63 =	vmul.f32 v59, v7;
	v3 =	vadd.f32 v62, v3;
	_ =	sdelay $0x1  }
.Ltmp12:
0x638: {  	v1 =	vmul.f32 v61, v1;
	v3 =	vadd.f32 v63, v3;
	(pc) =	sbr.rel @p1 .LBB2_24-.Ltmp12, $3  }
0x639: {  	_ = 	snop  }
0x63a: {  	v1 =	vadd.f32 v1, v3;
	_ =	sdelay $0x1  }
0x63b: {  	[tilespmem:v2+s16+$0x0 ss:$0x1] =	vst.idx.msk $0xffff, v1  }
.Ltmp13:
0x63c: {  	(pc) =	sbr.rel .LBB2_18-.Ltmp13, $4  }
0x63d: {  	s0 =	sshrl.u32 s1, $0x2;
	s31 =	sadd.s32 $0x1, s31  }
0x63e: {  	p0 =	por !p0, !p0;
	s26 =	sadd.s32 $0x100, s26;
	s28 =	sadd.s32 $0x100, s28  }
0x63f: {  	s29 =	sadd.s32 $0x100, s29;
	s30 =	sadd.s32 $0x100, s30;
	s0 =	sadd.s32 $0x580, s0  }
0x640: {  	[tilespmem:s12], [sflag:$0x2] =	stream.indirect.gather [hbm4b:s3+s10], $0x80, s0, s10, $0xb8;
	[tilespmem:$0xE800] =	vst v63  }
.LBB2_25:
0x641: {  	_ =	sfence.sel $0x180000  }
0x642: {  	[bflag:$0x0] =	sbarrier.arrive $0xFFFF  }
0x643: {  	_ =	strace $0x90000047  }
0x644: {  	s0 =	stileid.u32;
	[bflag:$0x2] =	sbarrier.arrive $0xFFFF  }
0x645: {  	p0 =	sne.s32 s0, $0x0;
	s0 =	rddreg [dreg:$0x1]  }
0x646: {  	s0 =	sadd.s32 @!p0 $0x100000, s0  }
0x647: {  	[sflag:s0] =	ssyncadd.tile.s32 @!p0 $0x1;
	_ =	shalt  }
.Lfunc_end2:
_tile_overlayer_lowered:
.L_overlay_start_2:
0x648: {  	(tag) =	ssettag $0x2  }
0x649: {  	s0 =	rddreg [dreg:$0x0];
	s2 =	stileid.u32  }
0x64a: {  	s1 =	rddreg [dreg:$0x1];
	p0 =	sne.s32 s2, $0x0  }
0x64b: {  	s3 =	rddreg [dreg:$0x2];
	[bflag:$0x3] =	sbarrier.arrive $0xFFFF;
	s2 =	simm.s32 @!p0 $0x1C03  }
0x64c: {  	[timem:s3], [sflag:s2] =	dma.local @!p0 [hbm:s0], s1  }
0x64d: {  	s0 =	simm.s32 @!p0 $0x3  }
0x64e: {  	_ =	swait.ge @!p0 [sflag:s0], s1  }
0x64f: {  	s1 =	ssub.s32 @!p0 $0x0, s1;
	[sflag:s0] =	ssyncset.done @!p0 $0x0  }
0x650: {  	[sflag:s0] =	ssyncadd.s32 @!p0 s1  }
0x651: {  	[bflag:$0x3] =	sbarrier.arrive $0xFFFF  }
0x652: {  	_ =	shalt  }

</sc_bundles>
